<compile_context>
chip_gen: v7x
topology: tpu7x:2x2x1
jax: 0.10.2.dev20260603
libtpu: 0.0.44.dev20260713+nightly
codegen_flags: <defaults>
</compile_context>

<pallas_src>
import jax
import jax.numpy as jnp
from jax import lax
from jax.experimental import pallas as pl
from jax.experimental.pallas import tpu as pltpu, tpu_sc as plsc

N_NODES = 10000
N_EDGES = 320000
D = 128
RW = 0.001

NC = 2
NS = 16
NW = NC * NS

CH = 80
T = 125
NCHUNK = NW * T
E_PAD = NCHUNK * CH
RB = 4
IB = 8
N_PAD = 10240
ROWS_PER_SUBCORE = N_PAD // NS


def _sc_body(x_hbm, src_hbm, dst_hbm, part_hbm, agg, idx_s, idx_d, rows,
             gsem, ssem, isem):
    cid = lax.axis_index("c")
    sid = lax.axis_index("s")
    wid = sid * NC + cid
    cbase = wid * T

    def zrow(i, _):
        for j in range(D // 16):
            rows[0, i, pl.ds(j * 16, 16)] = jnp.zeros((16,), jnp.float32)
        return 0

    lax.fori_loop(0, CH, zrow, 0)

    zbase = sid * ROWS_PER_SUBCORE
    for k in range(ROWS_PER_SUBCORE // CH):
        pltpu.sync_copy(rows.at[0], agg.at[pl.ds(zbase + k * CH, CH)])
    plsc.subcore_barrier()

    def fire_i(j, bi):
        pltpu.async_copy(src_hbm.at[cbase + j], idx_s.at[bi], isem.at[bi])
        pltpu.async_copy(dst_hbm.at[cbase + j], idx_d.at[bi], isem.at[bi])

    def wait_i(j, bi):
        pltpu.make_async_copy(src_hbm.at[cbase + j], idx_s.at[bi], isem.at[bi]).wait()
        pltpu.make_async_copy(dst_hbm.at[cbase + j], idx_d.at[bi], isem.at[bi]).wait()

    def fire_g(j, bi, br):
        pltpu.async_copy(x_hbm.at[idx_s.at[bi]], rows.at[br], gsem.at[br])

    def wait_g(j, bi, br):
        pltpu.make_async_copy(x_hbm.at[idx_s.at[bi]], rows.at[br], gsem.at[br]).wait()

    def fire_s(j, bi, br):
        pltpu.async_copy(rows.at[br], agg.at[idx_d.at[bi]], ssem.at[br], add=True)

    def wait_s(j, bi, br):
        pltpu.make_async_copy(rows.at[br], agg.at[idx_d.at[bi]], ssem.at[br]).wait()

    def visit(v, m4, m8, do_ws, do_fg, do_fi):
        if do_ws:
            wait_s(v - 2, (m8 + IB - 2) % IB, (m4 + 2) % RB)
        if do_fg:
            wait_i(v + 2, (m8 + 2) % IB)
            fire_g(v + 2, (m8 + 2) % IB, (m4 + 2) % RB)
        if do_fi:
            fire_i(v + 6, (m8 + 6) % IB)
        wait_g(v, m8, m4)
        fire_s(v, m8, m4)

    for j in range(6):
        fire_i(j, j)
    for j in range(2):
        wait_i(j, j)
        fire_g(j, j, j)
    for v in range(2):
        visit(v, v % RB, v % IB, False, True, True)

    def group(g, _):
        v0 = 2 + g * 8
        for i in range(8):
            visit(v0 + i, (2 + i) % RB, (2 + i) % IB, True, True, True)
        return 0

    NG = (T - 8) // 8
    lax.fori_loop(0, NG, group, 0)
    for v in range(2 + 8 * NG, T - 6):
        visit(v, v % RB, v % IB, True, True, True)

    for v in range(T - 6, T):
        visit(v, v % RB, v % IB, True, v + 2 <= T - 1, v + 6 <= T - 1)
    for v in range(T - 2, T):
        wait_s(v, v % IB, v % RB)

    plsc.subcore_barrier()

    pltpu.sync_copy(
        agg.at[pl.ds(zbase, ROWS_PER_SUBCORE)],
        part_hbm.at[cid, pl.ds(zbase, ROWS_PER_SUBCORE), :],
    )


_sc_segsum = pl.kernel(
    _sc_body,
    out_type=jax.ShapeDtypeStruct((NC, N_PAD, D), jnp.float32),
    mesh=plsc.VectorSubcoreMesh(
        core_axis_name="c", subcore_axis_name="s", num_cores=NC, num_subcores=NS
    ),
    scratch_types=[
        pltpu.VMEM_SHARED((N_PAD, D), jnp.float32),
        pltpu.VMEM((IB, CH), jnp.int32),
        pltpu.VMEM((IB, CH), jnp.int32),
        pltpu.VMEM((RB, CH, D), jnp.float32),
        pltpu.SemaphoreType.DMA((RB,)),
        pltpu.SemaphoreType.DMA((RB,)),
        pltpu.SemaphoreType.DMA((IB,)),
    ],
)


ROWS_TC = 1000


def _tc_body(p0_ref, x_ref, wl_ref, wr_ref, wres_ref, bl_ref, bres_ref, o_ref):
    agg = p0_ref[0] + p0_ref[1]
    wl = RW * wl_ref[...]
    wc = RW * wr_ref[...] + (1.0 - RW) * wres_ref[...]
    bc = RW * bl_ref[...] + (1.0 - RW) * bres_ref[...]
    o_ref[...] = (
        jax.lax.dot_general(
            agg, wl, (((1,), (1,)), ((), ())), preferred_element_type=jnp.float32
        )
        + jax.lax.dot_general(
            x_ref[...], wc, (((1,), (1,)), ((), ())),
            preferred_element_type=jnp.float32,
        )
        + bc
    )


_tc_fused = pl.pallas_call(
    _tc_body,
    grid=(N_NODES // ROWS_TC,),
    in_specs=[
        pl.BlockSpec((NC, ROWS_TC, D), lambda i: (0, i, 0)),
        pl.BlockSpec((ROWS_TC, D), lambda i: (i, 0)),
        pl.BlockSpec((D, D), lambda i: (0, 0)),
        pl.BlockSpec((D, D), lambda i: (0, 0)),
        pl.BlockSpec((D, D), lambda i: (0, 0)),
        pl.BlockSpec((1, D), lambda i: (0, 0)),
        pl.BlockSpec((1, D), lambda i: (0, 0)),
    ],
    out_specs=pl.BlockSpec((ROWS_TC, D), lambda i: (i, 0)),
    out_shape=jax.ShapeDtypeStruct((N_NODES, D), jnp.float32),
)


def kernel(x, edge_index, W_l, b_l, W_r, W_res, b_res):
    src_p = edge_index[0].reshape(NCHUNK, CH)
    dst_p = edge_index[1].reshape(NCHUNK, CH)
    part0 = _sc_segsum(x, src_p, dst_p)

    return _tc_fused(
        part0, x, W_l, W_r, W_res, b_l.reshape(1, D), b_res.reshape(1, D)
    )

# --- scband reference (transcript-rebuilt; emitter-appended) ---
"""Pipeline reference for scband-graph-sage-residual-25460566130852 (READ-ONLY COPY).

The authoritative reference and input builder live on the scoring server;
editing this copy changes nothing except your own understanding.
"""

import jax, jax.numpy as jnp
import numpy as np

N_NODES = 10000
N_EDGES = 320000
D_IN = 128
D_OUT = 128
RESIDUAL_WEIGHT = 0.001


def setup_inputs(seed: int = 0) -> dict:
    key = jax.random.key(seed)
    ks = jax.random.split(key, 8)
    scale = 1.0 / np.sqrt(D_IN)
    x = jax.random.normal(ks[0], (N_NODES, D_IN), dtype=jnp.float32)
    edge_index = jax.random.randint(ks[1], (2, N_EDGES), 0, N_NODES, dtype=jnp.int32)
    # SAGEConv params: lin_l (neighbor aggregate, with bias), lin_r (root, no bias)
    W_l = jax.random.normal(ks[2], (D_OUT, D_IN), dtype=jnp.float32) * scale
    b_l = jax.random.normal(ks[3], (D_OUT,), dtype=jnp.float32) * scale
    W_r = jax.random.normal(ks[4], (D_OUT, D_IN), dtype=jnp.float32) * scale
    # residual linear (with bias)
    W_res = jax.random.normal(ks[5], (D_OUT, D_IN), dtype=jnp.float32) * scale
    b_res = jax.random.normal(ks[6], (D_OUT,), dtype=jnp.float32) * scale
    return {"x": x, "edge_index": edge_index, "W_l": W_l, "b_l": b_l, "W_r": W_r, "W_res": W_res, "b_res": b_res}


def reference(x, edge_index, W_l, b_l, W_r, W_res, b_res):
    src = edge_index[0]
    dst = edge_index[1]
    # message = x_j (gather from source nodes), sum-aggregate at destination nodes
    msgs = jnp.take(x, src, axis=0)
    agg = jax.ops.segment_sum(msgs, dst, num_segments=N_NODES)
    # SAGEConv: lin_l(aggr) + lin_r(x)
    h_sage = agg @ W_l.T + b_l + x @ W_r.T
    # residual branch
    h_residual = x @ W_res.T + b_res
    h_out = RESIDUAL_WEIGHT * h_sage + (1.0 - RESIDUAL_WEIGHT) * h_residual
    # dropout p=0 in eval -> identity
    return h_out

if __name__ == "__main__":
    import jax
    _d = setup_inputs()
    print(jax.jit(kernel)(*tuple(_d.values())))

</pallas_src>

<mosaic_0001>
#map = affine_map<(d0, d1) -> (0, 0)>
#map1 = affine_map<(d0, d1) -> (0, 0, 0)>
module attributes {stable_mosaic.version = 14 : i64} {
  func.func @_sc_body(%arg0: i32, %arg1: i32, %arg2: memref<10000x128xf32, #tpu.memory_space<hbm>>, %arg3: memref<4000x80xi32, #tpu.memory_space<hbm>>, %arg4: memref<4000x80xi32, #tpu.memory_space<hbm>>, %arg5: memref<2x10240x128xf32, #tpu.memory_space<hbm>>, %arg6: memref<10240x128xf32, #tpu.memory_space<vmem_shared>>, %arg7: memref<8x80xi32, #tpu.memory_space<vmem>>, %arg8: memref<8x80xi32, #tpu.memory_space<vmem>>, %arg9: memref<4x80x128xf32, #tpu.memory_space<vmem>>, %arg10: memref<4x!tpu.dma_semaphore, #tpu.memory_space<semaphore_mem>>, %arg11: memref<4x!tpu.dma_semaphore, #tpu.memory_space<semaphore_mem>>, %arg12: memref<8x!tpu.dma_semaphore, #tpu.memory_space<semaphore_mem>>) attributes {dimension_semantics = [#tpu.dimension_semantics<core_parallel>, #tpu.dimension_semantics<subcore_parallel>], iteration_bounds = array<i64: 2, 16>, scalar_prefetch = 0 : i64, scratch_operands = 7 : i64, tpu.core_type = #tpu.core_type<sc_vector_subcore>, window_params = [{transform_indices = #map}, {transform_indices = #map}, {transform_indices = #map}, {transform_indices = #map1}]} {
    %mul3A = arith.constant 2 : i32
    %mul3A_0 = arith.muli %arg1, %mul3A : i32
    %add3A = arith.addi %mul3A_0, %arg0 : i32
    %mul3A_1 = arith.constant 125 : i32
    %mul3A_2 = arith.muli %add3A, %mul3A_1 : i32
    %scan3A = arith.constant 0 : i32
    %scan3A_3 = arith.constant 0 : i32
    %scan3A_4 = arith.constant 80 : i32
    %scan3A_5 = arith.addi %scan3A_3, %scan3A_4 : i32
    %scan3A_6 = arith.constant 1 : i32
    %scan3A_7 = scf.for %scan3A_1756 = %scan3A_3 to %scan3A_5 step %scan3A_6 iter_args(%scan3A_1757 = %scan3A) -> (i32)  : i32 {
      %broadcast_in_dim3A = arith.constant 0.000000e+00 : f32
      %broadcast_in_dim3A_1758 = vector.broadcast %broadcast_in_dim3A : f32 to vector<16xf32>
      %swap3A = arith.constant 0 : i32
      %swap3A_1759 = arith.index_cast %swap3A : i32 to index
      %swap3A_1760 = arith.index_cast %scan3A_1756 : i32 to index
      %swap3A_1761 = arith.constant 0 : index
      %swap3A_1762 = tpu.vector_load %arg9[%swap3A_1759, %swap3A_1760, %swap3A_1761] {strides = array<i32>} : memref<4x80x128xf32, #tpu.memory_space<vmem>>, vector<1x1x16xf32>,
      %swap3A_1763 = vector.shape_cast %swap3A_1762 : vector<1x1x16xf32> to vector<16xf32>
      %swap3A_1764 = vector.shape_cast %broadcast_in_dim3A_1758 : vector<16xf32> to vector<1x1x16xf32>
      tpu.vector_store %arg9[%swap3A_1759, %swap3A_1760, %swap3A_1761], %swap3A_1764 {strides = array<i32>} : memref<4x80x128xf32, #tpu.memory_space<vmem>>, vector<1x1x16xf32>,
      %broadcast_in_dim3A_1765 = arith.constant 0.000000e+00 : f32
      %broadcast_in_dim3A_1766 = vector.broadcast %broadcast_in_dim3A_1765 : f32 to vector<16xf32>
      %swap3A_1767 = arith.constant 0 : i32
      %swap3A_1768 = arith.index_cast %swap3A_1767 : i32 to index
      %swap3A_1769 = arith.index_cast %scan3A_1756 : i32 to index
      %swap3A_1770 = arith.constant 16 : index
      %swap3A_1771 = tpu.vector_load %arg9[%swap3A_1768, %swap3A_1769, %swap3A_1770] {strides = array<i32>} : memref<4x80x128xf32, #tpu.memory_space<vmem>>, vector<1x1x16xf32>,
      %swap3A_1772 = vector.shape_cast %swap3A_1771 : vector<1x1x16xf32> to vector<16xf32>
      %swap3A_1773 = vector.shape_cast %broadcast_in_dim3A_1766 : vector<16xf32> to vector<1x1x16xf32>
      tpu.vector_store %arg9[%swap3A_1768, %swap3A_1769, %swap3A_1770], %swap3A_1773 {strides = array<i32>} : memref<4x80x128xf32, #tpu.memory_space<vmem>>, vector<1x1x16xf32>,
      %broadcast_in_dim3A_1774 = arith.constant 0.000000e+00 : f32
      %broadcast_in_dim3A_1775 = vector.broadcast %broadcast_in_dim3A_1774 : f32 to vector<16xf32>
      %swap3A_1776 = arith.constant 0 : i32
      %swap3A_1777 = arith.index_cast %swap3A_1776 : i32 to index
      %swap3A_1778 = arith.index_cast %scan3A_1756 : i32 to index
      %swap3A_1779 = arith.constant 32 : index
      %swap3A_1780 = tpu.vector_load %arg9[%swap3A_1777, %swap3A_1778, %swap3A_1779] {strides = array<i32>} : memref<4x80x128xf32, #tpu.memory_space<vmem>>, vector<1x1x16xf32>,
      %swap3A_1781 = vector.shape_cast %swap3A_1780 : vector<1x1x16xf32> to vector<16xf32>
      %swap3A_1782 = vector.shape_cast %broadcast_in_dim3A_1775 : vector<16xf32> to vector<1x1x16xf32>
      tpu.vector_store %arg9[%swap3A_1777, %swap3A_1778, %swap3A_1779], %swap3A_1782 {strides = array<i32>} : memref<4x80x128xf32, #tpu.memory_space<vmem>>, vector<1x1x16xf32>,
      %broadcast_in_dim3A_1783 = arith.constant 0.000000e+00 : f32
      %broadcast_in_dim3A_1784 = vector.broadcast %broadcast_in_dim3A_1783 : f32 to vector<16xf32>
      %swap3A_1785 = arith.constant 0 : i32
      %swap3A_1786 = arith.index_cast %swap3A_1785 : i32 to index
      %swap3A_1787 = arith.index_cast %scan3A_1756 : i32 to index
      %swap3A_1788 = arith.constant 48 : index
      %swap3A_1789 = tpu.vector_load %arg9[%swap3A_1786, %swap3A_1787, %swap3A_1788] {strides = array<i32>} : memref<4x80x128xf32, #tpu.memory_space<vmem>>, vector<1x1x16xf32>,
      %swap3A_1790 = vector.shape_cast %swap3A_1789 : vector<1x1x16xf32> to vector<16xf32>
      %swap3A_1791 = vector.shape_cast %broadcast_in_dim3A_1784 : vector<16xf32> to vector<1x1x16xf32>
      tpu.vector_store %arg9[%swap3A_1786, %swap3A_1787, %swap3A_1788], %swap3A_1791 {strides = array<i32>} : memref<4x80x128xf32, #tpu.memory_space<vmem>>, vector<1x1x16xf32>,
      %broadcast_in_dim3A_1792 = arith.constant 0.000000e+00 : f32
      %broadcast_in_dim3A_1793 = vector.broadcast %broadcast_in_dim3A_1792 : f32 to vector<16xf32>
      %swap3A_1794 = arith.constant 0 : i32
      %swap3A_1795 = arith.index_cast %swap3A_1794 : i32 to index
      %swap3A_1796 = arith.index_cast %scan3A_1756 : i32 to index
      %swap3A_1797 = arith.constant 64 : index
      %swap3A_1798 = tpu.vector_load %arg9[%swap3A_1795, %swap3A_1796, %swap3A_1797] {strides = array<i32>} : memref<4x80x128xf32, #tpu.memory_space<vmem>>, vector<1x1x16xf32>,
      %swap3A_1799 = vector.shape_cast %swap3A_1798 : vector<1x1x16xf32> to vector<16xf32>
      %swap3A_1800 = vector.shape_cast %broadcast_in_dim3A_1793 : vector<16xf32> to vector<1x1x16xf32>
      tpu.vector_store %arg9[%swap3A_1795, %swap3A_1796, %swap3A_1797], %swap3A_1800 {strides = array<i32>} : memref<4x80x128xf32, #tpu.memory_space<vmem>>, vector<1x1x16xf32>,
      %broadcast_in_dim3A_1801 = arith.constant 0.000000e+00 : f32
      %broadcast_in_dim3A_1802 = vector.broadcast %broadcast_in_dim3A_1801 : f32 to vector<16xf32>
      %swap3A_1803 = arith.constant 0 : i32
      %swap3A_1804 = arith.index_cast %swap3A_1803 : i32 to index
      %swap3A_1805 = arith.index_cast %scan3A_1756 : i32 to index
      %swap3A_1806 = arith.constant 80 : index
      %swap3A_1807 = tpu.vector_load %arg9[%swap3A_1804, %swap3A_1805, %swap3A_1806] {strides = array<i32>} : memref<4x80x128xf32, #tpu.memory_space<vmem>>, vector<1x1x16xf32>,
      %swap3A_1808 = vector.shape_cast %swap3A_1807 : vector<1x1x16xf32> to vector<16xf32>
      %swap3A_1809 = vector.shape_cast %broadcast_in_dim3A_1802 : vector<16xf32> to vector<1x1x16xf32>
      tpu.vector_store %arg9[%swap3A_1804, %swap3A_1805, %swap3A_1806], %swap3A_1809 {strides = array<i32>} : memref<4x80x128xf32, #tpu.memory_space<vmem>>, vector<1x1x16xf32>,
      %broadcast_in_dim3A_1810 = arith.constant 0.000000e+00 : f32
      %broadcast_in_dim3A_1811 = vector.broadcast %broadcast_in_dim3A_1810 : f32 to vector<16xf32>
      %swap3A_1812 = arith.constant 0 : i32
      %swap3A_1813 = arith.index_cast %swap3A_1812 : i32 to index
      %swap3A_1814 = arith.index_cast %scan3A_1756 : i32 to index
      %swap3A_1815 = arith.constant 96 : index
      %swap3A_1816 = tpu.vector_load %arg9[%swap3A_1813, %swap3A_1814, %swap3A_1815] {strides = array<i32>} : memref<4x80x128xf32, #tpu.memory_space<vmem>>, vector<1x1x16xf32>,
      %swap3A_1817 = vector.shape_cast %swap3A_1816 : vector<1x1x16xf32> to vector<16xf32>
      %swap3A_1818 = vector.shape_cast %broadcast_in_dim3A_1811 : vector<16xf32> to vector<1x1x16xf32>
      tpu.vector_store %arg9[%swap3A_1813, %swap3A_1814, %swap3A_1815], %swap3A_1818 {strides = array<i32>} : memref<4x80x128xf32, #tpu.memory_space<vmem>>, vector<1x1x16xf32>,
      %broadcast_in_dim3A_1819 = arith.constant 0.000000e+00 : f32
      %broadcast_in_dim3A_1820 = vector.broadcast %broadcast_in_dim3A_1819 : f32 to vector<16xf32>
      %swap3A_1821 = arith.constant 0 : i32
      %swap3A_1822 = arith.index_cast %swap3A_1821 : i32 to index
      %swap3A_1823 = arith.index_cast %scan3A_1756 : i32 to index
      %swap3A_1824 = arith.constant 112 : index
      %swap3A_1825 = tpu.vector_load %arg9[%swap3A_1822, %swap3A_1823, %swap3A_1824] {strides = array<i32>} : memref<4x80x128xf32, #tpu.memory_space<vmem>>, vector<1x1x16xf32>,
      %swap3A_1826 = vector.shape_cast %swap3A_1825 : vector<1x1x16xf32> to vector<16xf32>
      %swap3A_1827 = vector.shape_cast %broadcast_in_dim3A_1820 : vector<16xf32> to vector<1x1x16xf32>
      tpu.vector_store %arg9[%swap3A_1822, %swap3A_1823, %swap3A_1824], %swap3A_1827 {strides = array<i32>} : memref<4x80x128xf32, #tpu.memory_space<vmem>>, vector<1x1x16xf32>,
      %scan3A_1828 = arith.constant 0 : i32
      scf.yield %scan3A_1828 : i32
    }
    %scan3A_8 = arith.constant 80 : i32
    %mul3A_9 = arith.constant 640 : i32
    %mul3A_10 = arith.muli %arg1, %mul3A_9 : i32
    %add3A_11 = arith.constant 0 : i32
    %add3A_12 = arith.addi %mul3A_10, %add3A_11 : i32
    %run_scoped3A = arith.constant 0 : i32
    "tpu.region"() ({
      %run_scoped3A_1756 = tpu.sem_alloc : memref<!tpu.dma_semaphore, #tpu.memory_space<semaphore_mem>>
      %dma_start3A_1757 = arith.constant 0 : i32
      %dma_start3A_1758 = arith.constant 0 : i32
      %dma_start3A_1759 = tpu.memref_slice %arg9[%run_scoped3A, %dma_start3A_1757, %dma_start3A_1758] : memref<4x80x128xf32, #tpu.memory_space<vmem>> -> memref<1x80x128xf32, #tpu.memory_space<vmem>>
      %dma_start3A_1760 = tpu.memref_squeeze %dma_start3A_1759 : memref<1x80x128xf32, #tpu.memory_space<vmem>> -> memref<80x128xf32, #tpu.memory_space<vmem>>
      %dma_start3A_1761 = arith.constant 0 : i32
      %dma_start3A_1762 = tpu.memref_slice %arg6[%add3A_12, %dma_start3A_1761] : memref<10240x128xf32, #tpu.memory_space<vmem_shared>> -> memref<80x128xf32, #tpu.memory_space<vmem_shared>>
      %dma_start3A_1763 = arith.constant 0 : i32
      %dma_start3A_1764 = tpu.memref_slice %arg6[%add3A_12, %dma_start3A_1763] : memref<10240x128xf32, #tpu.memory_space<vmem_shared>> -> memref<80x128xf32, #tpu.memory_space<vmem_shared>>
      %dma_start3A_1765 = arith.constant 0 : i32
      %dma_start3A_1766 = arith.constant 0 : i32
      %dma_start3A_1767 = tpu.memref_slice %arg9[%run_scoped3A, %dma_start3A_1765, %dma_start3A_1766] : memref<4x80x128xf32, #tpu.memory_space<vmem>> -> memref<1x80x128xf32, #tpu.memory_space<vmem>>
      %dma_start3A_1768 = tpu.memref_squeeze %dma_start3A_1767 : memref<1x80x128xf32, #tpu.memory_space<vmem>> -> memref<80x128xf32, #tpu.memory_space<vmem>>
      tpu.enqueue_dma source(%dma_start3A_1768 : memref<80x128xf32, #tpu.memory_space<vmem>>) target(%dma_start3A_1764 : memref<80x128xf32, #tpu.memory_space<vmem_shared>>) target_semaphore(%run_scoped3A_1756 : memref<!tpu.dma_semaphore, #tpu.memory_space<semaphore_mem>>)
      %dma_wait3A_1769 = arith.constant 0 : i32
      %dma_wait3A_1770 = arith.constant 0 : i32
      %dma_wait3A_1771 = tpu.memref_slice %arg9[%run_scoped3A, %dma_wait3A_1769, %dma_wait3A_1770] : memref<4x80x128xf32, #tpu.memory_space<vmem>> -> memref<1x80x128xf32, #tpu.memory_space<vmem>>
      %dma_wait3A_1772 = tpu.memref_squeeze %dma_wait3A_1771 : memref<1x80x128xf32, #tpu.memory_space<vmem>> -> memref<80x128xf32, #tpu.memory_space<vmem>>
      %dma_wait3A_1773 = arith.constant 0 : i32
      %dma_wait3A_1774 = tpu.memref_slice %arg6[%add3A_12, %dma_wait3A_1773] : memref<10240x128xf32, #tpu.memory_space<vmem_shared>> -> memref<80x128xf32, #tpu.memory_space<vmem_shared>>
      %dma_wait3A_1775 = arith.constant 0 : i32
      %dma_wait3A_1776 = tpu.memref_slice %arg6[%add3A_12, %dma_wait3A_1775] : memref<10240x128xf32, #tpu.memory_space<vmem_shared>> -> memref<80x128xf32, #tpu.memory_space<vmem_shared>>
      %dma_wait3A_1777 = arith.constant 0 : i32
      %dma_wait3A_1778 = arith.constant 0 : i32
      %dma_wait3A_1779 = tpu.memref_slice %arg9[%run_scoped3A, %dma_wait3A_1777, %dma_wait3A_1778] : memref<4x80x128xf32, #tpu.memory_space<vmem>> -> memref<1x80x128xf32, #tpu.memory_space<vmem>>
      %dma_wait3A_1780 = tpu.memref_squeeze %dma_wait3A_1779 : memref<1x80x128xf32, #tpu.memory_space<vmem>> -> memref<80x128xf32, #tpu.memory_space<vmem>>
      tpu.wait_dma2 semaphore(%run_scoped3A_1756 : memref<!tpu.dma_semaphore, #tpu.memory_space<semaphore_mem>>) src(%dma_wait3A_1780 : memref<80x128xf32, #tpu.memory_space<vmem>>) dst(%dma_wait3A_1776 : memref<80x128xf32, #tpu.memory_space<vmem_shared>>)
      tpu.yield
    }) : () -> ()
    %add3A_13 = arith.constant 80 : i32
    %add3A_14 = arith.addi %mul3A_10, %add3A_13 : i32
    %run_scoped3A_15 = arith.constant 0 : i32
    "tpu.region"() ({
      %run_scoped3A_1756 = tpu.sem_alloc : memref<!tpu.dma_semaphore, #tpu.memory_space<semaphore_mem>>
      %dma_start3A_1757 = arith.constant 0 : i32
      %dma_start3A_1758 = arith.constant 0 : i32
      %dma_start3A_1759 = tpu.memref_slice %arg9[%run_scoped3A_15, %dma_start3A_1757, %dma_start3A_1758] : memref<4x80x128xf32, #tpu.memory_space<vmem>> -> memref<1x80x128xf32, #tpu.memory_space<vmem>>
      %dma_start3A_1760 = tpu.memref_squeeze %dma_start3A_1759 : memref<1x80x128xf32, #tpu.memory_space<vmem>> -> memref<80x128xf32, #tpu.memory_space<vmem>>
      %dma_start3A_1761 = arith.constant 0 : i32
      %dma_start3A_1762 = tpu.memref_slice %arg6[%add3A_14, %dma_start3A_1761] : memref<10240x128xf32, #tpu.memory_space<vmem_shared>> -> memref<80x128xf32, #tpu.memory_space<vmem_shared>>
      %dma_start3A_1763 = arith.constant 0 : i32
      %dma_start3A_1764 = tpu.memref_slice %arg6[%add3A_14, %dma_start3A_1763] : memref<10240x128xf32, #tpu.memory_space<vmem_shared>> -> memref<80x128xf32, #tpu.memory_space<vmem_shared>>
      %dma_start3A_1765 = arith.constant 0 : i32
      %dma_start3A_1766 = arith.constant 0 : i32
      %dma_start3A_1767 = tpu.memref_slice %arg9[%run_scoped3A_15, %dma_start3A_1765, %dma_start3A_1766] : memref<4x80x128xf32, #tpu.memory_space<vmem>> -> memref<1x80x128xf32, #tpu.memory_space<vmem>>
      %dma_start3A_1768 = tpu.memref_squeeze %dma_start3A_1767 : memref<1x80x128xf32, #tpu.memory_space<vmem>> -> memref<80x128xf32, #tpu.memory_space<vmem>>
      tpu.enqueue_dma source(%dma_start3A_1768 : memref<80x128xf32, #tpu.memory_space<vmem>>) target(%dma_start3A_1764 : memref<80x128xf32, #tpu.memory_space<vmem_shared>>) target_semaphore(%run_scoped3A_1756 : memref<!tpu.dma_semaphore, #tpu.memory_space<semaphore_mem>>)
      %dma_wait3A_1769 = arith.constant 0 : i32
      %dma_wait3A_1770 = arith.constant 0 : i32
      %dma_wait3A_1771 = tpu.memref_slice %arg9[%run_scoped3A_15, %dma_wait3A_1769, %dma_wait3A_1770] : memref<4x80x128xf32, #tpu.memory_space<vmem>> -> memref<1x80x128xf32, #tpu.memory_space<vmem>>
      %dma_wait3A_1772 = tpu.memref_squeeze %dma_wait3A_1771 : memref<1x80x128xf32, #tpu.memory_space<vmem>> -> memref<80x128xf32, #tpu.memory_space<vmem>>
      %dma_wait3A_1773 = arith.constant 0 : i32
      %dma_wait3A_1774 = tpu.memref_slice %arg6[%add3A_14, %dma_wait3A_1773] : memref<10240x128xf32, #tpu.memory_space<vmem_shared>> -> memref<80x128xf32, #tpu.memory_space<vmem_shared>>
      %dma_wait3A_1775 = arith.constant 0 : i32
      %dma_wait3A_1776 = tpu.memref_slice %arg6[%add3A_14, %dma_wait3A_1775] : memref<10240x128xf32, #tpu.memory_space<vmem_shared>> -> memref<80x128xf32, #tpu.memory_space<vmem_shared>>
      %dma_wait3A_1777 = arith.constant 0 : i32
      %dma_wait3A_1778 = arith.constant 0 : i32
      %dma_wait3A_1779 = tpu.memref_slice %arg9[%run_scoped3A_15, %dma_wait3A_1777, %dma_wait3A_1778] : memref<4x80x128xf32, #tpu.memory_space<vmem>> -> memref<1x80x128xf32, #tpu.memory_space<vmem>>
      %dma_wait3A_1780 = tpu.memref_squeeze %dma_wait3A_1779 : memref<1x80x128xf32, #tpu.memory_space<vmem>> -> memref<80x128xf32, #tpu.memory_space<vmem>>
      tpu.wait_dma2 semaphore(%run_scoped3A_1756 : memref<!tpu.dma_semaphore, #tpu.memory_space<semaphore_mem>>) src(%dma_wait3A_1780 : memref<80x128xf32, #tpu.memory_space<vmem>>) dst(%dma_wait3A_1776 : memref<80x128xf32, #tpu.memory_space<vmem_shared>>)
      tpu.yield
    }) : () -> ()
    %add3A_16 = arith.constant 160 : i32
    %add3A_17 = arith.addi %mul3A_10, %add3A_16 : i32
    %run_scoped3A_18 = arith.constant 0 : i32
    "tpu.region"() ({
      %run_scoped3A_1756 = tpu.sem_alloc : memref<!tpu.dma_semaphore, #tpu.memory_space<semaphore_mem>>
      %dma_start3A_1757 = arith.constant 0 : i32
      %dma_start3A_1758 = arith.constant 0 : i32
      %dma_start3A_1759 = tpu.memref_slice %arg9[%run_scoped3A_18, %dma_start3A_1757, %dma_start3A_1758] : memref<4x80x128xf32, #tpu.memory_space<vmem>> -> memref<1x80x128xf32, #tpu.memory_space<vmem>>
      %dma_start3A_1760 = tpu.memref_squeeze %dma_start3A_1759 : memref<1x80x128xf32, #tpu.memory_space<vmem>> -> memref<80x128xf32, #tpu.memory_space<vmem>>
      %dma_start3A_1761 = arith.constant 0 : i32
      %dma_start3A_1762 = tpu.memref_slice %arg6[%add3A_17, %dma_start3A_1761] : memref<10240x128xf32, #tpu.memory_space<vmem_shared>> -> memref<80x128xf32, #tpu.memory_space<vmem_shared>>
      %dma_start3A_1763 = arith.constant 0 : i32
      %dma_start3A_1764 = tpu.memref_slice %arg6[%add3A_17, %dma_start3A_1763] : memref<10240x128xf32, #tpu.memory_space<vmem_shared>> -> memref<80x128xf32, #tpu.memory_space<vmem_shared>>
      %dma_start3A_1765 = arith.constant 0 : i32
      %dma_start3A_1766 = arith.constant 0 : i32
      %dma_start3A_1767 = tpu.memref_slice %arg9[%run_scoped3A_18, %dma_start3A_1765, %dma_start3A_1766] : memref<4x80x128xf32, #tpu.memory_space<vmem>> -> memref<1x80x128xf32, #tpu.memory_space<vmem>>
      %dma_start3A_1768 = tpu.memref_squeeze %dma_start3A_1767 : memref<1x80x128xf32, #tpu.memory_space<vmem>> -> memref<80x128xf32, #tpu.memory_space<vmem>>
      tpu.enqueue_dma source(%dma_start3A_1768 : memref<80x128xf32, #tpu.memory_space<vmem>>) target(%dma_start3A_1764 : memref<80x128xf32, #tpu.memory_space<vmem_shared>>) target_semaphore(%run_scoped3A_1756 : memref<!tpu.dma_semaphore, #tpu.memory_space<semaphore_mem>>)
      %dma_wait3A_1769 = arith.constant 0 : i32
      %dma_wait3A_1770 = arith.constant 0 : i32
      %dma_wait3A_1771 = tpu.memref_slice %arg9[%run_scoped3A_18, %dma_wait3A_1769, %dma_wait3A_1770] : memref<4x80x128xf32, #tpu.memory_space<vmem>> -> memref<1x80x128xf32, #tpu.memory_space<vmem>>
      %dma_wait3A_1772 = tpu.memref_squeeze %dma_wait3A_1771 : memref<1x80x128xf32, #tpu.memory_space<vmem>> -> memref<80x128xf32, #tpu.memory_space<vmem>>
      %dma_wait3A_1773 = arith.constant 0 : i32
      %dma_wait3A_1774 = tpu.memref_slice %arg6[%add3A_17, %dma_wait3A_1773] : memref<10240x128xf32, #tpu.memory_space<vmem_shared>> -> memref<80x128xf32, #tpu.memory_space<vmem_shared>>
      %dma_wait3A_1775 = arith.constant 0 : i32
      %dma_wait3A_1776 = tpu.memref_slice %arg6[%add3A_17, %dma_wait3A_1775] : memref<10240x128xf32, #tpu.memory_space<vmem_shared>> -> memref<80x128xf32, #tpu.memory_space<vmem_shared>>
      %dma_wait3A_1777 = arith.constant 0 : i32
      %dma_wait3A_1778 = arith.constant 0 : i32
      %dma_wait3A_1779 = tpu.memref_slice %arg9[%run_scoped3A_18, %dma_wait3A_1777, %dma_wait3A_1778] : memref<4x80x128xf32, #tpu.memory_space<vmem>> -> memref<1x80x128xf32, #tpu.memory_space<vmem>>
      %dma_wait3A_1780 = tpu.memref_squeeze %dma_wait3A_1779 : memref<1x80x128xf32, #tpu.memory_space<vmem>> -> memref<80x128xf32, #tpu.memory_space<vmem>>
      tpu.wait_dma2 semaphore(%run_scoped3A_1756 : memref<!tpu.dma_semaphore, #tpu.memory_space<semaphore_mem>>) src(%dma_wait3A_1780 : memref<80x128xf32, #tpu.memory_space<vmem>>) dst(%dma_wait3A_1776 : memref<80x128xf32, #tpu.memory_space<vmem_shared>>)
      tpu.yield
    }) : () -> ()
    %add3A_19 = arith.constant 240 : i32
    %add3A_20 = arith.addi %mul3A_10, %add3A_19 : i32
    %run_scoped3A_21 = arith.constant 0 : i32
    "tpu.region"() ({
      %run_scoped3A_1756 = tpu.sem_alloc : memref<!tpu.dma_semaphore, #tpu.memory_space<semaphore_mem>>
      %dma_start3A_1757 = arith.constant 0 : i32
      %dma_start3A_1758 = arith.constant 0 : i32
      %dma_start3A_1759 = tpu.memref_slice %arg9[%run_scoped3A_21, %dma_start3A_1757, %dma_start3A_1758] : memref<4x80x128xf32, #tpu.memory_space<vmem>> -> memref<1x80x128xf32, #tpu.memory_space<vmem>>
      %dma_start3A_1760 = tpu.memref_squeeze %dma_start3A_1759 : memref<1x80x128xf32, #tpu.memory_space<vmem>> -> memref<80x128xf32, #tpu.memory_space<vmem>>
      %dma_start3A_1761 = arith.constant 0 : i32
      %dma_start3A_1762 = tpu.memref_slice %arg6[%add3A_20, %dma_start3A_1761] : memref<10240x128xf32, #tpu.memory_space<vmem_shared>> -> memref<80x128xf32, #tpu.memory_space<vmem_shared>>
      %dma_start3A_1763 = arith.constant 0 : i32
      %dma_start3A_1764 = tpu.memref_slice %arg6[%add3A_20, %dma_start3A_1763] : memref<10240x128xf32, #tpu.memory_space<vmem_shared>> -> memref<80x128xf32, #tpu.memory_space<vmem_shared>>
      %dma_start3A_1765 = arith.constant 0 : i32
      %dma_start3A_1766 = arith.constant 0 : i32
      %dma_start3A_1767 = tpu.memref_slice %arg9[%run_scoped3A_21, %dma_start3A_1765, %dma_start3A_1766] : memref<4x80x128xf32, #tpu.memory_space<vmem>> -> memref<1x80x128xf32, #tpu.memory_space<vmem>>
      %dma_start3A_1768 = tpu.memref_squeeze %dma_start3A_1767 : memref<1x80x128xf32, #tpu.memory_space<vmem>> -> memref<80x128xf32, #tpu.memory_space<vmem>>
      tpu.enqueue_dma source(%dma_start3A_1768 : memref<80x128xf32, #tpu.memory_space<vmem>>) target(%dma_start3A_1764 : memref<80x128xf32, #tpu.memory_space<vmem_shared>>) target_semaphore(%run_scoped3A_1756 : memref<!tpu.dma_semaphore, #tpu.memory_space<semaphore_mem>>)
      %dma_wait3A_1769 = arith.constant 0 : i32
      %dma_wait3A_1770 = arith.constant 0 : i32
      %dma_wait3A_1771 = tpu.memref_slice %arg9[%run_scoped3A_21, %dma_wait3A_1769, %dma_wait3A_1770] : memref<4x80x128xf32, #tpu.memory_space<vmem>> -> memref<1x80x128xf32, #tpu.memory_space<vmem>>
      %dma_wait3A_1772 = tpu.memref_squeeze %dma_wait3A_1771 : memref<1x80x128xf32, #tpu.memory_space<vmem>> -> memref<80x128xf32, #tpu.memory_space<vmem>>
      %dma_wait3A_1773 = arith.constant 0 : i32
      %dma_wait3A_1774 = tpu.memref_slice %arg6[%add3A_20, %dma_wait3A_1773] : memref<10240x128xf32, #tpu.memory_space<vmem_shared>> -> memref<80x128xf32, #tpu.memory_space<vmem_shared>>
      %dma_wait3A_1775 = arith.constant 0 : i32
      %dma_wait3A_1776 = tpu.memref_slice %arg6[%add3A_20, %dma_wait3A_1775] : memref<10240x128xf32, #tpu.memory_space<vmem_shared>> -> memref<80x128xf32, #tpu.memory_space<vmem_shared>>
      %dma_wait3A_1777 = arith.constant 0 : i32
      %dma_wait3A_1778 = arith.constant 0 : i32
      %dma_wait3A_1779 = tpu.memref_slice %arg9[%run_scoped3A_21, %dma_wait3A_1777, %dma_wait3A_1778] : memref<4x80x128xf32, #tpu.memory_space<vmem>> -> memref<1x80x128xf32, #tpu.memory_space<vmem>>
      %dma_wait3A_1780 = tpu.memref_squeeze %dma_wait3A_1779 : memref<1x80x128xf32, #tpu.memory_space<vmem>> -> memref<80x128xf32, #tpu.memory_space<vmem>>
      tpu.wait_dma2 semaphore(%run_scoped3A_1756 : memref<!tpu.dma_semaphore, #tpu.memory_space<semaphore_mem>>) src(%dma_wait3A_1780 : memref<80x128xf32, #tpu.memory_space<vmem>>) dst(%dma_wait3A_1776 : memref<80x128xf32, #tpu.memory_space<vmem_shared>>)
      tpu.yield
    }) : () -> ()
    %add3A_22 = arith.constant 320 : i32
    %add3A_23 = arith.addi %mul3A_10, %add3A_22 : i32
    %run_scoped3A_24 = arith.constant 0 : i32
    "tpu.region"() ({
      %run_scoped3A_1756 = tpu.sem_alloc : memref<!tpu.dma_semaphore, #tpu.memory_space<semaphore_mem>>
      %dma_start3A_1757 = arith.constant 0 : i32
      %dma_start3A_1758 = arith.constant 0 : i32
      %dma_start3A_1759 = tpu.memref_slice %arg9[%run_scoped3A_24, %dma_start3A_1757, %dma_start3A_1758] : memref<4x80x128xf32, #tpu.memory_space<vmem>> -> memref<1x80x128xf32, #tpu.memory_space<vmem>>
      %dma_start3A_1760 = tpu.memref_squeeze %dma_start3A_1759 : memref<1x80x128xf32, #tpu.memory_space<vmem>> -> memref<80x128xf32, #tpu.memory_space<vmem>>
      %dma_start3A_1761 = arith.constant 0 : i32
      %dma_start3A_1762 = tpu.memref_slice %arg6[%add3A_23, %dma_start3A_1761] : memref<10240x128xf32, #tpu.memory_space<vmem_shared>> -> memref<80x128xf32, #tpu.memory_space<vmem_shared>>
      %dma_start3A_1763 = arith.constant 0 : i32
      %dma_start3A_1764 = tpu.memref_slice %arg6[%add3A_23, %dma_start3A_1763] : memref<10240x128xf32, #tpu.memory_space<vmem_shared>> -> memref<80x128xf32, #tpu.memory_space<vmem_shared>>
      %dma_start3A_1765 = arith.constant 0 : i32
      %dma_start3A_1766 = arith.constant 0 : i32
      %dma_start3A_1767 = tpu.memref_slice %arg9[%run_scoped3A_24, %dma_start3A_1765, %dma_start3A_1766] : memref<4x80x128xf32, #tpu.memory_space<vmem>> -> memref<1x80x128xf32, #tpu.memory_space<vmem>>
      %dma_start3A_1768 = tpu.memref_squeeze %dma_start3A_1767 : memref<1x80x128xf32, #tpu.memory_space<vmem>> -> memref<80x128xf32, #tpu.memory_space<vmem>>
      tpu.enqueue_dma source(%dma_start3A_1768 : memref<80x128xf32, #tpu.memory_space<vmem>>) target(%dma_start3A_1764 : memref<80x128xf32, #tpu.memory_space<vmem_shared>>) target_semaphore(%run_scoped3A_1756 : memref<!tpu.dma_semaphore, #tpu.memory_space<semaphore_mem>>)
      %dma_wait3A_1769 = arith.constant 0 : i32
      %dma_wait3A_1770 = arith.constant 0 : i32
      %dma_wait3A_1771 = tpu.memref_slice %arg9[%run_scoped3A_24, %dma_wait3A_1769, %dma_wait3A_1770] : memref<4x80x128xf32, #tpu.memory_space<vmem>> -> memref<1x80x128xf32, #tpu.memory_space<vmem>>
      %dma_wait3A_1772 = tpu.memref_squeeze %dma_wait3A_1771 : memref<1x80x128xf32, #tpu.memory_space<vmem>> -> memref<80x128xf32, #tpu.memory_space<vmem>>
      %dma_wait3A_1773 = arith.constant 0 : i32
      %dma_wait3A_1774 = tpu.memref_slice %arg6[%add3A_23, %dma_wait3A_1773] : memref<10240x128xf32, #tpu.memory_space<vmem_shared>> -> memref<80x128xf32, #tpu.memory_space<vmem_shared>>
      %dma_wait3A_1775 = arith.constant 0 : i32
      %dma_wait3A_1776 = tpu.memref_slice %arg6[%add3A_23, %dma_wait3A_1775] : memref<10240x128xf32, #tpu.memory_space<vmem_shared>> -> memref<80x128xf32, #tpu.memory_space<vmem_shared>>
      %dma_wait3A_1777 = arith.constant 0 : i32
      %dma_wait3A_1778 = arith.constant 0 : i32
      %dma_wait3A_1779 = tpu.memref_slice %arg9[%run_scoped3A_24, %dma_wait3A_1777, %dma_wait3A_1778] : memref<4x80x128xf32, #tpu.memory_space<vmem>> -> memref<1x80x128xf32, #tpu.memory_space<vmem>>
      %dma_wait3A_1780 = tpu.memref_squeeze %dma_wait3A_1779 : memref<1x80x128xf32, #tpu.memory_space<vmem>> -> memref<80x128xf32, #tpu.memory_space<vmem>>
      tpu.wait_dma2 semaphore(%run_scoped3A_1756 : memref<!tpu.dma_semaphore, #tpu.memory_space<semaphore_mem>>) src(%dma_wait3A_1780 : memref<80x128xf32, #tpu.memory_space<vmem>>) dst(%dma_wait3A_1776 : memref<80x128xf32, #tpu.memory_space<vmem_shared>>)
      tpu.yield
    }) : () -> ()
    %add3A_25 = arith.constant 400 : i32
    %add3A_26 = arith.addi %mul3A_10, %add3A_25 : i32
    %run_scoped3A_27 = arith.constant 0 : i32
    "tpu.region"() ({
      %run_scoped3A_1756 = tpu.sem_alloc : memref<!tpu.dma_semaphore, #tpu.memory_space<semaphore_mem>>
      %dma_start3A_1757 = arith.constant 0 : i32
      %dma_start3A_1758 = arith.constant 0 : i32
      %dma_start3A_1759 = tpu.memref_slice %arg9[%run_scoped3A_27, %dma_start3A_1757, %dma_start3A_1758] : memref<4x80x128xf32, #tpu.memory_space<vmem>> -> memref<1x80x128xf32, #tpu.memory_space<vmem>>
      %dma_start3A_1760 = tpu.memref_squeeze %dma_start3A_1759 : memref<1x80x128xf32, #tpu.memory_space<vmem>> -> memref<80x128xf32, #tpu.memory_space<vmem>>
      %dma_start3A_1761 = arith.constant 0 : i32
      %dma_start3A_1762 = tpu.memref_slice %arg6[%add3A_26, %dma_start3A_1761] : memref<10240x128xf32, #tpu.memory_space<vmem_shared>> -> memref<80x128xf32, #tpu.memory_space<vmem_shared>>
      %dma_start3A_1763 = arith.constant 0 : i32
      %dma_start3A_1764 = tpu.memref_slice %arg6[%add3A_26, %dma_start3A_1763] : memref<10240x128xf32, #tpu.memory_space<vmem_shared>> -> memref<80x128xf32, #tpu.memory_space<vmem_shared>>
      %dma_start3A_1765 = arith.constant 0 : i32
      %dma_start3A_1766 = arith.constant 0 : i32
      %dma_start3A_1767 = tpu.memref_slice %arg9[%run_scoped3A_27, %dma_start3A_1765, %dma_start3A_1766] : memref<4x80x128xf32, #tpu.memory_space<vmem>> -> memref<1x80x128xf32, #tpu.memory_space<vmem>>
      %dma_start3A_1768 = tpu.memref_squeeze %dma_start3A_1767 : memref<1x80x128xf32, #tpu.memory_space<vmem>> -> memref<80x128xf32, #tpu.memory_space<vmem>>
      tpu.enqueue_dma source(%dma_start3A_1768 : memref<80x128xf32, #tpu.memory_space<vmem>>) target(%dma_start3A_1764 : memref<80x128xf32, #tpu.memory_space<vmem_shared>>) target_semaphore(%run_scoped3A_1756 : memref<!tpu.dma_semaphore, #tpu.memory_space<semaphore_mem>>)
      %dma_wait3A_1769 = arith.constant 0 : i32
      %dma_wait3A_1770 = arith.constant 0 : i32
      %dma_wait3A_1771 = tpu.memref_slice %arg9[%run_scoped3A_27, %dma_wait3A_1769, %dma_wait3A_1770] : memref<4x80x128xf32, #tpu.memory_space<vmem>> -> memref<1x80x128xf32, #tpu.memory_space<vmem>>
      %dma_wait3A_1772 = tpu.memref_squeeze %dma_wait3A_1771 : memref<1x80x128xf32, #tpu.memory_space<vmem>> -> memref<80x128xf32, #tpu.memory_space<vmem>>
      %dma_wait3A_1773 = arith.constant 0 : i32
      %dma_wait3A_1774 = tpu.memref_slice %arg6[%add3A_26, %dma_wait3A_1773] : memref<10240x128xf32, #tpu.memory_space<vmem_shared>> -> memref<80x128xf32, #tpu.memory_space<vmem_shared>>
      %dma_wait3A_1775 = arith.constant 0 : i32
      %dma_wait3A_1776 = tpu.memref_slice %arg6[%add3A_26, %dma_wait3A_1775] : memref<10240x128xf32, #tpu.memory_space<vmem_shared>> -> memref<80x128xf32, #tpu.memory_space<vmem_shared>>
      %dma_wait3A_1777 = arith.constant 0 : i32
      %dma_wait3A_1778 = arith.constant 0 : i32
      %dma_wait3A_1779 = tpu.memref_slice %arg9[%run_scoped3A_27, %dma_wait3A_1777, %dma_wait3A_1778] : memref<4x80x128xf32, #tpu.memory_space<vmem>> -> memref<1x80x128xf32, #tpu.memory_space<vmem>>
      %dma_wait3A_1780 = tpu.memref_squeeze %dma_wait3A_1779 : memref<1x80x128xf32, #tpu.memory_space<vmem>> -> memref<80x128xf32, #tpu.memory_space<vmem>>
      tpu.wait_dma2 semaphore(%run_scoped3A_1756 : memref<!tpu.dma_semaphore, #tpu.memory_space<semaphore_mem>>) src(%dma_wait3A_1780 : memref<80x128xf32, #tpu.memory_space<vmem>>) dst(%dma_wait3A_1776 : memref<80x128xf32, #tpu.memory_space<vmem_shared>>)
      tpu.yield
    }) : () -> ()
    %add3A_28 = arith.constant 480 : i32
    %add3A_29 = arith.addi %mul3A_10, %add3A_28 : i32
    %run_scoped3A_30 = arith.constant 0 : i32
    "tpu.region"() ({
      %run_scoped3A_1756 = tpu.sem_alloc : memref<!tpu.dma_semaphore, #tpu.memory_space<semaphore_mem>>
      %dma_start3A_1757 = arith.constant 0 : i32
      %dma_start3A_1758 = arith.constant 0 : i32
      %dma_start3A_1759 = tpu.memref_slice %arg9[%run_scoped3A_30, %dma_start3A_1757, %dma_start3A_1758] : memref<4x80x128xf32, #tpu.memory_space<vmem>> -> memref<1x80x128xf32, #tpu.memory_space<vmem>>
      %dma_start3A_1760 = tpu.memref_squeeze %dma_start3A_1759 : memref<1x80x128xf32, #tpu.memory_space<vmem>> -> memref<80x128xf32, #tpu.memory_space<vmem>>
      %dma_start3A_1761 = arith.constant 0 : i32
      %dma_start3A_1762 = tpu.memref_slice %arg6[%add3A_29, %dma_start3A_1761] : memref<10240x128xf32, #tpu.memory_space<vmem_shared>> -> memref<80x128xf32, #tpu.memory_space<vmem_shared>>
      %dma_start3A_1763 = arith.constant 0 : i32
      %dma_start3A_1764 = tpu.memref_slice %arg6[%add3A_29, %dma_start3A_1763] : memref<10240x128xf32, #tpu.memory_space<vmem_shared>> -> memref<80x128xf32, #tpu.memory_space<vmem_shared>>
      %dma_start3A_1765 = arith.constant 0 : i32
      %dma_start3A_1766 = arith.constant 0 : i32
      %dma_start3A_1767 = tpu.memref_slice %arg9[%run_scoped3A_30, %dma_start3A_1765, %dma_start3A_1766] : memref<4x80x128xf32, #tpu.memory_space<vmem>> -> memref<1x80x128xf32, #tpu.memory_space<vmem>>
      %dma_start3A_1768 = tpu.memref_squeeze %dma_start3A_1767 : memref<1x80x128xf32, #tpu.memory_space<vmem>> -> memref<80x128xf32, #tpu.memory_space<vmem>>
      tpu.enqueue_dma source(%dma_start3A_1768 : memref<80x128xf32, #tpu.memory_space<vmem>>) target(%dma_start3A_1764 : memref<80x128xf32, #tpu.memory_space<vmem_shared>>) target_semaphore(%run_scoped3A_1756 : memref<!tpu.dma_semaphore, #tpu.memory_space<semaphore_mem>>)
      %dma_wait3A_1769 = arith.constant 0 : i32
      %dma_wait3A_1770 = arith.constant 0 : i32
      %dma_wait3A_1771 = tpu.memref_slice %arg9[%run_scoped3A_30, %dma_wait3A_1769, %dma_wait3A_1770] : memref<4x80x128xf32, #tpu.memory_space<vmem>> -> memref<1x80x128xf32, #tpu.memory_space<vmem>>
      %dma_wait3A_1772 = tpu.memref_squeeze %dma_wait3A_1771 : memref<1x80x128xf32, #tpu.memory_space<vmem>> -> memref<80x128xf32, #tpu.memory_space<vmem>>
      %dma_wait3A_1773 = arith.constant 0 : i32
      %dma_wait3A_1774 = tpu.memref_slice %arg6[%add3A_29, %dma_wait3A_1773] : memref<10240x128xf32, #tpu.memory_space<vmem_shared>> -> memref<80x128xf32, #tpu.memory_space<vmem_shared>>
      %dma_wait3A_1775 = arith.constant 0 : i32
      %dma_wait3A_1776 = tpu.memref_slice %arg6[%add3A_29, %dma_wait3A_1775] : memref<10240x128xf32, #tpu.memory_space<vmem_shared>> -> memref<80x128xf32, #tpu.memory_space<vmem_shared>>
      %dma_wait3A_1777 = arith.constant 0 : i32
      %dma_wait3A_1778 = arith.constant 0 : i32
      %dma_wait3A_1779 = tpu.memref_slice %arg9[%run_scoped3A_30, %dma_wait3A_1777, %dma_wait3A_1778] : memref<4x80x128xf32, #tpu.memory_space<vmem>> -> memref<1x80x128xf32, #tpu.memory_space<vmem>>
      %dma_wait3A_1780 = tpu.memref_squeeze %dma_wait3A_1779 : memref<1x80x128xf32, #tpu.memory_space<vmem>> -> memref<80x128xf32, #tpu.memory_space<vmem>>
      tpu.wait_dma2 semaphore(%run_scoped3A_1756 : memref<!tpu.dma_semaphore, #tpu.memory_space<semaphore_mem>>) src(%dma_wait3A_1780 : memref<80x128xf32, #tpu.memory_space<vmem>>) dst(%dma_wait3A_1776 : memref<80x128xf32, #tpu.memory_space<vmem_shared>>)
      tpu.yield
    }) : () -> ()
    %add3A_31 = arith.constant 560 : i32
    %add3A_32 = arith.addi %mul3A_10, %add3A_31 : i32
    %run_scoped3A_33 = arith.constant 0 : i32
    "tpu.region"() ({
      %run_scoped3A_1756 = tpu.sem_alloc : memref<!tpu.dma_semaphore, #tpu.memory_space<semaphore_mem>>
      %dma_start3A_1757 = arith.constant 0 : i32
      %dma_start3A_1758 = arith.constant 0 : i32
      %dma_start3A_1759 = tpu.memref_slice %arg9[%run_scoped3A_33, %dma_start3A_1757, %dma_start3A_1758] : memref<4x80x128xf32, #tpu.memory_space<vmem>> -> memref<1x80x128xf32, #tpu.memory_space<vmem>>
      %dma_start3A_1760 = tpu.memref_squeeze %dma_start3A_1759 : memref<1x80x128xf32, #tpu.memory_space<vmem>> -> memref<80x128xf32, #tpu.memory_space<vmem>>
      %dma_start3A_1761 = arith.constant 0 : i32
      %dma_start3A_1762 = tpu.memref_slice %arg6[%add3A_32, %dma_start3A_1761] : memref<10240x128xf32, #tpu.memory_space<vmem_shared>> -> memref<80x128xf32, #tpu.memory_space<vmem_shared>>
      %dma_start3A_1763 = arith.constant 0 : i32
      %dma_start3A_1764 = tpu.memref_slice %arg6[%add3A_32, %dma_start3A_1763] : memref<10240x128xf32, #tpu.memory_space<vmem_shared>> -> memref<80x128xf32, #tpu.memory_space<vmem_shared>>
      %dma_start3A_1765 = arith.constant 0 : i32
      %dma_start3A_1766 = arith.constant 0 : i32
      %dma_start3A_1767 = tpu.memref_slice %arg9[%run_scoped3A_33, %dma_start3A_1765, %dma_start3A_1766] : memref<4x80x128xf32, #tpu.memory_space<vmem>> -> memref<1x80x128xf32, #tpu.memory_space<vmem>>
      %dma_start3A_1768 = tpu.memref_squeeze %dma_start3A_1767 : memref<1x80x128xf32, #tpu.memory_space<vmem>> -> memref<80x128xf32, #tpu.memory_space<vmem>>
      tpu.enqueue_dma source(%dma_start3A_1768 : memref<80x128xf32, #tpu.memory_space<vmem>>) target(%dma_start3A_1764 : memref<80x128xf32, #tpu.memory_space<vmem_shared>>) target_semaphore(%run_scoped3A_1756 : memref<!tpu.dma_semaphore, #tpu.memory_space<semaphore_mem>>)
      %dma_wait3A_1769 = arith.constant 0 : i32
      %dma_wait3A_1770 = arith.constant 0 : i32
      %dma_wait3A_1771 = tpu.memref_slice %arg9[%run_scoped3A_33, %dma_wait3A_1769, %dma_wait3A_1770] : memref<4x80x128xf32, #tpu.memory_space<vmem>> -> memref<1x80x128xf32, #tpu.memory_space<vmem>>
      %dma_wait3A_1772 = tpu.memref_squeeze %dma_wait3A_1771 : memref<1x80x128xf32, #tpu.memory_space<vmem>> -> memref<80x128xf32, #tpu.memory_space<vmem>>
      %dma_wait3A_1773 = arith.constant 0 : i32
      %dma_wait3A_1774 = tpu.memref_slice %arg6[%add3A_32, %dma_wait3A_1773] : memref<10240x128xf32, #tpu.memory_space<vmem_shared>> -> memref<80x128xf32, #tpu.memory_space<vmem_shared>>
      %dma_wait3A_1775 = arith.constant 0 : i32
      %dma_wait3A_1776 = tpu.memref_slice %arg6[%add3A_32, %dma_wait3A_1775] : memref<10240x128xf32, #tpu.memory_space<vmem_shared>> -> memref<80x128xf32, #tpu.memory_space<vmem_shared>>
      %dma_wait3A_1777 = arith.constant 0 : i32
      %dma_wait3A_1778 = arith.constant 0 : i32
      %dma_wait3A_1779 = tpu.memref_slice %arg9[%run_scoped3A_33, %dma_wait3A_1777, %dma_wait3A_1778] : memref<4x80x128xf32, #tpu.memory_space<vmem>> -> memref<1x80x128xf32, #tpu.memory_space<vmem>>
      %dma_wait3A_1780 = tpu.memref_squeeze %dma_wait3A_1779 : memref<1x80x128xf32, #tpu.memory_space<vmem>> -> memref<80x128xf32, #tpu.memory_space<vmem>>
      tpu.wait_dma2 semaphore(%run_scoped3A_1756 : memref<!tpu.dma_semaphore, #tpu.memory_space<semaphore_mem>>) src(%dma_wait3A_1780 : memref<80x128xf32, #tpu.memory_space<vmem>>) dst(%dma_wait3A_1776 : memref<80x128xf32, #tpu.memory_space<vmem_shared>>)
      tpu.yield
    }) : () -> ()
    %barrier3A = arith.constant 0 : index
    tpu.barrier barrier_id(%barrier3A)
    %add3A_34 = arith.constant 0 : i32
    %add3A_35 = arith.addi %mul3A_2, %add3A_34 : i32
    %dma_start3A = arith.constant 0 : i32
    %dma_start3A_36 = arith.constant 0 : i32
    %dma_start3A_37 = arith.constant 0 : i32
    %dma_start3A_38 = tpu.memref_slice %arg7[%dma_start3A, %dma_start3A_37] : memref<8x80xi32, #tpu.memory_space<vmem>> -> memref<1x80xi32, #tpu.memory_space<vmem>>
    %dma_start3A_39 = tpu.memref_squeeze %dma_start3A_38 : memref<1x80xi32, #tpu.memory_space<vmem>> -> memref<80xi32, #tpu.memory_space<vmem>>
    %dma_start3A_40 = arith.constant 0 : i32
    %dma_start3A_41 = tpu.memref_slice %arg3[%add3A_35, %dma_start3A_40] : memref<4000x80xi32, #tpu.memory_space<hbm>> -> memref<1x80xi32, #tpu.memory_space<hbm>>
    %dma_start3A_42 = tpu.memref_squeeze %dma_start3A_41 : memref<1x80xi32, #tpu.memory_space<hbm>> -> memref<80xi32, #tpu.memory_space<hbm>>
    %dma_start3A_43 = tpu.memref_slice %arg12[%dma_start3A_36] : memref<8x!tpu.dma_semaphore, #tpu.memory_space<semaphore_mem>> -> memref<1x!tpu.dma_semaphore, #tpu.memory_space<semaphore_mem>>
    %dma_start3A_44 = tpu.memref_squeeze %dma_start3A_43 : memref<1x!tpu.dma_semaphore, #tpu.memory_space<semaphore_mem>> -> memref<!tpu.dma_semaphore, #tpu.memory_space<semaphore_mem>>
    %dma_start3A_45 = arith.constant 0 : i32
    %dma_start3A_46 = tpu.memref_slice %arg7[%dma_start3A, %dma_start3A_45] : memref<8x80xi32, #tpu.memory_space<vmem>> -> memref<1x80xi32, #tpu.memory_space<vmem>>
    %dma_start3A_47 = tpu.memref_squeeze %dma_start3A_46 : memref<1x80xi32, #tpu.memory_space<vmem>> -> memref<80xi32, #tpu.memory_space<vmem>>
    %dma_start3A_48 = arith.constant 0 : i32
    %dma_start3A_49 = tpu.memref_slice %arg3[%add3A_35, %dma_start3A_48] : memref<4000x80xi32, #tpu.memory_space<hbm>> -> memref<1x80xi32, #tpu.memory_space<hbm>>
    %dma_start3A_50 = tpu.memref_squeeze %dma_start3A_49 : memref<1x80xi32, #tpu.memory_space<hbm>> -> memref<80xi32, #tpu.memory_space<hbm>>
    tpu.enqueue_dma source(%dma_start3A_50 : memref<80xi32, #tpu.memory_space<hbm>>) target(%dma_start3A_47 : memref<80xi32, #tpu.memory_space<vmem>>) target_semaphore(%dma_start3A_44 : memref<!tpu.dma_semaphore, #tpu.memory_space<semaphore_mem>>)
    %add3A_51 = arith.constant 0 : i32
    %add3A_52 = arith.addi %mul3A_2, %add3A_51 : i32
    %dma_start3A_53 = arith.constant 0 : i32
    %dma_start3A_54 = arith.constant 0 : i32
    %dma_start3A_55 = arith.constant 0 : i32
    %dma_start3A_56 = tpu.memref_slice %arg8[%dma_start3A_53, %dma_start3A_55] : memref<8x80xi32, #tpu.memory_space<vmem>> -> memref<1x80xi32, #tpu.memory_space<vmem>>
    %dma_start3A_57 = tpu.memref_squeeze %dma_start3A_56 : memref<1x80xi32, #tpu.memory_space<vmem>> -> memref<80xi32, #tpu.memory_space<vmem>>
    %dma_start3A_58 = arith.constant 0 : i32
    %dma_start3A_59 = tpu.memref_slice %arg4[%add3A_52, %dma_start3A_58] : memref<4000x80xi32, #tpu.memory_space<hbm>> -> memref<1x80xi32, #tpu.memory_space<hbm>>
    %dma_start3A_60 = tpu.memref_squeeze %dma_start3A_59 : memref<1x80xi32, #tpu.memory_space<hbm>> -> memref<80xi32, #tpu.memory_space<hbm>>
    %dma_start3A_61 = tpu.memref_slice %arg12[%dma_start3A_54] : memref<8x!tpu.dma_semaphore, #tpu.memory_space<semaphore_mem>> -> memref<1x!tpu.dma_semaphore, #tpu.memory_space<semaphore_mem>>
    %dma_start3A_62 = tpu.memref_squeeze %dma_start3A_61 : memref<1x!tpu.dma_semaphore, #tpu.memory_space<semaphore_mem>> -> memref<!tpu.dma_semaphore, #tpu.memory_space<semaphore_mem>>
    %dma_start3A_63 = arith.constant 0 : i32
    %dma_start3A_64 = tpu.memref_slice %arg8[%dma_start3A_53, %dma_start3A_63] : memref<8x80xi32, #tpu.memory_space<vmem>> -> memref<1x80xi32, #tpu.memory_space<vmem>>
    %dma_start3A_65 = tpu.memref_squeeze %dma_start3A_64 : memref<1x80xi32, #tpu.memory_space<vmem>> -> memref<80xi32, #tpu.memory_space<vmem>>
    %dma_start3A_66 = arith.constant 0 : i32
    %dma_start3A_67 = tpu.memref_slice %arg4[%add3A_52, %dma_start3A_66] : memref<4000x80xi32, #tpu.memory_space<hbm>> -> memref<1x80xi32, #tpu.memory_space<hbm>>
    %dma_start3A_68 = tpu.memref_squeeze %dma_start3A_67 : memref<1x80xi32, #tpu.memory_space<hbm>> -> memref<80xi32, #tpu.memory_space<hbm>>
    tpu.enqueue_dma source(%dma_start3A_68 : memref<80xi32, #tpu.memory_space<hbm>>) target(%dma_start3A_65 : memref<80xi32, #tpu.memory_space<vmem>>) target_semaphore(%dma_start3A_62 : memref<!tpu.dma_semaphore, #tpu.memory_space<semaphore_mem>>)
    %add3A_69 = arith.constant 1 : i32
    %add3A_70 = arith.addi %mul3A_2, %add3A_69 : i32
    %dma_start3A_71 = arith.constant 1 : i32
    %dma_start3A_72 = arith.constant 1 : i32
    %dma_start3A_73 = arith.constant 0 : i32
    %dma_start3A_74 = tpu.memref_slice %arg7[%dma_start3A_71, %dma_start3A_73] : memref<8x80xi32, #tpu.memory_space<vmem>> -> memref<1x80xi32, #tpu.memory_space<vmem>>
    %dma_start3A_75 = tpu.memref_squeeze %dma_start3A_74 : memref<1x80xi32, #tpu.memory_space<vmem>> -> memref<80xi32, #tpu.memory_space<vmem>>
    %dma_start3A_76 = arith.constant 0 : i32
    %dma_start3A_77 = tpu.memref_slice %arg3[%add3A_70, %dma_start3A_76] : memref<4000x80xi32, #tpu.memory_space<hbm>> -> memref<1x80xi32, #tpu.memory_space<hbm>>
    %dma_start3A_78 = tpu.memref_squeeze %dma_start3A_77 : memref<1x80xi32, #tpu.memory_space<hbm>> -> memref<80xi32, #tpu.memory_space<hbm>>
    %dma_start3A_79 = tpu.memref_slice %arg12[%dma_start3A_72] : memref<8x!tpu.dma_semaphore, #tpu.memory_space<semaphore_mem>> -> memref<1x!tpu.dma_semaphore, #tpu.memory_space<semaphore_mem>>
    %dma_start3A_80 = tpu.memref_squeeze %dma_start3A_79 : memref<1x!tpu.dma_semaphore, #tpu.memory_space<semaphore_mem>> -> memref<!tpu.dma_semaphore, #tpu.memory_space<semaphore_mem>>
    %dma_start3A_81 = arith.constant 0 : i32
    %dma_start3A_82 = tpu.memref_slice %arg7[%dma_start3A_71, %dma_start3A_81] : memref<8x80xi32, #tpu.memory_space<vmem>> -> memref<1x80xi32, #tpu.memory_space<vmem>>
    %dma_start3A_83 = tpu.memref_squeeze %dma_start3A_82 : memref<1x80xi32, #tpu.memory_space<vmem>> -> memref<80xi32, #tpu.memory_space<vmem>>
    %dma_start3A_84 = arith.constant 0 : i32
    %dma_start3A_85 = tpu.memref_slice %arg3[%add3A_70, %dma_start3A_84] : memref<4000x80xi32, #tpu.memory_space<hbm>> -> memref<1x80xi32, #tpu.memory_space<hbm>>
    %dma_start3A_86 = tpu.memref_squeeze %dma_start3A_85 : memref<1x80xi32, #tpu.memory_space<hbm>> -> memref<80xi32, #tpu.memory_space<hbm>>
    tpu.enqueue_dma source(%dma_start3A_86 : memref<80xi32, #tpu.memory_space<hbm>>) target(%dma_start3A_83 : memref<80xi32, #tpu.memory_space<vmem>>) target_semaphore(%dma_start3A_80 : memref<!tpu.dma_semaphore, #tpu.memory_space<semaphore_mem>>)
    %add3A_87 = arith.constant 1 : i32
    %add3A_88 = arith.addi %mul3A_2, %add3A_87 : i32
    %dma_start3A_89 = arith.constant 1 : i32
    %dma_start3A_90 = arith.constant 1 : i32
    %dma_start3A_91 = arith.constant 0 : i32
    %dma_start3A_92 = tpu.memref_slice %arg8[%dma_start3A_89, %dma_start3A_91] : memref<8x80xi32, #tpu.memory_space<vmem>> -> memref<1x80xi32, #tpu.memory_space<vmem>>
    %dma_start3A_93 = tpu.memref_squeeze %dma_start3A_92 : memref<1x80xi32, #tpu.memory_space<vmem>> -> memref<80xi32, #tpu.memory_space<vmem>>
    %dma_start3A_94 = arith.constant 0 : i32
    %dma_start3A_95 = tpu.memref_slice %arg4[%add3A_88, %dma_start3A_94] : memref<4000x80xi32, #tpu.memory_space<hbm>> -> memref<1x80xi32, #tpu.memory_space<hbm>>
    %dma_start3A_96 = tpu.memref_squeeze %dma_start3A_95 : memref<1x80xi32, #tpu.memory_space<hbm>> -> memref<80xi32, #tpu.memory_space<hbm>>
    %dma_start3A_97 = tpu.memref_slice %arg12[%dma_start3A_90] : memref<8x!tpu.dma_semaphore, #tpu.memory_space<semaphore_mem>> -> memref<1x!tpu.dma_semaphore, #tpu.memory_space<semaphore_mem>>
    %dma_start3A_98 = tpu.memref_squeeze %dma_start3A_97 : memref<1x!tpu.dma_semaphore, #tpu.memory_space<semaphore_mem>> -> memref<!tpu.dma_semaphore, #tpu.memory_space<semaphore_mem>>
    %dma_start3A_99 = arith.constant 0 : i32
    %dma_start3A_100 = tpu.memref_slice %arg8[%dma_start3A_89, %dma_start3A_99] : memref<8x80xi32, #tpu.memory_space<vmem>> -> memref<1x80xi32, #tpu.memory_space<vmem>>
    %dma_start3A_101 = tpu.memref_squeeze %dma_start3A_100 : memref<1x80xi32, #tpu.memory_space<vmem>> -> memref<80xi32, #tpu.memory_space<vmem>>
    %dma_start3A_102 = arith.constant 0 : i32
    %dma_start3A_103 = tpu.memref_slice %arg4[%add3A_88, %dma_start3A_102] : memref<4000x80xi32, #tpu.memory_space<hbm>> -> memref<1x80xi32, #tpu.memory_space<hbm>>
    %dma_start3A_104 = tpu.memref_squeeze %dma_start3A_103 : memref<1x80xi32, #tpu.memory_space<hbm>> -> memref<80xi32, #tpu.memory_space<hbm>>
    tpu.enqueue_dma source(%dma_start3A_104 : memref<80xi32, #tpu.memory_space<hbm>>) target(%dma_start3A_101 : memref<80xi32, #tpu.memory_space<vmem>>) target_semaphore(%dma_start3A_98 : memref<!tpu.dma_semaphore, #tpu.memory_space<semaphore_mem>>)
    %add3A_105 = arith.constant 2 : i32
    %add3A_106 = arith.addi %mul3A_2, %add3A_105 : i32
    %dma_start3A_107 = arith.constant 2 : i32
    %dma_start3A_108 = arith.constant 2 : i32
    %dma_start3A_109 = arith.constant 0 : i32
    %dma_start3A_110 = tpu.memref_slice %arg7[%dma_start3A_107, %dma_start3A_109] : memref<8x80xi32, #tpu.memory_space<vmem>> -> memref<1x80xi32, #tpu.memory_space<vmem>>
    %dma_start3A_111 = tpu.memref_squeeze %dma_start3A_110 : memref<1x80xi32, #tpu.memory_space<vmem>> -> memref<80xi32, #tpu.memory_space<vmem>>
    %dma_start3A_112 = arith.constant 0 : i32
    %dma_start3A_113 = tpu.memref_slice %arg3[%add3A_106, %dma_start3A_112] : memref<4000x80xi32, #tpu.memory_space<hbm>> -> memref<1x80xi32, #tpu.memory_space<hbm>>
    %dma_start3A_114 = tpu.memref_squeeze %dma_start3A_113 : memref<1x80xi32, #tpu.memory_space<hbm>> -> memref<80xi32, #tpu.memory_space<hbm>>
    %dma_start3A_115 = tpu.memref_slice %arg12[%dma_start3A_108] : memref<8x!tpu.dma_semaphore, #tpu.memory_space<semaphore_mem>> -> memref<1x!tpu.dma_semaphore, #tpu.memory_space<semaphore_mem>>
    %dma_start3A_116 = tpu.memref_squeeze %dma_start3A_115 : memref<1x!tpu.dma_semaphore, #tpu.memory_space<semaphore_mem>> -> memref<!tpu.dma_semaphore, #tpu.memory_space<semaphore_mem>>
    %dma_start3A_117 = arith.constant 0 : i32
    %dma_start3A_118 = tpu.memref_slice %arg7[%dma_start3A_107, %dma_start3A_117] : memref<8x80xi32, #tpu.memory_space<vmem>> -> memref<1x80xi32, #tpu.memory_space<vmem>>
    %dma_start3A_119 = tpu.memref_squeeze %dma_start3A_118 : memref<1x80xi32, #tpu.memory_space<vmem>> -> memref<80xi32, #tpu.memory_space<vmem>>
    %dma_start3A_120 = arith.constant 0 : i32
    %dma_start3A_121 = tpu.memref_slice %arg3[%add3A_106, %dma_start3A_120] : memref<4000x80xi32, #tpu.memory_space<hbm>> -> memref<1x80xi32, #tpu.memory_space<hbm>>
    %dma_start3A_122 = tpu.memref_squeeze %dma_start3A_121 : memref<1x80xi32, #tpu.memory_space<hbm>> -> memref<80xi32, #tpu.memory_space<hbm>>
    tpu.enqueue_dma source(%dma_start3A_122 : memref<80xi32, #tpu.memory_space<hbm>>) target(%dma_start3A_119 : memref<80xi32, #tpu.memory_space<vmem>>) target_semaphore(%dma_start3A_116 : memref<!tpu.dma_semaphore, #tpu.memory_space<semaphore_mem>>)
    %add3A_123 = arith.constant 2 : i32
    %add3A_124 = arith.addi %mul3A_2, %add3A_123 : i32
    %dma_start3A_125 = arith.constant 2 : i32
    %dma_start3A_126 = arith.constant 2 : i32
    %dma_start3A_127 = arith.constant 0 : i32
    %dma_start3A_128 = tpu.memref_slice %arg8[%dma_start3A_125, %dma_start3A_127] : memref<8x80xi32, #tpu.memory_space<vmem>> -> memref<1x80xi32, #tpu.memory_space<vmem>>
    %dma_start3A_129 = tpu.memref_squeeze %dma_start3A_128 : memref<1x80xi32, #tpu.memory_space<vmem>> -> memref<80xi32, #tpu.memory_space<vmem>>
    %dma_start3A_130 = arith.constant 0 : i32
    %dma_start3A_131 = tpu.memref_slice %arg4[%add3A_124, %dma_start3A_130] : memref<4000x80xi32, #tpu.memory_space<hbm>> -> memref<1x80xi32, #tpu.memory_space<hbm>>
    %dma_start3A_132 = tpu.memref_squeeze %dma_start3A_131 : memref<1x80xi32, #tpu.memory_space<hbm>> -> memref<80xi32, #tpu.memory_space<hbm>>
    %dma_start3A_133 = tpu.memref_slice %arg12[%dma_start3A_126] : memref<8x!tpu.dma_semaphore, #tpu.memory_space<semaphore_mem>> -> memref<1x!tpu.dma_semaphore, #tpu.memory_space<semaphore_mem>>
    %dma_start3A_134 = tpu.memref_squeeze %dma_start3A_133 : memref<1x!tpu.dma_semaphore, #tpu.memory_space<semaphore_mem>> -> memref<!tpu.dma_semaphore, #tpu.memory_space<semaphore_mem>>
    %dma_start3A_135 = arith.constant 0 : i32
    %dma_start3A_136 = tpu.memref_slice %arg8[%dma_start3A_125, %dma_start3A_135] : memref<8x80xi32, #tpu.memory_space<vmem>> -> memref<1x80xi32, #tpu.memory_space<vmem>>
    %dma_start3A_137 = tpu.memref_squeeze %dma_start3A_136 : memref<1x80xi32, #tpu.memory_space<vmem>> -> memref<80xi32, #tpu.memory_space<vmem>>
    %dma_start3A_138 = arith.constant 0 : i32
    %dma_start3A_139 = tpu.memref_slice %arg4[%add3A_124, %dma_start3A_138] : memref<4000x80xi32, #tpu.memory_space<hbm>> -> memref<1x80xi32, #tpu.memory_space<hbm>>
    %dma_start3A_140 = tpu.memref_squeeze %dma_start3A_139 : memref<1x80xi32, #tpu.memory_space<hbm>> -> memref<80xi32, #tpu.memory_space<hbm>>
    tpu.enqueue_dma source(%dma_start3A_140 : memref<80xi32, #tpu.memory_space<hbm>>) target(%dma_start3A_137 : memref<80xi32, #tpu.memory_space<vmem>>) target_semaphore(%dma_start3A_134 : memref<!tpu.dma_semaphore, #tpu.memory_space<semaphore_mem>>)
    %add3A_141 = arith.constant 3 : i32
    %add3A_142 = arith.addi %mul3A_2, %add3A_141 : i32
    %dma_start3A_143 = arith.constant 3 : i32
    %dma_start3A_144 = arith.constant 3 : i32
    %dma_start3A_145 = arith.constant 0 : i32
    %dma_start3A_146 = tpu.memref_slice %arg7[%dma_start3A_143, %dma_start3A_145] : memref<8x80xi32, #tpu.memory_space<vmem>> -> memref<1x80xi32, #tpu.memory_space<vmem>>
    %dma_start3A_147 = tpu.memref_squeeze %dma_start3A_146 : memref<1x80xi32, #tpu.memory_space<vmem>> -> memref<80xi32, #tpu.memory_space<vmem>>
    %dma_start3A_148 = arith.constant 0 : i32
    %dma_start3A_149 = tpu.memref_slice %arg3[%add3A_142, %dma_start3A_148] : memref<4000x80xi32, #tpu.memory_space<hbm>> -> memref<1x80xi32, #tpu.memory_space<hbm>>
    %dma_start3A_150 = tpu.memref_squeeze %dma_start3A_149 : memref<1x80xi32, #tpu.memory_space<hbm>> -> memref<80xi32, #tpu.memory_space<hbm>>
    %dma_start3A_151 = tpu.memref_slice %arg12[%dma_start3A_144] : memref<8x!tpu.dma_semaphore, #tpu.memory_space<semaphore_mem>> -> memref<1x!tpu.dma_semaphore, #tpu.memory_space<semaphore_mem>>
    %dma_start3A_152 = tpu.memref_squeeze %dma_start3A_151 : memref<1x!tpu.dma_semaphore, #tpu.memory_space<semaphore_mem>> -> memref<!tpu.dma_semaphore, #tpu.memory_space<semaphore_mem>>
    %dma_start3A_153 = arith.constant 0 : i32
    %dma_start3A_154 = tpu.memref_slice %arg7[%dma_start3A_143, %dma_start3A_153] : memref<8x80xi32, #tpu.memory_space<vmem>> -> memref<1x80xi32, #tpu.memory_space<vmem>>
    %dma_start3A_155 = tpu.memref_squeeze %dma_start3A_154 : memref<1x80xi32, #tpu.memory_space<vmem>> -> memref<80xi32, #tpu.memory_space<vmem>>
    %dma_start3A_156 = arith.constant 0 : i32
    %dma_start3A_157 = tpu.memref_slice %arg3[%add3A_142, %dma_start3A_156] : memref<4000x80xi32, #tpu.memory_space<hbm>> -> memref<1x80xi32, #tpu.memory_space<hbm>>
    %dma_start3A_158 = tpu.memref_squeeze %dma_start3A_157 : memref<1x80xi32, #tpu.memory_space<hbm>> -> memref<80xi32, #tpu.memory_space<hbm>>
    tpu.enqueue_dma source(%dma_start3A_158 : memref<80xi32, #tpu.memory_space<hbm>>) target(%dma_start3A_155 : memref<80xi32, #tpu.memory_space<vmem>>) target_semaphore(%dma_start3A_152 : memref<!tpu.dma_semaphore, #tpu.memory_space<semaphore_mem>>)
    %add3A_159 = arith.constant 3 : i32
    %add3A_160 = arith.addi %mul3A_2, %add3A_159 : i32
    %dma_start3A_161 = arith.constant 3 : i32
    %dma_start3A_162 = arith.constant 3 : i32
    %dma_start3A_163 = arith.constant 0 : i32
    %dma_start3A_164 = tpu.memref_slice %arg8[%dma_start3A_161, %dma_start3A_163] : memref<8x80xi32, #tpu.memory_space<vmem>> -> memref<1x80xi32, #tpu.memory_space<vmem>>
    %dma_start3A_165 = tpu.memref_squeeze %dma_start3A_164 : memref<1x80xi32, #tpu.memory_space<vmem>> -> memref<80xi32, #tpu.memory_space<vmem>>
    %dma_start3A_166 = arith.constant 0 : i32
    %dma_start3A_167 = tpu.memref_slice %arg4[%add3A_160, %dma_start3A_166] : memref<4000x80xi32, #tpu.memory_space<hbm>> -> memref<1x80xi32, #tpu.memory_space<hbm>>
    %dma_start3A_168 = tpu.memref_squeeze %dma_start3A_167 : memref<1x80xi32, #tpu.memory_space<hbm>> -> memref<80xi32, #tpu.memory_space<hbm>>
    %dma_start3A_169 = tpu.memref_slice %arg12[%dma_start3A_162] : memref<8x!tpu.dma_semaphore, #tpu.memory_space<semaphore_mem>> -> memref<1x!tpu.dma_semaphore, #tpu.memory_space<semaphore_mem>>
    %dma_start3A_170 = tpu.memref_squeeze %dma_start3A_169 : memref<1x!tpu.dma_semaphore, #tpu.memory_space<semaphore_mem>> -> memref<!tpu.dma_semaphore, #tpu.memory_space<semaphore_mem>>
    %dma_start3A_171 = arith.constant 0 : i32
    %dma_start3A_172 = tpu.memref_slice %arg8[%dma_start3A_161, %dma_start3A_171] : memref<8x80xi32, #tpu.memory_space<vmem>> -> memref<1x80xi32, #tpu.memory_space<vmem>>
    %dma_start3A_173 = tpu.memref_squeeze %dma_start3A_172 : memref<1x80xi32, #tpu.memory_space<vmem>> -> memref<80xi32, #tpu.memory_space<vmem>>
    %dma_start3A_174 = arith.constant 0 : i32
    %dma_start3A_175 = tpu.memref_slice %arg4[%add3A_160, %dma_start3A_174] : memref<4000x80xi32, #tpu.memory_space<hbm>> -> memref<1x80xi32, #tpu.memory_space<hbm>>
    %dma_start3A_176 = tpu.memref_squeeze %dma_start3A_175 : memref<1x80xi32, #tpu.memory_space<hbm>> -> memref<80xi32, #tpu.memory_space<hbm>>
    tpu.enqueue_dma source(%dma_start3A_176 : memref<80xi32, #tpu.memory_space<hbm>>) target(%dma_start3A_173 : memref<80xi32, #tpu.memory_space<vmem>>) target_semaphore(%dma_start3A_170 : memref<!tpu.dma_semaphore, #tpu.memory_space<semaphore_mem>>)
    %add3A_177 = arith.constant 4 : i32
    %add3A_178 = arith.addi %mul3A_2, %add3A_177 : i32
    %dma_start3A_179 = arith.constant 4 : i32
    %dma_start3A_180 = arith.constant 4 : i32
    %dma_start3A_181 = arith.constant 0 : i32
    %dma_start3A_182 = tpu.memref_slice %arg7[%dma_start3A_179, %dma_start3A_181] : memref<8x80xi32, #tpu.memory_space<vmem>> -> memref<1x80xi32, #tpu.memory_space<vmem>>
    %dma_start3A_183 = tpu.memref_squeeze %dma_start3A_182 : memref<1x80xi32, #tpu.memory_space<vmem>> -> memref<80xi32, #tpu.memory_space<vmem>>
    %dma_start3A_184 = arith.constant 0 : i32
    %dma_start3A_185 = tpu.memref_slice %arg3[%add3A_178, %dma_start3A_184] : memref<4000x80xi32, #tpu.memory_space<hbm>> -> memref<1x80xi32, #tpu.memory_space<hbm>>
    %dma_start3A_186 = tpu.memref_squeeze %dma_start3A_185 : memref<1x80xi32, #tpu.memory_space<hbm>> -> memref<80xi32, #tpu.memory_space<hbm>>
    %dma_start3A_187 = tpu.memref_slice %arg12[%dma_start3A_180] : memref<8x!tpu.dma_semaphore, #tpu.memory_space<semaphore_mem>> -> memref<1x!tpu.dma_semaphore, #tpu.memory_space<semaphore_mem>>
    %dma_start3A_188 = tpu.memref_squeeze %dma_start3A_187 : memref<1x!tpu.dma_semaphore, #tpu.memory_space<semaphore_mem>> -> memref<!tpu.dma_semaphore, #tpu.memory_space<semaphore_mem>>
    %dma_start3A_189 = arith.constant 0 : i32
    %dma_start3A_190 = tpu.memref_slice %arg7[%dma_start3A_179, %dma_start3A_189] : memref<8x80xi32, #tpu.memory_space<vmem>> -> memref<1x80xi32, #tpu.memory_space<vmem>>
    %dma_start3A_191 = tpu.memref_squeeze %dma_start3A_190 : memref<1x80xi32, #tpu.memory_space<vmem>> -> memref<80xi32, #tpu.memory_space<vmem>>
    %dma_start3A_192 = arith.constant 0 : i32
    %dma_start3A_193 = tpu.memref_slice %arg3[%add3A_178, %dma_start3A_192] : memref<4000x80xi32, #tpu.memory_space<hbm>> -> memref<1x80xi32, #tpu.memory_space<hbm>>
    %dma_start3A_194 = tpu.memref_squeeze %dma_start3A_193 : memref<1x80xi32, #tpu.memory_space<hbm>> -> memref<80xi32, #tpu.memory_space<hbm>>
    tpu.enqueue_dma source(%dma_start3A_194 : memref<80xi32, #tpu.memory_space<hbm>>) target(%dma_start3A_191 : memref<80xi32, #tpu.memory_space<vmem>>) target_semaphore(%dma_start3A_188 : memref<!tpu.dma_semaphore, #tpu.memory_space<semaphore_mem>>)
    %add3A_195 = arith.constant 4 : i32
    %add3A_196 = arith.addi %mul3A_2, %add3A_195 : i32
    %dma_start3A_197 = arith.constant 4 : i32
    %dma_start3A_198 = arith.constant 4 : i32
    %dma_start3A_199 = arith.constant 0 : i32
    %dma_start3A_200 = tpu.memref_slice %arg8[%dma_start3A_197, %dma_start3A_199] : memref<8x80xi32, #tpu.memory_space<vmem>> -> memref<1x80xi32, #tpu.memory_space<vmem>>
    %dma_start3A_201 = tpu.memref_squeeze %dma_start3A_200 : memref<1x80xi32, #tpu.memory_space<vmem>> -> memref<80xi32, #tpu.memory_space<vmem>>
    %dma_start3A_202 = arith.constant 0 : i32
    %dma_start3A_203 = tpu.memref_slice %arg4[%add3A_196, %dma_start3A_202] : memref<4000x80xi32, #tpu.memory_space<hbm>> -> memref<1x80xi32, #tpu.memory_space<hbm>>
    %dma_start3A_204 = tpu.memref_squeeze %dma_start3A_203 : memref<1x80xi32, #tpu.memory_space<hbm>> -> memref<80xi32, #tpu.memory_space<hbm>>
    %dma_start3A_205 = tpu.memref_slice %arg12[%dma_start3A_198] : memref<8x!tpu.dma_semaphore, #tpu.memory_space<semaphore_mem>> -> memref<1x!tpu.dma_semaphore, #tpu.memory_space<semaphore_mem>>
    %dma_start3A_206 = tpu.memref_squeeze %dma_start3A_205 : memref<1x!tpu.dma_semaphore, #tpu.memory_space<semaphore_mem>> -> memref<!tpu.dma_semaphore, #tpu.memory_space<semaphore_mem>>
    %dma_start3A_207 = arith.constant 0 : i32
    %dma_start3A_208 = tpu.memref_slice %arg8[%dma_start3A_197, %dma_start3A_207] : memref<8x80xi32, #tpu.memory_space<vmem>> -> memref<1x80xi32, #tpu.memory_space<vmem>>
    %dma_start3A_209 = tpu.memref_squeeze %dma_start3A_208 : memref<1x80xi32, #tpu.memory_space<vmem>> -> memref<80xi32, #tpu.memory_space<vmem>>
    %dma_start3A_210 = arith.constant 0 : i32
    %dma_start3A_211 = tpu.memref_slice %arg4[%add3A_196, %dma_start3A_210] : memref<4000x80xi32, #tpu.memory_space<hbm>> -> memref<1x80xi32, #tpu.memory_space<hbm>>
    %dma_start3A_212 = tpu.memref_squeeze %dma_start3A_211 : memref<1x80xi32, #tpu.memory_space<hbm>> -> memref<80xi32, #tpu.memory_space<hbm>>
    tpu.enqueue_dma source(%dma_start3A_212 : memref<80xi32, #tpu.memory_space<hbm>>) target(%dma_start3A_209 : memref<80xi32, #tpu.memory_space<vmem>>) target_semaphore(%dma_start3A_206 : memref<!tpu.dma_semaphore, #tpu.memory_space<semaphore_mem>>)
    %add3A_213 = arith.constant 5 : i32
    %add3A_214 = arith.addi %mul3A_2, %add3A_213 : i32
    %dma_start3A_215 = arith.constant 5 : i32
    %dma_start3A_216 = arith.constant 5 : i32
    %dma_start3A_217 = arith.constant 0 : i32
    %dma_start3A_218 = tpu.memref_slice %arg7[%dma_start3A_215, %dma_start3A_217] : memref<8x80xi32, #tpu.memory_space<vmem>> -> memref<1x80xi32, #tpu.memory_space<vmem>>
    %dma_start3A_219 = tpu.memref_squeeze %dma_start3A_218 : memref<1x80xi32, #tpu.memory_space<vmem>> -> memref<80xi32, #tpu.memory_space<vmem>>
    %dma_start3A_220 = arith.constant 0 : i32
    %dma_start3A_221 = tpu.memref_slice %arg3[%add3A_214, %dma_start3A_220] : memref<4000x80xi32, #tpu.memory_space<hbm>> -> memref<1x80xi32, #tpu.memory_space<hbm>>
    %dma_start3A_222 = tpu.memref_squeeze %dma_start3A_221 : memref<1x80xi32, #tpu.memory_space<hbm>> -> memref<80xi32, #tpu.memory_space<hbm>>
    %dma_start3A_223 = tpu.memref_slice %arg12[%dma_start3A_216] : memref<8x!tpu.dma_semaphore, #tpu.memory_space<semaphore_mem>> -> memref<1x!tpu.dma_semaphore, #tpu.memory_space<semaphore_mem>>
    %dma_start3A_224 = tpu.memref_squeeze %dma_start3A_223 : memref<1x!tpu.dma_semaphore, #tpu.memory_space<semaphore_mem>> -> memref<!tpu.dma_semaphore, #tpu.memory_space<semaphore_mem>>
    %dma_start3A_225 = arith.constant 0 : i32
    %dma_start3A_226 = tpu.memref_slice %arg7[%dma_start3A_215, %dma_start3A_225] : memref<8x80xi32, #tpu.memory_space<vmem>> -> memref<1x80xi32, #tpu.memory_space<vmem>>
    %dma_start3A_227 = tpu.memref_squeeze %dma_start3A_226 : memref<1x80xi32, #tpu.memory_space<vmem>> -> memref<80xi32, #tpu.memory_space<vmem>>
    %dma_start3A_228 = arith.constant 0 : i32
    %dma_start3A_229 = tpu.memref_slice %arg3[%add3A_214, %dma_start3A_228] : memref<4000x80xi32, #tpu.memory_space<hbm>> -> memref<1x80xi32, #tpu.memory_space<hbm>>
    %dma_start3A_230 = tpu.memref_squeeze %dma_start3A_229 : memref<1x80xi32, #tpu.memory_space<hbm>> -> memref<80xi32, #tpu.memory_space<hbm>>
    tpu.enqueue_dma source(%dma_start3A_230 : memref<80xi32, #tpu.memory_space<hbm>>) target(%dma_start3A_227 : memref<80xi32, #tpu.memory_space<vmem>>) target_semaphore(%dma_start3A_224 : memref<!tpu.dma_semaphore, #tpu.memory_space<semaphore_mem>>)
    %add3A_231 = arith.constant 5 : i32
    %add3A_232 = arith.addi %mul3A_2, %add3A_231 : i32
    %dma_start3A_233 = arith.constant 5 : i32
    %dma_start3A_234 = arith.constant 5 : i32
    %dma_start3A_235 = arith.constant 0 : i32
    %dma_start3A_236 = tpu.memref_slice %arg8[%dma_start3A_233, %dma_start3A_235] : memref<8x80xi32, #tpu.memory_space<vmem>> -> memref<1x80xi32, #tpu.memory_space<vmem>>
    %dma_start3A_237 = tpu.memref_squeeze %dma_start3A_236 : memref<1x80xi32, #tpu.memory_space<vmem>> -> memref<80xi32, #tpu.memory_space<vmem>>
    %dma_start3A_238 = arith.constant 0 : i32
    %dma_start3A_239 = tpu.memref_slice %arg4[%add3A_232, %dma_start3A_238] : memref<4000x80xi32, #tpu.memory_space<hbm>> -> memref<1x80xi32, #tpu.memory_space<hbm>>
    %dma_start3A_240 = tpu.memref_squeeze %dma_start3A_239 : memref<1x80xi32, #tpu.memory_space<hbm>> -> memref<80xi32, #tpu.memory_space<hbm>>
    %dma_start3A_241 = tpu.memref_slice %arg12[%dma_start3A_234] : memref<8x!tpu.dma_semaphore, #tpu.memory_space<semaphore_mem>> -> memref<1x!tpu.dma_semaphore, #tpu.memory_space<semaphore_mem>>
    %dma_start3A_242 = tpu.memref_squeeze %dma_start3A_241 : memref<1x!tpu.dma_semaphore, #tpu.memory_space<semaphore_mem>> -> memref<!tpu.dma_semaphore, #tpu.memory_space<semaphore_mem>>
    %dma_start3A_243 = arith.constant 0 : i32
    %dma_start3A_244 = tpu.memref_slice %arg8[%dma_start3A_233, %dma_start3A_243] : memref<8x80xi32, #tpu.memory_space<vmem>> -> memref<1x80xi32, #tpu.memory_space<vmem>>
    %dma_start3A_245 = tpu.memref_squeeze %dma_start3A_244 : memref<1x80xi32, #tpu.memory_space<vmem>> -> memref<80xi32, #tpu.memory_space<vmem>>
    %dma_start3A_246 = arith.constant 0 : i32
    %dma_start3A_247 = tpu.memref_slice %arg4[%add3A_232, %dma_start3A_246] : memref<4000x80xi32, #tpu.memory_space<hbm>> -> memref<1x80xi32, #tpu.memory_space<hbm>>
    %dma_start3A_248 = tpu.memref_squeeze %dma_start3A_247 : memref<1x80xi32, #tpu.memory_space<hbm>> -> memref<80xi32, #tpu.memory_space<hbm>>
    tpu.enqueue_dma source(%dma_start3A_248 : memref<80xi32, #tpu.memory_space<hbm>>) target(%dma_start3A_245 : memref<80xi32, #tpu.memory_space<vmem>>) target_semaphore(%dma_start3A_242 : memref<!tpu.dma_semaphore, #tpu.memory_space<semaphore_mem>>)
    %add3A_249 = arith.constant 0 : i32
    %add3A_250 = arith.addi %mul3A_2, %add3A_249 : i32
    %dma_wait3A = arith.constant 0 : i32
    %dma_wait3A_251 = arith.constant 0 : i32
    %dma_wait3A_252 = arith.constant 0 : i32
    %dma_wait3A_253 = tpu.memref_slice %arg7[%dma_wait3A, %dma_wait3A_252] : memref<8x80xi32, #tpu.memory_space<vmem>> -> memref<1x80xi32, #tpu.memory_space<vmem>>
    %dma_wait3A_254 = tpu.memref_squeeze %dma_wait3A_253 : memref<1x80xi32, #tpu.memory_space<vmem>> -> memref<80xi32, #tpu.memory_space<vmem>>
    %dma_wait3A_255 = arith.constant 0 : i32
    %dma_wait3A_256 = tpu.memref_slice %arg3[%add3A_250, %dma_wait3A_255] : memref<4000x80xi32, #tpu.memory_space<hbm>> -> memref<1x80xi32, #tpu.memory_space<hbm>>
    %dma_wait3A_257 = tpu.memref_squeeze %dma_wait3A_256 : memref<1x80xi32, #tpu.memory_space<hbm>> -> memref<80xi32, #tpu.memory_space<hbm>>
    %dma_wait3A_258 = tpu.memref_slice %arg12[%dma_wait3A_251] : memref<8x!tpu.dma_semaphore, #tpu.memory_space<semaphore_mem>> -> memref<1x!tpu.dma_semaphore, #tpu.memory_space<semaphore_mem>>
    %dma_wait3A_259 = tpu.memref_squeeze %dma_wait3A_258 : memref<1x!tpu.dma_semaphore, #tpu.memory_space<semaphore_mem>> -> memref<!tpu.dma_semaphore, #tpu.memory_space<semaphore_mem>>
    %dma_wait3A_260 = arith.constant 0 : i32
    %dma_wait3A_261 = tpu.memref_slice %arg7[%dma_wait3A, %dma_wait3A_260] : memref<8x80xi32, #tpu.memory_space<vmem>> -> memref<1x80xi32, #tpu.memory_space<vmem>>
    %dma_wait3A_262 = tpu.memref_squeeze %dma_wait3A_261 : memref<1x80xi32, #tpu.memory_space<vmem>> -> memref<80xi32, #tpu.memory_space<vmem>>
    %dma_wait3A_263 = arith.constant 0 : i32
    %dma_wait3A_264 = tpu.memref_slice %arg3[%add3A_250, %dma_wait3A_263] : memref<4000x80xi32, #tpu.memory_space<hbm>> -> memref<1x80xi32, #tpu.memory_space<hbm>>
    %dma_wait3A_265 = tpu.memref_squeeze %dma_wait3A_264 : memref<1x80xi32, #tpu.memory_space<hbm>> -> memref<80xi32, #tpu.memory_space<hbm>>
    tpu.wait_dma2 semaphore(%dma_wait3A_259 : memref<!tpu.dma_semaphore, #tpu.memory_space<semaphore_mem>>) src(%dma_wait3A_265 : memref<80xi32, #tpu.memory_space<hbm>>) dst(%dma_wait3A_262 : memref<80xi32, #tpu.memory_space<vmem>>)
    %add3A_266 = arith.constant 0 : i32
    %add3A_267 = arith.addi %mul3A_2, %add3A_266 : i32
    %dma_wait3A_268 = arith.constant 0 : i32
    %dma_wait3A_269 = arith.constant 0 : i32
    %dma_wait3A_270 = arith.constant 0 : i32
    %dma_wait3A_271 = tpu.memref_slice %arg8[%dma_wait3A_268, %dma_wait3A_270] : memref<8x80xi32, #tpu.memory_space<vmem>> -> memref<1x80xi32, #tpu.memory_space<vmem>>
    %dma_wait3A_272 = tpu.memref_squeeze %dma_wait3A_271 : memref<1x80xi32, #tpu.memory_space<vmem>> -> memref<80xi32, #tpu.memory_space<vmem>>
    %dma_wait3A_273 = arith.constant 0 : i32
    %dma_wait3A_274 = tpu.memref_slice %arg4[%add3A_267, %dma_wait3A_273] : memref<4000x80xi32, #tpu.memory_space<hbm>> -> memref<1x80xi32, #tpu.memory_space<hbm>>
    %dma_wait3A_275 = tpu.memref_squeeze %dma_wait3A_274 : memref<1x80xi32, #tpu.memory_space<hbm>> -> memref<80xi32, #tpu.memory_space<hbm>>
    %dma_wait3A_276 = tpu.memref_slice %arg12[%dma_wait3A_269] : memref<8x!tpu.dma_semaphore, #tpu.memory_space<semaphore_mem>> -> memref<1x!tpu.dma_semaphore, #tpu.memory_space<semaphore_mem>>
    %dma_wait3A_277 = tpu.memref_squeeze %dma_wait3A_276 : memref<1x!tpu.dma_semaphore, #tpu.memory_space<semaphore_mem>> -> memref<!tpu.dma_semaphore, #tpu.memory_space<semaphore_mem>>
    %dma_wait3A_278 = arith.constant 0 : i32
    %dma_wait3A_279 = tpu.memref_slice %arg8[%dma_wait3A_268, %dma_wait3A_278] : memref<8x80xi32, #tpu.memory_space<vmem>> -> memref<1x80xi32, #tpu.memory_space<vmem>>
    %dma_wait3A_280 = tpu.memref_squeeze %dma_wait3A_279 : memref<1x80xi32, #tpu.memory_space<vmem>> -> memref<80xi32, #tpu.memory_space<vmem>>
    %dma_wait3A_281 = arith.constant 0 : i32
    %dma_wait3A_282 = tpu.memref_slice %arg4[%add3A_267, %dma_wait3A_281] : memref<4000x80xi32, #tpu.memory_space<hbm>> -> memref<1x80xi32, #tpu.memory_space<hbm>>
    %dma_wait3A_283 = tpu.memref_squeeze %dma_wait3A_282 : memref<1x80xi32, #tpu.memory_space<hbm>> -> memref<80xi32, #tpu.memory_space<hbm>>
    tpu.wait_dma2 semaphore(%dma_wait3A_277 : memref<!tpu.dma_semaphore, #tpu.memory_space<semaphore_mem>>) src(%dma_wait3A_283 : memref<80xi32, #tpu.memory_space<hbm>>) dst(%dma_wait3A_280 : memref<80xi32, #tpu.memory_space<vmem>>)
    %dma_start3A_284 = arith.constant 0 : i32
    %dma_start3A_285 = arith.constant 0 : i32
    %dma_start3A_286 = arith.constant 0 : i32
    %dma_start3A_287 = arith.constant 0 : i32
    %dma_start3A_288 = arith.constant 0 : i32
    %dma_start3A_289 = tpu.memref_slice %arg9[%dma_start3A_285, %dma_start3A_287, %dma_start3A_288] : memref<4x80x128xf32, #tpu.memory_space<vmem>> -> memref<1x80x128xf32, #tpu.memory_space<vmem>>
    %dma_start3A_290 = tpu.memref_squeeze %dma_start3A_289 : memref<1x80x128xf32, #tpu.memory_space<vmem>> -> memref<80x128xf32, #tpu.memory_space<vmem>>
    %dma_start3A_291 = arith.constant 0 : i32
    %dma_start3A_292 = tpu.memref_slice %arg7[%dma_start3A_284, %dma_start3A_291] : memref<8x80xi32, #tpu.memory_space<vmem>> -> memref<1x80xi32, #tpu.memory_space<vmem>>
    %dma_start3A_293 = tpu.memref_squeeze %dma_start3A_292 : memref<1x80xi32, #tpu.memory_space<vmem>> -> memref<80xi32, #tpu.memory_space<vmem>>
    %dma_start3A_294 = arith.constant 0 : i32
    %dma_start3A_295 = arith.constant 0 : i32
    %dma_start3A_296 = tpu.memref_slice %arg2[%dma_start3A_294, %dma_start3A_295] : memref<10000x128xf32, #tpu.memory_space<hbm>> -> memref<10000x128xf32, #tpu.memory_space<hbm>>
    %dma_start3A_297 = tpu.memref_slice %arg10[%dma_start3A_286] : memref<4x!tpu.dma_semaphore, #tpu.memory_space<semaphore_mem>> -> memref<1x!tpu.dma_semaphore, #tpu.memory_space<semaphore_mem>>
    %dma_start3A_298 = tpu.memref_squeeze %dma_start3A_297 : memref<1x!tpu.dma_semaphore, #tpu.memory_space<semaphore_mem>> -> memref<!tpu.dma_semaphore, #tpu.memory_space<semaphore_mem>>
    tpu.enqueue_indirect_dma source(%dma_start3A_296 : memref<10000x128xf32, #tpu.memory_space<hbm>>) target(%dma_start3A_290 : memref<80x128xf32, #tpu.memory_space<vmem>>) offsets(%dma_start3A_293 : memref<80xi32, #tpu.memory_space<vmem>>) semaphore(%dma_start3A_298 : memref<!tpu.dma_semaphore, #tpu.memory_space<semaphore_mem>>)
    %add3A_299 = arith.constant 1 : i32
    %add3A_300 = arith.addi %mul3A_2, %add3A_299 : i32
    %dma_wait3A_301 = arith.constant 1 : i32
    %dma_wait3A_302 = arith.constant 1 : i32
    %dma_wait3A_303 = arith.constant 0 : i32
    %dma_wait3A_304 = tpu.memref_slice %arg7[%dma_wait3A_301, %dma_wait3A_303] : memref<8x80xi32, #tpu.memory_space<vmem>> -> memref<1x80xi32, #tpu.memory_space<vmem>>
    %dma_wait3A_305 = tpu.memref_squeeze %dma_wait3A_304 : memref<1x80xi32, #tpu.memory_space<vmem>> -> memref<80xi32, #tpu.memory_space<vmem>>
    %dma_wait3A_306 = arith.constant 0 : i32
    %dma_wait3A_307 = tpu.memref_slice %arg3[%add3A_300, %dma_wait3A_306] : memref<4000x80xi32, #tpu.memory_space<hbm>> -> memref<1x80xi32, #tpu.memory_space<hbm>>
    %dma_wait3A_308 = tpu.memref_squeeze %dma_wait3A_307 : memref<1x80xi32, #tpu.memory_space<hbm>> -> memref<80xi32, #tpu.memory_space<hbm>>
    %dma_wait3A_309 = tpu.memref_slice %arg12[%dma_wait3A_302] : memref<8x!tpu.dma_semaphore, #tpu.memory_space<semaphore_mem>> -> memref<1x!tpu.dma_semaphore, #tpu.memory_space<semaphore_mem>>
    %dma_wait3A_310 = tpu.memref_squeeze %dma_wait3A_309 : memref<1x!tpu.dma_semaphore, #tpu.memory_space<semaphore_mem>> -> memref<!tpu.dma_semaphore, #tpu.memory_space<semaphore_mem>>
    %dma_wait3A_311 = arith.constant 0 : i32
    %dma_wait3A_312 = tpu.memref_slice %arg7[%dma_wait3A_301, %dma_wait3A_311] : memref<8x80xi32, #tpu.memory_space<vmem>> -> memref<1x80xi32, #tpu.memory_space<vmem>>
    %dma_wait3A_313 = tpu.memref_squeeze %dma_wait3A_312 : memref<1x80xi32, #tpu.memory_space<vmem>> -> memref<80xi32, #tpu.memory_space<vmem>>
    %dma_wait3A_314 = arith.constant 0 : i32
    %dma_wait3A_315 = tpu.memref_slice %arg3[%add3A_300, %dma_wait3A_314] : memref<4000x80xi32, #tpu.memory_space<hbm>> -> memref<1x80xi32, #tpu.memory_space<hbm>>
    %dma_wait3A_316 = tpu.memref_squeeze %dma_wait3A_315 : memref<1x80xi32, #tpu.memory_space<hbm>> -> memref<80xi32, #tpu.memory_space<hbm>>
    tpu.wait_dma2 semaphore(%dma_wait3A_310 : memref<!tpu.dma_semaphore, #tpu.memory_space<semaphore_mem>>) src(%dma_wait3A_316 : memref<80xi32, #tpu.memory_space<hbm>>) dst(%dma_wait3A_313 : memref<80xi32, #tpu.memory_space<vmem>>)
    %add3A_317 = arith.constant 1 : i32
    %add3A_318 = arith.addi %mul3A_2, %add3A_317 : i32
    %dma_wait3A_319 = arith.constant 1 : i32
    %dma_wait3A_320 = arith.constant 1 : i32
    %dma_wait3A_321 = arith.constant 0 : i32
    %dma_wait3A_322 = tpu.memref_slice %arg8[%dma_wait3A_319, %dma_wait3A_321] : memref<8x80xi32, #tpu.memory_space<vmem>> -> memref<1x80xi32, #tpu.memory_space<vmem>>
    %dma_wait3A_323 = tpu.memref_squeeze %dma_wait3A_322 : memref<1x80xi32, #tpu.memory_space<vmem>> -> memref<80xi32, #tpu.memory_space<vmem>>
    %dma_wait3A_324 = arith.constant 0 : i32
    %dma_wait3A_325 = tpu.memref_slice %arg4[%add3A_318, %dma_wait3A_324] : memref<4000x80xi32, #tpu.memory_space<hbm>> -> memref<1x80xi32, #tpu.memory_space<hbm>>
    %dma_wait3A_326 = tpu.memref_squeeze %dma_wait3A_325 : memref<1x80xi32, #tpu.memory_space<hbm>> -> memref<80xi32, #tpu.memory_space<hbm>>
    %dma_wait3A_327 = tpu.memref_slice %arg12[%dma_wait3A_320] : memref<8x!tpu.dma_semaphore, #tpu.memory_space<semaphore_mem>> -> memref<1x!tpu.dma_semaphore, #tpu.memory_space<semaphore_mem>>
    %dma_wait3A_328 = tpu.memref_squeeze %dma_wait3A_327 : memref<1x!tpu.dma_semaphore, #tpu.memory_space<semaphore_mem>> -> memref<!tpu.dma_semaphore, #tpu.memory_space<semaphore_mem>>
    %dma_wait3A_329 = arith.constant 0 : i32
    %dma_wait3A_330 = tpu.memref_slice %arg8[%dma_wait3A_319, %dma_wait3A_329] : memref<8x80xi32, #tpu.memory_space<vmem>> -> memref<1x80xi32, #tpu.memory_space<vmem>>
    %dma_wait3A_331 = tpu.memref_squeeze %dma_wait3A_330 : memref<1x80xi32, #tpu.memory_space<vmem>> -> memref<80xi32, #tpu.memory_space<vmem>>
    %dma_wait3A_332 = arith.constant 0 : i32
    %dma_wait3A_333 = tpu.memref_slice %arg4[%add3A_318, %dma_wait3A_332] : memref<4000x80xi32, #tpu.memory_space<hbm>> -> memref<1x80xi32, #tpu.memory_space<hbm>>
    %dma_wait3A_334 = tpu.memref_squeeze %dma_wait3A_333 : memref<1x80xi32, #tpu.memory_space<hbm>> -> memref<80xi32, #tpu.memory_space<hbm>>
    tpu.wait_dma2 semaphore(%dma_wait3A_328 : memref<!tpu.dma_semaphore, #tpu.memory_space<semaphore_mem>>) src(%dma_wait3A_334 : memref<80xi32, #tpu.memory_space<hbm>>) dst(%dma_wait3A_331 : memref<80xi32, #tpu.memory_space<vmem>>)
    %dma_start3A_335 = arith.constant 1 : i32
    %dma_start3A_336 = arith.constant 1 : i32
    %dma_start3A_337 = arith.constant 1 : i32
    %dma_start3A_338 = arith.constant 0 : i32
    %dma_start3A_339 = arith.constant 0 : i32
    %dma_start3A_340 = tpu.memref_slice %arg9[%dma_start3A_336, %dma_start3A_338, %dma_start3A_339] : memref<4x80x128xf32, #tpu.memory_space<vmem>> -> memref<1x80x128xf32, #tpu.memory_space<vmem>>
    %dma_start3A_341 = tpu.memref_squeeze %dma_start3A_340 : memref<1x80x128xf32, #tpu.memory_space<vmem>> -> memref<80x128xf32, #tpu.memory_space<vmem>>
    %dma_start3A_342 = arith.constant 0 : i32
    %dma_start3A_343 = tpu.memref_slice %arg7[%dma_start3A_335, %dma_start3A_342] : memref<8x80xi32, #tpu.memory_space<vmem>> -> memref<1x80xi32, #tpu.memory_space<vmem>>
    %dma_start3A_344 = tpu.memref_squeeze %dma_start3A_343 : memref<1x80xi32, #tpu.memory_space<vmem>> -> memref<80xi32, #tpu.memory_space<vmem>>
    %dma_start3A_345 = arith.constant 0 : i32
    %dma_start3A_346 = arith.constant 0 : i32
    %dma_start3A_347 = tpu.memref_slice %arg2[%dma_start3A_345, %dma_start3A_346] : memref<10000x128xf32, #tpu.memory_space<hbm>> -> memref<10000x128xf32, #tpu.memory_space<hbm>>
    %dma_start3A_348 = tpu.memref_slice %arg10[%dma_start3A_337] : memref<4x!tpu.dma_semaphore, #tpu.memory_space<semaphore_mem>> -> memref<1x!tpu.dma_semaphore, #tpu.memory_space<semaphore_mem>>
    %dma_start3A_349 = tpu.memref_squeeze %dma_start3A_348 : memref<1x!tpu.dma_semaphore, #tpu.memory_space<semaphore_mem>> -> memref<!tpu.dma_semaphore, #tpu.memory_space<semaphore_mem>>
    tpu.enqueue_indirect_dma source(%dma_start3A_347 : memref<10000x128xf32, #tpu.memory_space<hbm>>) target(%dma_start3A_341 : memref<80x128xf32, #tpu.memory_space<vmem>>) offsets(%dma_start3A_344 : memref<80xi32, #tpu.memory_space<vmem>>) semaphore(%dma_start3A_349 : memref<!tpu.dma_semaphore, #tpu.memory_space<semaphore_mem>>)
    %add3A_350 = arith.constant 2 : i32
    %add3A_351 = arith.addi %mul3A_2, %add3A_350 : i32
    %dma_wait3A_352 = arith.constant 2 : i32
    %dma_wait3A_353 = arith.constant 2 : i32
    %dma_wait3A_354 = arith.constant 0 : i32
    %dma_wait3A_355 = tpu.memref_slice %arg7[%dma_wait3A_352, %dma_wait3A_354] : memref<8x80xi32, #tpu.memory_space<vmem>> -> memref<1x80xi32, #tpu.memory_space<vmem>>
    %dma_wait3A_356 = tpu.memref_squeeze %dma_wait3A_355 : memref<1x80xi32, #tpu.memory_space<vmem>> -> memref<80xi32, #tpu.memory_space<vmem>>
    %dma_wait3A_357 = arith.constant 0 : i32
    %dma_wait3A_358 = tpu.memref_slice %arg3[%add3A_351, %dma_wait3A_357] : memref<4000x80xi32, #tpu.memory_space<hbm>> -> memref<1x80xi32, #tpu.memory_space<hbm>>
    %dma_wait3A_359 = tpu.memref_squeeze %dma_wait3A_358 : memref<1x80xi32, #tpu.memory_space<hbm>> -> memref<80xi32, #tpu.memory_space<hbm>>
    %dma_wait3A_360 = tpu.memref_slice %arg12[%dma_wait3A_353] : memref<8x!tpu.dma_semaphore, #tpu.memory_space<semaphore_mem>> -> memref<1x!tpu.dma_semaphore, #tpu.memory_space<semaphore_mem>>
    %dma_wait3A_361 = tpu.memref_squeeze %dma_wait3A_360 : memref<1x!tpu.dma_semaphore, #tpu.memory_space<semaphore_mem>> -> memref<!tpu.dma_semaphore, #tpu.memory_space<semaphore_mem>>
    %dma_wait3A_362 = arith.constant 0 : i32
    %dma_wait3A_363 = tpu.memref_slice %arg7[%dma_wait3A_352, %dma_wait3A_362] : memref<8x80xi32, #tpu.memory_space<vmem>> -> memref<1x80xi32, #tpu.memory_space<vmem>>
    %dma_wait3A_364 = tpu.memref_squeeze %dma_wait3A_363 : memref<1x80xi32, #tpu.memory_space<vmem>> -> memref<80xi32, #tpu.memory_space<vmem>>
    %dma_wait3A_365 = arith.constant 0 : i32
    %dma_wait3A_366 = tpu.memref_slice %arg3[%add3A_351, %dma_wait3A_365] : memref<4000x80xi32, #tpu.memory_space<hbm>> -> memref<1x80xi32, #tpu.memory_space<hbm>>
    %dma_wait3A_367 = tpu.memref_squeeze %dma_wait3A_366 : memref<1x80xi32, #tpu.memory_space<hbm>> -> memref<80xi32, #tpu.memory_space<hbm>>
    tpu.wait_dma2 semaphore(%dma_wait3A_361 : memref<!tpu.dma_semaphore, #tpu.memory_space<semaphore_mem>>) src(%dma_wait3A_367 : memref<80xi32, #tpu.memory_space<hbm>>) dst(%dma_wait3A_364 : memref<80xi32, #tpu.memory_space<vmem>>)
    %add3A_368 = arith.constant 2 : i32
    %add3A_369 = arith.addi %mul3A_2, %add3A_368 : i32
    %dma_wait3A_370 = arith.constant 2 : i32
    %dma_wait3A_371 = arith.constant 2 : i32
    %dma_wait3A_372 = arith.constant 0 : i32
    %dma_wait3A_373 = tpu.memref_slice %arg8[%dma_wait3A_370, %dma_wait3A_372] : memref<8x80xi32, #tpu.memory_space<vmem>> -> memref<1x80xi32, #tpu.memory_space<vmem>>
    %dma_wait3A_374 = tpu.memref_squeeze %dma_wait3A_373 : memref<1x80xi32, #tpu.memory_space<vmem>> -> memref<80xi32, #tpu.memory_space<vmem>>
    %dma_wait3A_375 = arith.constant 0 : i32
    %dma_wait3A_376 = tpu.memref_slice %arg4[%add3A_369, %dma_wait3A_375] : memref<4000x80xi32, #tpu.memory_space<hbm>> -> memref<1x80xi32, #tpu.memory_space<hbm>>
    %dma_wait3A_377 = tpu.memref_squeeze %dma_wait3A_376 : memref<1x80xi32, #tpu.memory_space<hbm>> -> memref<80xi32, #tpu.memory_space<hbm>>
    %dma_wait3A_378 = tpu.memref_slice %arg12[%dma_wait3A_371] : memref<8x!tpu.dma_semaphore, #tpu.memory_space<semaphore_mem>> -> memref<1x!tpu.dma_semaphore, #tpu.memory_space<semaphore_mem>>
    %dma_wait3A_379 = tpu.memref_squeeze %dma_wait3A_378 : memref<1x!tpu.dma_semaphore, #tpu.memory_space<semaphore_mem>> -> memref<!tpu.dma_semaphore, #tpu.memory_space<semaphore_mem>>
    %dma_wait3A_380 = arith.constant 0 : i32
    %dma_wait3A_381 = tpu.memref_slice %arg8[%dma_wait3A_370, %dma_wait3A_380] : memref<8x80xi32, #tpu.memory_space<vmem>> -> memref<1x80xi32, #tpu.memory_space<vmem>>
    %dma_wait3A_382 = tpu.memref_squeeze %dma_wait3A_381 : memref<1x80xi32, #tpu.memory_space<vmem>> -> memref<80xi32, #tpu.memory_space<vmem>>
    %dma_wait3A_383 = arith.constant 0 : i32
    %dma_wait3A_384 = tpu.memref_slice %arg4[%add3A_369, %dma_wait3A_383] : memref<4000x80xi32, #tpu.memory_space<hbm>> -> memref<1x80xi32, #tpu.memory_space<hbm>>
    %dma_wait3A_385 = tpu.memref_squeeze %dma_wait3A_384 : memref<1x80xi32, #tpu.memory_space<hbm>> -> memref<80xi32, #tpu.memory_space<hbm>>
    tpu.wait_dma2 semaphore(%dma_wait3A_379 : memref<!tpu.dma_semaphore, #tpu.memory_space<semaphore_mem>>) src(%dma_wait3A_385 : memref<80xi32, #tpu.memory_space<hbm>>) dst(%dma_wait3A_382 : memref<80xi32, #tpu.memory_space<vmem>>)
    %dma_start3A_386 = arith.constant 2 : i32
    %dma_start3A_387 = arith.constant 2 : i32
    %dma_start3A_388 = arith.constant 2 : i32
    %dma_start3A_389 = arith.constant 0 : i32
    %dma_start3A_390 = arith.constant 0 : i32
    %dma_start3A_391 = tpu.memref_slice %arg9[%dma_start3A_387, %dma_start3A_389, %dma_start3A_390] : memref<4x80x128xf32, #tpu.memory_space<vmem>> -> memref<1x80x128xf32, #tpu.memory_space<vmem>>
    %dma_start3A_392 = tpu.memref_squeeze %dma_start3A_391 : memref<1x80x128xf32, #tpu.memory_space<vmem>> -> memref<80x128xf32, #tpu.memory_space<vmem>>
    %dma_start3A_393 = arith.constant 0 : i32
    %dma_start3A_394 = tpu.memref_slice %arg7[%dma_start3A_386, %dma_start3A_393] : memref<8x80xi32, #tpu.memory_space<vmem>> -> memref<1x80xi32, #tpu.memory_space<vmem>>
    %dma_start3A_395 = tpu.memref_squeeze %dma_start3A_394 : memref<1x80xi32, #tpu.memory_space<vmem>> -> memref<80xi32, #tpu.memory_space<vmem>>
    %dma_start3A_396 = arith.constant 0 : i32
    %dma_start3A_397 = arith.constant 0 : i32
    %dma_start3A_398 = tpu.memref_slice %arg2[%dma_start3A_396, %dma_start3A_397] : memref<10000x128xf32, #tpu.memory_space<hbm>> -> memref<10000x128xf32, #tpu.memory_space<hbm>>
    %dma_start3A_399 = tpu.memref_slice %arg10[%dma_start3A_388] : memref<4x!tpu.dma_semaphore, #tpu.memory_space<semaphore_mem>> -> memref<1x!tpu.dma_semaphore, #tpu.memory_space<semaphore_mem>>
    %dma_start3A_400 = tpu.memref_squeeze %dma_start3A_399 : memref<1x!tpu.dma_semaphore, #tpu.memory_space<semaphore_mem>> -> memref<!tpu.dma_semaphore, #tpu.memory_space<semaphore_mem>>
    tpu.enqueue_indirect_dma source(%dma_start3A_398 : memref<10000x128xf32, #tpu.memory_space<hbm>>) target(%dma_start3A_392 : memref<80x128xf32, #tpu.memory_space<vmem>>) offsets(%dma_start3A_395 : memref<80xi32, #tpu.memory_space<vmem>>) semaphore(%dma_start3A_400 : memref<!tpu.dma_semaphore, #tpu.memory_space<semaphore_mem>>)
    %add3A_401 = arith.constant 6 : i32
    %add3A_402 = arith.addi %mul3A_2, %add3A_401 : i32
    %dma_start3A_403 = arith.constant 6 : i32
    %dma_start3A_404 = arith.constant 6 : i32
    %dma_start3A_405 = arith.constant 0 : i32
    %dma_start3A_406 = tpu.memref_slice %arg7[%dma_start3A_403, %dma_start3A_405] : memref<8x80xi32, #tpu.memory_space<vmem>> -> memref<1x80xi32, #tpu.memory_space<vmem>>
    %dma_start3A_407 = tpu.memref_squeeze %dma_start3A_406 : memref<1x80xi32, #tpu.memory_space<vmem>> -> memref<80xi32, #tpu.memory_space<vmem>>
    %dma_start3A_408 = arith.constant 0 : i32
    %dma_start3A_409 = tpu.memref_slice %arg3[%add3A_402, %dma_start3A_408] : memref<4000x80xi32, #tpu.memory_space<hbm>> -> memref<1x80xi32, #tpu.memory_space<hbm>>
    %dma_start3A_410 = tpu.memref_squeeze %dma_start3A_409 : memref<1x80xi32, #tpu.memory_space<hbm>> -> memref<80xi32, #tpu.memory_space<hbm>>
    %dma_start3A_411 = tpu.memref_slice %arg12[%dma_start3A_404] : memref<8x!tpu.dma_semaphore, #tpu.memory_space<semaphore_mem>> -> memref<1x!tpu.dma_semaphore, #tpu.memory_space<semaphore_mem>>
    %dma_start3A_412 = tpu.memref_squeeze %dma_start3A_411 : memref<1x!tpu.dma_semaphore, #tpu.memory_space<semaphore_mem>> -> memref<!tpu.dma_semaphore, #tpu.memory_space<semaphore_mem>>
    %dma_start3A_413 = arith.constant 0 : i32
    %dma_start3A_414 = tpu.memref_slice %arg7[%dma_start3A_403, %dma_start3A_413] : memref<8x80xi32, #tpu.memory_space<vmem>> -> memref<1x80xi32, #tpu.memory_space<vmem>>
    %dma_start3A_415 = tpu.memref_squeeze %dma_start3A_414 : memref<1x80xi32, #tpu.memory_space<vmem>> -> memref<80xi32, #tpu.memory_space<vmem>>
    %dma_start3A_416 = arith.constant 0 : i32
    %dma_start3A_417 = tpu.memref_slice %arg3[%add3A_402, %dma_start3A_416] : memref<4000x80xi32, #tpu.memory_space<hbm>> -> memref<1x80xi32, #tpu.memory_space<hbm>>
    %dma_start3A_418 = tpu.memref_squeeze %dma_start3A_417 : memref<1x80xi32, #tpu.memory_space<hbm>> -> memref<80xi32, #tpu.memory_space<hbm>>
    tpu.enqueue_dma source(%dma_start3A_418 : memref<80xi32, #tpu.memory_space<hbm>>) target(%dma_start3A_415 : memref<80xi32, #tpu.memory_space<vmem>>) target_semaphore(%dma_start3A_412 : memref<!tpu.dma_semaphore, #tpu.memory_space<semaphore_mem>>)
    %add3A_419 = arith.constant 6 : i32
    %add3A_420 = arith.addi %mul3A_2, %add3A_419 : i32
    %dma_start3A_421 = arith.constant 6 : i32
    %dma_start3A_422 = arith.constant 6 : i32
    %dma_start3A_423 = arith.constant 0 : i32
    %dma_start3A_424 = tpu.memref_slice %arg8[%dma_start3A_421, %dma_start3A_423] : memref<8x80xi32, #tpu.memory_space<vmem>> -> memref<1x80xi32, #tpu.memory_space<vmem>>
    %dma_start3A_425 = tpu.memref_squeeze %dma_start3A_424 : memref<1x80xi32, #tpu.memory_space<vmem>> -> memref<80xi32, #tpu.memory_space<vmem>>
    %dma_start3A_426 = arith.constant 0 : i32
    %dma_start3A_427 = tpu.memref_slice %arg4[%add3A_420, %dma_start3A_426] : memref<4000x80xi32, #tpu.memory_space<hbm>> -> memref<1x80xi32, #tpu.memory_space<hbm>>
    %dma_start3A_428 = tpu.memref_squeeze %dma_start3A_427 : memref<1x80xi32, #tpu.memory_space<hbm>> -> memref<80xi32, #tpu.memory_space<hbm>>
    %dma_start3A_429 = tpu.memref_slice %arg12[%dma_start3A_422] : memref<8x!tpu.dma_semaphore, #tpu.memory_space<semaphore_mem>> -> memref<1x!tpu.dma_semaphore, #tpu.memory_space<semaphore_mem>>
    %dma_start3A_430 = tpu.memref_squeeze %dma_start3A_429 : memref<1x!tpu.dma_semaphore, #tpu.memory_space<semaphore_mem>> -> memref<!tpu.dma_semaphore, #tpu.memory_space<semaphore_mem>>
    %dma_start3A_431 = arith.constant 0 : i32
    %dma_start3A_432 = tpu.memref_slice %arg8[%dma_start3A_421, %dma_start3A_431] : memref<8x80xi32, #tpu.memory_space<vmem>> -> memref<1x80xi32, #tpu.memory_space<vmem>>
    %dma_start3A_433 = tpu.memref_squeeze %dma_start3A_432 : memref<1x80xi32, #tpu.memory_space<vmem>> -> memref<80xi32, #tpu.memory_space<vmem>>
    %dma_start3A_434 = arith.constant 0 : i32
    %dma_start3A_435 = tpu.memref_slice %arg4[%add3A_420, %dma_start3A_434] : memref<4000x80xi32, #tpu.memory_space<hbm>> -> memref<1x80xi32, #tpu.memory_space<hbm>>
    %dma_start3A_436 = tpu.memref_squeeze %dma_start3A_435 : memref<1x80xi32, #tpu.memory_space<hbm>> -> memref<80xi32, #tpu.memory_space<hbm>>
    tpu.enqueue_dma source(%dma_start3A_436 : memref<80xi32, #tpu.memory_space<hbm>>) target(%dma_start3A_433 : memref<80xi32, #tpu.memory_space<vmem>>) target_semaphore(%dma_start3A_430 : memref<!tpu.dma_semaphore, #tpu.memory_space<semaphore_mem>>)
    %dma_wait3A_437 = arith.constant 0 : i32
    %dma_wait3A_438 = arith.constant 0 : i32
    %dma_wait3A_439 = arith.constant 0 : i32
    %dma_wait3A_440 = arith.constant 0 : i32
    %dma_wait3A_441 = arith.constant 0 : i32
    %dma_wait3A_442 = tpu.memref_slice %arg9[%dma_wait3A_438, %dma_wait3A_440, %dma_wait3A_441] : memref<4x80x128xf32, #tpu.memory_space<vmem>> -> memref<1x80x128xf32, #tpu.memory_space<vmem>>
    %dma_wait3A_443 = tpu.memref_squeeze %dma_wait3A_442 : memref<1x80x128xf32, #tpu.memory_space<vmem>> -> memref<80x128xf32, #tpu.memory_space<vmem>>
    %dma_wait3A_444 = arith.constant 0 : i32
    %dma_wait3A_445 = tpu.memref_slice %arg7[%dma_wait3A_437, %dma_wait3A_444] : memref<8x80xi32, #tpu.memory_space<vmem>> -> memref<1x80xi32, #tpu.memory_space<vmem>>
    %dma_wait3A_446 = tpu.memref_squeeze %dma_wait3A_445 : memref<1x80xi32, #tpu.memory_space<vmem>> -> memref<80xi32, #tpu.memory_space<vmem>>
    %dma_wait3A_447 = arith.constant 0 : i32
    %dma_wait3A_448 = arith.constant 0 : i32
    %dma_wait3A_449 = tpu.memref_slice %arg2[%dma_wait3A_447, %dma_wait3A_448] : memref<10000x128xf32, #tpu.memory_space<hbm>> -> memref<10000x128xf32, #tpu.memory_space<hbm>>
    %dma_wait3A_450 = tpu.memref_slice %arg10[%dma_wait3A_439] : memref<4x!tpu.dma_semaphore, #tpu.memory_space<semaphore_mem>> -> memref<1x!tpu.dma_semaphore, #tpu.memory_space<semaphore_mem>>
    %dma_wait3A_451 = tpu.memref_squeeze %dma_wait3A_450 : memref<1x!tpu.dma_semaphore, #tpu.memory_space<semaphore_mem>> -> memref<!tpu.dma_semaphore, #tpu.memory_space<semaphore_mem>>
    tpu.wait_indirect_dma semaphore(%dma_wait3A_451 : memref<!tpu.dma_semaphore, #tpu.memory_space<semaphore_mem>>) src(%dma_wait3A_449 : memref<10000x128xf32, #tpu.memory_space<hbm>>) dst(%dma_wait3A_443 : memref<80x128xf32, #tpu.memory_space<vmem>>)
    %dma_start3A_452 = arith.constant 0 : i32
    %dma_start3A_453 = arith.constant 0 : i32
    %dma_start3A_454 = arith.constant 0 : i32
    %dma_start3A_455 = arith.constant 0 : i32
    %dma_start3A_456 = arith.constant 0 : i32
    %dma_start3A_457 = tpu.memref_slice %arg9[%dma_start3A_452, %dma_start3A_455, %dma_start3A_456] : memref<4x80x128xf32, #tpu.memory_space<vmem>> -> memref<1x80x128xf32, #tpu.memory_space<vmem>>
    %dma_start3A_458 = tpu.memref_squeeze %dma_start3A_457 : memref<1x80x128xf32, #tpu.memory_space<vmem>> -> memref<80x128xf32, #tpu.memory_space<vmem>>
    %dma_start3A_459 = arith.constant 0 : i32
    %dma_start3A_460 = tpu.memref_slice %arg8[%dma_start3A_453, %dma_start3A_459] : memref<8x80xi32, #tpu.memory_space<vmem>> -> memref<1x80xi32, #tpu.memory_space<vmem>>
    %dma_start3A_461 = tpu.memref_squeeze %dma_start3A_460 : memref<1x80xi32, #tpu.memory_space<vmem>> -> memref<80xi32, #tpu.memory_space<vmem>>
    %dma_start3A_462 = arith.constant 0 : i32
    %dma_start3A_463 = arith.constant 0 : i32
    %dma_start3A_464 = tpu.memref_slice %arg6[%dma_start3A_462, %dma_start3A_463] : memref<10240x128xf32, #tpu.memory_space<vmem_shared>> -> memref<10240x128xf32, #tpu.memory_space<vmem_shared>>
    %dma_start3A_465 = tpu.memref_slice %arg11[%dma_start3A_454] : memref<4x!tpu.dma_semaphore, #tpu.memory_space<semaphore_mem>> -> memref<1x!tpu.dma_semaphore, #tpu.memory_space<semaphore_mem>>
    %dma_start3A_466 = tpu.memref_squeeze %dma_start3A_465 : memref<1x!tpu.dma_semaphore, #tpu.memory_space<semaphore_mem>> -> memref<!tpu.dma_semaphore, #tpu.memory_space<semaphore_mem>>
    tpu.enqueue_indirect_dma source(%dma_start3A_458 : memref<80x128xf32, #tpu.memory_space<vmem>>) target(%dma_start3A_464 : memref<10240x128xf32, #tpu.memory_space<vmem_shared>>) offsets(%dma_start3A_461 : memref<80xi32, #tpu.memory_space<vmem>>) semaphore(%dma_start3A_466 : memref<!tpu.dma_semaphore, #tpu.memory_space<semaphore_mem>>) {add = true}
    %add3A_467 = arith.constant 3 : i32
    %add3A_468 = arith.addi %mul3A_2, %add3A_467 : i32
    %dma_wait3A_469 = arith.constant 3 : i32
    %dma_wait3A_470 = arith.constant 3 : i32
    %dma_wait3A_471 = arith.constant 0 : i32
    %dma_wait3A_472 = tpu.memref_slice %arg7[%dma_wait3A_469, %dma_wait3A_471] : memref<8x80xi32, #tpu.memory_space<vmem>> -> memref<1x80xi32, #tpu.memory_space<vmem>>
    %dma_wait3A_473 = tpu.memref_squeeze %dma_wait3A_472 : memref<1x80xi32, #tpu.memory_space<vmem>> -> memref<80xi32, #tpu.memory_space<vmem>>
    %dma_wait3A_474 = arith.constant 0 : i32
    %dma_wait3A_475 = tpu.memref_slice %arg3[%add3A_468, %dma_wait3A_474] : memref<4000x80xi32, #tpu.memory_space<hbm>> -> memref<1x80xi32, #tpu.memory_space<hbm>>
    %dma_wait3A_476 = tpu.memref_squeeze %dma_wait3A_475 : memref<1x80xi32, #tpu.memory_space<hbm>> -> memref<80xi32, #tpu.memory_space<hbm>>
    %dma_wait3A_477 = tpu.memref_slice %arg12[%dma_wait3A_470] : memref<8x!tpu.dma_semaphore, #tpu.memory_space<semaphore_mem>> -> memref<1x!tpu.dma_semaphore, #tpu.memory_space<semaphore_mem>>
    %dma_wait3A_478 = tpu.memref_squeeze %dma_wait3A_477 : memref<1x!tpu.dma_semaphore, #tpu.memory_space<semaphore_mem>> -> memref<!tpu.dma_semaphore, #tpu.memory_space<semaphore_mem>>
    %dma_wait3A_479 = arith.constant 0 : i32
    %dma_wait3A_480 = tpu.memref_slice %arg7[%dma_wait3A_469, %dma_wait3A_479] : memref<8x80xi32, #tpu.memory_space<vmem>> -> memref<1x80xi32, #tpu.memory_space<vmem>>
    %dma_wait3A_481 = tpu.memref_squeeze %dma_wait3A_480 : memref<1x80xi32, #tpu.memory_space<vmem>> -> memref<80xi32, #tpu.memory_space<vmem>>
    %dma_wait3A_482 = arith.constant 0 : i32
    %dma_wait3A_483 = tpu.memref_slice %arg3[%add3A_468, %dma_wait3A_482] : memref<4000x80xi32, #tpu.memory_space<hbm>> -> memref<1x80xi32, #tpu.memory_space<hbm>>
    %dma_wait3A_484 = tpu.memref_squeeze %dma_wait3A_483 : memref<1x80xi32, #tpu.memory_space<hbm>> -> memref<80xi32, #tpu.memory_space<hbm>>
    tpu.wait_dma2 semaphore(%dma_wait3A_478 : memref<!tpu.dma_semaphore, #tpu.memory_space<semaphore_mem>>) src(%dma_wait3A_484 : memref<80xi32, #tpu.memory_space<hbm>>) dst(%dma_wait3A_481 : memref<80xi32, #tpu.memory_space<vmem>>)
    %add3A_485 = arith.constant 3 : i32
    %add3A_486 = arith.addi %mul3A_2, %add3A_485 : i32
    %dma_wait3A_487 = arith.constant 3 : i32
    %dma_wait3A_488 = arith.constant 3 : i32
    %dma_wait3A_489 = arith.constant 0 : i32
    %dma_wait3A_490 = tpu.memref_slice %arg8[%dma_wait3A_487, %dma_wait3A_489] : memref<8x80xi32, #tpu.memory_space<vmem>> -> memref<1x80xi32, #tpu.memory_space<vmem>>
    %dma_wait3A_491 = tpu.memref_squeeze %dma_wait3A_490 : memref<1x80xi32, #tpu.memory_space<vmem>> -> memref<80xi32, #tpu.memory_space<vmem>>
    %dma_wait3A_492 = arith.constant 0 : i32
    %dma_wait3A_493 = tpu.memref_slice %arg4[%add3A_486, %dma_wait3A_492] : memref<4000x80xi32, #tpu.memory_space<hbm>> -> memref<1x80xi32, #tpu.memory_space<hbm>>
    %dma_wait3A_494 = tpu.memref_squeeze %dma_wait3A_493 : memref<1x80xi32, #tpu.memory_space<hbm>> -> memref<80xi32, #tpu.memory_space<hbm>>
    %dma_wait3A_495 = tpu.memref_slice %arg12[%dma_wait3A_488] : memref<8x!tpu.dma_semaphore, #tpu.memory_space<semaphore_mem>> -> memref<1x!tpu.dma_semaphore, #tpu.memory_space<semaphore_mem>>
    %dma_wait3A_496 = tpu.memref_squeeze %dma_wait3A_495 : memref<1x!tpu.dma_semaphore, #tpu.memory_space<semaphore_mem>> -> memref<!tpu.dma_semaphore, #tpu.memory_space<semaphore_mem>>
    %dma_wait3A_497 = arith.constant 0 : i32
    %dma_wait3A_498 = tpu.memref_slice %arg8[%dma_wait3A_487, %dma_wait3A_497] : memref<8x80xi32, #tpu.memory_space<vmem>> -> memref<1x80xi32, #tpu.memory_space<vmem>>
    %dma_wait3A_499 = tpu.memref_squeeze %dma_wait3A_498 : memref<1x80xi32, #tpu.memory_space<vmem>> -> memref<80xi32, #tpu.memory_space<vmem>>
    %dma_wait3A_500 = arith.constant 0 : i32
    %dma_wait3A_501 = tpu.memref_slice %arg4[%add3A_486, %dma_wait3A_500] : memref<4000x80xi32, #tpu.memory_space<hbm>> -> memref<1x80xi32, #tpu.memory_space<hbm>>
    %dma_wait3A_502 = tpu.memref_squeeze %dma_wait3A_501 : memref<1x80xi32, #tpu.memory_space<hbm>> -> memref<80xi32, #tpu.memory_space<hbm>>
    tpu.wait_dma2 semaphore(%dma_wait3A_496 : memref<!tpu.dma_semaphore, #tpu.memory_space<semaphore_mem>>) src(%dma_wait3A_502 : memref<80xi32, #tpu.memory_space<hbm>>) dst(%dma_wait3A_499 : memref<80xi32, #tpu.memory_space<vmem>>)
    %dma_start3A_503 = arith.constant 3 : i32
    %dma_start3A_504 = arith.constant 3 : i32
    %dma_start3A_505 = arith.constant 3 : i32
    %dma_start3A_506 = arith.constant 0 : i32
    %dma_start3A_507 = arith.constant 0 : i32
    %dma_start3A_508 = tpu.memref_slice %arg9[%dma_start3A_504, %dma_start3A_506, %dma_start3A_507] : memref<4x80x128xf32, #tpu.memory_space<vmem>> -> memref<1x80x128xf32, #tpu.memory_space<vmem>>
    %dma_start3A_509 = tpu.memref_squeeze %dma_start3A_508 : memref<1x80x128xf32, #tpu.memory_space<vmem>> -> memref<80x128xf32, #tpu.memory_space<vmem>>
    %dma_start3A_510 = arith.constant 0 : i32
    %dma_start3A_511 = tpu.memref_slice %arg7[%dma_start3A_503, %dma_start3A_510] : memref<8x80xi32, #tpu.memory_space<vmem>> -> memref<1x80xi32, #tpu.memory_space<vmem>>
    %dma_start3A_512 = tpu.memref_squeeze %dma_start3A_511 : memref<1x80xi32, #tpu.memory_space<vmem>> -> memref<80xi32, #tpu.memory_space<vmem>>
    %dma_start3A_513 = arith.constant 0 : i32
    %dma_start3A_514 = arith.constant 0 : i32
    %dma_start3A_515 = tpu.memref_slice %arg2[%dma_start3A_513, %dma_start3A_514] : memref<10000x128xf32, #tpu.memory_space<hbm>> -> memref<10000x128xf32, #tpu.memory_space<hbm>>
    %dma_start3A_516 = tpu.memref_slice %arg10[%dma_start3A_505] : memref<4x!tpu.dma_semaphore, #tpu.memory_space<semaphore_mem>> -> memref<1x!tpu.dma_semaphore, #tpu.memory_space<semaphore_mem>>
    %dma_start3A_517 = tpu.memref_squeeze %dma_start3A_516 : memref<1x!tpu.dma_semaphore, #tpu.memory_space<semaphore_mem>> -> memref<!tpu.dma_semaphore, #tpu.memory_space<semaphore_mem>>
    tpu.enqueue_indirect_dma source(%dma_start3A_515 : memref<10000x128xf32, #tpu.memory_space<hbm>>) target(%dma_start3A_509 : memref<80x128xf32, #tpu.memory_space<vmem>>) offsets(%dma_start3A_512 : memref<80xi32, #tpu.memory_space<vmem>>) semaphore(%dma_start3A_517 : memref<!tpu.dma_semaphore, #tpu.memory_space<semaphore_mem>>)
    %add3A_518 = arith.constant 7 : i32
    %add3A_519 = arith.addi %mul3A_2, %add3A_518 : i32
    %dma_start3A_520 = arith.constant 7 : i32
    %dma_start3A_521 = arith.constant 7 : i32
    %dma_start3A_522 = arith.constant 0 : i32
    %dma_start3A_523 = tpu.memref_slice %arg7[%dma_start3A_520, %dma_start3A_522] : memref<8x80xi32, #tpu.memory_space<vmem>> -> memref<1x80xi32, #tpu.memory_space<vmem>>
    %dma_start3A_524 = tpu.memref_squeeze %dma_start3A_523 : memref<1x80xi32, #tpu.memory_space<vmem>> -> memref<80xi32, #tpu.memory_space<vmem>>
    %dma_start3A_525 = arith.constant 0 : i32
    %dma_start3A_526 = tpu.memref_slice %arg3[%add3A_519, %dma_start3A_525] : memref<4000x80xi32, #tpu.memory_space<hbm>> -> memref<1x80xi32, #tpu.memory_space<hbm>>
    %dma_start3A_527 = tpu.memref_squeeze %dma_start3A_526 : memref<1x80xi32, #tpu.memory_space<hbm>> -> memref<80xi32, #tpu.memory_space<hbm>>
    %dma_start3A_528 = tpu.memref_slice %arg12[%dma_start3A_521] : memref<8x!tpu.dma_semaphore, #tpu.memory_space<semaphore_mem>> -> memref<1x!tpu.dma_semaphore, #tpu.memory_space<semaphore_mem>>
    %dma_start3A_529 = tpu.memref_squeeze %dma_start3A_528 : memref<1x!tpu.dma_semaphore, #tpu.memory_space<semaphore_mem>> -> memref<!tpu.dma_semaphore, #tpu.memory_space<semaphore_mem>>
    %dma_start3A_530 = arith.constant 0 : i32
    %dma_start3A_531 = tpu.memref_slice %arg7[%dma_start3A_520, %dma_start3A_530] : memref<8x80xi32, #tpu.memory_space<vmem>> -> memref<1x80xi32, #tpu.memory_space<vmem>>
    %dma_start3A_532 = tpu.memref_squeeze %dma_start3A_531 : memref<1x80xi32, #tpu.memory_space<vmem>> -> memref<80xi32, #tpu.memory_space<vmem>>
    %dma_start3A_533 = arith.constant 0 : i32
    %dma_start3A_534 = tpu.memref_slice %arg3[%add3A_519, %dma_start3A_533] : memref<4000x80xi32, #tpu.memory_space<hbm>> -> memref<1x80xi32, #tpu.memory_space<hbm>>
    %dma_start3A_535 = tpu.memref_squeeze %dma_start3A_534 : memref<1x80xi32, #tpu.memory_space<hbm>> -> memref<80xi32, #tpu.memory_space<hbm>>
    tpu.enqueue_dma source(%dma_start3A_535 : memref<80xi32, #tpu.memory_space<hbm>>) target(%dma_start3A_532 : memref<80xi32, #tpu.memory_space<vmem>>) target_semaphore(%dma_start3A_529 : memref<!tpu.dma_semaphore, #tpu.memory_space<semaphore_mem>>)
    %add3A_536 = arith.constant 7 : i32
    %add3A_537 = arith.addi %mul3A_2, %add3A_536 : i32
    %dma_start3A_538 = arith.constant 7 : i32
    %dma_start3A_539 = arith.constant 7 : i32
    %dma_start3A_540 = arith.constant 0 : i32
    %dma_start3A_541 = tpu.memref_slice %arg8[%dma_start3A_538, %dma_start3A_540] : memref<8x80xi32, #tpu.memory_space<vmem>> -> memref<1x80xi32, #tpu.memory_space<vmem>>
    %dma_start3A_542 = tpu.memref_squeeze %dma_start3A_541 : memref<1x80xi32, #tpu.memory_space<vmem>> -> memref<80xi32, #tpu.memory_space<vmem>>
    %dma_start3A_543 = arith.constant 0 : i32
    %dma_start3A_544 = tpu.memref_slice %arg4[%add3A_537, %dma_start3A_543] : memref<4000x80xi32, #tpu.memory_space<hbm>> -> memref<1x80xi32, #tpu.memory_space<hbm>>
    %dma_start3A_545 = tpu.memref_squeeze %dma_start3A_544 : memref<1x80xi32, #tpu.memory_space<hbm>> -> memref<80xi32, #tpu.memory_space<hbm>>
    %dma_start3A_546 = tpu.memref_slice %arg12[%dma_start3A_539] : memref<8x!tpu.dma_semaphore, #tpu.memory_space<semaphore_mem>> -> memref<1x!tpu.dma_semaphore, #tpu.memory_space<semaphore_mem>>
    %dma_start3A_547 = tpu.memref_squeeze %dma_start3A_546 : memref<1x!tpu.dma_semaphore, #tpu.memory_space<semaphore_mem>> -> memref<!tpu.dma_semaphore, #tpu.memory_space<semaphore_mem>>
    %dma_start3A_548 = arith.constant 0 : i32
    %dma_start3A_549 = tpu.memref_slice %arg8[%dma_start3A_538, %dma_start3A_548] : memref<8x80xi32, #tpu.memory_space<vmem>> -> memref<1x80xi32, #tpu.memory_space<vmem>>
    %dma_start3A_550 = tpu.memref_squeeze %dma_start3A_549 : memref<1x80xi32, #tpu.memory_space<vmem>> -> memref<80xi32, #tpu.memory_space<vmem>>
    %dma_start3A_551 = arith.constant 0 : i32
    %dma_start3A_552 = tpu.memref_slice %arg4[%add3A_537, %dma_start3A_551] : memref<4000x80xi32, #tpu.memory_space<hbm>> -> memref<1x80xi32, #tpu.memory_space<hbm>>
    %dma_start3A_553 = tpu.memref_squeeze %dma_start3A_552 : memref<1x80xi32, #tpu.memory_space<hbm>> -> memref<80xi32, #tpu.memory_space<hbm>>
    tpu.enqueue_dma source(%dma_start3A_553 : memref<80xi32, #tpu.memory_space<hbm>>) target(%dma_start3A_550 : memref<80xi32, #tpu.memory_space<vmem>>) target_semaphore(%dma_start3A_547 : memref<!tpu.dma_semaphore, #tpu.memory_space<semaphore_mem>>)
    %dma_wait3A_554 = arith.constant 1 : i32
    %dma_wait3A_555 = arith.constant 1 : i32
    %dma_wait3A_556 = arith.constant 1 : i32
    %dma_wait3A_557 = arith.constant 0 : i32
    %dma_wait3A_558 = arith.constant 0 : i32
    %dma_wait3A_559 = tpu.memref_slice %arg9[%dma_wait3A_555, %dma_wait3A_557, %dma_wait3A_558] : memref<4x80x128xf32, #tpu.memory_space<vmem>> -> memref<1x80x128xf32, #tpu.memory_space<vmem>>
    %dma_wait3A_560 = tpu.memref_squeeze %dma_wait3A_559 : memref<1x80x128xf32, #tpu.memory_space<vmem>> -> memref<80x128xf32, #tpu.memory_space<vmem>>
    %dma_wait3A_561 = arith.constant 0 : i32
    %dma_wait3A_562 = tpu.memref_slice %arg7[%dma_wait3A_554, %dma_wait3A_561] : memref<8x80xi32, #tpu.memory_space<vmem>> -> memref<1x80xi32, #tpu.memory_space<vmem>>
    %dma_wait3A_563 = tpu.memref_squeeze %dma_wait3A_562 : memref<1x80xi32, #tpu.memory_space<vmem>> -> memref<80xi32, #tpu.memory_space<vmem>>
    %dma_wait3A_564 = arith.constant 0 : i32
    %dma_wait3A_565 = arith.constant 0 : i32
    %dma_wait3A_566 = tpu.memref_slice %arg2[%dma_wait3A_564, %dma_wait3A_565] : memref<10000x128xf32, #tpu.memory_space<hbm>> -> memref<10000x128xf32, #tpu.memory_space<hbm>>
    %dma_wait3A_567 = tpu.memref_slice %arg10[%dma_wait3A_556] : memref<4x!tpu.dma_semaphore, #tpu.memory_space<semaphore_mem>> -> memref<1x!tpu.dma_semaphore, #tpu.memory_space<semaphore_mem>>
    %dma_wait3A_568 = tpu.memref_squeeze %dma_wait3A_567 : memref<1x!tpu.dma_semaphore, #tpu.memory_space<semaphore_mem>> -> memref<!tpu.dma_semaphore, #tpu.memory_space<semaphore_mem>>
    tpu.wait_indirect_dma semaphore(%dma_wait3A_568 : memref<!tpu.dma_semaphore, #tpu.memory_space<semaphore_mem>>) src(%dma_wait3A_566 : memref<10000x128xf32, #tpu.memory_space<hbm>>) dst(%dma_wait3A_560 : memref<80x128xf32, #tpu.memory_space<vmem>>)
    %dma_start3A_569 = arith.constant 1 : i32
    %dma_start3A_570 = arith.constant 1 : i32
    %dma_start3A_571 = arith.constant 1 : i32
    %dma_start3A_572 = arith.constant 0 : i32
    %dma_start3A_573 = arith.constant 0 : i32
    %dma_start3A_574 = tpu.memref_slice %arg9[%dma_start3A_569, %dma_start3A_572, %dma_start3A_573] : memref<4x80x128xf32, #tpu.memory_space<vmem>> -> memref<1x80x128xf32, #tpu.memory_space<vmem>>
    %dma_start3A_575 = tpu.memref_squeeze %dma_start3A_574 : memref<1x80x128xf32, #tpu.memory_space<vmem>> -> memref<80x128xf32, #tpu.memory_space<vmem>>
    %dma_start3A_576 = arith.constant 0 : i32
    %dma_start3A_577 = tpu.memref_slice %arg8[%dma_start3A_570, %dma_start3A_576] : memref<8x80xi32, #tpu.memory_space<vmem>> -> memref<1x80xi32, #tpu.memory_space<vmem>>
    %dma_start3A_578 = tpu.memref_squeeze %dma_start3A_577 : memref<1x80xi32, #tpu.memory_space<vmem>> -> memref<80xi32, #tpu.memory_space<vmem>>
    %dma_start3A_579 = arith.constant 0 : i32
    %dma_start3A_580 = arith.constant 0 : i32
    %dma_start3A_581 = tpu.memref_slice %arg6[%dma_start3A_579, %dma_start3A_580] : memref<10240x128xf32, #tpu.memory_space<vmem_shared>> -> memref<10240x128xf32, #tpu.memory_space<vmem_shared>>
    %dma_start3A_582 = tpu.memref_slice %arg11[%dma_start3A_571] : memref<4x!tpu.dma_semaphore, #tpu.memory_space<semaphore_mem>> -> memref<1x!tpu.dma_semaphore, #tpu.memory_space<semaphore_mem>>
    %dma_start3A_583 = tpu.memref_squeeze %dma_start3A_582 : memref<1x!tpu.dma_semaphore, #tpu.memory_space<semaphore_mem>> -> memref<!tpu.dma_semaphore, #tpu.memory_space<semaphore_mem>>
    tpu.enqueue_indirect_dma source(%dma_start3A_575 : memref<80x128xf32, #tpu.memory_space<vmem>>) target(%dma_start3A_581 : memref<10240x128xf32, #tpu.memory_space<vmem_shared>>) offsets(%dma_start3A_578 : memref<80xi32, #tpu.memory_space<vmem>>) semaphore(%dma_start3A_583 : memref<!tpu.dma_semaphore, #tpu.memory_space<semaphore_mem>>) {add = true}
    %scan3A_584 = arith.constant 0 : i32
    %scan3A_585 = arith.constant 0 : i32
    %scan3A_586 = arith.constant 14 : i32
    %scan3A_587 = arith.addi %scan3A_585, %scan3A_586 : i32
    %scan3A_588 = arith.constant 1 : i32
    %scan3A_589 = scf.for %scan3A_1756 = %scan3A_585 to %scan3A_587 step %scan3A_588 iter_args(%scan3A_1757 = %scan3A_584) -> (i32)  : i32 {
      %mul3A_1758 = arith.constant 8 : i32
      %mul3A_1759 = arith.muli %scan3A_1756, %mul3A_1758 : i32
      %add3A_1760 = arith.constant 2 : i32
      %add3A_1761 = arith.addi %add3A_1760, %mul3A_1759 : i32
      %add3A_1762 = arith.constant 0 : i32
      %add3A_1763 = arith.addi %add3A_1761, %add3A_1762 : i32
      %sub3A = arith.constant 2 : i32
      %sub3A_1764 = arith.subi %add3A_1763, %sub3A : i32
      %dma_wait3A_1765 = arith.constant 0 : i32
      %dma_wait3A_1766 = arith.constant 0 : i32
      %dma_wait3A_1767 = arith.constant 0 : i32
      %dma_wait3A_1768 = arith.constant 0 : i32
      %dma_wait3A_1769 = arith.constant 0 : i32
      %dma_wait3A_1770 = tpu.memref_slice %arg9[%dma_wait3A_1765, %dma_wait3A_1768, %dma_wait3A_1769] : memref<4x80x128xf32, #tpu.memory_space<vmem>> -> memref<1x80x128xf32, #tpu.memory_space<vmem>>
      %dma_wait3A_1771 = tpu.memref_squeeze %dma_wait3A_1770 : memref<1x80x128xf32, #tpu.memory_space<vmem>> -> memref<80x128xf32, #tpu.memory_space<vmem>>
      %dma_wait3A_1772 = arith.constant 0 : i32
      %dma_wait3A_1773 = tpu.memref_slice %arg8[%dma_wait3A_1766, %dma_wait3A_1772] : memref<8x80xi32, #tpu.memory_space<vmem>> -> memref<1x80xi32, #tpu.memory_space<vmem>>
      %dma_wait3A_1774 = tpu.memref_squeeze %dma_wait3A_1773 : memref<1x80xi32, #tpu.memory_space<vmem>> -> memref<80xi32, #tpu.memory_space<vmem>>
      %dma_wait3A_1775 = arith.constant 0 : i32
      %dma_wait3A_1776 = arith.constant 0 : i32
      %dma_wait3A_1777 = tpu.memref_slice %arg6[%dma_wait3A_1775, %dma_wait3A_1776] : memref<10240x128xf32, #tpu.memory_space<vmem_shared>> -> memref<10240x128xf32, #tpu.memory_space<vmem_shared>>
      %dma_wait3A_1778 = tpu.memref_slice %arg11[%dma_wait3A_1767] : memref<4x!tpu.dma_semaphore, #tpu.memory_space<semaphore_mem>> -> memref<1x!tpu.dma_semaphore, #tpu.memory_space<semaphore_mem>>
      %dma_wait3A_1779 = tpu.memref_squeeze %dma_wait3A_1778 : memref<1x!tpu.dma_semaphore, #tpu.memory_space<semaphore_mem>> -> memref<!tpu.dma_semaphore, #tpu.memory_space<semaphore_mem>>
      tpu.wait_indirect_dma semaphore(%dma_wait3A_1779 : memref<!tpu.dma_semaphore, #tpu.memory_space<semaphore_mem>>) src(%dma_wait3A_1771 : memref<80x128xf32, #tpu.memory_space<vmem>>) dst(%dma_wait3A_1777 : memref<10240x128xf32, #tpu.memory_space<vmem_shared>>)
      %add3A_1780 = arith.constant 2 : i32
      %add3A_1781 = arith.addi %add3A_1763, %add3A_1780 : i32
      %add3A_1782 = arith.addi %mul3A_2, %add3A_1781 : i32
      %dma_wait3A_1783 = arith.constant 4 : i32
      %dma_wait3A_1784 = arith.constant 4 : i32
      %dma_wait3A_1785 = arith.constant 0 : i32
      %dma_wait3A_1786 = tpu.memref_slice %arg7[%dma_wait3A_1783, %dma_wait3A_1785] : memref<8x80xi32, #tpu.memory_space<vmem>> -> memref<1x80xi32, #tpu.memory_space<vmem>>
      %dma_wait3A_1787 = tpu.memref_squeeze %dma_wait3A_1786 : memref<1x80xi32, #tpu.memory_space<vmem>> -> memref<80xi32, #tpu.memory_space<vmem>>
      %dma_wait3A_1788 = arith.constant 0 : i32
      %dma_wait3A_1789 = tpu.memref_slice %arg3[%add3A_1782, %dma_wait3A_1788] : memref<4000x80xi32, #tpu.memory_space<hbm>> -> memref<1x80xi32, #tpu.memory_space<hbm>>
      %dma_wait3A_1790 = tpu.memref_squeeze %dma_wait3A_1789 : memref<1x80xi32, #tpu.memory_space<hbm>> -> memref<80xi32, #tpu.memory_space<hbm>>
      %dma_wait3A_1791 = tpu.memref_slice %arg12[%dma_wait3A_1784] : memref<8x!tpu.dma_semaphore, #tpu.memory_space<semaphore_mem>> -> memref<1x!tpu.dma_semaphore, #tpu.memory_space<semaphore_mem>>
      %dma_wait3A_1792 = tpu.memref_squeeze %dma_wait3A_1791 : memref<1x!tpu.dma_semaphore, #tpu.memory_space<semaphore_mem>> -> memref<!tpu.dma_semaphore, #tpu.memory_space<semaphore_mem>>
      %dma_wait3A_1793 = arith.constant 0 : i32
      %dma_wait3A_1794 = tpu.memref_slice %arg7[%dma_wait3A_1783, %dma_wait3A_1793] : memref<8x80xi32, #tpu.memory_space<vmem>> -> memref<1x80xi32, #tpu.memory_space<vmem>>
      %dma_wait3A_1795 = tpu.memref_squeeze %dma_wait3A_1794 : memref<1x80xi32, #tpu.memory_space<vmem>> -> memref<80xi32, #tpu.memory_space<vmem>>
      %dma_wait3A_1796 = arith.constant 0 : i32
      %dma_wait3A_1797 = tpu.memref_slice %arg3[%add3A_1782, %dma_wait3A_1796] : memref<4000x80xi32, #tpu.memory_space<hbm>> -> memref<1x80xi32, #tpu.memory_space<hbm>>
      %dma_wait3A_1798 = tpu.memref_squeeze %dma_wait3A_1797 : memref<1x80xi32, #tpu.memory_space<hbm>> -> memref<80xi32, #tpu.memory_space<hbm>>
      tpu.wait_dma2 semaphore(%dma_wait3A_1792 : memref<!tpu.dma_semaphore, #tpu.memory_space<semaphore_mem>>) src(%dma_wait3A_1798 : memref<80xi32, #tpu.memory_space<hbm>>) dst(%dma_wait3A_1795 : memref<80xi32, #tpu.memory_space<vmem>>)
      %add3A_1799 = arith.addi %mul3A_2, %add3A_1781 : i32
      %dma_wait3A_1800 = arith.constant 4 : i32
      %dma_wait3A_1801 = arith.constant 4 : i32
      %dma_wait3A_1802 = arith.constant 0 : i32
      %dma_wait3A_1803 = tpu.memref_slice %arg8[%dma_wait3A_1800, %dma_wait3A_1802] : memref<8x80xi32, #tpu.memory_space<vmem>> -> memref<1x80xi32, #tpu.memory_space<vmem>>
      %dma_wait3A_1804 = tpu.memref_squeeze %dma_wait3A_1803 : memref<1x80xi32, #tpu.memory_space<vmem>> -> memref<80xi32, #tpu.memory_space<vmem>>
      %dma_wait3A_1805 = arith.constant 0 : i32
      %dma_wait3A_1806 = tpu.memref_slice %arg4[%add3A_1799, %dma_wait3A_1805] : memref<4000x80xi32, #tpu.memory_space<hbm>> -> memref<1x80xi32, #tpu.memory_space<hbm>>
      %dma_wait3A_1807 = tpu.memref_squeeze %dma_wait3A_1806 : memref<1x80xi32, #tpu.memory_space<hbm>> -> memref<80xi32, #tpu.memory_space<hbm>>
      %dma_wait3A_1808 = tpu.memref_slice %arg12[%dma_wait3A_1801] : memref<8x!tpu.dma_semaphore, #tpu.memory_space<semaphore_mem>> -> memref<1x!tpu.dma_semaphore, #tpu.memory_space<semaphore_mem>>
      %dma_wait3A_1809 = tpu.memref_squeeze %dma_wait3A_1808 : memref<1x!tpu.dma_semaphore, #tpu.memory_space<semaphore_mem>> -> memref<!tpu.dma_semaphore, #tpu.memory_space<semaphore_mem>>
      %dma_wait3A_1810 = arith.constant 0 : i32
      %dma_wait3A_1811 = tpu.memref_slice %arg8[%dma_wait3A_1800, %dma_wait3A_1810] : memref<8x80xi32, #tpu.memory_space<vmem>> -> memref<1x80xi32, #tpu.memory_space<vmem>>
      %dma_wait3A_1812 = tpu.memref_squeeze %dma_wait3A_1811 : memref<1x80xi32, #tpu.memory_space<vmem>> -> memref<80xi32, #tpu.memory_space<vmem>>
      %dma_wait3A_1813 = arith.constant 0 : i32
      %dma_wait3A_1814 = tpu.memref_slice %arg4[%add3A_1799, %dma_wait3A_1813] : memref<4000x80xi32, #tpu.memory_space<hbm>> -> memref<1x80xi32, #tpu.memory_space<hbm>>
      %dma_wait3A_1815 = tpu.memref_squeeze %dma_wait3A_1814 : memref<1x80xi32, #tpu.memory_space<hbm>> -> memref<80xi32, #tpu.memory_space<hbm>>
      tpu.wait_dma2 semaphore(%dma_wait3A_1809 : memref<!tpu.dma_semaphore, #tpu.memory_space<semaphore_mem>>) src(%dma_wait3A_1815 : memref<80xi32, #tpu.memory_space<hbm>>) dst(%dma_wait3A_1812 : memref<80xi32, #tpu.memory_space<vmem>>)
      %add3A_1816 = arith.constant 2 : i32
      %add3A_1817 = arith.addi %add3A_1763, %add3A_1816 : i32
      %dma_start3A_1818 = arith.constant 4 : i32
      %dma_start3A_1819 = arith.constant 0 : i32
      %dma_start3A_1820 = arith.constant 0 : i32
      %dma_start3A_1821 = arith.constant 0 : i32
      %dma_start3A_1822 = arith.constant 0 : i32
      %dma_start3A_1823 = tpu.memref_slice %arg9[%dma_start3A_1819, %dma_start3A_1821, %dma_start3A_1822] : memref<4x80x128xf32, #tpu.memory_space<vmem>> -> memref<1x80x128xf32, #tpu.memory_space<vmem>>
      %dma_start3A_1824 = tpu.memref_squeeze %dma_start3A_1823 : memref<1x80x128xf32, #tpu.memory_space<vmem>> -> memref<80x128xf32, #tpu.memory_space<vmem>>
      %dma_start3A_1825 = arith.constant 0 : i32
      %dma_start3A_1826 = tpu.memref_slice %arg7[%dma_start3A_1818, %dma_start3A_1825] : memref<8x80xi32, #tpu.memory_space<vmem>> -> memref<1x80xi32, #tpu.memory_space<vmem>>
      %dma_start3A_1827 = tpu.memref_squeeze %dma_start3A_1826 : memref<1x80xi32, #tpu.memory_space<vmem>> -> memref<80xi32, #tpu.memory_space<vmem>>
      %dma_start3A_1828 = arith.constant 0 : i32
      %dma_start3A_1829 = arith.constant 0 : i32
      %dma_start3A_1830 = tpu.memref_slice %arg2[%dma_start3A_1828, %dma_start3A_1829] : memref<10000x128xf32, #tpu.memory_space<hbm>> -> memref<10000x128xf32, #tpu.memory_space<hbm>>
      %dma_start3A_1831 = tpu.memref_slice %arg10[%dma_start3A_1820] : memref<4x!tpu.dma_semaphore, #tpu.memory_space<semaphore_mem>> -> memref<1x!tpu.dma_semaphore, #tpu.memory_space<semaphore_mem>>
      %dma_start3A_1832 = tpu.memref_squeeze %dma_start3A_1831 : memref<1x!tpu.dma_semaphore, #tpu.memory_space<semaphore_mem>> -> memref<!tpu.dma_semaphore, #tpu.memory_space<semaphore_mem>>
      tpu.enqueue_indirect_dma source(%dma_start3A_1830 : memref<10000x128xf32, #tpu.memory_space<hbm>>) target(%dma_start3A_1824 : memref<80x128xf32, #tpu.memory_space<vmem>>) offsets(%dma_start3A_1827 : memref<80xi32, #tpu.memory_space<vmem>>) semaphore(%dma_start3A_1832 : memref<!tpu.dma_semaphore, #tpu.memory_space<semaphore_mem>>)
      %add3A_1833 = arith.constant 6 : i32
      %add3A_1834 = arith.addi %add3A_1763, %add3A_1833 : i32
      %add3A_1835 = arith.addi %mul3A_2, %add3A_1834 : i32
      %dma_start3A_1836 = arith.constant 0 : i32
      %dma_start3A_1837 = arith.constant 0 : i32
      %dma_start3A_1838 = arith.constant 0 : i32
      %dma_start3A_1839 = tpu.memref_slice %arg7[%dma_start3A_1836, %dma_start3A_1838] : memref<8x80xi32, #tpu.memory_space<vmem>> -> memref<1x80xi32, #tpu.memory_space<vmem>>
      %dma_start3A_1840 = tpu.memref_squeeze %dma_start3A_1839 : memref<1x80xi32, #tpu.memory_space<vmem>> -> memref<80xi32, #tpu.memory_space<vmem>>
      %dma_start3A_1841 = arith.constant 0 : i32
      %dma_start3A_1842 = tpu.memref_slice %arg3[%add3A_1835, %dma_start3A_1841] : memref<4000x80xi32, #tpu.memory_space<hbm>> -> memref<1x80xi32, #tpu.memory_space<hbm>>
      %dma_start3A_1843 = tpu.memref_squeeze %dma_start3A_1842 : memref<1x80xi32, #tpu.memory_space<hbm>> -> memref<80xi32, #tpu.memory_space<hbm>>
      %dma_start3A_1844 = tpu.memref_slice %arg12[%dma_start3A_1837] : memref<8x!tpu.dma_semaphore, #tpu.memory_space<semaphore_mem>> -> memref<1x!tpu.dma_semaphore, #tpu.memory_space<semaphore_mem>>
      %dma_start3A_1845 = tpu.memref_squeeze %dma_start3A_1844 : memref<1x!tpu.dma_semaphore, #tpu.memory_space<semaphore_mem>> -> memref<!tpu.dma_semaphore, #tpu.memory_space<semaphore_mem>>
      %dma_start3A_1846 = arith.constant 0 : i32
      %dma_start3A_1847 = tpu.memref_slice %arg7[%dma_start3A_1836, %dma_start3A_1846] : memref<8x80xi32, #tpu.memory_space<vmem>> -> memref<1x80xi32, #tpu.memory_space<vmem>>
      %dma_start3A_1848 = tpu.memref_squeeze %dma_start3A_1847 : memref<1x80xi32, #tpu.memory_space<vmem>> -> memref<80xi32, #tpu.memory_space<vmem>>
      %dma_start3A_1849 = arith.constant 0 : i32
      %dma_start3A_1850 = tpu.memref_slice %arg3[%add3A_1835, %dma_start3A_1849] : memref<4000x80xi32, #tpu.memory_space<hbm>> -> memref<1x80xi32, #tpu.memory_space<hbm>>
      %dma_start3A_1851 = tpu.memref_squeeze %dma_start3A_1850 : memref<1x80xi32, #tpu.memory_space<hbm>> -> memref<80xi32, #tpu.memory_space<hbm>>
      tpu.enqueue_dma source(%dma_start3A_1851 : memref<80xi32, #tpu.memory_space<hbm>>) target(%dma_start3A_1848 : memref<80xi32, #tpu.memory_space<vmem>>) target_semaphore(%dma_start3A_1845 : memref<!tpu.dma_semaphore, #tpu.memory_space<semaphore_mem>>)
      %add3A_1852 = arith.addi %mul3A_2, %add3A_1834 : i32
      %dma_start3A_1853 = arith.constant 0 : i32
      %dma_start3A_1854 = arith.constant 0 : i32
      %dma_start3A_1855 = arith.constant 0 : i32
      %dma_start3A_1856 = tpu.memref_slice %arg8[%dma_start3A_1853, %dma_start3A_1855] : memref<8x80xi32, #tpu.memory_space<vmem>> -> memref<1x80xi32, #tpu.memory_space<vmem>>
      %dma_start3A_1857 = tpu.memref_squeeze %dma_start3A_1856 : memref<1x80xi32, #tpu.memory_space<vmem>> -> memref<80xi32, #tpu.memory_space<vmem>>
      %dma_start3A_1858 = arith.constant 0 : i32
      %dma_start3A_1859 = tpu.memref_slice %arg4[%add3A_1852, %dma_start3A_1858] : memref<4000x80xi32, #tpu.memory_space<hbm>> -> memref<1x80xi32, #tpu.memory_space<hbm>>
      %dma_start3A_1860 = tpu.memref_squeeze %dma_start3A_1859 : memref<1x80xi32, #tpu.memory_space<hbm>> -> memref<80xi32, #tpu.memory_space<hbm>>
      %dma_start3A_1861 = tpu.memref_slice %arg12[%dma_start3A_1854] : memref<8x!tpu.dma_semaphore, #tpu.memory_space<semaphore_mem>> -> memref<1x!tpu.dma_semaphore, #tpu.memory_space<semaphore_mem>>
      %dma_start3A_1862 = tpu.memref_squeeze %dma_start3A_1861 : memref<1x!tpu.dma_semaphore, #tpu.memory_space<semaphore_mem>> -> memref<!tpu.dma_semaphore, #tpu.memory_space<semaphore_mem>>
      %dma_start3A_1863 = arith.constant 0 : i32
      %dma_start3A_1864 = tpu.memref_slice %arg8[%dma_start3A_1853, %dma_start3A_1863] : memref<8x80xi32, #tpu.memory_space<vmem>> -> memref<1x80xi32, #tpu.memory_space<vmem>>
      %dma_start3A_1865 = tpu.memref_squeeze %dma_start3A_1864 : memref<1x80xi32, #tpu.memory_space<vmem>> -> memref<80xi32, #tpu.memory_space<vmem>>
      %dma_start3A_1866 = arith.constant 0 : i32
      %dma_start3A_1867 = tpu.memref_slice %arg4[%add3A_1852, %dma_start3A_1866] : memref<4000x80xi32, #tpu.memory_space<hbm>> -> memref<1x80xi32, #tpu.memory_space<hbm>>
      %dma_start3A_1868 = tpu.memref_squeeze %dma_start3A_1867 : memref<1x80xi32, #tpu.memory_space<hbm>> -> memref<80xi32, #tpu.memory_space<hbm>>
      tpu.enqueue_dma source(%dma_start3A_1868 : memref<80xi32, #tpu.memory_space<hbm>>) target(%dma_start3A_1865 : memref<80xi32, #tpu.memory_space<vmem>>) target_semaphore(%dma_start3A_1862 : memref<!tpu.dma_semaphore, #tpu.memory_space<semaphore_mem>>)
      %dma_wait3A_1869 = arith.constant 2 : i32
      %dma_wait3A_1870 = arith.constant 2 : i32
      %dma_wait3A_1871 = arith.constant 2 : i32
      %dma_wait3A_1872 = arith.constant 0 : i32
      %dma_wait3A_1873 = arith.constant 0 : i32
      %dma_wait3A_1874 = tpu.memref_slice %arg9[%dma_wait3A_1870, %dma_wait3A_1872, %dma_wait3A_1873] : memref<4x80x128xf32, #tpu.memory_space<vmem>> -> memref<1x80x128xf32, #tpu.memory_space<vmem>>
      %dma_wait3A_1875 = tpu.memref_squeeze %dma_wait3A_1874 : memref<1x80x128xf32, #tpu.memory_space<vmem>> -> memref<80x128xf32, #tpu.memory_space<vmem>>
      %dma_wait3A_1876 = arith.constant 0 : i32
      %dma_wait3A_1877 = tpu.memref_slice %arg7[%dma_wait3A_1869, %dma_wait3A_1876] : memref<8x80xi32, #tpu.memory_space<vmem>> -> memref<1x80xi32, #tpu.memory_space<vmem>>
      %dma_wait3A_1878 = tpu.memref_squeeze %dma_wait3A_1877 : memref<1x80xi32, #tpu.memory_space<vmem>> -> memref<80xi32, #tpu.memory_space<vmem>>
      %dma_wait3A_1879 = arith.constant 0 : i32
      %dma_wait3A_1880 = arith.constant 0 : i32
      %dma_wait3A_1881 = tpu.memref_slice %arg2[%dma_wait3A_1879, %dma_wait3A_1880] : memref<10000x128xf32, #tpu.memory_space<hbm>> -> memref<10000x128xf32, #tpu.memory_space<hbm>>
      %dma_wait3A_1882 = tpu.memref_slice %arg10[%dma_wait3A_1871] : memref<4x!tpu.dma_semaphore, #tpu.memory_space<semaphore_mem>> -> memref<1x!tpu.dma_semaphore, #tpu.memory_space<semaphore_mem>>
      %dma_wait3A_1883 = tpu.memref_squeeze %dma_wait3A_1882 : memref<1x!tpu.dma_semaphore, #tpu.memory_space<semaphore_mem>> -> memref<!tpu.dma_semaphore, #tpu.memory_space<semaphore_mem>>
      tpu.wait_indirect_dma semaphore(%dma_wait3A_1883 : memref<!tpu.dma_semaphore, #tpu.memory_space<semaphore_mem>>) src(%dma_wait3A_1881 : memref<10000x128xf32, #tpu.memory_space<hbm>>) dst(%dma_wait3A_1875 : memref<80x128xf32, #tpu.memory_space<vmem>>)
      %dma_start3A_1884 = arith.constant 2 : i32
      %dma_start3A_1885 = arith.constant 2 : i32
      %dma_start3A_1886 = arith.constant 2 : i32
      %dma_start3A_1887 = arith.constant 0 : i32
      %dma_start3A_1888 = arith.constant 0 : i32
      %dma_start3A_1889 = tpu.memref_slice %arg9[%dma_start3A_1884, %dma_start3A_1887, %dma_start3A_1888] : memref<4x80x128xf32, #tpu.memory_space<vmem>> -> memref<1x80x128xf32, #tpu.memory_space<vmem>>
      %dma_start3A_1890 = tpu.memref_squeeze %dma_start3A_1889 : memref<1x80x128xf32, #tpu.memory_space<vmem>> -> memref<80x128xf32, #tpu.memory_space<vmem>>
      %dma_start3A_1891 = arith.constant 0 : i32
      %dma_start3A_1892 = tpu.memref_slice %arg8[%dma_start3A_1885, %dma_start3A_1891] : memref<8x80xi32, #tpu.memory_space<vmem>> -> memref<1x80xi32, #tpu.memory_space<vmem>>
      %dma_start3A_1893 = tpu.memref_squeeze %dma_start3A_1892 : memref<1x80xi32, #tpu.memory_space<vmem>> -> memref<80xi32, #tpu.memory_space<vmem>>
      %dma_start3A_1894 = arith.constant 0 : i32
      %dma_start3A_1895 = arith.constant 0 : i32
      %dma_start3A_1896 = tpu.memref_slice %arg6[%dma_start3A_1894, %dma_start3A_1895] : memref<10240x128xf32, #tpu.memory_space<vmem_shared>> -> memref<10240x128xf32, #tpu.memory_space<vmem_shared>>
      %dma_start3A_1897 = tpu.memref_slice %arg11[%dma_start3A_1886] : memref<4x!tpu.dma_semaphore, #tpu.memory_space<semaphore_mem>> -> memref<1x!tpu.dma_semaphore, #tpu.memory_space<semaphore_mem>>
      %dma_start3A_1898 = tpu.memref_squeeze %dma_start3A_1897 : memref<1x!tpu.dma_semaphore, #tpu.memory_space<semaphore_mem>> -> memref<!tpu.dma_semaphore, #tpu.memory_space<semaphore_mem>>
      tpu.enqueue_indirect_dma source(%dma_start3A_1890 : memref<80x128xf32, #tpu.memory_space<vmem>>) target(%dma_start3A_1896 : memref<10240x128xf32, #tpu.memory_space<vmem_shared>>) offsets(%dma_start3A_1893 : memref<80xi32, #tpu.memory_space<vmem>>) semaphore(%dma_start3A_1898 : memref<!tpu.dma_semaphore, #tpu.memory_space<semaphore_mem>>) {add = true}
      %add3A_1899 = arith.constant 1 : i32
      %add3A_1900 = arith.addi %add3A_1761, %add3A_1899 : i32
      %sub3A_1901 = arith.constant 2 : i32
      %sub3A_1902 = arith.subi %add3A_1900, %sub3A_1901 : i32
      %dma_wait3A_1903 = arith.constant 1 : i32
      %dma_wait3A_1904 = arith.constant 1 : i32
      %dma_wait3A_1905 = arith.constant 1 : i32
      %dma_wait3A_1906 = arith.constant 0 : i32
      %dma_wait3A_1907 = arith.constant 0 : i32
      %dma_wait3A_1908 = tpu.memref_slice %arg9[%dma_wait3A_1903, %dma_wait3A_1906, %dma_wait3A_1907] : memref<4x80x128xf32, #tpu.memory_space<vmem>> -> memref<1x80x128xf32, #tpu.memory_space<vmem>>
      %dma_wait3A_1909 = tpu.memref_squeeze %dma_wait3A_1908 : memref<1x80x128xf32, #tpu.memory_space<vmem>> -> memref<80x128xf32, #tpu.memory_space<vmem>>
      %dma_wait3A_1910 = arith.constant 0 : i32
      %dma_wait3A_1911 = tpu.memref_slice %arg8[%dma_wait3A_1904, %dma_wait3A_1910] : memref<8x80xi32, #tpu.memory_space<vmem>> -> memref<1x80xi32, #tpu.memory_space<vmem>>
      %dma_wait3A_1912 = tpu.memref_squeeze %dma_wait3A_1911 : memref<1x80xi32, #tpu.memory_space<vmem>> -> memref<80xi32, #tpu.memory_space<vmem>>
      %dma_wait3A_1913 = arith.constant 0 : i32
      %dma_wait3A_1914 = arith.constant 0 : i32
      %dma_wait3A_1915 = tpu.memref_slice %arg6[%dma_wait3A_1913, %dma_wait3A_1914] : memref<10240x128xf32, #tpu.memory_space<vmem_shared>> -> memref<10240x128xf32, #tpu.memory_space<vmem_shared>>
      %dma_wait3A_1916 = tpu.memref_slice %arg11[%dma_wait3A_1905] : memref<4x!tpu.dma_semaphore, #tpu.memory_space<semaphore_mem>> -> memref<1x!tpu.dma_semaphore, #tpu.memory_space<semaphore_mem>>
      %dma_wait3A_1917 = tpu.memref_squeeze %dma_wait3A_1916 : memref<1x!tpu.dma_semaphore, #tpu.memory_space<semaphore_mem>> -> memref<!tpu.dma_semaphore, #tpu.memory_space<semaphore_mem>>
      tpu.wait_indirect_dma semaphore(%dma_wait3A_1917 : memref<!tpu.dma_semaphore, #tpu.memory_space<semaphore_mem>>) src(%dma_wait3A_1909 : memref<80x128xf32, #tpu.memory_space<vmem>>) dst(%dma_wait3A_1915 : memref<10240x128xf32, #tpu.memory_space<vmem_shared>>)
      %add3A_1918 = arith.constant 2 : i32
      %add3A_1919 = arith.addi %add3A_1900, %add3A_1918 : i32
      %add3A_1920 = arith.addi %mul3A_2, %add3A_1919 : i32
      %dma_wait3A_1921 = arith.constant 5 : i32
      %dma_wait3A_1922 = arith.constant 5 : i32
      %dma_wait3A_1923 = arith.constant 0 : i32
      %dma_wait3A_1924 = tpu.memref_slice %arg7[%dma_wait3A_1921, %dma_wait3A_1923] : memref<8x80xi32, #tpu.memory_space<vmem>> -> memref<1x80xi32, #tpu.memory_space<vmem>>
      %dma_wait3A_1925 = tpu.memref_squeeze %dma_wait3A_1924 : memref<1x80xi32, #tpu.memory_space<vmem>> -> memref<80xi32, #tpu.memory_space<vmem>>
      %dma_wait3A_1926 = arith.constant 0 : i32
      %dma_wait3A_1927 = tpu.memref_slice %arg3[%add3A_1920, %dma_wait3A_1926] : memref<4000x80xi32, #tpu.memory_space<hbm>> -> memref<1x80xi32, #tpu.memory_space<hbm>>
      %dma_wait3A_1928 = tpu.memref_squeeze %dma_wait3A_1927 : memref<1x80xi32, #tpu.memory_space<hbm>> -> memref<80xi32, #tpu.memory_space<hbm>>
      %dma_wait3A_1929 = tpu.memref_slice %arg12[%dma_wait3A_1922] : memref<8x!tpu.dma_semaphore, #tpu.memory_space<semaphore_mem>> -> memref<1x!tpu.dma_semaphore, #tpu.memory_space<semaphore_mem>>
      %dma_wait3A_1930 = tpu.memref_squeeze %dma_wait3A_1929 : memref<1x!tpu.dma_semaphore, #tpu.memory_space<semaphore_mem>> -> memref<!tpu.dma_semaphore, #tpu.memory_space<semaphore_mem>>
      %dma_wait3A_1931 = arith.constant 0 : i32
      %dma_wait3A_1932 = tpu.memref_slice %arg7[%dma_wait3A_1921, %dma_wait3A_1931] : memref<8x80xi32, #tpu.memory_space<vmem>> -> memref<1x80xi32, #tpu.memory_space<vmem>>
      %dma_wait3A_1933 = tpu.memref_squeeze %dma_wait3A_1932 : memref<1x80xi32, #tpu.memory_space<vmem>> -> memref<80xi32, #tpu.memory_space<vmem>>
      %dma_wait3A_1934 = arith.constant 0 : i32
      %dma_wait3A_1935 = tpu.memref_slice %arg3[%add3A_1920, %dma_wait3A_1934] : memref<4000x80xi32, #tpu.memory_space<hbm>> -> memref<1x80xi32, #tpu.memory_space<hbm>>
      %dma_wait3A_1936 = tpu.memref_squeeze %dma_wait3A_1935 : memref<1x80xi32, #tpu.memory_space<hbm>> -> memref<80xi32, #tpu.memory_space<hbm>>
      tpu.wait_dma2 semaphore(%dma_wait3A_1930 : memref<!tpu.dma_semaphore, #tpu.memory_space<semaphore_mem>>) src(%dma_wait3A_1936 : memref<80xi32, #tpu.memory_space<hbm>>) dst(%dma_wait3A_1933 : memref<80xi32, #tpu.memory_space<vmem>>)
      %add3A_1937 = arith.addi %mul3A_2, %add3A_1919 : i32
      %dma_wait3A_1938 = arith.constant 5 : i32
      %dma_wait3A_1939 = arith.constant 5 : i32
      %dma_wait3A_1940 = arith.constant 0 : i32
      %dma_wait3A_1941 = tpu.memref_slice %arg8[%dma_wait3A_1938, %dma_wait3A_1940] : memref<8x80xi32, #tpu.memory_space<vmem>> -> memref<1x80xi32, #tpu.memory_space<vmem>>
      %dma_wait3A_1942 = tpu.memref_squeeze %dma_wait3A_1941 : memref<1x80xi32, #tpu.memory_space<vmem>> -> memref<80xi32, #tpu.memory_space<vmem>>
      %dma_wait3A_1943 = arith.constant 0 : i32
      %dma_wait3A_1944 = tpu.memref_slice %arg4[%add3A_1937, %dma_wait3A_1943] : memref<4000x80xi32, #tpu.memory_space<hbm>> -> memref<1x80xi32, #tpu.memory_space<hbm>>
      %dma_wait3A_1945 = tpu.memref_squeeze %dma_wait3A_1944 : memref<1x80xi32, #tpu.memory_space<hbm>> -> memref<80xi32, #tpu.memory_space<hbm>>
      %dma_wait3A_1946 = tpu.memref_slice %arg12[%dma_wait3A_1939] : memref<8x!tpu.dma_semaphore, #tpu.memory_space<semaphore_mem>> -> memref<1x!tpu.dma_semaphore, #tpu.memory_space<semaphore_mem>>
      %dma_wait3A_1947 = tpu.memref_squeeze %dma_wait3A_1946 : memref<1x!tpu.dma_semaphore, #tpu.memory_space<semaphore_mem>> -> memref<!tpu.dma_semaphore, #tpu.memory_space<semaphore_mem>>
      %dma_wait3A_1948 = arith.constant 0 : i32
      %dma_wait3A_1949 = tpu.memref_slice %arg8[%dma_wait3A_1938, %dma_wait3A_1948] : memref<8x80xi32, #tpu.memory_space<vmem>> -> memref<1x80xi32, #tpu.memory_space<vmem>>
      %dma_wait3A_1950 = tpu.memref_squeeze %dma_wait3A_1949 : memref<1x80xi32, #tpu.memory_space<vmem>> -> memref<80xi32, #tpu.memory_space<vmem>>
      %dma_wait3A_1951 = arith.constant 0 : i32
      %dma_wait3A_1952 = tpu.memref_slice %arg4[%add3A_1937, %dma_wait3A_1951] : memref<4000x80xi32, #tpu.memory_space<hbm>> -> memref<1x80xi32, #tpu.memory_space<hbm>>
      %dma_wait3A_1953 = tpu.memref_squeeze %dma_wait3A_1952 : memref<1x80xi32, #tpu.memory_space<hbm>> -> memref<80xi32, #tpu.memory_space<hbm>>
      tpu.wait_dma2 semaphore(%dma_wait3A_1947 : memref<!tpu.dma_semaphore, #tpu.memory_space<semaphore_mem>>) src(%dma_wait3A_1953 : memref<80xi32, #tpu.memory_space<hbm>>) dst(%dma_wait3A_1950 : memref<80xi32, #tpu.memory_space<vmem>>)
      %add3A_1954 = arith.constant 2 : i32
      %add3A_1955 = arith.addi %add3A_1900, %add3A_1954 : i32
      %dma_start3A_1956 = arith.constant 5 : i32
      %dma_start3A_1957 = arith.constant 1 : i32
      %dma_start3A_1958 = arith.constant 1 : i32
      %dma_start3A_1959 = arith.constant 0 : i32
      %dma_start3A_1960 = arith.constant 0 : i32
      %dma_start3A_1961 = tpu.memref_slice %arg9[%dma_start3A_1957, %dma_start3A_1959, %dma_start3A_1960] : memref<4x80x128xf32, #tpu.memory_space<vmem>> -> memref<1x80x128xf32, #tpu.memory_space<vmem>>
      %dma_start3A_1962 = tpu.memref_squeeze %dma_start3A_1961 : memref<1x80x128xf32, #tpu.memory_space<vmem>> -> memref<80x128xf32, #tpu.memory_space<vmem>>
      %dma_start3A_1963 = arith.constant 0 : i32
      %dma_start3A_1964 = tpu.memref_slice %arg7[%dma_start3A_1956, %dma_start3A_1963] : memref<8x80xi32, #tpu.memory_space<vmem>> -> memref<1x80xi32, #tpu.memory_space<vmem>>
      %dma_start3A_1965 = tpu.memref_squeeze %dma_start3A_1964 : memref<1x80xi32, #tpu.memory_space<vmem>> -> memref<80xi32, #tpu.memory_space<vmem>>
      %dma_start3A_1966 = arith.constant 0 : i32
      %dma_start3A_1967 = arith.constant 0 : i32
      %dma_start3A_1968 = tpu.memref_slice %arg2[%dma_start3A_1966, %dma_start3A_1967] : memref<10000x128xf32, #tpu.memory_space<hbm>> -> memref<10000x128xf32, #tpu.memory_space<hbm>>
      %dma_start3A_1969 = tpu.memref_slice %arg10[%dma_start3A_1958] : memref<4x!tpu.dma_semaphore, #tpu.memory_space<semaphore_mem>> -> memref<1x!tpu.dma_semaphore, #tpu.memory_space<semaphore_mem>>
      %dma_start3A_1970 = tpu.memref_squeeze %dma_start3A_1969 : memref<1x!tpu.dma_semaphore, #tpu.memory_space<semaphore_mem>> -> memref<!tpu.dma_semaphore, #tpu.memory_space<semaphore_mem>>
      tpu.enqueue_indirect_dma source(%dma_start3A_1968 : memref<10000x128xf32, #tpu.memory_space<hbm>>) target(%dma_start3A_1962 : memref<80x128xf32, #tpu.memory_space<vmem>>) offsets(%dma_start3A_1965 : memref<80xi32, #tpu.memory_space<vmem>>) semaphore(%dma_start3A_1970 : memref<!tpu.dma_semaphore, #tpu.memory_space<semaphore_mem>>)
      %add3A_1971 = arith.constant 6 : i32
      %add3A_1972 = arith.addi %add3A_1900, %add3A_1971 : i32
      %add3A_1973 = arith.addi %mul3A_2, %add3A_1972 : i32
      %dma_start3A_1974 = arith.constant 1 : i32
      %dma_start3A_1975 = arith.constant 1 : i32
      %dma_start3A_1976 = arith.constant 0 : i32
      %dma_start3A_1977 = tpu.memref_slice %arg7[%dma_start3A_1974, %dma_start3A_1976] : memref<8x80xi32, #tpu.memory_space<vmem>> -> memref<1x80xi32, #tpu.memory_space<vmem>>
      %dma_start3A_1978 = tpu.memref_squeeze %dma_start3A_1977 : memref<1x80xi32, #tpu.memory_space<vmem>> -> memref<80xi32, #tpu.memory_space<vmem>>
      %dma_start3A_1979 = arith.constant 0 : i32
      %dma_start3A_1980 = tpu.memref_slice %arg3[%add3A_1973, %dma_start3A_1979] : memref<4000x80xi32, #tpu.memory_space<hbm>> -> memref<1x80xi32, #tpu.memory_space<hbm>>
      %dma_start3A_1981 = tpu.memref_squeeze %dma_start3A_1980 : memref<1x80xi32, #tpu.memory_space<hbm>> -> memref<80xi32, #tpu.memory_space<hbm>>
      %dma_start3A_1982 = tpu.memref_slice %arg12[%dma_start3A_1975] : memref<8x!tpu.dma_semaphore, #tpu.memory_space<semaphore_mem>> -> memref<1x!tpu.dma_semaphore, #tpu.memory_space<semaphore_mem>>
      %dma_start3A_1983 = tpu.memref_squeeze %dma_start3A_1982 : memref<1x!tpu.dma_semaphore, #tpu.memory_space<semaphore_mem>> -> memref<!tpu.dma_semaphore, #tpu.memory_space<semaphore_mem>>
      %dma_start3A_1984 = arith.constant 0 : i32
      %dma_start3A_1985 = tpu.memref_slice %arg7[%dma_start3A_1974, %dma_start3A_1984] : memref<8x80xi32, #tpu.memory_space<vmem>> -> memref<1x80xi32, #tpu.memory_space<vmem>>
      %dma_start3A_1986 = tpu.memref_squeeze %dma_start3A_1985 : memref<1x80xi32, #tpu.memory_space<vmem>> -> memref<80xi32, #tpu.memory_space<vmem>>
      %dma_start3A_1987 = arith.constant 0 : i32
      %dma_start3A_1988 = tpu.memref_slice %arg3[%add3A_1973, %dma_start3A_1987] : memref<4000x80xi32, #tpu.memory_space<hbm>> -> memref<1x80xi32, #tpu.memory_space<hbm>>
      %dma_start3A_1989 = tpu.memref_squeeze %dma_start3A_1988 : memref<1x80xi32, #tpu.memory_space<hbm>> -> memref<80xi32, #tpu.memory_space<hbm>>
      tpu.enqueue_dma source(%dma_start3A_1989 : memref<80xi32, #tpu.memory_space<hbm>>) target(%dma_start3A_1986 : memref<80xi32, #tpu.memory_space<vmem>>) target_semaphore(%dma_start3A_1983 : memref<!tpu.dma_semaphore, #tpu.memory_space<semaphore_mem>>)
      %add3A_1990 = arith.addi %mul3A_2, %add3A_1972 : i32
      %dma_start3A_1991 = arith.constant 1 : i32
      %dma_start3A_1992 = arith.constant 1 : i32
      %dma_start3A_1993 = arith.constant 0 : i32
      %dma_start3A_1994 = tpu.memref_slice %arg8[%dma_start3A_1991, %dma_start3A_1993] : memref<8x80xi32, #tpu.memory_space<vmem>> -> memref<1x80xi32, #tpu.memory_space<vmem>>
      %dma_start3A_1995 = tpu.memref_squeeze %dma_start3A_1994 : memref<1x80xi32, #tpu.memory_space<vmem>> -> memref<80xi32, #tpu.memory_space<vmem>>
      %dma_start3A_1996 = arith.constant 0 : i32
      %dma_start3A_1997 = tpu.memref_slice %arg4[%add3A_1990, %dma_start3A_1996] : memref<4000x80xi32, #tpu.memory_space<hbm>> -> memref<1x80xi32, #tpu.memory_space<hbm>>
      %dma_start3A_1998 = tpu.memref_squeeze %dma_start3A_1997 : memref<1x80xi32, #tpu.memory_space<hbm>> -> memref<80xi32, #tpu.memory_space<hbm>>
      %dma_start3A_1999 = tpu.memref_slice %arg12[%dma_start3A_1992] : memref<8x!tpu.dma_semaphore, #tpu.memory_space<semaphore_mem>> -> memref<1x!tpu.dma_semaphore, #tpu.memory_space<semaphore_mem>>
      %dma_start3A_2000 = tpu.memref_squeeze %dma_start3A_1999 : memref<1x!tpu.dma_semaphore, #tpu.memory_space<semaphore_mem>> -> memref<!tpu.dma_semaphore, #tpu.memory_space<semaphore_mem>>
      %dma_start3A_2001 = arith.constant 0 : i32
      %dma_start3A_2002 = tpu.memref_slice %arg8[%dma_start3A_1991, %dma_start3A_2001] : memref<8x80xi32, #tpu.memory_space<vmem>> -> memref<1x80xi32, #tpu.memory_space<vmem>>
      %dma_start3A_2003 = tpu.memref_squeeze %dma_start3A_2002 : memref<1x80xi32, #tpu.memory_space<vmem>> -> memref<80xi32, #tpu.memory_space<vmem>>
      %dma_start3A_2004 = arith.constant 0 : i32
      %dma_start3A_2005 = tpu.memref_slice %arg4[%add3A_1990, %dma_start3A_2004] : memref<4000x80xi32, #tpu.memory_space<hbm>> -> memref<1x80xi32, #tpu.memory_space<hbm>>
      %dma_start3A_2006 = tpu.memref_squeeze %dma_start3A_2005 : memref<1x80xi32, #tpu.memory_space<hbm>> -> memref<80xi32, #tpu.memory_space<hbm>>
      tpu.enqueue_dma source(%dma_start3A_2006 : memref<80xi32, #tpu.memory_space<hbm>>) target(%dma_start3A_2003 : memref<80xi32, #tpu.memory_space<vmem>>) target_semaphore(%dma_start3A_2000 : memref<!tpu.dma_semaphore, #tpu.memory_space<semaphore_mem>>)
      %dma_wait3A_2007 = arith.constant 3 : i32
      %dma_wait3A_2008 = arith.constant 3 : i32
      %dma_wait3A_2009 = arith.constant 3 : i32
      %dma_wait3A_2010 = arith.constant 0 : i32
      %dma_wait3A_2011 = arith.constant 0 : i32
      %dma_wait3A_2012 = tpu.memref_slice %arg9[%dma_wait3A_2008, %dma_wait3A_2010, %dma_wait3A_2011] : memref<4x80x128xf32, #tpu.memory_space<vmem>> -> memref<1x80x128xf32, #tpu.memory_space<vmem>>
      %dma_wait3A_2013 = tpu.memref_squeeze %dma_wait3A_2012 : memref<1x80x128xf32, #tpu.memory_space<vmem>> -> memref<80x128xf32, #tpu.memory_space<vmem>>
      %dma_wait3A_2014 = arith.constant 0 : i32
      %dma_wait3A_2015 = tpu.memref_slice %arg7[%dma_wait3A_2007, %dma_wait3A_2014] : memref<8x80xi32, #tpu.memory_space<vmem>> -> memref<1x80xi32, #tpu.memory_space<vmem>>
      %dma_wait3A_2016 = tpu.memref_squeeze %dma_wait3A_2015 : memref<1x80xi32, #tpu.memory_space<vmem>> -> memref<80xi32, #tpu.memory_space<vmem>>
      %dma_wait3A_2017 = arith.constant 0 : i32
      %dma_wait3A_2018 = arith.constant 0 : i32
      %dma_wait3A_2019 = tpu.memref_slice %arg2[%dma_wait3A_2017, %dma_wait3A_2018] : memref<10000x128xf32, #tpu.memory_space<hbm>> -> memref<10000x128xf32, #tpu.memory_space<hbm>>
      %dma_wait3A_2020 = tpu.memref_slice %arg10[%dma_wait3A_2009] : memref<4x!tpu.dma_semaphore, #tpu.memory_space<semaphore_mem>> -> memref<1x!tpu.dma_semaphore, #tpu.memory_space<semaphore_mem>>
      %dma_wait3A_2021 = tpu.memref_squeeze %dma_wait3A_2020 : memref<1x!tpu.dma_semaphore, #tpu.memory_space<semaphore_mem>> -> memref<!tpu.dma_semaphore, #tpu.memory_space<semaphore_mem>>
      tpu.wait_indirect_dma semaphore(%dma_wait3A_2021 : memref<!tpu.dma_semaphore, #tpu.memory_space<semaphore_mem>>) src(%dma_wait3A_2019 : memref<10000x128xf32, #tpu.memory_space<hbm>>) dst(%dma_wait3A_2013 : memref<80x128xf32, #tpu.memory_space<vmem>>)
      %dma_start3A_2022 = arith.constant 3 : i32
      %dma_start3A_2023 = arith.constant 3 : i32
      %dma_start3A_2024 = arith.constant 3 : i32
      %dma_start3A_2025 = arith.constant 0 : i32
      %dma_start3A_2026 = arith.constant 0 : i32
      %dma_start3A_2027 = tpu.memref_slice %arg9[%dma_start3A_2022, %dma_start3A_2025, %dma_start3A_2026] : memref<4x80x128xf32, #tpu.memory_space<vmem>> -> memref<1x80x128xf32, #tpu.memory_space<vmem>>
      %dma_start3A_2028 = tpu.memref_squeeze %dma_start3A_2027 : memref<1x80x128xf32, #tpu.memory_space<vmem>> -> memref<80x128xf32, #tpu.memory_space<vmem>>
      %dma_start3A_2029 = arith.constant 0 : i32
      %dma_start3A_2030 = tpu.memref_slice %arg8[%dma_start3A_2023, %dma_start3A_2029] : memref<8x80xi32, #tpu.memory_space<vmem>> -> memref<1x80xi32, #tpu.memory_space<vmem>>
      %dma_start3A_2031 = tpu.memref_squeeze %dma_start3A_2030 : memref<1x80xi32, #tpu.memory_space<vmem>> -> memref<80xi32, #tpu.memory_space<vmem>>
      %dma_start3A_2032 = arith.constant 0 : i32
      %dma_start3A_2033 = arith.constant 0 : i32
      %dma_start3A_2034 = tpu.memref_slice %arg6[%dma_start3A_2032, %dma_start3A_2033] : memref<10240x128xf32, #tpu.memory_space<vmem_shared>> -> memref<10240x128xf32, #tpu.memory_space<vmem_shared>>
      %dma_start3A_2035 = tpu.memref_slice %arg11[%dma_start3A_2024] : memref<4x!tpu.dma_semaphore, #tpu.memory_space<semaphore_mem>> -> memref<1x!tpu.dma_semaphore, #tpu.memory_space<semaphore_mem>>
      %dma_start3A_2036 = tpu.memref_squeeze %dma_start3A_2035 : memref<1x!tpu.dma_semaphore, #tpu.memory_space<semaphore_mem>> -> memref<!tpu.dma_semaphore, #tpu.memory_space<semaphore_mem>>
      tpu.enqueue_indirect_dma source(%dma_start3A_2028 : memref<80x128xf32, #tpu.memory_space<vmem>>) target(%dma_start3A_2034 : memref<10240x128xf32, #tpu.memory_space<vmem_shared>>) offsets(%dma_start3A_2031 : memref<80xi32, #tpu.memory_space<vmem>>) semaphore(%dma_start3A_2036 : memref<!tpu.dma_semaphore, #tpu.memory_space<semaphore_mem>>) {add = true}
      %add3A_2037 = arith.constant 2 : i32
      %add3A_2038 = arith.addi %add3A_1761, %add3A_2037 : i32
      %sub3A_2039 = arith.constant 2 : i32
      %sub3A_2040 = arith.subi %add3A_2038, %sub3A_2039 : i32
      %dma_wait3A_2041 = arith.constant 2 : i32
      %dma_wait3A_2042 = arith.constant 2 : i32
      %dma_wait3A_2043 = arith.constant 2 : i32
      %dma_wait3A_2044 = arith.constant 0 : i32
      %dma_wait3A_2045 = arith.constant 0 : i32
      %dma_wait3A_2046 = tpu.memref_slice %arg9[%dma_wait3A_2041, %dma_wait3A_2044, %dma_wait3A_2045] : memref<4x80x128xf32, #tpu.memory_space<vmem>> -> memref<1x80x128xf32, #tpu.memory_space<vmem>>
      %dma_wait3A_2047 = tpu.memref_squeeze %dma_wait3A_2046 : memref<1x80x128xf32, #tpu.memory_space<vmem>> -> memref<80x128xf32, #tpu.memory_space<vmem>>
      %dma_wait3A_2048 = arith.constant 0 : i32
      %dma_wait3A_2049 = tpu.memref_slice %arg8[%dma_wait3A_2042, %dma_wait3A_2048] : memref<8x80xi32, #tpu.memory_space<vmem>> -> memref<1x80xi32, #tpu.memory_space<vmem>>
      %dma_wait3A_2050 = tpu.memref_squeeze %dma_wait3A_2049 : memref<1x80xi32, #tpu.memory_space<vmem>> -> memref<80xi32, #tpu.memory_space<vmem>>
      %dma_wait3A_2051 = arith.constant 0 : i32
      %dma_wait3A_2052 = arith.constant 0 : i32
      %dma_wait3A_2053 = tpu.memref_slice %arg6[%dma_wait3A_2051, %dma_wait3A_2052] : memref<10240x128xf32, #tpu.memory_space<vmem_shared>> -> memref<10240x128xf32, #tpu.memory_space<vmem_shared>>
      %dma_wait3A_2054 = tpu.memref_slice %arg11[%dma_wait3A_2043] : memref<4x!tpu.dma_semaphore, #tpu.memory_space<semaphore_mem>> -> memref<1x!tpu.dma_semaphore, #tpu.memory_space<semaphore_mem>>
      %dma_wait3A_2055 = tpu.memref_squeeze %dma_wait3A_2054 : memref<1x!tpu.dma_semaphore, #tpu.memory_space<semaphore_mem>> -> memref<!tpu.dma_semaphore, #tpu.memory_space<semaphore_mem>>
      tpu.wait_indirect_dma semaphore(%dma_wait3A_2055 : memref<!tpu.dma_semaphore, #tpu.memory_space<semaphore_mem>>) src(%dma_wait3A_2047 : memref<80x128xf32, #tpu.memory_space<vmem>>) dst(%dma_wait3A_2053 : memref<10240x128xf32, #tpu.memory_space<vmem_shared>>)
      %add3A_2056 = arith.constant 2 : i32
      %add3A_2057 = arith.addi %add3A_2038, %add3A_2056 : i32
      %add3A_2058 = arith.addi %mul3A_2, %add3A_2057 : i32
      %dma_wait3A_2059 = arith.constant 6 : i32
      %dma_wait3A_2060 = arith.constant 6 : i32
      %dma_wait3A_2061 = arith.constant 0 : i32
      %dma_wait3A_2062 = tpu.memref_slice %arg7[%dma_wait3A_2059, %dma_wait3A_2061] : memref<8x80xi32, #tpu.memory_space<vmem>> -> memref<1x80xi32, #tpu.memory_space<vmem>>
      %dma_wait3A_2063 = tpu.memref_squeeze %dma_wait3A_2062 : memref<1x80xi32, #tpu.memory_space<vmem>> -> memref<80xi32, #tpu.memory_space<vmem>>
      %dma_wait3A_2064 = arith.constant 0 : i32
      %dma_wait3A_2065 = tpu.memref_slice %arg3[%add3A_2058, %dma_wait3A_2064] : memref<4000x80xi32, #tpu.memory_space<hbm>> -> memref<1x80xi32, #tpu.memory_space<hbm>>
      %dma_wait3A_2066 = tpu.memref_squeeze %dma_wait3A_2065 : memref<1x80xi32, #tpu.memory_space<hbm>> -> memref<80xi32, #tpu.memory_space<hbm>>
      %dma_wait3A_2067 = tpu.memref_slice %arg12[%dma_wait3A_2060] : memref<8x!tpu.dma_semaphore, #tpu.memory_space<semaphore_mem>> -> memref<1x!tpu.dma_semaphore, #tpu.memory_space<semaphore_mem>>
      %dma_wait3A_2068 = tpu.memref_squeeze %dma_wait3A_2067 : memref<1x!tpu.dma_semaphore, #tpu.memory_space<semaphore_mem>> -> memref<!tpu.dma_semaphore, #tpu.memory_space<semaphore_mem>>
      %dma_wait3A_2069 = arith.constant 0 : i32
      %dma_wait3A_2070 = tpu.memref_slice %arg7[%dma_wait3A_2059, %dma_wait3A_2069] : memref<8x80xi32, #tpu.memory_space<vmem>> -> memref<1x80xi32, #tpu.memory_space<vmem>>
      %dma_wait3A_2071 = tpu.memref_squeeze %dma_wait3A_2070 : memref<1x80xi32, #tpu.memory_space<vmem>> -> memref<80xi32, #tpu.memory_space<vmem>>
      %dma_wait3A_2072 = arith.constant 0 : i32
      %dma_wait3A_2073 = tpu.memref_slice %arg3[%add3A_2058, %dma_wait3A_2072] : memref<4000x80xi32, #tpu.memory_space<hbm>> -> memref<1x80xi32, #tpu.memory_space<hbm>>
      %dma_wait3A_2074 = tpu.memref_squeeze %dma_wait3A_2073 : memref<1x80xi32, #tpu.memory_space<hbm>> -> memref<80xi32, #tpu.memory_space<hbm>>
      tpu.wait_dma2 semaphore(%dma_wait3A_2068 : memref<!tpu.dma_semaphore, #tpu.memory_space<semaphore_mem>>) src(%dma_wait3A_2074 : memref<80xi32, #tpu.memory_space<hbm>>) dst(%dma_wait3A_2071 : memref<80xi32, #tpu.memory_space<vmem>>)
      %add3A_2075 = arith.addi %mul3A_2, %add3A_2057 : i32
      %dma_wait3A_2076 = arith.constant 6 : i32
      %dma_wait3A_2077 = arith.constant 6 : i32
      %dma_wait3A_2078 = arith.constant 0 : i32
      %dma_wait3A_2079 = tpu.memref_slice %arg8[%dma_wait3A_2076, %dma_wait3A_2078] : memref<8x80xi32, #tpu.memory_space<vmem>> -> memref<1x80xi32, #tpu.memory_space<vmem>>
      %dma_wait3A_2080 = tpu.memref_squeeze %dma_wait3A_2079 : memref<1x80xi32, #tpu.memory_space<vmem>> -> memref<80xi32, #tpu.memory_space<vmem>>
      %dma_wait3A_2081 = arith.constant 0 : i32
      %dma_wait3A_2082 = tpu.memref_slice %arg4[%add3A_2075, %dma_wait3A_2081] : memref<4000x80xi32, #tpu.memory_space<hbm>> -> memref<1x80xi32, #tpu.memory_space<hbm>>
      %dma_wait3A_2083 = tpu.memref_squeeze %dma_wait3A_2082 : memref<1x80xi32, #tpu.memory_space<hbm>> -> memref<80xi32, #tpu.memory_space<hbm>>
      %dma_wait3A_2084 = tpu.memref_slice %arg12[%dma_wait3A_2077] : memref<8x!tpu.dma_semaphore, #tpu.memory_space<semaphore_mem>> -> memref<1x!tpu.dma_semaphore, #tpu.memory_space<semaphore_mem>>
      %dma_wait3A_2085 = tpu.memref_squeeze %dma_wait3A_2084 : memref<1x!tpu.dma_semaphore, #tpu.memory_space<semaphore_mem>> -> memref<!tpu.dma_semaphore, #tpu.memory_space<semaphore_mem>>
      %dma_wait3A_2086 = arith.constant 0 : i32
      %dma_wait3A_2087 = tpu.memref_slice %arg8[%dma_wait3A_2076, %dma_wait3A_2086] : memref<8x80xi32, #tpu.memory_space<vmem>> -> memref<1x80xi32, #tpu.memory_space<vmem>>
      %dma_wait3A_2088 = tpu.memref_squeeze %dma_wait3A_2087 : memref<1x80xi32, #tpu.memory_space<vmem>> -> memref<80xi32, #tpu.memory_space<vmem>>
      %dma_wait3A_2089 = arith.constant 0 : i32
      %dma_wait3A_2090 = tpu.memref_slice %arg4[%add3A_2075, %dma_wait3A_2089] : memref<4000x80xi32, #tpu.memory_space<hbm>> -> memref<1x80xi32, #tpu.memory_space<hbm>>
      %dma_wait3A_2091 = tpu.memref_squeeze %dma_wait3A_2090 : memref<1x80xi32, #tpu.memory_space<hbm>> -> memref<80xi32, #tpu.memory_space<hbm>>
      tpu.wait_dma2 semaphore(%dma_wait3A_2085 : memref<!tpu.dma_semaphore, #tpu.memory_space<semaphore_mem>>) src(%dma_wait3A_2091 : memref<80xi32, #tpu.memory_space<hbm>>) dst(%dma_wait3A_2088 : memref<80xi32, #tpu.memory_space<vmem>>)
      %add3A_2092 = arith.constant 2 : i32
      %add3A_2093 = arith.addi %add3A_2038, %add3A_2092 : i32
      %dma_start3A_2094 = arith.constant 6 : i32
      %dma_start3A_2095 = arith.constant 2 : i32
      %dma_start3A_2096 = arith.constant 2 : i32
      %dma_start3A_2097 = arith.constant 0 : i32
      %dma_start3A_2098 = arith.constant 0 : i32
      %dma_start3A_2099 = tpu.memref_slice %arg9[%dma_start3A_2095, %dma_start3A_2097, %dma_start3A_2098] : memref<4x80x128xf32, #tpu.memory_space<vmem>> -> memref<1x80x128xf32, #tpu.memory_space<vmem>>
      %dma_start3A_2100 = tpu.memref_squeeze %dma_start3A_2099 : memref<1x80x128xf32, #tpu.memory_space<vmem>> -> memref<80x128xf32, #tpu.memory_space<vmem>>
      %dma_start3A_2101 = arith.constant 0 : i32
      %dma_start3A_2102 = tpu.memref_slice %arg7[%dma_start3A_2094, %dma_start3A_2101] : memref<8x80xi32, #tpu.memory_space<vmem>> -> memref<1x80xi32, #tpu.memory_space<vmem>>
      %dma_start3A_2103 = tpu.memref_squeeze %dma_start3A_2102 : memref<1x80xi32, #tpu.memory_space<vmem>> -> memref<80xi32, #tpu.memory_space<vmem>>
      %dma_start3A_2104 = arith.constant 0 : i32
      %dma_start3A_2105 = arith.constant 0 : i32
      %dma_start3A_2106 = tpu.memref_slice %arg2[%dma_start3A_2104, %dma_start3A_2105] : memref<10000x128xf32, #tpu.memory_space<hbm>> -> memref<10000x128xf32, #tpu.memory_space<hbm>>
      %dma_start3A_2107 = tpu.memref_slice %arg10[%dma_start3A_2096] : memref<4x!tpu.dma_semaphore, #tpu.memory_space<semaphore_mem>> -> memref<1x!tpu.dma_semaphore, #tpu.memory_space<semaphore_mem>>
      %dma_start3A_2108 = tpu.memref_squeeze %dma_start3A_2107 : memref<1x!tpu.dma_semaphore, #tpu.memory_space<semaphore_mem>> -> memref<!tpu.dma_semaphore, #tpu.memory_space<semaphore_mem>>
      tpu.enqueue_indirect_dma source(%dma_start3A_2106 : memref<10000x128xf32, #tpu.memory_space<hbm>>) target(%dma_start3A_2100 : memref<80x128xf32, #tpu.memory_space<vmem>>) offsets(%dma_start3A_2103 : memref<80xi32, #tpu.memory_space<vmem>>) semaphore(%dma_start3A_2108 : memref<!tpu.dma_semaphore, #tpu.memory_space<semaphore_mem>>)
      %add3A_2109 = arith.constant 6 : i32
      %add3A_2110 = arith.addi %add3A_2038, %add3A_2109 : i32
      %add3A_2111 = arith.addi %mul3A_2, %add3A_2110 : i32
      %dma_start3A_2112 = arith.constant 2 : i32
      %dma_start3A_2113 = arith.constant 2 : i32
      %dma_start3A_2114 = arith.constant 0 : i32
      %dma_start3A_2115 = tpu.memref_slice %arg7[%dma_start3A_2112, %dma_start3A_2114] : memref<8x80xi32, #tpu.memory_space<vmem>> -> memref<1x80xi32, #tpu.memory_space<vmem>>
      %dma_start3A_2116 = tpu.memref_squeeze %dma_start3A_2115 : memref<1x80xi32, #tpu.memory_space<vmem>> -> memref<80xi32, #tpu.memory_space<vmem>>
      %dma_start3A_2117 = arith.constant 0 : i32
      %dma_start3A_2118 = tpu.memref_slice %arg3[%add3A_2111, %dma_start3A_2117] : memref<4000x80xi32, #tpu.memory_space<hbm>> -> memref<1x80xi32, #tpu.memory_space<hbm>>
      %dma_start3A_2119 = tpu.memref_squeeze %dma_start3A_2118 : memref<1x80xi32, #tpu.memory_space<hbm>> -> memref<80xi32, #tpu.memory_space<hbm>>
      %dma_start3A_2120 = tpu.memref_slice %arg12[%dma_start3A_2113] : memref<8x!tpu.dma_semaphore, #tpu.memory_space<semaphore_mem>> -> memref<1x!tpu.dma_semaphore, #tpu.memory_space<semaphore_mem>>
      %dma_start3A_2121 = tpu.memref_squeeze %dma_start3A_2120 : memref<1x!tpu.dma_semaphore, #tpu.memory_space<semaphore_mem>> -> memref<!tpu.dma_semaphore, #tpu.memory_space<semaphore_mem>>
      %dma_start3A_2122 = arith.constant 0 : i32
      %dma_start3A_2123 = tpu.memref_slice %arg7[%dma_start3A_2112, %dma_start3A_2122] : memref<8x80xi32, #tpu.memory_space<vmem>> -> memref<1x80xi32, #tpu.memory_space<vmem>>
      %dma_start3A_2124 = tpu.memref_squeeze %dma_start3A_2123 : memref<1x80xi32, #tpu.memory_space<vmem>> -> memref<80xi32, #tpu.memory_space<vmem>>
      %dma_start3A_2125 = arith.constant 0 : i32
      %dma_start3A_2126 = tpu.memref_slice %arg3[%add3A_2111, %dma_start3A_2125] : memref<4000x80xi32, #tpu.memory_space<hbm>> -> memref<1x80xi32, #tpu.memory_space<hbm>>
      %dma_start3A_2127 = tpu.memref_squeeze %dma_start3A_2126 : memref<1x80xi32, #tpu.memory_space<hbm>> -> memref<80xi32, #tpu.memory_space<hbm>>
      tpu.enqueue_dma source(%dma_start3A_2127 : memref<80xi32, #tpu.memory_space<hbm>>) target(%dma_start3A_2124 : memref<80xi32, #tpu.memory_space<vmem>>) target_semaphore(%dma_start3A_2121 : memref<!tpu.dma_semaphore, #tpu.memory_space<semaphore_mem>>)
      %add3A_2128 = arith.addi %mul3A_2, %add3A_2110 : i32
      %dma_start3A_2129 = arith.constant 2 : i32
      %dma_start3A_2130 = arith.constant 2 : i32
      %dma_start3A_2131 = arith.constant 0 : i32
      %dma_start3A_2132 = tpu.memref_slice %arg8[%dma_start3A_2129, %dma_start3A_2131] : memref<8x80xi32, #tpu.memory_space<vmem>> -> memref<1x80xi32, #tpu.memory_space<vmem>>
      %dma_start3A_2133 = tpu.memref_squeeze %dma_start3A_2132 : memref<1x80xi32, #tpu.memory_space<vmem>> -> memref<80xi32, #tpu.memory_space<vmem>>
      %dma_start3A_2134 = arith.constant 0 : i32
      %dma_start3A_2135 = tpu.memref_slice %arg4[%add3A_2128, %dma_start3A_2134] : memref<4000x80xi32, #tpu.memory_space<hbm>> -> memref<1x80xi32, #tpu.memory_space<hbm>>
      %dma_start3A_2136 = tpu.memref_squeeze %dma_start3A_2135 : memref<1x80xi32, #tpu.memory_space<hbm>> -> memref<80xi32, #tpu.memory_space<hbm>>
      %dma_start3A_2137 = tpu.memref_slice %arg12[%dma_start3A_2130] : memref<8x!tpu.dma_semaphore, #tpu.memory_space<semaphore_mem>> -> memref<1x!tpu.dma_semaphore, #tpu.memory_space<semaphore_mem>>
      %dma_start3A_2138 = tpu.memref_squeeze %dma_start3A_2137 : memref<1x!tpu.dma_semaphore, #tpu.memory_space<semaphore_mem>> -> memref<!tpu.dma_semaphore, #tpu.memory_space<semaphore_mem>>
      %dma_start3A_2139 = arith.constant 0 : i32
      %dma_start3A_2140 = tpu.memref_slice %arg8[%dma_start3A_2129, %dma_start3A_2139] : memref<8x80xi32, #tpu.memory_space<vmem>> -> memref<1x80xi32, #tpu.memory_space<vmem>>
      %dma_start3A_2141 = tpu.memref_squeeze %dma_start3A_2140 : memref<1x80xi32, #tpu.memory_space<vmem>> -> memref<80xi32, #tpu.memory_space<vmem>>
      %dma_start3A_2142 = arith.constant 0 : i32
      %dma_start3A_2143 = tpu.memref_slice %arg4[%add3A_2128, %dma_start3A_2142] : memref<4000x80xi32, #tpu.memory_space<hbm>> -> memref<1x80xi32, #tpu.memory_space<hbm>>
      %dma_start3A_2144 = tpu.memref_squeeze %dma_start3A_2143 : memref<1x80xi32, #tpu.memory_space<hbm>> -> memref<80xi32, #tpu.memory_space<hbm>>
      tpu.enqueue_dma source(%dma_start3A_2144 : memref<80xi32, #tpu.memory_space<hbm>>) target(%dma_start3A_2141 : memref<80xi32, #tpu.memory_space<vmem>>) target_semaphore(%dma_start3A_2138 : memref<!tpu.dma_semaphore, #tpu.memory_space<semaphore_mem>>)
      %dma_wait3A_2145 = arith.constant 4 : i32
      %dma_wait3A_2146 = arith.constant 0 : i32
      %dma_wait3A_2147 = arith.constant 0 : i32
      %dma_wait3A_2148 = arith.constant 0 : i32
      %dma_wait3A_2149 = arith.constant 0 : i32
      %dma_wait3A_2150 = tpu.memref_slice %arg9[%dma_wait3A_2146, %dma_wait3A_2148, %dma_wait3A_2149] : memref<4x80x128xf32, #tpu.memory_space<vmem>> -> memref<1x80x128xf32, #tpu.memory_space<vmem>>
      %dma_wait3A_2151 = tpu.memref_squeeze %dma_wait3A_2150 : memref<1x80x128xf32, #tpu.memory_space<vmem>> -> memref<80x128xf32, #tpu.memory_space<vmem>>
      %dma_wait3A_2152 = arith.constant 0 : i32
      %dma_wait3A_2153 = tpu.memref_slice %arg7[%dma_wait3A_2145, %dma_wait3A_2152] : memref<8x80xi32, #tpu.memory_space<vmem>> -> memref<1x80xi32, #tpu.memory_space<vmem>>
      %dma_wait3A_2154 = tpu.memref_squeeze %dma_wait3A_2153 : memref<1x80xi32, #tpu.memory_space<vmem>> -> memref<80xi32, #tpu.memory_space<vmem>>
      %dma_wait3A_2155 = arith.constant 0 : i32
      %dma_wait3A_2156 = arith.constant 0 : i32
      %dma_wait3A_2157 = tpu.memref_slice %arg2[%dma_wait3A_2155, %dma_wait3A_2156] : memref<10000x128xf32, #tpu.memory_space<hbm>> -> memref<10000x128xf32, #tpu.memory_space<hbm>>
      %dma_wait3A_2158 = tpu.memref_slice %arg10[%dma_wait3A_2147] : memref<4x!tpu.dma_semaphore, #tpu.memory_space<semaphore_mem>> -> memref<1x!tpu.dma_semaphore, #tpu.memory_space<semaphore_mem>>
      %dma_wait3A_2159 = tpu.memref_squeeze %dma_wait3A_2158 : memref<1x!tpu.dma_semaphore, #tpu.memory_space<semaphore_mem>> -> memref<!tpu.dma_semaphore, #tpu.memory_space<semaphore_mem>>
      tpu.wait_indirect_dma semaphore(%dma_wait3A_2159 : memref<!tpu.dma_semaphore, #tpu.memory_space<semaphore_mem>>) src(%dma_wait3A_2157 : memref<10000x128xf32, #tpu.memory_space<hbm>>) dst(%dma_wait3A_2151 : memref<80x128xf32, #tpu.memory_space<vmem>>)
      %dma_start3A_2160 = arith.constant 0 : i32
      %dma_start3A_2161 = arith.constant 4 : i32
      %dma_start3A_2162 = arith.constant 0 : i32
      %dma_start3A_2163 = arith.constant 0 : i32
      %dma_start3A_2164 = arith.constant 0 : i32
      %dma_start3A_2165 = tpu.memref_slice %arg9[%dma_start3A_2160, %dma_start3A_2163, %dma_start3A_2164] : memref<4x80x128xf32, #tpu.memory_space<vmem>> -> memref<1x80x128xf32, #tpu.memory_space<vmem>>
      %dma_start3A_2166 = tpu.memref_squeeze %dma_start3A_2165 : memref<1x80x128xf32, #tpu.memory_space<vmem>> -> memref<80x128xf32, #tpu.memory_space<vmem>>
      %dma_start3A_2167 = arith.constant 0 : i32
      %dma_start3A_2168 = tpu.memref_slice %arg8[%dma_start3A_2161, %dma_start3A_2167] : memref<8x80xi32, #tpu.memory_space<vmem>> -> memref<1x80xi32, #tpu.memory_space<vmem>>
      %dma_start3A_2169 = tpu.memref_squeeze %dma_start3A_2168 : memref<1x80xi32, #tpu.memory_space<vmem>> -> memref<80xi32, #tpu.memory_space<vmem>>
      %dma_start3A_2170 = arith.constant 0 : i32
      %dma_start3A_2171 = arith.constant 0 : i32
      %dma_start3A_2172 = tpu.memref_slice %arg6[%dma_start3A_2170, %dma_start3A_2171] : memref<10240x128xf32, #tpu.memory_space<vmem_shared>> -> memref<10240x128xf32, #tpu.memory_space<vmem_shared>>
      %dma_start3A_2173 = tpu.memref_slice %arg11[%dma_start3A_2162] : memref<4x!tpu.dma_semaphore, #tpu.memory_space<semaphore_mem>> -> memref<1x!tpu.dma_semaphore, #tpu.memory_space<semaphore_mem>>
      %dma_start3A_2174 = tpu.memref_squeeze %dma_start3A_2173 : memref<1x!tpu.dma_semaphore, #tpu.memory_space<semaphore_mem>> -> memref<!tpu.dma_semaphore, #tpu.memory_space<semaphore_mem>>
      tpu.enqueue_indirect_dma source(%dma_start3A_2166 : memref<80x128xf32, #tpu.memory_space<vmem>>) target(%dma_start3A_2172 : memref<10240x128xf32, #tpu.memory_space<vmem_shared>>) offsets(%dma_start3A_2169 : memref<80xi32, #tpu.memory_space<vmem>>) semaphore(%dma_start3A_2174 : memref<!tpu.dma_semaphore, #tpu.memory_space<semaphore_mem>>) {add = true}
      %add3A_2175 = arith.constant 3 : i32
      %add3A_2176 = arith.addi %add3A_1761, %add3A_2175 : i32
      %sub3A_2177 = arith.constant 2 : i32
      %sub3A_2178 = arith.subi %add3A_2176, %sub3A_2177 : i32
      %dma_wait3A_2179 = arith.constant 3 : i32
      %dma_wait3A_2180 = arith.constant 3 : i32
      %dma_wait3A_2181 = arith.constant 3 : i32
      %dma_wait3A_2182 = arith.constant 0 : i32
      %dma_wait3A_2183 = arith.constant 0 : i32
      %dma_wait3A_2184 = tpu.memref_slice %arg9[%dma_wait3A_2179, %dma_wait3A_2182, %dma_wait3A_2183] : memref<4x80x128xf32, #tpu.memory_space<vmem>> -> memref<1x80x128xf32, #tpu.memory_space<vmem>>
      %dma_wait3A_2185 = tpu.memref_squeeze %dma_wait3A_2184 : memref<1x80x128xf32, #tpu.memory_space<vmem>> -> memref<80x128xf32, #tpu.memory_space<vmem>>
      %dma_wait3A_2186 = arith.constant 0 : i32
      %dma_wait3A_2187 = tpu.memref_slice %arg8[%dma_wait3A_2180, %dma_wait3A_2186] : memref<8x80xi32, #tpu.memory_space<vmem>> -> memref<1x80xi32, #tpu.memory_space<vmem>>
      %dma_wait3A_2188 = tpu.memref_squeeze %dma_wait3A_2187 : memref<1x80xi32, #tpu.memory_space<vmem>> -> memref<80xi32, #tpu.memory_space<vmem>>
      %dma_wait3A_2189 = arith.constant 0 : i32
      %dma_wait3A_2190 = arith.constant 0 : i32
      %dma_wait3A_2191 = tpu.memref_slice %arg6[%dma_wait3A_2189, %dma_wait3A_2190] : memref<10240x128xf32, #tpu.memory_space<vmem_shared>> -> memref<10240x128xf32, #tpu.memory_space<vmem_shared>>
      %dma_wait3A_2192 = tpu.memref_slice %arg11[%dma_wait3A_2181] : memref<4x!tpu.dma_semaphore, #tpu.memory_space<semaphore_mem>> -> memref<1x!tpu.dma_semaphore, #tpu.memory_space<semaphore_mem>>
      %dma_wait3A_2193 = tpu.memref_squeeze %dma_wait3A_2192 : memref<1x!tpu.dma_semaphore, #tpu.memory_space<semaphore_mem>> -> memref<!tpu.dma_semaphore, #tpu.memory_space<semaphore_mem>>
      tpu.wait_indirect_dma semaphore(%dma_wait3A_2193 : memref<!tpu.dma_semaphore, #tpu.memory_space<semaphore_mem>>) src(%dma_wait3A_2185 : memref<80x128xf32, #tpu.memory_space<vmem>>) dst(%dma_wait3A_2191 : memref<10240x128xf32, #tpu.memory_space<vmem_shared>>)
      %add3A_2194 = arith.constant 2 : i32
      %add3A_2195 = arith.addi %add3A_2176, %add3A_2194 : i32
      %add3A_2196 = arith.addi %mul3A_2, %add3A_2195 : i32
      %dma_wait3A_2197 = arith.constant 7 : i32
      %dma_wait3A_2198 = arith.constant 7 : i32
      %dma_wait3A_2199 = arith.constant 0 : i32
      %dma_wait3A_2200 = tpu.memref_slice %arg7[%dma_wait3A_2197, %dma_wait3A_2199] : memref<8x80xi32, #tpu.memory_space<vmem>> -> memref<1x80xi32, #tpu.memory_space<vmem>>
      %dma_wait3A_2201 = tpu.memref_squeeze %dma_wait3A_2200 : memref<1x80xi32, #tpu.memory_space<vmem>> -> memref<80xi32, #tpu.memory_space<vmem>>
      %dma_wait3A_2202 = arith.constant 0 : i32
      %dma_wait3A_2203 = tpu.memref_slice %arg3[%add3A_2196, %dma_wait3A_2202] : memref<4000x80xi32, #tpu.memory_space<hbm>> -> memref<1x80xi32, #tpu.memory_space<hbm>>
      %dma_wait3A_2204 = tpu.memref_squeeze %dma_wait3A_2203 : memref<1x80xi32, #tpu.memory_space<hbm>> -> memref<80xi32, #tpu.memory_space<hbm>>
      %dma_wait3A_2205 = tpu.memref_slice %arg12[%dma_wait3A_2198] : memref<8x!tpu.dma_semaphore, #tpu.memory_space<semaphore_mem>> -> memref<1x!tpu.dma_semaphore, #tpu.memory_space<semaphore_mem>>
      %dma_wait3A_2206 = tpu.memref_squeeze %dma_wait3A_2205 : memref<1x!tpu.dma_semaphore, #tpu.memory_space<semaphore_mem>> -> memref<!tpu.dma_semaphore, #tpu.memory_space<semaphore_mem>>
      %dma_wait3A_2207 = arith.constant 0 : i32
      %dma_wait3A_2208 = tpu.memref_slice %arg7[%dma_wait3A_2197, %dma_wait3A_2207] : memref<8x80xi32, #tpu.memory_space<vmem>> -> memref<1x80xi32, #tpu.memory_space<vmem>>
      %dma_wait3A_2209 = tpu.memref_squeeze %dma_wait3A_2208 : memref<1x80xi32, #tpu.memory_space<vmem>> -> memref<80xi32, #tpu.memory_space<vmem>>
      %dma_wait3A_2210 = arith.constant 0 : i32
      %dma_wait3A_2211 = tpu.memref_slice %arg3[%add3A_2196, %dma_wait3A_2210] : memref<4000x80xi32, #tpu.memory_space<hbm>> -> memref<1x80xi32, #tpu.memory_space<hbm>>
      %dma_wait3A_2212 = tpu.memref_squeeze %dma_wait3A_2211 : memref<1x80xi32, #tpu.memory_space<hbm>> -> memref<80xi32, #tpu.memory_space<hbm>>
      tpu.wait_dma2 semaphore(%dma_wait3A_2206 : memref<!tpu.dma_semaphore, #tpu.memory_space<semaphore_mem>>) src(%dma_wait3A_2212 : memref<80xi32, #tpu.memory_space<hbm>>) dst(%dma_wait3A_2209 : memref<80xi32, #tpu.memory_space<vmem>>)
      %add3A_2213 = arith.addi %mul3A_2, %add3A_2195 : i32
      %dma_wait3A_2214 = arith.constant 7 : i32
      %dma_wait3A_2215 = arith.constant 7 : i32
      %dma_wait3A_2216 = arith.constant 0 : i32
      %dma_wait3A_2217 = tpu.memref_slice %arg8[%dma_wait3A_2214, %dma_wait3A_2216] : memref<8x80xi32, #tpu.memory_space<vmem>> -> memref<1x80xi32, #tpu.memory_space<vmem>>
      %dma_wait3A_2218 = tpu.memref_squeeze %dma_wait3A_2217 : memref<1x80xi32, #tpu.memory_space<vmem>> -> memref<80xi32, #tpu.memory_space<vmem>>
      %dma_wait3A_2219 = arith.constant 0 : i32
      %dma_wait3A_2220 = tpu.memref_slice %arg4[%add3A_2213, %dma_wait3A_2219] : memref<4000x80xi32, #tpu.memory_space<hbm>> -> memref<1x80xi32, #tpu.memory_space<hbm>>
      %dma_wait3A_2221 = tpu.memref_squeeze %dma_wait3A_2220 : memref<1x80xi32, #tpu.memory_space<hbm>> -> memref<80xi32, #tpu.memory_space<hbm>>
      %dma_wait3A_2222 = tpu.memref_slice %arg12[%dma_wait3A_2215] : memref<8x!tpu.dma_semaphore, #tpu.memory_space<semaphore_mem>> -> memref<1x!tpu.dma_semaphore, #tpu.memory_space<semaphore_mem>>
      %dma_wait3A_2223 = tpu.memref_squeeze %dma_wait3A_2222 : memref<1x!tpu.dma_semaphore, #tpu.memory_space<semaphore_mem>> -> memref<!tpu.dma_semaphore, #tpu.memory_space<semaphore_mem>>
      %dma_wait3A_2224 = arith.constant 0 : i32
      %dma_wait3A_2225 = tpu.memref_slice %arg8[%dma_wait3A_2214, %dma_wait3A_2224] : memref<8x80xi32, #tpu.memory_space<vmem>> -> memref<1x80xi32, #tpu.memory_space<vmem>>
      %dma_wait3A_2226 = tpu.memref_squeeze %dma_wait3A_2225 : memref<1x80xi32, #tpu.memory_space<vmem>> -> memref<80xi32, #tpu.memory_space<vmem>>
      %dma_wait3A_2227 = arith.constant 0 : i32
      %dma_wait3A_2228 = tpu.memref_slice %arg4[%add3A_2213, %dma_wait3A_2227] : memref<4000x80xi32, #tpu.memory_space<hbm>> -> memref<1x80xi32, #tpu.memory_space<hbm>>
      %dma_wait3A_2229 = tpu.memref_squeeze %dma_wait3A_2228 : memref<1x80xi32, #tpu.memory_space<hbm>> -> memref<80xi32, #tpu.memory_space<hbm>>
      tpu.wait_dma2 semaphore(%dma_wait3A_2223 : memref<!tpu.dma_semaphore, #tpu.memory_space<semaphore_mem>>) src(%dma_wait3A_2229 : memref<80xi32, #tpu.memory_space<hbm>>) dst(%dma_wait3A_2226 : memref<80xi32, #tpu.memory_space<vmem>>)
      %add3A_2230 = arith.constant 2 : i32
      %add3A_2231 = arith.addi %add3A_2176, %add3A_2230 : i32
      %dma_start3A_2232 = arith.constant 7 : i32
      %dma_start3A_2233 = arith.constant 3 : i32
      %dma_start3A_2234 = arith.constant 3 : i32
      %dma_start3A_2235 = arith.constant 0 : i32
      %dma_start3A_2236 = arith.constant 0 : i32
      %dma_start3A_2237 = tpu.memref_slice %arg9[%dma_start3A_2233, %dma_start3A_2235, %dma_start3A_2236] : memref<4x80x128xf32, #tpu.memory_space<vmem>> -> memref<1x80x128xf32, #tpu.memory_space<vmem>>
      %dma_start3A_2238 = tpu.memref_squeeze %dma_start3A_2237 : memref<1x80x128xf32, #tpu.memory_space<vmem>> -> memref<80x128xf32, #tpu.memory_space<vmem>>
      %dma_start3A_2239 = arith.constant 0 : i32
      %dma_start3A_2240 = tpu.memref_slice %arg7[%dma_start3A_2232, %dma_start3A_2239] : memref<8x80xi32, #tpu.memory_space<vmem>> -> memref<1x80xi32, #tpu.memory_space<vmem>>
      %dma_start3A_2241 = tpu.memref_squeeze %dma_start3A_2240 : memref<1x80xi32, #tpu.memory_space<vmem>> -> memref<80xi32, #tpu.memory_space<vmem>>
      %dma_start3A_2242 = arith.constant 0 : i32
      %dma_start3A_2243 = arith.constant 0 : i32
      %dma_start3A_2244 = tpu.memref_slice %arg2[%dma_start3A_2242, %dma_start3A_2243] : memref<10000x128xf32, #tpu.memory_space<hbm>> -> memref<10000x128xf32, #tpu.memory_space<hbm>>
      %dma_start3A_2245 = tpu.memref_slice %arg10[%dma_start3A_2234] : memref<4x!tpu.dma_semaphore, #tpu.memory_space<semaphore_mem>> -> memref<1x!tpu.dma_semaphore, #tpu.memory_space<semaphore_mem>>
      %dma_start3A_2246 = tpu.memref_squeeze %dma_start3A_2245 : memref<1x!tpu.dma_semaphore, #tpu.memory_space<semaphore_mem>> -> memref<!tpu.dma_semaphore, #tpu.memory_space<semaphore_mem>>
      tpu.enqueue_indirect_dma source(%dma_start3A_2244 : memref<10000x128xf32, #tpu.memory_space<hbm>>) target(%dma_start3A_2238 : memref<80x128xf32, #tpu.memory_space<vmem>>) offsets(%dma_start3A_2241 : memref<80xi32, #tpu.memory_space<vmem>>) semaphore(%dma_start3A_2246 : memref<!tpu.dma_semaphore, #tpu.memory_space<semaphore_mem>>)
      %add3A_2247 = arith.constant 6 : i32
      %add3A_2248 = arith.addi %add3A_2176, %add3A_2247 : i32
      %add3A_2249 = arith.addi %mul3A_2, %add3A_2248 : i32
      %dma_start3A_2250 = arith.constant 3 : i32
      %dma_start3A_2251 = arith.constant 3 : i32
      %dma_start3A_2252 = arith.constant 0 : i32
      %dma_start3A_2253 = tpu.memref_slice %arg7[%dma_start3A_2250, %dma_start3A_2252] : memref<8x80xi32, #tpu.memory_space<vmem>> -> memref<1x80xi32, #tpu.memory_space<vmem>>
      %dma_start3A_2254 = tpu.memref_squeeze %dma_start3A_2253 : memref<1x80xi32, #tpu.memory_space<vmem>> -> memref<80xi32, #tpu.memory_space<vmem>>
      %dma_start3A_2255 = arith.constant 0 : i32
      %dma_start3A_2256 = tpu.memref_slice %arg3[%add3A_2249, %dma_start3A_2255] : memref<4000x80xi32, #tpu.memory_space<hbm>> -> memref<1x80xi32, #tpu.memory_space<hbm>>
      %dma_start3A_2257 = tpu.memref_squeeze %dma_start3A_2256 : memref<1x80xi32, #tpu.memory_space<hbm>> -> memref<80xi32, #tpu.memory_space<hbm>>
      %dma_start3A_2258 = tpu.memref_slice %arg12[%dma_start3A_2251] : memref<8x!tpu.dma_semaphore, #tpu.memory_space<semaphore_mem>> -> memref<1x!tpu.dma_semaphore, #tpu.memory_space<semaphore_mem>>
      %dma_start3A_2259 = tpu.memref_squeeze %dma_start3A_2258 : memref<1x!tpu.dma_semaphore, #tpu.memory_space<semaphore_mem>> -> memref<!tpu.dma_semaphore, #tpu.memory_space<semaphore_mem>>
      %dma_start3A_2260 = arith.constant 0 : i32
      %dma_start3A_2261 = tpu.memref_slice %arg7[%dma_start3A_2250, %dma_start3A_2260] : memref<8x80xi32, #tpu.memory_space<vmem>> -> memref<1x80xi32, #tpu.memory_space<vmem>>
      %dma_start3A_2262 = tpu.memref_squeeze %dma_start3A_2261 : memref<1x80xi32, #tpu.memory_space<vmem>> -> memref<80xi32, #tpu.memory_space<vmem>>
      %dma_start3A_2263 = arith.constant 0 : i32
      %dma_start3A_2264 = tpu.memref_slice %arg3[%add3A_2249, %dma_start3A_2263] : memref<4000x80xi32, #tpu.memory_space<hbm>> -> memref<1x80xi32, #tpu.memory_space<hbm>>
      %dma_start3A_2265 = tpu.memref_squeeze %dma_start3A_2264 : memref<1x80xi32, #tpu.memory_space<hbm>> -> memref<80xi32, #tpu.memory_space<hbm>>
      tpu.enqueue_dma source(%dma_start3A_2265 : memref<80xi32, #tpu.memory_space<hbm>>) target(%dma_start3A_2262 : memref<80xi32, #tpu.memory_space<vmem>>) target_semaphore(%dma_start3A_2259 : memref<!tpu.dma_semaphore, #tpu.memory_space<semaphore_mem>>)
      %add3A_2266 = arith.addi %mul3A_2, %add3A_2248 : i32
      %dma_start3A_2267 = arith.constant 3 : i32
      %dma_start3A_2268 = arith.constant 3 : i32
      %dma_start3A_2269 = arith.constant 0 : i32
      %dma_start3A_2270 = tpu.memref_slice %arg8[%dma_start3A_2267, %dma_start3A_2269] : memref<8x80xi32, #tpu.memory_space<vmem>> -> memref<1x80xi32, #tpu.memory_space<vmem>>
      %dma_start3A_2271 = tpu.memref_squeeze %dma_start3A_2270 : memref<1x80xi32, #tpu.memory_space<vmem>> -> memref<80xi32, #tpu.memory_space<vmem>>
      %dma_start3A_2272 = arith.constant 0 : i32
      %dma_start3A_2273 = tpu.memref_slice %arg4[%add3A_2266, %dma_start3A_2272] : memref<4000x80xi32, #tpu.memory_space<hbm>> -> memref<1x80xi32, #tpu.memory_space<hbm>>
      %dma_start3A_2274 = tpu.memref_squeeze %dma_start3A_2273 : memref<1x80xi32, #tpu.memory_space<hbm>> -> memref<80xi32, #tpu.memory_space<hbm>>
      %dma_start3A_2275 = tpu.memref_slice %arg12[%dma_start3A_2268] : memref<8x!tpu.dma_semaphore, #tpu.memory_space<semaphore_mem>> -> memref<1x!tpu.dma_semaphore, #tpu.memory_space<semaphore_mem>>
      %dma_start3A_2276 = tpu.memref_squeeze %dma_start3A_2275 : memref<1x!tpu.dma_semaphore, #tpu.memory_space<semaphore_mem>> -> memref<!tpu.dma_semaphore, #tpu.memory_space<semaphore_mem>>
      %dma_start3A_2277 = arith.constant 0 : i32
      %dma_start3A_2278 = tpu.memref_slice %arg8[%dma_start3A_2267, %dma_start3A_2277] : memref<8x80xi32, #tpu.memory_space<vmem>> -> memref<1x80xi32, #tpu.memory_space<vmem>>
      %dma_start3A_2279 = tpu.memref_squeeze %dma_start3A_2278 : memref<1x80xi32, #tpu.memory_space<vmem>> -> memref<80xi32, #tpu.memory_space<vmem>>
      %dma_start3A_2280 = arith.constant 0 : i32
      %dma_start3A_2281 = tpu.memref_slice %arg4[%add3A_2266, %dma_start3A_2280] : memref<4000x80xi32, #tpu.memory_space<hbm>> -> memref<1x80xi32, #tpu.memory_space<hbm>>
      %dma_start3A_2282 = tpu.memref_squeeze %dma_start3A_2281 : memref<1x80xi32, #tpu.memory_space<hbm>> -> memref<80xi32, #tpu.memory_space<hbm>>
      tpu.enqueue_dma source(%dma_start3A_2282 : memref<80xi32, #tpu.memory_space<hbm>>) target(%dma_start3A_2279 : memref<80xi32, #tpu.memory_space<vmem>>) target_semaphore(%dma_start3A_2276 : memref<!tpu.dma_semaphore, #tpu.memory_space<semaphore_mem>>)
      %dma_wait3A_2283 = arith.constant 5 : i32
      %dma_wait3A_2284 = arith.constant 1 : i32
      %dma_wait3A_2285 = arith.constant 1 : i32
      %dma_wait3A_2286 = arith.constant 0 : i32
      %dma_wait3A_2287 = arith.constant 0 : i32
      %dma_wait3A_2288 = tpu.memref_slice %arg9[%dma_wait3A_2284, %dma_wait3A_2286, %dma_wait3A_2287] : memref<4x80x128xf32, #tpu.memory_space<vmem>> -> memref<1x80x128xf32, #tpu.memory_space<vmem>>
      %dma_wait3A_2289 = tpu.memref_squeeze %dma_wait3A_2288 : memref<1x80x128xf32, #tpu.memory_space<vmem>> -> memref<80x128xf32, #tpu.memory_space<vmem>>
      %dma_wait3A_2290 = arith.constant 0 : i32
      %dma_wait3A_2291 = tpu.memref_slice %arg7[%dma_wait3A_2283, %dma_wait3A_2290] : memref<8x80xi32, #tpu.memory_space<vmem>> -> memref<1x80xi32, #tpu.memory_space<vmem>>
      %dma_wait3A_2292 = tpu.memref_squeeze %dma_wait3A_2291 : memref<1x80xi32, #tpu.memory_space<vmem>> -> memref<80xi32, #tpu.memory_space<vmem>>
      %dma_wait3A_2293 = arith.constant 0 : i32
      %dma_wait3A_2294 = arith.constant 0 : i32
      %dma_wait3A_2295 = tpu.memref_slice %arg2[%dma_wait3A_2293, %dma_wait3A_2294] : memref<10000x128xf32, #tpu.memory_space<hbm>> -> memref<10000x128xf32, #tpu.memory_space<hbm>>
      %dma_wait3A_2296 = tpu.memref_slice %arg10[%dma_wait3A_2285] : memref<4x!tpu.dma_semaphore, #tpu.memory_space<semaphore_mem>> -> memref<1x!tpu.dma_semaphore, #tpu.memory_space<semaphore_mem>>
      %dma_wait3A_2297 = tpu.memref_squeeze %dma_wait3A_2296 : memref<1x!tpu.dma_semaphore, #tpu.memory_space<semaphore_mem>> -> memref<!tpu.dma_semaphore, #tpu.memory_space<semaphore_mem>>
      tpu.wait_indirect_dma semaphore(%dma_wait3A_2297 : memref<!tpu.dma_semaphore, #tpu.memory_space<semaphore_mem>>) src(%dma_wait3A_2295 : memref<10000x128xf32, #tpu.memory_space<hbm>>) dst(%dma_wait3A_2289 : memref<80x128xf32, #tpu.memory_space<vmem>>)
      %dma_start3A_2298 = arith.constant 1 : i32
      %dma_start3A_2299 = arith.constant 5 : i32
      %dma_start3A_2300 = arith.constant 1 : i32
      %dma_start3A_2301 = arith.constant 0 : i32
      %dma_start3A_2302 = arith.constant 0 : i32
      %dma_start3A_2303 = tpu.memref_slice %arg9[%dma_start3A_2298, %dma_start3A_2301, %dma_start3A_2302] : memref<4x80x128xf32, #tpu.memory_space<vmem>> -> memref<1x80x128xf32, #tpu.memory_space<vmem>>
      %dma_start3A_2304 = tpu.memref_squeeze %dma_start3A_2303 : memref<1x80x128xf32, #tpu.memory_space<vmem>> -> memref<80x128xf32, #tpu.memory_space<vmem>>
      %dma_start3A_2305 = arith.constant 0 : i32
      %dma_start3A_2306 = tpu.memref_slice %arg8[%dma_start3A_2299, %dma_start3A_2305] : memref<8x80xi32, #tpu.memory_space<vmem>> -> memref<1x80xi32, #tpu.memory_space<vmem>>
      %dma_start3A_2307 = tpu.memref_squeeze %dma_start3A_2306 : memref<1x80xi32, #tpu.memory_space<vmem>> -> memref<80xi32, #tpu.memory_space<vmem>>
      %dma_start3A_2308 = arith.constant 0 : i32
      %dma_start3A_2309 = arith.constant 0 : i32
      %dma_start3A_2310 = tpu.memref_slice %arg6[%dma_start3A_2308, %dma_start3A_2309] : memref<10240x128xf32, #tpu.memory_space<vmem_shared>> -> memref<10240x128xf32, #tpu.memory_space<vmem_shared>>
      %dma_start3A_2311 = tpu.memref_slice %arg11[%dma_start3A_2300] : memref<4x!tpu.dma_semaphore, #tpu.memory_space<semaphore_mem>> -> memref<1x!tpu.dma_semaphore, #tpu.memory_space<semaphore_mem>>
      %dma_start3A_2312 = tpu.memref_squeeze %dma_start3A_2311 : memref<1x!tpu.dma_semaphore, #tpu.memory_space<semaphore_mem>> -> memref<!tpu.dma_semaphore, #tpu.memory_space<semaphore_mem>>
      tpu.enqueue_indirect_dma source(%dma_start3A_2304 : memref<80x128xf32, #tpu.memory_space<vmem>>) target(%dma_start3A_2310 : memref<10240x128xf32, #tpu.memory_space<vmem_shared>>) offsets(%dma_start3A_2307 : memref<80xi32, #tpu.memory_space<vmem>>) semaphore(%dma_start3A_2312 : memref<!tpu.dma_semaphore, #tpu.memory_space<semaphore_mem>>) {add = true}
      %add3A_2313 = arith.constant 4 : i32
      %add3A_2314 = arith.addi %add3A_1761, %add3A_2313 : i32
      %sub3A_2315 = arith.constant 2 : i32
      %sub3A_2316 = arith.subi %add3A_2314, %sub3A_2315 : i32
      %dma_wait3A_2317 = arith.constant 0 : i32
      %dma_wait3A_2318 = arith.constant 4 : i32
      %dma_wait3A_2319 = arith.constant 0 : i32
      %dma_wait3A_2320 = arith.constant 0 : i32
      %dma_wait3A_2321 = arith.constant 0 : i32
      %dma_wait3A_2322 = tpu.memref_slice %arg9[%dma_wait3A_2317, %dma_wait3A_2320, %dma_wait3A_2321] : memref<4x80x128xf32, #tpu.memory_space<vmem>> -> memref<1x80x128xf32, #tpu.memory_space<vmem>>
      %dma_wait3A_2323 = tpu.memref_squeeze %dma_wait3A_2322 : memref<1x80x128xf32, #tpu.memory_space<vmem>> -> memref<80x128xf32, #tpu.memory_space<vmem>>
      %dma_wait3A_2324 = arith.constant 0 : i32
      %dma_wait3A_2325 = tpu.memref_slice %arg8[%dma_wait3A_2318, %dma_wait3A_2324] : memref<8x80xi32, #tpu.memory_space<vmem>> -> memref<1x80xi32, #tpu.memory_space<vmem>>
      %dma_wait3A_2326 = tpu.memref_squeeze %dma_wait3A_2325 : memref<1x80xi32, #tpu.memory_space<vmem>> -> memref<80xi32, #tpu.memory_space<vmem>>
      %dma_wait3A_2327 = arith.constant 0 : i32
      %dma_wait3A_2328 = arith.constant 0 : i32
      %dma_wait3A_2329 = tpu.memref_slice %arg6[%dma_wait3A_2327, %dma_wait3A_2328] : memref<10240x128xf32, #tpu.memory_space<vmem_shared>> -> memref<10240x128xf32, #tpu.memory_space<vmem_shared>>
      %dma_wait3A_2330 = tpu.memref_slice %arg11[%dma_wait3A_2319] : memref<4x!tpu.dma_semaphore, #tpu.memory_space<semaphore_mem>> -> memref<1x!tpu.dma_semaphore, #tpu.memory_space<semaphore_mem>>
      %dma_wait3A_2331 = tpu.memref_squeeze %dma_wait3A_2330 : memref<1x!tpu.dma_semaphore, #tpu.memory_space<semaphore_mem>> -> memref<!tpu.dma_semaphore, #tpu.memory_space<semaphore_mem>>
      tpu.wait_indirect_dma semaphore(%dma_wait3A_2331 : memref<!tpu.dma_semaphore, #tpu.memory_space<semaphore_mem>>) src(%dma_wait3A_2323 : memref<80x128xf32, #tpu.memory_space<vmem>>) dst(%dma_wait3A_2329 : memref<10240x128xf32, #tpu.memory_space<vmem_shared>>)
      %add3A_2332 = arith.constant 2 : i32
      %add3A_2333 = arith.addi %add3A_2314, %add3A_2332 : i32
      %add3A_2334 = arith.addi %mul3A_2, %add3A_2333 : i32
      %dma_wait3A_2335 = arith.constant 0 : i32
      %dma_wait3A_2336 = arith.constant 0 : i32
      %dma_wait3A_2337 = arith.constant 0 : i32
      %dma_wait3A_2338 = tpu.memref_slice %arg7[%dma_wait3A_2335, %dma_wait3A_2337] : memref<8x80xi32, #tpu.memory_space<vmem>> -> memref<1x80xi32, #tpu.memory_space<vmem>>
      %dma_wait3A_2339 = tpu.memref_squeeze %dma_wait3A_2338 : memref<1x80xi32, #tpu.memory_space<vmem>> -> memref<80xi32, #tpu.memory_space<vmem>>
      %dma_wait3A_2340 = arith.constant 0 : i32
      %dma_wait3A_2341 = tpu.memref_slice %arg3[%add3A_2334, %dma_wait3A_2340] : memref<4000x80xi32, #tpu.memory_space<hbm>> -> memref<1x80xi32, #tpu.memory_space<hbm>>
      %dma_wait3A_2342 = tpu.memref_squeeze %dma_wait3A_2341 : memref<1x80xi32, #tpu.memory_space<hbm>> -> memref<80xi32, #tpu.memory_space<hbm>>
      %dma_wait3A_2343 = tpu.memref_slice %arg12[%dma_wait3A_2336] : memref<8x!tpu.dma_semaphore, #tpu.memory_space<semaphore_mem>> -> memref<1x!tpu.dma_semaphore, #tpu.memory_space<semaphore_mem>>
      %dma_wait3A_2344 = tpu.memref_squeeze %dma_wait3A_2343 : memref<1x!tpu.dma_semaphore, #tpu.memory_space<semaphore_mem>> -> memref<!tpu.dma_semaphore, #tpu.memory_space<semaphore_mem>>
      %dma_wait3A_2345 = arith.constant 0 : i32
      %dma_wait3A_2346 = tpu.memref_slice %arg7[%dma_wait3A_2335, %dma_wait3A_2345] : memref<8x80xi32, #tpu.memory_space<vmem>> -> memref<1x80xi32, #tpu.memory_space<vmem>>
      %dma_wait3A_2347 = tpu.memref_squeeze %dma_wait3A_2346 : memref<1x80xi32, #tpu.memory_space<vmem>> -> memref<80xi32, #tpu.memory_space<vmem>>
      %dma_wait3A_2348 = arith.constant 0 : i32
      %dma_wait3A_2349 = tpu.memref_slice %arg3[%add3A_2334, %dma_wait3A_2348] : memref<4000x80xi32, #tpu.memory_space<hbm>> -> memref<1x80xi32, #tpu.memory_space<hbm>>
      %dma_wait3A_2350 = tpu.memref_squeeze %dma_wait3A_2349 : memref<1x80xi32, #tpu.memory_space<hbm>> -> memref<80xi32, #tpu.memory_space<hbm>>
      tpu.wait_dma2 semaphore(%dma_wait3A_2344 : memref<!tpu.dma_semaphore, #tpu.memory_space<semaphore_mem>>) src(%dma_wait3A_2350 : memref<80xi32, #tpu.memory_space<hbm>>) dst(%dma_wait3A_2347 : memref<80xi32, #tpu.memory_space<vmem>>)
      %add3A_2351 = arith.addi %mul3A_2, %add3A_2333 : i32
      %dma_wait3A_2352 = arith.constant 0 : i32
      %dma_wait3A_2353 = arith.constant 0 : i32
      %dma_wait3A_2354 = arith.constant 0 : i32
      %dma_wait3A_2355 = tpu.memref_slice %arg8[%dma_wait3A_2352, %dma_wait3A_2354] : memref<8x80xi32, #tpu.memory_space<vmem>> -> memref<1x80xi32, #tpu.memory_space<vmem>>
      %dma_wait3A_2356 = tpu.memref_squeeze %dma_wait3A_2355 : memref<1x80xi32, #tpu.memory_space<vmem>> -> memref<80xi32, #tpu.memory_space<vmem>>
      %dma_wait3A_2357 = arith.constant 0 : i32
      %dma_wait3A_2358 = tpu.memref_slice %arg4[%add3A_2351, %dma_wait3A_2357] : memref<4000x80xi32, #tpu.memory_space<hbm>> -> memref<1x80xi32, #tpu.memory_space<hbm>>
      %dma_wait3A_2359 = tpu.memref_squeeze %dma_wait3A_2358 : memref<1x80xi32, #tpu.memory_space<hbm>> -> memref<80xi32, #tpu.memory_space<hbm>>
      %dma_wait3A_2360 = tpu.memref_slice %arg12[%dma_wait3A_2353] : memref<8x!tpu.dma_semaphore, #tpu.memory_space<semaphore_mem>> -> memref<1x!tpu.dma_semaphore, #tpu.memory_space<semaphore_mem>>
      %dma_wait3A_2361 = tpu.memref_squeeze %dma_wait3A_2360 : memref<1x!tpu.dma_semaphore, #tpu.memory_space<semaphore_mem>> -> memref<!tpu.dma_semaphore, #tpu.memory_space<semaphore_mem>>
      %dma_wait3A_2362 = arith.constant 0 : i32
      %dma_wait3A_2363 = tpu.memref_slice %arg8[%dma_wait3A_2352, %dma_wait3A_2362] : memref<8x80xi32, #tpu.memory_space<vmem>> -> memref<1x80xi32, #tpu.memory_space<vmem>>
      %dma_wait3A_2364 = tpu.memref_squeeze %dma_wait3A_2363 : memref<1x80xi32, #tpu.memory_space<vmem>> -> memref<80xi32, #tpu.memory_space<vmem>>
      %dma_wait3A_2365 = arith.constant 0 : i32
      %dma_wait3A_2366 = tpu.memref_slice %arg4[%add3A_2351, %dma_wait3A_2365] : memref<4000x80xi32, #tpu.memory_space<hbm>> -> memref<1x80xi32, #tpu.memory_space<hbm>>
      %dma_wait3A_2367 = tpu.memref_squeeze %dma_wait3A_2366 : memref<1x80xi32, #tpu.memory_space<hbm>> -> memref<80xi32, #tpu.memory_space<hbm>>
      tpu.wait_dma2 semaphore(%dma_wait3A_2361 : memref<!tpu.dma_semaphore, #tpu.memory_space<semaphore_mem>>) src(%dma_wait3A_2367 : memref<80xi32, #tpu.memory_space<hbm>>) dst(%dma_wait3A_2364 : memref<80xi32, #tpu.memory_space<vmem>>)
      %add3A_2368 = arith.constant 2 : i32
      %add3A_2369 = arith.addi %add3A_2314, %add3A_2368 : i32
      %dma_start3A_2370 = arith.constant 0 : i32
      %dma_start3A_2371 = arith.constant 0 : i32
      %dma_start3A_2372 = arith.constant 0 : i32
      %dma_start3A_2373 = arith.constant 0 : i32
      %dma_start3A_2374 = arith.constant 0 : i32
      %dma_start3A_2375 = tpu.memref_slice %arg9[%dma_start3A_2371, %dma_start3A_2373, %dma_start3A_2374] : memref<4x80x128xf32, #tpu.memory_space<vmem>> -> memref<1x80x128xf32, #tpu.memory_space<vmem>>
      %dma_start3A_2376 = tpu.memref_squeeze %dma_start3A_2375 : memref<1x80x128xf32, #tpu.memory_space<vmem>> -> memref<80x128xf32, #tpu.memory_space<vmem>>
      %dma_start3A_2377 = arith.constant 0 : i32
      %dma_start3A_2378 = tpu.memref_slice %arg7[%dma_start3A_2370, %dma_start3A_2377] : memref<8x80xi32, #tpu.memory_space<vmem>> -> memref<1x80xi32, #tpu.memory_space<vmem>>
      %dma_start3A_2379 = tpu.memref_squeeze %dma_start3A_2378 : memref<1x80xi32, #tpu.memory_space<vmem>> -> memref<80xi32, #tpu.memory_space<vmem>>
      %dma_start3A_2380 = arith.constant 0 : i32
      %dma_start3A_2381 = arith.constant 0 : i32
      %dma_start3A_2382 = tpu.memref_slice %arg2[%dma_start3A_2380, %dma_start3A_2381] : memref<10000x128xf32, #tpu.memory_space<hbm>> -> memref<10000x128xf32, #tpu.memory_space<hbm>>
      %dma_start3A_2383 = tpu.memref_slice %arg10[%dma_start3A_2372] : memref<4x!tpu.dma_semaphore, #tpu.memory_space<semaphore_mem>> -> memref<1x!tpu.dma_semaphore, #tpu.memory_space<semaphore_mem>>
      %dma_start3A_2384 = tpu.memref_squeeze %dma_start3A_2383 : memref<1x!tpu.dma_semaphore, #tpu.memory_space<semaphore_mem>> -> memref<!tpu.dma_semaphore, #tpu.memory_space<semaphore_mem>>
      tpu.enqueue_indirect_dma source(%dma_start3A_2382 : memref<10000x128xf32, #tpu.memory_space<hbm>>) target(%dma_start3A_2376 : memref<80x128xf32, #tpu.memory_space<vmem>>) offsets(%dma_start3A_2379 : memref<80xi32, #tpu.memory_space<vmem>>) semaphore(%dma_start3A_2384 : memref<!tpu.dma_semaphore, #tpu.memory_space<semaphore_mem>>)
      %add3A_2385 = arith.constant 6 : i32
      %add3A_2386 = arith.addi %add3A_2314, %add3A_2385 : i32
      %add3A_2387 = arith.addi %mul3A_2, %add3A_2386 : i32
      %dma_start3A_2388 = arith.constant 4 : i32
      %dma_start3A_2389 = arith.constant 4 : i32
      %dma_start3A_2390 = arith.constant 0 : i32
      %dma_start3A_2391 = tpu.memref_slice %arg7[%dma_start3A_2388, %dma_start3A_2390] : memref<8x80xi32, #tpu.memory_space<vmem>> -> memref<1x80xi32, #tpu.memory_space<vmem>>
      %dma_start3A_2392 = tpu.memref_squeeze %dma_start3A_2391 : memref<1x80xi32, #tpu.memory_space<vmem>> -> memref<80xi32, #tpu.memory_space<vmem>>
      %dma_start3A_2393 = arith.constant 0 : i32
      %dma_start3A_2394 = tpu.memref_slice %arg3[%add3A_2387, %dma_start3A_2393] : memref<4000x80xi32, #tpu.memory_space<hbm>> -> memref<1x80xi32, #tpu.memory_space<hbm>>
      %dma_start3A_2395 = tpu.memref_squeeze %dma_start3A_2394 : memref<1x80xi32, #tpu.memory_space<hbm>> -> memref<80xi32, #tpu.memory_space<hbm>>
      %dma_start3A_2396 = tpu.memref_slice %arg12[%dma_start3A_2389] : memref<8x!tpu.dma_semaphore, #tpu.memory_space<semaphore_mem>> -> memref<1x!tpu.dma_semaphore, #tpu.memory_space<semaphore_mem>>
      %dma_start3A_2397 = tpu.memref_squeeze %dma_start3A_2396 : memref<1x!tpu.dma_semaphore, #tpu.memory_space<semaphore_mem>> -> memref<!tpu.dma_semaphore, #tpu.memory_space<semaphore_mem>>
      %dma_start3A_2398 = arith.constant 0 : i32
      %dma_start3A_2399 = tpu.memref_slice %arg7[%dma_start3A_2388, %dma_start3A_2398] : memref<8x80xi32, #tpu.memory_space<vmem>> -> memref<1x80xi32, #tpu.memory_space<vmem>>
      %dma_start3A_2400 = tpu.memref_squeeze %dma_start3A_2399 : memref<1x80xi32, #tpu.memory_space<vmem>> -> memref<80xi32, #tpu.memory_space<vmem>>
      %dma_start3A_2401 = arith.constant 0 : i32
      %dma_start3A_2402 = tpu.memref_slice %arg3[%add3A_2387, %dma_start3A_2401] : memref<4000x80xi32, #tpu.memory_space<hbm>> -> memref<1x80xi32, #tpu.memory_space<hbm>>
      %dma_start3A_2403 = tpu.memref_squeeze %dma_start3A_2402 : memref<1x80xi32, #tpu.memory_space<hbm>> -> memref<80xi32, #tpu.memory_space<hbm>>
      tpu.enqueue_dma source(%dma_start3A_2403 : memref<80xi32, #tpu.memory_space<hbm>>) target(%dma_start3A_2400 : memref<80xi32, #tpu.memory_space<vmem>>) target_semaphore(%dma_start3A_2397 : memref<!tpu.dma_semaphore, #tpu.memory_space<semaphore_mem>>)
      %add3A_2404 = arith.addi %mul3A_2, %add3A_2386 : i32
      %dma_start3A_2405 = arith.constant 4 : i32
      %dma_start3A_2406 = arith.constant 4 : i32
      %dma_start3A_2407 = arith.constant 0 : i32
      %dma_start3A_2408 = tpu.memref_slice %arg8[%dma_start3A_2405, %dma_start3A_2407] : memref<8x80xi32, #tpu.memory_space<vmem>> -> memref<1x80xi32, #tpu.memory_space<vmem>>
      %dma_start3A_2409 = tpu.memref_squeeze %dma_start3A_2408 : memref<1x80xi32, #tpu.memory_space<vmem>> -> memref<80xi32, #tpu.memory_space<vmem>>
      %dma_start3A_2410 = arith.constant 0 : i32
      %dma_start3A_2411 = tpu.memref_slice %arg4[%add3A_2404, %dma_start3A_2410] : memref<4000x80xi32, #tpu.memory_space<hbm>> -> memref<1x80xi32, #tpu.memory_space<hbm>>
      %dma_start3A_2412 = tpu.memref_squeeze %dma_start3A_2411 : memref<1x80xi32, #tpu.memory_space<hbm>> -> memref<80xi32, #tpu.memory_space<hbm>>
      %dma_start3A_2413 = tpu.memref_slice %arg12[%dma_start3A_2406] : memref<8x!tpu.dma_semaphore, #tpu.memory_space<semaphore_mem>> -> memref<1x!tpu.dma_semaphore, #tpu.memory_space<semaphore_mem>>
      %dma_start3A_2414 = tpu.memref_squeeze %dma_start3A_2413 : memref<1x!tpu.dma_semaphore, #tpu.memory_space<semaphore_mem>> -> memref<!tpu.dma_semaphore, #tpu.memory_space<semaphore_mem>>
      %dma_start3A_2415 = arith.constant 0 : i32
      %dma_start3A_2416 = tpu.memref_slice %arg8[%dma_start3A_2405, %dma_start3A_2415] : memref<8x80xi32, #tpu.memory_space<vmem>> -> memref<1x80xi32, #tpu.memory_space<vmem>>
      %dma_start3A_2417 = tpu.memref_squeeze %dma_start3A_2416 : memref<1x80xi32, #tpu.memory_space<vmem>> -> memref<80xi32, #tpu.memory_space<vmem>>
      %dma_start3A_2418 = arith.constant 0 : i32
      %dma_start3A_2419 = tpu.memref_slice %arg4[%add3A_2404, %dma_start3A_2418] : memref<4000x80xi32, #tpu.memory_space<hbm>> -> memref<1x80xi32, #tpu.memory_space<hbm>>
      %dma_start3A_2420 = tpu.memref_squeeze %dma_start3A_2419 : memref<1x80xi32, #tpu.memory_space<hbm>> -> memref<80xi32, #tpu.memory_space<hbm>>
      tpu.enqueue_dma source(%dma_start3A_2420 : memref<80xi32, #tpu.memory_space<hbm>>) target(%dma_start3A_2417 : memref<80xi32, #tpu.memory_space<vmem>>) target_semaphore(%dma_start3A_2414 : memref<!tpu.dma_semaphore, #tpu.memory_space<semaphore_mem>>)
      %dma_wait3A_2421 = arith.constant 6 : i32
      %dma_wait3A_2422 = arith.constant 2 : i32
      %dma_wait3A_2423 = arith.constant 2 : i32
      %dma_wait3A_2424 = arith.constant 0 : i32
      %dma_wait3A_2425 = arith.constant 0 : i32
      %dma_wait3A_2426 = tpu.memref_slice %arg9[%dma_wait3A_2422, %dma_wait3A_2424, %dma_wait3A_2425] : memref<4x80x128xf32, #tpu.memory_space<vmem>> -> memref<1x80x128xf32, #tpu.memory_space<vmem>>
      %dma_wait3A_2427 = tpu.memref_squeeze %dma_wait3A_2426 : memref<1x80x128xf32, #tpu.memory_space<vmem>> -> memref<80x128xf32, #tpu.memory_space<vmem>>
      %dma_wait3A_2428 = arith.constant 0 : i32
      %dma_wait3A_2429 = tpu.memref_slice %arg7[%dma_wait3A_2421, %dma_wait3A_2428] : memref<8x80xi32, #tpu.memory_space<vmem>> -> memref<1x80xi32, #tpu.memory_space<vmem>>
      %dma_wait3A_2430 = tpu.memref_squeeze %dma_wait3A_2429 : memref<1x80xi32, #tpu.memory_space<vmem>> -> memref<80xi32, #tpu.memory_space<vmem>>
      %dma_wait3A_2431 = arith.constant 0 : i32
      %dma_wait3A_2432 = arith.constant 0 : i32
      %dma_wait3A_2433 = tpu.memref_slice %arg2[%dma_wait3A_2431, %dma_wait3A_2432] : memref<10000x128xf32, #tpu.memory_space<hbm>> -> memref<10000x128xf32, #tpu.memory_space<hbm>>
      %dma_wait3A_2434 = tpu.memref_slice %arg10[%dma_wait3A_2423] : memref<4x!tpu.dma_semaphore, #tpu.memory_space<semaphore_mem>> -> memref<1x!tpu.dma_semaphore, #tpu.memory_space<semaphore_mem>>
      %dma_wait3A_2435 = tpu.memref_squeeze %dma_wait3A_2434 : memref<1x!tpu.dma_semaphore, #tpu.memory_space<semaphore_mem>> -> memref<!tpu.dma_semaphore, #tpu.memory_space<semaphore_mem>>
      tpu.wait_indirect_dma semaphore(%dma_wait3A_2435 : memref<!tpu.dma_semaphore, #tpu.memory_space<semaphore_mem>>) src(%dma_wait3A_2433 : memref<10000x128xf32, #tpu.memory_space<hbm>>) dst(%dma_wait3A_2427 : memref<80x128xf32, #tpu.memory_space<vmem>>)
      %dma_start3A_2436 = arith.constant 2 : i32
      %dma_start3A_2437 = arith.constant 6 : i32
      %dma_start3A_2438 = arith.constant 2 : i32
      %dma_start3A_2439 = arith.constant 0 : i32
      %dma_start3A_2440 = arith.constant 0 : i32
      %dma_start3A_2441 = tpu.memref_slice %arg9[%dma_start3A_2436, %dma_start3A_2439, %dma_start3A_2440] : memref<4x80x128xf32, #tpu.memory_space<vmem>> -> memref<1x80x128xf32, #tpu.memory_space<vmem>>
      %dma_start3A_2442 = tpu.memref_squeeze %dma_start3A_2441 : memref<1x80x128xf32, #tpu.memory_space<vmem>> -> memref<80x128xf32, #tpu.memory_space<vmem>>
      %dma_start3A_2443 = arith.constant 0 : i32
      %dma_start3A_2444 = tpu.memref_slice %arg8[%dma_start3A_2437, %dma_start3A_2443] : memref<8x80xi32, #tpu.memory_space<vmem>> -> memref<1x80xi32, #tpu.memory_space<vmem>>
      %dma_start3A_2445 = tpu.memref_squeeze %dma_start3A_2444 : memref<1x80xi32, #tpu.memory_space<vmem>> -> memref<80xi32, #tpu.memory_space<vmem>>
      %dma_start3A_2446 = arith.constant 0 : i32
      %dma_start3A_2447 = arith.constant 0 : i32
      %dma_start3A_2448 = tpu.memref_slice %arg6[%dma_start3A_2446, %dma_start3A_2447] : memref<10240x128xf32, #tpu.memory_space<vmem_shared>> -> memref<10240x128xf32, #tpu.memory_space<vmem_shared>>
      %dma_start3A_2449 = tpu.memref_slice %arg11[%dma_start3A_2438] : memref<4x!tpu.dma_semaphore, #tpu.memory_space<semaphore_mem>> -> memref<1x!tpu.dma_semaphore, #tpu.memory_space<semaphore_mem>>
      %dma_start3A_2450 = tpu.memref_squeeze %dma_start3A_2449 : memref<1x!tpu.dma_semaphore, #tpu.memory_space<semaphore_mem>> -> memref<!tpu.dma_semaphore, #tpu.memory_space<semaphore_mem>>
      tpu.enqueue_indirect_dma source(%dma_start3A_2442 : memref<80x128xf32, #tpu.memory_space<vmem>>) target(%dma_start3A_2448 : memref<10240x128xf32, #tpu.memory_space<vmem_shared>>) offsets(%dma_start3A_2445 : memref<80xi32, #tpu.memory_space<vmem>>) semaphore(%dma_start3A_2450 : memref<!tpu.dma_semaphore, #tpu.memory_space<semaphore_mem>>) {add = true}
      %add3A_2451 = arith.constant 5 : i32
      %add3A_2452 = arith.addi %add3A_1761, %add3A_2451 : i32
      %sub3A_2453 = arith.constant 2 : i32
      %sub3A_2454 = arith.subi %add3A_2452, %sub3A_2453 : i32
      %dma_wait3A_2455 = arith.constant 1 : i32
      %dma_wait3A_2456 = arith.constant 5 : i32
      %dma_wait3A_2457 = arith.constant 1 : i32
      %dma_wait3A_2458 = arith.constant 0 : i32
      %dma_wait3A_2459 = arith.constant 0 : i32
      %dma_wait3A_2460 = tpu.memref_slice %arg9[%dma_wait3A_2455, %dma_wait3A_2458, %dma_wait3A_2459] : memref<4x80x128xf32, #tpu.memory_space<vmem>> -> memref<1x80x128xf32, #tpu.memory_space<vmem>>
      %dma_wait3A_2461 = tpu.memref_squeeze %dma_wait3A_2460 : memref<1x80x128xf32, #tpu.memory_space<vmem>> -> memref<80x128xf32, #tpu.memory_space<vmem>>
      %dma_wait3A_2462 = arith.constant 0 : i32
      %dma_wait3A_2463 = tpu.memref_slice %arg8[%dma_wait3A_2456, %dma_wait3A_2462] : memref<8x80xi32, #tpu.memory_space<vmem>> -> memref<1x80xi32, #tpu.memory_space<vmem>>
      %dma_wait3A_2464 = tpu.memref_squeeze %dma_wait3A_2463 : memref<1x80xi32, #tpu.memory_space<vmem>> -> memref<80xi32, #tpu.memory_space<vmem>>
      %dma_wait3A_2465 = arith.constant 0 : i32
      %dma_wait3A_2466 = arith.constant 0 : i32
      %dma_wait3A_2467 = tpu.memref_slice %arg6[%dma_wait3A_2465, %dma_wait3A_2466] : memref<10240x128xf32, #tpu.memory_space<vmem_shared>> -> memref<10240x128xf32, #tpu.memory_space<vmem_shared>>
      %dma_wait3A_2468 = tpu.memref_slice %arg11[%dma_wait3A_2457] : memref<4x!tpu.dma_semaphore, #tpu.memory_space<semaphore_mem>> -> memref<1x!tpu.dma_semaphore, #tpu.memory_space<semaphore_mem>>
      %dma_wait3A_2469 = tpu.memref_squeeze %dma_wait3A_2468 : memref<1x!tpu.dma_semaphore, #tpu.memory_space<semaphore_mem>> -> memref<!tpu.dma_semaphore, #tpu.memory_space<semaphore_mem>>
      tpu.wait_indirect_dma semaphore(%dma_wait3A_2469 : memref<!tpu.dma_semaphore, #tpu.memory_space<semaphore_mem>>) src(%dma_wait3A_2461 : memref<80x128xf32, #tpu.memory_space<vmem>>) dst(%dma_wait3A_2467 : memref<10240x128xf32, #tpu.memory_space<vmem_shared>>)
      %add3A_2470 = arith.constant 2 : i32
      %add3A_2471 = arith.addi %add3A_2452, %add3A_2470 : i32
      %add3A_2472 = arith.addi %mul3A_2, %add3A_2471 : i32
      %dma_wait3A_2473 = arith.constant 1 : i32
      %dma_wait3A_2474 = arith.constant 1 : i32
      %dma_wait3A_2475 = arith.constant 0 : i32
      %dma_wait3A_2476 = tpu.memref_slice %arg7[%dma_wait3A_2473, %dma_wait3A_2475] : memref<8x80xi32, #tpu.memory_space<vmem>> -> memref<1x80xi32, #tpu.memory_space<vmem>>
      %dma_wait3A_2477 = tpu.memref_squeeze %dma_wait3A_2476 : memref<1x80xi32, #tpu.memory_space<vmem>> -> memref<80xi32, #tpu.memory_space<vmem>>
      %dma_wait3A_2478 = arith.constant 0 : i32
      %dma_wait3A_2479 = tpu.memref_slice %arg3[%add3A_2472, %dma_wait3A_2478] : memref<4000x80xi32, #tpu.memory_space<hbm>> -> memref<1x80xi32, #tpu.memory_space<hbm>>
      %dma_wait3A_2480 = tpu.memref_squeeze %dma_wait3A_2479 : memref<1x80xi32, #tpu.memory_space<hbm>> -> memref<80xi32, #tpu.memory_space<hbm>>
      %dma_wait3A_2481 = tpu.memref_slice %arg12[%dma_wait3A_2474] : memref<8x!tpu.dma_semaphore, #tpu.memory_space<semaphore_mem>> -> memref<1x!tpu.dma_semaphore, #tpu.memory_space<semaphore_mem>>
      %dma_wait3A_2482 = tpu.memref_squeeze %dma_wait3A_2481 : memref<1x!tpu.dma_semaphore, #tpu.memory_space<semaphore_mem>> -> memref<!tpu.dma_semaphore, #tpu.memory_space<semaphore_mem>>
      %dma_wait3A_2483 = arith.constant 0 : i32
      %dma_wait3A_2484 = tpu.memref_slice %arg7[%dma_wait3A_2473, %dma_wait3A_2483] : memref<8x80xi32, #tpu.memory_space<vmem>> -> memref<1x80xi32, #tpu.memory_space<vmem>>
      %dma_wait3A_2485 = tpu.memref_squeeze %dma_wait3A_2484 : memref<1x80xi32, #tpu.memory_space<vmem>> -> memref<80xi32, #tpu.memory_space<vmem>>
      %dma_wait3A_2486 = arith.constant 0 : i32
      %dma_wait3A_2487 = tpu.memref_slice %arg3[%add3A_2472, %dma_wait3A_2486] : memref<4000x80xi32, #tpu.memory_space<hbm>> -> memref<1x80xi32, #tpu.memory_space<hbm>>
      %dma_wait3A_2488 = tpu.memref_squeeze %dma_wait3A_2487 : memref<1x80xi32, #tpu.memory_space<hbm>> -> memref<80xi32, #tpu.memory_space<hbm>>
      tpu.wait_dma2 semaphore(%dma_wait3A_2482 : memref<!tpu.dma_semaphore, #tpu.memory_space<semaphore_mem>>) src(%dma_wait3A_2488 : memref<80xi32, #tpu.memory_space<hbm>>) dst(%dma_wait3A_2485 : memref<80xi32, #tpu.memory_space<vmem>>)
      %add3A_2489 = arith.addi %mul3A_2, %add3A_2471 : i32
      %dma_wait3A_2490 = arith.constant 1 : i32
      %dma_wait3A_2491 = arith.constant 1 : i32
      %dma_wait3A_2492 = arith.constant 0 : i32
      %dma_wait3A_2493 = tpu.memref_slice %arg8[%dma_wait3A_2490, %dma_wait3A_2492] : memref<8x80xi32, #tpu.memory_space<vmem>> -> memref<1x80xi32, #tpu.memory_space<vmem>>
      %dma_wait3A_2494 = tpu.memref_squeeze %dma_wait3A_2493 : memref<1x80xi32, #tpu.memory_space<vmem>> -> memref<80xi32, #tpu.memory_space<vmem>>
      %dma_wait3A_2495 = arith.constant 0 : i32
      %dma_wait3A_2496 = tpu.memref_slice %arg4[%add3A_2489, %dma_wait3A_2495] : memref<4000x80xi32, #tpu.memory_space<hbm>> -> memref<1x80xi32, #tpu.memory_space<hbm>>
      %dma_wait3A_2497 = tpu.memref_squeeze %dma_wait3A_2496 : memref<1x80xi32, #tpu.memory_space<hbm>> -> memref<80xi32, #tpu.memory_space<hbm>>
      %dma_wait3A_2498 = tpu.memref_slice %arg12[%dma_wait3A_2491] : memref<8x!tpu.dma_semaphore, #tpu.memory_space<semaphore_mem>> -> memref<1x!tpu.dma_semaphore, #tpu.memory_space<semaphore_mem>>
      %dma_wait3A_2499 = tpu.memref_squeeze %dma_wait3A_2498 : memref<1x!tpu.dma_semaphore, #tpu.memory_space<semaphore_mem>> -> memref<!tpu.dma_semaphore, #tpu.memory_space<semaphore_mem>>
      %dma_wait3A_2500 = arith.constant 0 : i32
      %dma_wait3A_2501 = tpu.memref_slice %arg8[%dma_wait3A_2490, %dma_wait3A_2500] : memref<8x80xi32, #tpu.memory_space<vmem>> -> memref<1x80xi32, #tpu.memory_space<vmem>>
      %dma_wait3A_2502 = tpu.memref_squeeze %dma_wait3A_2501 : memref<1x80xi32, #tpu.memory_space<vmem>> -> memref<80xi32, #tpu.memory_space<vmem>>
      %dma_wait3A_2503 = arith.constant 0 : i32
      %dma_wait3A_2504 = tpu.memref_slice %arg4[%add3A_2489, %dma_wait3A_2503] : memref<4000x80xi32, #tpu.memory_space<hbm>> -> memref<1x80xi32, #tpu.memory_space<hbm>>
      %dma_wait3A_2505 = tpu.memref_squeeze %dma_wait3A_2504 : memref<1x80xi32, #tpu.memory_space<hbm>> -> memref<80xi32, #tpu.memory_space<hbm>>
      tpu.wait_dma2 semaphore(%dma_wait3A_2499 : memref<!tpu.dma_semaphore, #tpu.memory_space<semaphore_mem>>) src(%dma_wait3A_2505 : memref<80xi32, #tpu.memory_space<hbm>>) dst(%dma_wait3A_2502 : memref<80xi32, #tpu.memory_space<vmem>>)
      %add3A_2506 = arith.constant 2 : i32
      %add3A_2507 = arith.addi %add3A_2452, %add3A_2506 : i32
      %dma_start3A_2508 = arith.constant 1 : i32
      %dma_start3A_2509 = arith.constant 1 : i32
      %dma_start3A_2510 = arith.constant 1 : i32
      %dma_start3A_2511 = arith.constant 0 : i32
      %dma_start3A_2512 = arith.constant 0 : i32
      %dma_start3A_2513 = tpu.memref_slice %arg9[%dma_start3A_2509, %dma_start3A_2511, %dma_start3A_2512] : memref<4x80x128xf32, #tpu.memory_space<vmem>> -> memref<1x80x128xf32, #tpu.memory_space<vmem>>
      %dma_start3A_2514 = tpu.memref_squeeze %dma_start3A_2513 : memref<1x80x128xf32, #tpu.memory_space<vmem>> -> memref<80x128xf32, #tpu.memory_space<vmem>>
      %dma_start3A_2515 = arith.constant 0 : i32
      %dma_start3A_2516 = tpu.memref_slice %arg7[%dma_start3A_2508, %dma_start3A_2515] : memref<8x80xi32, #tpu.memory_space<vmem>> -> memref<1x80xi32, #tpu.memory_space<vmem>>
      %dma_start3A_2517 = tpu.memref_squeeze %dma_start3A_2516 : memref<1x80xi32, #tpu.memory_space<vmem>> -> memref<80xi32, #tpu.memory_space<vmem>>
      %dma_start3A_2518 = arith.constant 0 : i32
      %dma_start3A_2519 = arith.constant 0 : i32
      %dma_start3A_2520 = tpu.memref_slice %arg2[%dma_start3A_2518, %dma_start3A_2519] : memref<10000x128xf32, #tpu.memory_space<hbm>> -> memref<10000x128xf32, #tpu.memory_space<hbm>>
      %dma_start3A_2521 = tpu.memref_slice %arg10[%dma_start3A_2510] : memref<4x!tpu.dma_semaphore, #tpu.memory_space<semaphore_mem>> -> memref<1x!tpu.dma_semaphore, #tpu.memory_space<semaphore_mem>>
      %dma_start3A_2522 = tpu.memref_squeeze %dma_start3A_2521 : memref<1x!tpu.dma_semaphore, #tpu.memory_space<semaphore_mem>> -> memref<!tpu.dma_semaphore, #tpu.memory_space<semaphore_mem>>
      tpu.enqueue_indirect_dma source(%dma_start3A_2520 : memref<10000x128xf32, #tpu.memory_space<hbm>>) target(%dma_start3A_2514 : memref<80x128xf32, #tpu.memory_space<vmem>>) offsets(%dma_start3A_2517 : memref<80xi32, #tpu.memory_space<vmem>>) semaphore(%dma_start3A_2522 : memref<!tpu.dma_semaphore, #tpu.memory_space<semaphore_mem>>)
      %add3A_2523 = arith.constant 6 : i32
      %add3A_2524 = arith.addi %add3A_2452, %add3A_2523 : i32
      %add3A_2525 = arith.addi %mul3A_2, %add3A_2524 : i32
      %dma_start3A_2526 = arith.constant 5 : i32
      %dma_start3A_2527 = arith.constant 5 : i32
      %dma_start3A_2528 = arith.constant 0 : i32
      %dma_start3A_2529 = tpu.memref_slice %arg7[%dma_start3A_2526, %dma_start3A_2528] : memref<8x80xi32, #tpu.memory_space<vmem>> -> memref<1x80xi32, #tpu.memory_space<vmem>>
      %dma_start3A_2530 = tpu.memref_squeeze %dma_start3A_2529 : memref<1x80xi32, #tpu.memory_space<vmem>> -> memref<80xi32, #tpu.memory_space<vmem>>
      %dma_start3A_2531 = arith.constant 0 : i32
      %dma_start3A_2532 = tpu.memref_slice %arg3[%add3A_2525, %dma_start3A_2531] : memref<4000x80xi32, #tpu.memory_space<hbm>> -> memref<1x80xi32, #tpu.memory_space<hbm>>
      %dma_start3A_2533 = tpu.memref_squeeze %dma_start3A_2532 : memref<1x80xi32, #tpu.memory_space<hbm>> -> memref<80xi32, #tpu.memory_space<hbm>>
      %dma_start3A_2534 = tpu.memref_slice %arg12[%dma_start3A_2527] : memref<8x!tpu.dma_semaphore, #tpu.memory_space<semaphore_mem>> -> memref<1x!tpu.dma_semaphore, #tpu.memory_space<semaphore_mem>>
      %dma_start3A_2535 = tpu.memref_squeeze %dma_start3A_2534 : memref<1x!tpu.dma_semaphore, #tpu.memory_space<semaphore_mem>> -> memref<!tpu.dma_semaphore, #tpu.memory_space<semaphore_mem>>
      %dma_start3A_2536 = arith.constant 0 : i32
      %dma_start3A_2537 = tpu.memref_slice %arg7[%dma_start3A_2526, %dma_start3A_2536] : memref<8x80xi32, #tpu.memory_space<vmem>> -> memref<1x80xi32, #tpu.memory_space<vmem>>
      %dma_start3A_2538 = tpu.memref_squeeze %dma_start3A_2537 : memref<1x80xi32, #tpu.memory_space<vmem>> -> memref<80xi32, #tpu.memory_space<vmem>>
      %dma_start3A_2539 = arith.constant 0 : i32
      %dma_start3A_2540 = tpu.memref_slice %arg3[%add3A_2525, %dma_start3A_2539] : memref<4000x80xi32, #tpu.memory_space<hbm>> -> memref<1x80xi32, #tpu.memory_space<hbm>>
      %dma_start3A_2541 = tpu.memref_squeeze %dma_start3A_2540 : memref<1x80xi32, #tpu.memory_space<hbm>> -> memref<80xi32, #tpu.memory_space<hbm>>
      tpu.enqueue_dma source(%dma_start3A_2541 : memref<80xi32, #tpu.memory_space<hbm>>) target(%dma_start3A_2538 : memref<80xi32, #tpu.memory_space<vmem>>) target_semaphore(%dma_start3A_2535 : memref<!tpu.dma_semaphore, #tpu.memory_space<semaphore_mem>>)
      %add3A_2542 = arith.addi %mul3A_2, %add3A_2524 : i32
      %dma_start3A_2543 = arith.constant 5 : i32
      %dma_start3A_2544 = arith.constant 5 : i32
      %dma_start3A_2545 = arith.constant 0 : i32
      %dma_start3A_2546 = tpu.memref_slice %arg8[%dma_start3A_2543, %dma_start3A_2545] : memref<8x80xi32, #tpu.memory_space<vmem>> -> memref<1x80xi32, #tpu.memory_space<vmem>>
      %dma_start3A_2547 = tpu.memref_squeeze %dma_start3A_2546 : memref<1x80xi32, #tpu.memory_space<vmem>> -> memref<80xi32, #tpu.memory_space<vmem>>
      %dma_start3A_2548 = arith.constant 0 : i32
      %dma_start3A_2549 = tpu.memref_slice %arg4[%add3A_2542, %dma_start3A_2548] : memref<4000x80xi32, #tpu.memory_space<hbm>> -> memref<1x80xi32, #tpu.memory_space<hbm>>
      %dma_start3A_2550 = tpu.memref_squeeze %dma_start3A_2549 : memref<1x80xi32, #tpu.memory_space<hbm>> -> memref<80xi32, #tpu.memory_space<hbm>>
      %dma_start3A_2551 = tpu.memref_slice %arg12[%dma_start3A_2544] : memref<8x!tpu.dma_semaphore, #tpu.memory_space<semaphore_mem>> -> memref<1x!tpu.dma_semaphore, #tpu.memory_space<semaphore_mem>>
      %dma_start3A_2552 = tpu.memref_squeeze %dma_start3A_2551 : memref<1x!tpu.dma_semaphore, #tpu.memory_space<semaphore_mem>> -> memref<!tpu.dma_semaphore, #tpu.memory_space<semaphore_mem>>
      %dma_start3A_2553 = arith.constant 0 : i32
      %dma_start3A_2554 = tpu.memref_slice %arg8[%dma_start3A_2543, %dma_start3A_2553] : memref<8x80xi32, #tpu.memory_space<vmem>> -> memref<1x80xi32, #tpu.memory_space<vmem>>
      %dma_start3A_2555 = tpu.memref_squeeze %dma_start3A_2554 : memref<1x80xi32, #tpu.memory_space<vmem>> -> memref<80xi32, #tpu.memory_space<vmem>>
      %dma_start3A_2556 = arith.constant 0 : i32
      %dma_start3A_2557 = tpu.memref_slice %arg4[%add3A_2542, %dma_start3A_2556] : memref<4000x80xi32, #tpu.memory_space<hbm>> -> memref<1x80xi32, #tpu.memory_space<hbm>>
      %dma_start3A_2558 = tpu.memref_squeeze %dma_start3A_2557 : memref<1x80xi32, #tpu.memory_space<hbm>> -> memref<80xi32, #tpu.memory_space<hbm>>
      tpu.enqueue_dma source(%dma_start3A_2558 : memref<80xi32, #tpu.memory_space<hbm>>) target(%dma_start3A_2555 : memref<80xi32, #tpu.memory_space<vmem>>) target_semaphore(%dma_start3A_2552 : memref<!tpu.dma_semaphore, #tpu.memory_space<semaphore_mem>>)
      %dma_wait3A_2559 = arith.constant 7 : i32
      %dma_wait3A_2560 = arith.constant 3 : i32
      %dma_wait3A_2561 = arith.constant 3 : i32
      %dma_wait3A_2562 = arith.constant 0 : i32
      %dma_wait3A_2563 = arith.constant 0 : i32
      %dma_wait3A_2564 = tpu.memref_slice %arg9[%dma_wait3A_2560, %dma_wait3A_2562, %dma_wait3A_2563] : memref<4x80x128xf32, #tpu.memory_space<vmem>> -> memref<1x80x128xf32, #tpu.memory_space<vmem>>
      %dma_wait3A_2565 = tpu.memref_squeeze %dma_wait3A_2564 : memref<1x80x128xf32, #tpu.memory_space<vmem>> -> memref<80x128xf32, #tpu.memory_space<vmem>>
      %dma_wait3A_2566 = arith.constant 0 : i32
      %dma_wait3A_2567 = tpu.memref_slice %arg7[%dma_wait3A_2559, %dma_wait3A_2566] : memref<8x80xi32, #tpu.memory_space<vmem>> -> memref<1x80xi32, #tpu.memory_space<vmem>>
      %dma_wait3A_2568 = tpu.memref_squeeze %dma_wait3A_2567 : memref<1x80xi32, #tpu.memory_space<vmem>> -> memref<80xi32, #tpu.memory_space<vmem>>
      %dma_wait3A_2569 = arith.constant 0 : i32
      %dma_wait3A_2570 = arith.constant 0 : i32
      %dma_wait3A_2571 = tpu.memref_slice %arg2[%dma_wait3A_2569, %dma_wait3A_2570] : memref<10000x128xf32, #tpu.memory_space<hbm>> -> memref<10000x128xf32, #tpu.memory_space<hbm>>
      %dma_wait3A_2572 = tpu.memref_slice %arg10[%dma_wait3A_2561] : memref<4x!tpu.dma_semaphore, #tpu.memory_space<semaphore_mem>> -> memref<1x!tpu.dma_semaphore, #tpu.memory_space<semaphore_mem>>
      %dma_wait3A_2573 = tpu.memref_squeeze %dma_wait3A_2572 : memref<1x!tpu.dma_semaphore, #tpu.memory_space<semaphore_mem>> -> memref<!tpu.dma_semaphore, #tpu.memory_space<semaphore_mem>>
      tpu.wait_indirect_dma semaphore(%dma_wait3A_2573 : memref<!tpu.dma_semaphore, #tpu.memory_space<semaphore_mem>>) src(%dma_wait3A_2571 : memref<10000x128xf32, #tpu.memory_space<hbm>>) dst(%dma_wait3A_2565 : memref<80x128xf32, #tpu.memory_space<vmem>>)
      %dma_start3A_2574 = arith.constant 3 : i32
      %dma_start3A_2575 = arith.constant 7 : i32
      %dma_start3A_2576 = arith.constant 3 : i32
      %dma_start3A_2577 = arith.constant 0 : i32
      %dma_start3A_2578 = arith.constant 0 : i32
      %dma_start3A_2579 = tpu.memref_slice %arg9[%dma_start3A_2574, %dma_start3A_2577, %dma_start3A_2578] : memref<4x80x128xf32, #tpu.memory_space<vmem>> -> memref<1x80x128xf32, #tpu.memory_space<vmem>>
      %dma_start3A_2580 = tpu.memref_squeeze %dma_start3A_2579 : memref<1x80x128xf32, #tpu.memory_space<vmem>> -> memref<80x128xf32, #tpu.memory_space<vmem>>
      %dma_start3A_2581 = arith.constant 0 : i32
      %dma_start3A_2582 = tpu.memref_slice %arg8[%dma_start3A_2575, %dma_start3A_2581] : memref<8x80xi32, #tpu.memory_space<vmem>> -> memref<1x80xi32, #tpu.memory_space<vmem>>
      %dma_start3A_2583 = tpu.memref_squeeze %dma_start3A_2582 : memref<1x80xi32, #tpu.memory_space<vmem>> -> memref<80xi32, #tpu.memory_space<vmem>>
      %dma_start3A_2584 = arith.constant 0 : i32
      %dma_start3A_2585 = arith.constant 0 : i32
      %dma_start3A_2586 = tpu.memref_slice %arg6[%dma_start3A_2584, %dma_start3A_2585] : memref<10240x128xf32, #tpu.memory_space<vmem_shared>> -> memref<10240x128xf32, #tpu.memory_space<vmem_shared>>
      %dma_start3A_2587 = tpu.memref_slice %arg11[%dma_start3A_2576] : memref<4x!tpu.dma_semaphore, #tpu.memory_space<semaphore_mem>> -> memref<1x!tpu.dma_semaphore, #tpu.memory_space<semaphore_mem>>
      %dma_start3A_2588 = tpu.memref_squeeze %dma_start3A_2587 : memref<1x!tpu.dma_semaphore, #tpu.memory_space<semaphore_mem>> -> memref<!tpu.dma_semaphore, #tpu.memory_space<semaphore_mem>>
      tpu.enqueue_indirect_dma source(%dma_start3A_2580 : memref<80x128xf32, #tpu.memory_space<vmem>>) target(%dma_start3A_2586 : memref<10240x128xf32, #tpu.memory_space<vmem_shared>>) offsets(%dma_start3A_2583 : memref<80xi32, #tpu.memory_space<vmem>>) semaphore(%dma_start3A_2588 : memref<!tpu.dma_semaphore, #tpu.memory_space<semaphore_mem>>) {add = true}
      %add3A_2589 = arith.constant 6 : i32
      %add3A_2590 = arith.addi %add3A_1761, %add3A_2589 : i32
      %sub3A_2591 = arith.constant 2 : i32
      %sub3A_2592 = arith.subi %add3A_2590, %sub3A_2591 : i32
      %dma_wait3A_2593 = arith.constant 2 : i32
      %dma_wait3A_2594 = arith.constant 6 : i32
      %dma_wait3A_2595 = arith.constant 2 : i32
      %dma_wait3A_2596 = arith.constant 0 : i32
      %dma_wait3A_2597 = arith.constant 0 : i32
      %dma_wait3A_2598 = tpu.memref_slice %arg9[%dma_wait3A_2593, %dma_wait3A_2596, %dma_wait3A_2597] : memref<4x80x128xf32, #tpu.memory_space<vmem>> -> memref<1x80x128xf32, #tpu.memory_space<vmem>>
      %dma_wait3A_2599 = tpu.memref_squeeze %dma_wait3A_2598 : memref<1x80x128xf32, #tpu.memory_space<vmem>> -> memref<80x128xf32, #tpu.memory_space<vmem>>
      %dma_wait3A_2600 = arith.constant 0 : i32
      %dma_wait3A_2601 = tpu.memref_slice %arg8[%dma_wait3A_2594, %dma_wait3A_2600] : memref<8x80xi32, #tpu.memory_space<vmem>> -> memref<1x80xi32, #tpu.memory_space<vmem>>
      %dma_wait3A_2602 = tpu.memref_squeeze %dma_wait3A_2601 : memref<1x80xi32, #tpu.memory_space<vmem>> -> memref<80xi32, #tpu.memory_space<vmem>>
      %dma_wait3A_2603 = arith.constant 0 : i32
      %dma_wait3A_2604 = arith.constant 0 : i32
      %dma_wait3A_2605 = tpu.memref_slice %arg6[%dma_wait3A_2603, %dma_wait3A_2604] : memref<10240x128xf32, #tpu.memory_space<vmem_shared>> -> memref<10240x128xf32, #tpu.memory_space<vmem_shared>>
      %dma_wait3A_2606 = tpu.memref_slice %arg11[%dma_wait3A_2595] : memref<4x!tpu.dma_semaphore, #tpu.memory_space<semaphore_mem>> -> memref<1x!tpu.dma_semaphore, #tpu.memory_space<semaphore_mem>>
      %dma_wait3A_2607 = tpu.memref_squeeze %dma_wait3A_2606 : memref<1x!tpu.dma_semaphore, #tpu.memory_space<semaphore_mem>> -> memref<!tpu.dma_semaphore, #tpu.memory_space<semaphore_mem>>
      tpu.wait_indirect_dma semaphore(%dma_wait3A_2607 : memref<!tpu.dma_semaphore, #tpu.memory_space<semaphore_mem>>) src(%dma_wait3A_2599 : memref<80x128xf32, #tpu.memory_space<vmem>>) dst(%dma_wait3A_2605 : memref<10240x128xf32, #tpu.memory_space<vmem_shared>>)
      %add3A_2608 = arith.constant 2 : i32
      %add3A_2609 = arith.addi %add3A_2590, %add3A_2608 : i32
      %add3A_2610 = arith.addi %mul3A_2, %add3A_2609 : i32
      %dma_wait3A_2611 = arith.constant 2 : i32
      %dma_wait3A_2612 = arith.constant 2 : i32
      %dma_wait3A_2613 = arith.constant 0 : i32
      %dma_wait3A_2614 = tpu.memref_slice %arg7[%dma_wait3A_2611, %dma_wait3A_2613] : memref<8x80xi32, #tpu.memory_space<vmem>> -> memref<1x80xi32, #tpu.memory_space<vmem>>
      %dma_wait3A_2615 = tpu.memref_squeeze %dma_wait3A_2614 : memref<1x80xi32, #tpu.memory_space<vmem>> -> memref<80xi32, #tpu.memory_space<vmem>>
      %dma_wait3A_2616 = arith.constant 0 : i32
      %dma_wait3A_2617 = tpu.memref_slice %arg3[%add3A_2610, %dma_wait3A_2616] : memref<4000x80xi32, #tpu.memory_space<hbm>> -> memref<1x80xi32, #tpu.memory_space<hbm>>
      %dma_wait3A_2618 = tpu.memref_squeeze %dma_wait3A_2617 : memref<1x80xi32, #tpu.memory_space<hbm>> -> memref<80xi32, #tpu.memory_space<hbm>>
      %dma_wait3A_2619 = tpu.memref_slice %arg12[%dma_wait3A_2612] : memref<8x!tpu.dma_semaphore, #tpu.memory_space<semaphore_mem>> -> memref<1x!tpu.dma_semaphore, #tpu.memory_space<semaphore_mem>>
      %dma_wait3A_2620 = tpu.memref_squeeze %dma_wait3A_2619 : memref<1x!tpu.dma_semaphore, #tpu.memory_space<semaphore_mem>> -> memref<!tpu.dma_semaphore, #tpu.memory_space<semaphore_mem>>
      %dma_wait3A_2621 = arith.constant 0 : i32
      %dma_wait3A_2622 = tpu.memref_slice %arg7[%dma_wait3A_2611, %dma_wait3A_2621] : memref<8x80xi32, #tpu.memory_space<vmem>> -> memref<1x80xi32, #tpu.memory_space<vmem>>
      %dma_wait3A_2623 = tpu.memref_squeeze %dma_wait3A_2622 : memref<1x80xi32, #tpu.memory_space<vmem>> -> memref<80xi32, #tpu.memory_space<vmem>>
      %dma_wait3A_2624 = arith.constant 0 : i32
      %dma_wait3A_2625 = tpu.memref_slice %arg3[%add3A_2610, %dma_wait3A_2624] : memref<4000x80xi32, #tpu.memory_space<hbm>> -> memref<1x80xi32, #tpu.memory_space<hbm>>
      %dma_wait3A_2626 = tpu.memref_squeeze %dma_wait3A_2625 : memref<1x80xi32, #tpu.memory_space<hbm>> -> memref<80xi32, #tpu.memory_space<hbm>>
      tpu.wait_dma2 semaphore(%dma_wait3A_2620 : memref<!tpu.dma_semaphore, #tpu.memory_space<semaphore_mem>>) src(%dma_wait3A_2626 : memref<80xi32, #tpu.memory_space<hbm>>) dst(%dma_wait3A_2623 : memref<80xi32, #tpu.memory_space<vmem>>)
      %add3A_2627 = arith.addi %mul3A_2, %add3A_2609 : i32
      %dma_wait3A_2628 = arith.constant 2 : i32
      %dma_wait3A_2629 = arith.constant 2 : i32
      %dma_wait3A_2630 = arith.constant 0 : i32
      %dma_wait3A_2631 = tpu.memref_slice %arg8[%dma_wait3A_2628, %dma_wait3A_2630] : memref<8x80xi32, #tpu.memory_space<vmem>> -> memref<1x80xi32, #tpu.memory_space<vmem>>
      %dma_wait3A_2632 = tpu.memref_squeeze %dma_wait3A_2631 : memref<1x80xi32, #tpu.memory_space<vmem>> -> memref<80xi32, #tpu.memory_space<vmem>>
      %dma_wait3A_2633 = arith.constant 0 : i32
      %dma_wait3A_2634 = tpu.memref_slice %arg4[%add3A_2627, %dma_wait3A_2633] : memref<4000x80xi32, #tpu.memory_space<hbm>> -> memref<1x80xi32, #tpu.memory_space<hbm>>
      %dma_wait3A_2635 = tpu.memref_squeeze %dma_wait3A_2634 : memref<1x80xi32, #tpu.memory_space<hbm>> -> memref<80xi32, #tpu.memory_space<hbm>>
      %dma_wait3A_2636 = tpu.memref_slice %arg12[%dma_wait3A_2629] : memref<8x!tpu.dma_semaphore, #tpu.memory_space<semaphore_mem>> -> memref<1x!tpu.dma_semaphore, #tpu.memory_space<semaphore_mem>>
      %dma_wait3A_2637 = tpu.memref_squeeze %dma_wait3A_2636 : memref<1x!tpu.dma_semaphore, #tpu.memory_space<semaphore_mem>> -> memref<!tpu.dma_semaphore, #tpu.memory_space<semaphore_mem>>
      %dma_wait3A_2638 = arith.constant 0 : i32
      %dma_wait3A_2639 = tpu.memref_slice %arg8[%dma_wait3A_2628, %dma_wait3A_2638] : memref<8x80xi32, #tpu.memory_space<vmem>> -> memref<1x80xi32, #tpu.memory_space<vmem>>
      %dma_wait3A_2640 = tpu.memref_squeeze %dma_wait3A_2639 : memref<1x80xi32, #tpu.memory_space<vmem>> -> memref<80xi32, #tpu.memory_space<vmem>>
      %dma_wait3A_2641 = arith.constant 0 : i32
      %dma_wait3A_2642 = tpu.memref_slice %arg4[%add3A_2627, %dma_wait3A_2641] : memref<4000x80xi32, #tpu.memory_space<hbm>> -> memref<1x80xi32, #tpu.memory_space<hbm>>
      %dma_wait3A_2643 = tpu.memref_squeeze %dma_wait3A_2642 : memref<1x80xi32, #tpu.memory_space<hbm>> -> memref<80xi32, #tpu.memory_space<hbm>>
      tpu.wait_dma2 semaphore(%dma_wait3A_2637 : memref<!tpu.dma_semaphore, #tpu.memory_space<semaphore_mem>>) src(%dma_wait3A_2643 : memref<80xi32, #tpu.memory_space<hbm>>) dst(%dma_wait3A_2640 : memref<80xi32, #tpu.memory_space<vmem>>)
      %add3A_2644 = arith.constant 2 : i32
      %add3A_2645 = arith.addi %add3A_2590, %add3A_2644 : i32
      %dma_start3A_2646 = arith.constant 2 : i32
      %dma_start3A_2647 = arith.constant 2 : i32
      %dma_start3A_2648 = arith.constant 2 : i32
      %dma_start3A_2649 = arith.constant 0 : i32
      %dma_start3A_2650 = arith.constant 0 : i32
      %dma_start3A_2651 = tpu.memref_slice %arg9[%dma_start3A_2647, %dma_start3A_2649, %dma_start3A_2650] : memref<4x80x128xf32, #tpu.memory_space<vmem>> -> memref<1x80x128xf32, #tpu.memory_space<vmem>>
      %dma_start3A_2652 = tpu.memref_squeeze %dma_start3A_2651 : memref<1x80x128xf32, #tpu.memory_space<vmem>> -> memref<80x128xf32, #tpu.memory_space<vmem>>
      %dma_start3A_2653 = arith.constant 0 : i32
      %dma_start3A_2654 = tpu.memref_slice %arg7[%dma_start3A_2646, %dma_start3A_2653] : memref<8x80xi32, #tpu.memory_space<vmem>> -> memref<1x80xi32, #tpu.memory_space<vmem>>
      %dma_start3A_2655 = tpu.memref_squeeze %dma_start3A_2654 : memref<1x80xi32, #tpu.memory_space<vmem>> -> memref<80xi32, #tpu.memory_space<vmem>>
      %dma_start3A_2656 = arith.constant 0 : i32
      %dma_start3A_2657 = arith.constant 0 : i32
      %dma_start3A_2658 = tpu.memref_slice %arg2[%dma_start3A_2656, %dma_start3A_2657] : memref<10000x128xf32, #tpu.memory_space<hbm>> -> memref<10000x128xf32, #tpu.memory_space<hbm>>
      %dma_start3A_2659 = tpu.memref_slice %arg10[%dma_start3A_2648] : memref<4x!tpu.dma_semaphore, #tpu.memory_space<semaphore_mem>> -> memref<1x!tpu.dma_semaphore, #tpu.memory_space<semaphore_mem>>
      %dma_start3A_2660 = tpu.memref_squeeze %dma_start3A_2659 : memref<1x!tpu.dma_semaphore, #tpu.memory_space<semaphore_mem>> -> memref<!tpu.dma_semaphore, #tpu.memory_space<semaphore_mem>>
      tpu.enqueue_indirect_dma source(%dma_start3A_2658 : memref<10000x128xf32, #tpu.memory_space<hbm>>) target(%dma_start3A_2652 : memref<80x128xf32, #tpu.memory_space<vmem>>) offsets(%dma_start3A_2655 : memref<80xi32, #tpu.memory_space<vmem>>) semaphore(%dma_start3A_2660 : memref<!tpu.dma_semaphore, #tpu.memory_space<semaphore_mem>>)
      %add3A_2661 = arith.constant 6 : i32
      %add3A_2662 = arith.addi %add3A_2590, %add3A_2661 : i32
      %add3A_2663 = arith.addi %mul3A_2, %add3A_2662 : i32
      %dma_start3A_2664 = arith.constant 6 : i32
      %dma_start3A_2665 = arith.constant 6 : i32
      %dma_start3A_2666 = arith.constant 0 : i32
      %dma_start3A_2667 = tpu.memref_slice %arg7[%dma_start3A_2664, %dma_start3A_2666] : memref<8x80xi32, #tpu.memory_space<vmem>> -> memref<1x80xi32, #tpu.memory_space<vmem>>
      %dma_start3A_2668 = tpu.memref_squeeze %dma_start3A_2667 : memref<1x80xi32, #tpu.memory_space<vmem>> -> memref<80xi32, #tpu.memory_space<vmem>>
      %dma_start3A_2669 = arith.constant 0 : i32
      %dma_start3A_2670 = tpu.memref_slice %arg3[%add3A_2663, %dma_start3A_2669] : memref<4000x80xi32, #tpu.memory_space<hbm>> -> memref<1x80xi32, #tpu.memory_space<hbm>>
      %dma_start3A_2671 = tpu.memref_squeeze %dma_start3A_2670 : memref<1x80xi32, #tpu.memory_space<hbm>> -> memref<80xi32, #tpu.memory_space<hbm>>
      %dma_start3A_2672 = tpu.memref_slice %arg12[%dma_start3A_2665] : memref<8x!tpu.dma_semaphore, #tpu.memory_space<semaphore_mem>> -> memref<1x!tpu.dma_semaphore, #tpu.memory_space<semaphore_mem>>
      %dma_start3A_2673 = tpu.memref_squeeze %dma_start3A_2672 : memref<1x!tpu.dma_semaphore, #tpu.memory_space<semaphore_mem>> -> memref<!tpu.dma_semaphore, #tpu.memory_space<semaphore_mem>>
      %dma_start3A_2674 = arith.constant 0 : i32
      %dma_start3A_2675 = tpu.memref_slice %arg7[%dma_start3A_2664, %dma_start3A_2674] : memref<8x80xi32, #tpu.memory_space<vmem>> -> memref<1x80xi32, #tpu.memory_space<vmem>>
      %dma_start3A_2676 = tpu.memref_squeeze %dma_start3A_2675 : memref<1x80xi32, #tpu.memory_space<vmem>> -> memref<80xi32, #tpu.memory_space<vmem>>
      %dma_start3A_2677 = arith.constant 0 : i32
      %dma_start3A_2678 = tpu.memref_slice %arg3[%add3A_2663, %dma_start3A_2677] : memref<4000x80xi32, #tpu.memory_space<hbm>> -> memref<1x80xi32, #tpu.memory_space<hbm>>
      %dma_start3A_2679 = tpu.memref_squeeze %dma_start3A_2678 : memref<1x80xi32, #tpu.memory_space<hbm>> -> memref<80xi32, #tpu.memory_space<hbm>>
      tpu.enqueue_dma source(%dma_start3A_2679 : memref<80xi32, #tpu.memory_space<hbm>>) target(%dma_start3A_2676 : memref<80xi32, #tpu.memory_space<vmem>>) target_semaphore(%dma_start3A_2673 : memref<!tpu.dma_semaphore, #tpu.memory_space<semaphore_mem>>)
      %add3A_2680 = arith.addi %mul3A_2, %add3A_2662 : i32
      %dma_start3A_2681 = arith.constant 6 : i32
      %dma_start3A_2682 = arith.constant 6 : i32
      %dma_start3A_2683 = arith.constant 0 : i32
      %dma_start3A_2684 = tpu.memref_slice %arg8[%dma_start3A_2681, %dma_start3A_2683] : memref<8x80xi32, #tpu.memory_space<vmem>> -> memref<1x80xi32, #tpu.memory_space<vmem>>
      %dma_start3A_2685 = tpu.memref_squeeze %dma_start3A_2684 : memref<1x80xi32, #tpu.memory_space<vmem>> -> memref<80xi32, #tpu.memory_space<vmem>>
      %dma_start3A_2686 = arith.constant 0 : i32
      %dma_start3A_2687 = tpu.memref_slice %arg4[%add3A_2680, %dma_start3A_2686] : memref<4000x80xi32, #tpu.memory_space<hbm>> -> memref<1x80xi32, #tpu.memory_space<hbm>>
      %dma_start3A_2688 = tpu.memref_squeeze %dma_start3A_2687 : memref<1x80xi32, #tpu.memory_space<hbm>> -> memref<80xi32, #tpu.memory_space<hbm>>
      %dma_start3A_2689 = tpu.memref_slice %arg12[%dma_start3A_2682] : memref<8x!tpu.dma_semaphore, #tpu.memory_space<semaphore_mem>> -> memref<1x!tpu.dma_semaphore, #tpu.memory_space<semaphore_mem>>
      %dma_start3A_2690 = tpu.memref_squeeze %dma_start3A_2689 : memref<1x!tpu.dma_semaphore, #tpu.memory_space<semaphore_mem>> -> memref<!tpu.dma_semaphore, #tpu.memory_space<semaphore_mem>>
      %dma_start3A_2691 = arith.constant 0 : i32
      %dma_start3A_2692 = tpu.memref_slice %arg8[%dma_start3A_2681, %dma_start3A_2691] : memref<8x80xi32, #tpu.memory_space<vmem>> -> memref<1x80xi32, #tpu.memory_space<vmem>>
      %dma_start3A_2693 = tpu.memref_squeeze %dma_start3A_2692 : memref<1x80xi32, #tpu.memory_space<vmem>> -> memref<80xi32, #tpu.memory_space<vmem>>
      %dma_start3A_2694 = arith.constant 0 : i32
      %dma_start3A_2695 = tpu.memref_slice %arg4[%add3A_2680, %dma_start3A_2694] : memref<4000x80xi32, #tpu.memory_space<hbm>> -> memref<1x80xi32, #tpu.memory_space<hbm>>
      %dma_start3A_2696 = tpu.memref_squeeze %dma_start3A_2695 : memref<1x80xi32, #tpu.memory_space<hbm>> -> memref<80xi32, #tpu.memory_space<hbm>>
      tpu.enqueue_dma source(%dma_start3A_2696 : memref<80xi32, #tpu.memory_space<hbm>>) target(%dma_start3A_2693 : memref<80xi32, #tpu.memory_space<vmem>>) target_semaphore(%dma_start3A_2690 : memref<!tpu.dma_semaphore, #tpu.memory_space<semaphore_mem>>)
      %dma_wait3A_2697 = arith.constant 0 : i32
      %dma_wait3A_2698 = arith.constant 0 : i32
      %dma_wait3A_2699 = arith.constant 0 : i32
      %dma_wait3A_2700 = arith.constant 0 : i32
      %dma_wait3A_2701 = arith.constant 0 : i32
      %dma_wait3A_2702 = tpu.memref_slice %arg9[%dma_wait3A_2698, %dma_wait3A_2700, %dma_wait3A_2701] : memref<4x80x128xf32, #tpu.memory_space<vmem>> -> memref<1x80x128xf32, #tpu.memory_space<vmem>>
      %dma_wait3A_2703 = tpu.memref_squeeze %dma_wait3A_2702 : memref<1x80x128xf32, #tpu.memory_space<vmem>> -> memref<80x128xf32, #tpu.memory_space<vmem>>
      %dma_wait3A_2704 = arith.constant 0 : i32
      %dma_wait3A_2705 = tpu.memref_slice %arg7[%dma_wait3A_2697, %dma_wait3A_2704] : memref<8x80xi32, #tpu.memory_space<vmem>> -> memref<1x80xi32, #tpu.memory_space<vmem>>
      %dma_wait3A_2706 = tpu.memref_squeeze %dma_wait3A_2705 : memref<1x80xi32, #tpu.memory_space<vmem>> -> memref<80xi32, #tpu.memory_space<vmem>>
      %dma_wait3A_2707 = arith.constant 0 : i32
      %dma_wait3A_2708 = arith.constant 0 : i32
      %dma_wait3A_2709 = tpu.memref_slice %arg2[%dma_wait3A_2707, %dma_wait3A_2708] : memref<10000x128xf32, #tpu.memory_space<hbm>> -> memref<10000x128xf32, #tpu.memory_space<hbm>>
      %dma_wait3A_2710 = tpu.memref_slice %arg10[%dma_wait3A_2699] : memref<4x!tpu.dma_semaphore, #tpu.memory_space<semaphore_mem>> -> memref<1x!tpu.dma_semaphore, #tpu.memory_space<semaphore_mem>>
      %dma_wait3A_2711 = tpu.memref_squeeze %dma_wait3A_2710 : memref<1x!tpu.dma_semaphore, #tpu.memory_space<semaphore_mem>> -> memref<!tpu.dma_semaphore, #tpu.memory_space<semaphore_mem>>
      tpu.wait_indirect_dma semaphore(%dma_wait3A_2711 : memref<!tpu.dma_semaphore, #tpu.memory_space<semaphore_mem>>) src(%dma_wait3A_2709 : memref<10000x128xf32, #tpu.memory_space<hbm>>) dst(%dma_wait3A_2703 : memref<80x128xf32, #tpu.memory_space<vmem>>)
      %dma_start3A_2712 = arith.constant 0 : i32
      %dma_start3A_2713 = arith.constant 0 : i32
      %dma_start3A_2714 = arith.constant 0 : i32
      %dma_start3A_2715 = arith.constant 0 : i32
      %dma_start3A_2716 = arith.constant 0 : i32
      %dma_start3A_2717 = tpu.memref_slice %arg9[%dma_start3A_2712, %dma_start3A_2715, %dma_start3A_2716] : memref<4x80x128xf32, #tpu.memory_space<vmem>> -> memref<1x80x128xf32, #tpu.memory_space<vmem>>
      %dma_start3A_2718 = tpu.memref_squeeze %dma_start3A_2717 : memref<1x80x128xf32, #tpu.memory_space<vmem>> -> memref<80x128xf32, #tpu.memory_space<vmem>>
      %dma_start3A_2719 = arith.constant 0 : i32
      %dma_start3A_2720 = tpu.memref_slice %arg8[%dma_start3A_2713, %dma_start3A_2719] : memref<8x80xi32, #tpu.memory_space<vmem>> -> memref<1x80xi32, #tpu.memory_space<vmem>>
      %dma_start3A_2721 = tpu.memref_squeeze %dma_start3A_2720 : memref<1x80xi32, #tpu.memory_space<vmem>> -> memref<80xi32, #tpu.memory_space<vmem>>
      %dma_start3A_2722 = arith.constant 0 : i32
      %dma_start3A_2723 = arith.constant 0 : i32
      %dma_start3A_2724 = tpu.memref_slice %arg6[%dma_start3A_2722, %dma_start3A_2723] : memref<10240x128xf32, #tpu.memory_space<vmem_shared>> -> memref<10240x128xf32, #tpu.memory_space<vmem_shared>>
      %dma_start3A_2725 = tpu.memref_slice %arg11[%dma_start3A_2714] : memref<4x!tpu.dma_semaphore, #tpu.memory_space<semaphore_mem>> -> memref<1x!tpu.dma_semaphore, #tpu.memory_space<semaphore_mem>>
      %dma_start3A_2726 = tpu.memref_squeeze %dma_start3A_2725 : memref<1x!tpu.dma_semaphore, #tpu.memory_space<semaphore_mem>> -> memref<!tpu.dma_semaphore, #tpu.memory_space<semaphore_mem>>
      tpu.enqueue_indirect_dma source(%dma_start3A_2718 : memref<80x128xf32, #tpu.memory_space<vmem>>) target(%dma_start3A_2724 : memref<10240x128xf32, #tpu.memory_space<vmem_shared>>) offsets(%dma_start3A_2721 : memref<80xi32, #tpu.memory_space<vmem>>) semaphore(%dma_start3A_2726 : memref<!tpu.dma_semaphore, #tpu.memory_space<semaphore_mem>>) {add = true}
      %add3A_2727 = arith.constant 7 : i32
      %add3A_2728 = arith.addi %add3A_1761, %add3A_2727 : i32
      %sub3A_2729 = arith.constant 2 : i32
      %sub3A_2730 = arith.subi %add3A_2728, %sub3A_2729 : i32
      %dma_wait3A_2731 = arith.constant 3 : i32
      %dma_wait3A_2732 = arith.constant 7 : i32
      %dma_wait3A_2733 = arith.constant 3 : i32
      %dma_wait3A_2734 = arith.constant 0 : i32
      %dma_wait3A_2735 = arith.constant 0 : i32
      %dma_wait3A_2736 = tpu.memref_slice %arg9[%dma_wait3A_2731, %dma_wait3A_2734, %dma_wait3A_2735] : memref<4x80x128xf32, #tpu.memory_space<vmem>> -> memref<1x80x128xf32, #tpu.memory_space<vmem>>
      %dma_wait3A_2737 = tpu.memref_squeeze %dma_wait3A_2736 : memref<1x80x128xf32, #tpu.memory_space<vmem>> -> memref<80x128xf32, #tpu.memory_space<vmem>>
      %dma_wait3A_2738 = arith.constant 0 : i32
      %dma_wait3A_2739 = tpu.memref_slice %arg8[%dma_wait3A_2732, %dma_wait3A_2738] : memref<8x80xi32, #tpu.memory_space<vmem>> -> memref<1x80xi32, #tpu.memory_space<vmem>>
      %dma_wait3A_2740 = tpu.memref_squeeze %dma_wait3A_2739 : memref<1x80xi32, #tpu.memory_space<vmem>> -> memref<80xi32, #tpu.memory_space<vmem>>
      %dma_wait3A_2741 = arith.constant 0 : i32
      %dma_wait3A_2742 = arith.constant 0 : i32
      %dma_wait3A_2743 = tpu.memref_slice %arg6[%dma_wait3A_2741, %dma_wait3A_2742] : memref<10240x128xf32, #tpu.memory_space<vmem_shared>> -> memref<10240x128xf32, #tpu.memory_space<vmem_shared>>
      %dma_wait3A_2744 = tpu.memref_slice %arg11[%dma_wait3A_2733] : memref<4x!tpu.dma_semaphore, #tpu.memory_space<semaphore_mem>> -> memref<1x!tpu.dma_semaphore, #tpu.memory_space<semaphore_mem>>
      %dma_wait3A_2745 = tpu.memref_squeeze %dma_wait3A_2744 : memref<1x!tpu.dma_semaphore, #tpu.memory_space<semaphore_mem>> -> memref<!tpu.dma_semaphore, #tpu.memory_space<semaphore_mem>>
      tpu.wait_indirect_dma semaphore(%dma_wait3A_2745 : memref<!tpu.dma_semaphore, #tpu.memory_space<semaphore_mem>>) src(%dma_wait3A_2737 : memref<80x128xf32, #tpu.memory_space<vmem>>) dst(%dma_wait3A_2743 : memref<10240x128xf32, #tpu.memory_space<vmem_shared>>)
      %add3A_2746 = arith.constant 2 : i32
      %add3A_2747 = arith.addi %add3A_2728, %add3A_2746 : i32
      %add3A_2748 = arith.addi %mul3A_2, %add3A_2747 : i32
      %dma_wait3A_2749 = arith.constant 3 : i32
      %dma_wait3A_2750 = arith.constant 3 : i32
      %dma_wait3A_2751 = arith.constant 0 : i32
      %dma_wait3A_2752 = tpu.memref_slice %arg7[%dma_wait3A_2749, %dma_wait3A_2751] : memref<8x80xi32, #tpu.memory_space<vmem>> -> memref<1x80xi32, #tpu.memory_space<vmem>>
      %dma_wait3A_2753 = tpu.memref_squeeze %dma_wait3A_2752 : memref<1x80xi32, #tpu.memory_space<vmem>> -> memref<80xi32, #tpu.memory_space<vmem>>
      %dma_wait3A_2754 = arith.constant 0 : i32
      %dma_wait3A_2755 = tpu.memref_slice %arg3[%add3A_2748, %dma_wait3A_2754] : memref<4000x80xi32, #tpu.memory_space<hbm>> -> memref<1x80xi32, #tpu.memory_space<hbm>>
      %dma_wait3A_2756 = tpu.memref_squeeze %dma_wait3A_2755 : memref<1x80xi32, #tpu.memory_space<hbm>> -> memref<80xi32, #tpu.memory_space<hbm>>
      %dma_wait3A_2757 = tpu.memref_slice %arg12[%dma_wait3A_2750] : memref<8x!tpu.dma_semaphore, #tpu.memory_space<semaphore_mem>> -> memref<1x!tpu.dma_semaphore, #tpu.memory_space<semaphore_mem>>
      %dma_wait3A_2758 = tpu.memref_squeeze %dma_wait3A_2757 : memref<1x!tpu.dma_semaphore, #tpu.memory_space<semaphore_mem>> -> memref<!tpu.dma_semaphore, #tpu.memory_space<semaphore_mem>>
      %dma_wait3A_2759 = arith.constant 0 : i32
      %dma_wait3A_2760 = tpu.memref_slice %arg7[%dma_wait3A_2749, %dma_wait3A_2759] : memref<8x80xi32, #tpu.memory_space<vmem>> -> memref<1x80xi32, #tpu.memory_space<vmem>>
      %dma_wait3A_2761 = tpu.memref_squeeze %dma_wait3A_2760 : memref<1x80xi32, #tpu.memory_space<vmem>> -> memref<80xi32, #tpu.memory_space<vmem>>
      %dma_wait3A_2762 = arith.constant 0 : i32
      %dma_wait3A_2763 = tpu.memref_slice %arg3[%add3A_2748, %dma_wait3A_2762] : memref<4000x80xi32, #tpu.memory_space<hbm>> -> memref<1x80xi32, #tpu.memory_space<hbm>>
      %dma_wait3A_2764 = tpu.memref_squeeze %dma_wait3A_2763 : memref<1x80xi32, #tpu.memory_space<hbm>> -> memref<80xi32, #tpu.memory_space<hbm>>
      tpu.wait_dma2 semaphore(%dma_wait3A_2758 : memref<!tpu.dma_semaphore, #tpu.memory_space<semaphore_mem>>) src(%dma_wait3A_2764 : memref<80xi32, #tpu.memory_space<hbm>>) dst(%dma_wait3A_2761 : memref<80xi32, #tpu.memory_space<vmem>>)
      %add3A_2765 = arith.addi %mul3A_2, %add3A_2747 : i32
      %dma_wait3A_2766 = arith.constant 3 : i32
      %dma_wait3A_2767 = arith.constant 3 : i32
      %dma_wait3A_2768 = arith.constant 0 : i32
      %dma_wait3A_2769 = tpu.memref_slice %arg8[%dma_wait3A_2766, %dma_wait3A_2768] : memref<8x80xi32, #tpu.memory_space<vmem>> -> memref<1x80xi32, #tpu.memory_space<vmem>>
      %dma_wait3A_2770 = tpu.memref_squeeze %dma_wait3A_2769 : memref<1x80xi32, #tpu.memory_space<vmem>> -> memref<80xi32, #tpu.memory_space<vmem>>
      %dma_wait3A_2771 = arith.constant 0 : i32
      %dma_wait3A_2772 = tpu.memref_slice %arg4[%add3A_2765, %dma_wait3A_2771] : memref<4000x80xi32, #tpu.memory_space<hbm>> -> memref<1x80xi32, #tpu.memory_space<hbm>>
      %dma_wait3A_2773 = tpu.memref_squeeze %dma_wait3A_2772 : memref<1x80xi32, #tpu.memory_space<hbm>> -> memref<80xi32, #tpu.memory_space<hbm>>
      %dma_wait3A_2774 = tpu.memref_slice %arg12[%dma_wait3A_2767] : memref<8x!tpu.dma_semaphore, #tpu.memory_space<semaphore_mem>> -> memref<1x!tpu.dma_semaphore, #tpu.memory_space<semaphore_mem>>
      %dma_wait3A_2775 = tpu.memref_squeeze %dma_wait3A_2774 : memref<1x!tpu.dma_semaphore, #tpu.memory_space<semaphore_mem>> -> memref<!tpu.dma_semaphore, #tpu.memory_space<semaphore_mem>>
      %dma_wait3A_2776 = arith.constant 0 : i32
      %dma_wait3A_2777 = tpu.memref_slice %arg8[%dma_wait3A_2766, %dma_wait3A_2776] : memref<8x80xi32, #tpu.memory_space<vmem>> -> memref<1x80xi32, #tpu.memory_space<vmem>>
      %dma_wait3A_2778 = tpu.memref_squeeze %dma_wait3A_2777 : memref<1x80xi32, #tpu.memory_space<vmem>> -> memref<80xi32, #tpu.memory_space<vmem>>
      %dma_wait3A_2779 = arith.constant 0 : i32
      %dma_wait3A_2780 = tpu.memref_slice %arg4[%add3A_2765, %dma_wait3A_2779] : memref<4000x80xi32, #tpu.memory_space<hbm>> -> memref<1x80xi32, #tpu.memory_space<hbm>>
      %dma_wait3A_2781 = tpu.memref_squeeze %dma_wait3A_2780 : memref<1x80xi32, #tpu.memory_space<hbm>> -> memref<80xi32, #tpu.memory_space<hbm>>
      tpu.wait_dma2 semaphore(%dma_wait3A_2775 : memref<!tpu.dma_semaphore, #tpu.memory_space<semaphore_mem>>) src(%dma_wait3A_2781 : memref<80xi32, #tpu.memory_space<hbm>>) dst(%dma_wait3A_2778 : memref<80xi32, #tpu.memory_space<vmem>>)
      %add3A_2782 = arith.constant 2 : i32
      %add3A_2783 = arith.addi %add3A_2728, %add3A_2782 : i32
      %dma_start3A_2784 = arith.constant 3 : i32
      %dma_start3A_2785 = arith.constant 3 : i32
      %dma_start3A_2786 = arith.constant 3 : i32
      %dma_start3A_2787 = arith.constant 0 : i32
      %dma_start3A_2788 = arith.constant 0 : i32
      %dma_start3A_2789 = tpu.memref_slice %arg9[%dma_start3A_2785, %dma_start3A_2787, %dma_start3A_2788] : memref<4x80x128xf32, #tpu.memory_space<vmem>> -> memref<1x80x128xf32, #tpu.memory_space<vmem>>
      %dma_start3A_2790 = tpu.memref_squeeze %dma_start3A_2789 : memref<1x80x128xf32, #tpu.memory_space<vmem>> -> memref<80x128xf32, #tpu.memory_space<vmem>>
      %dma_start3A_2791 = arith.constant 0 : i32
      %dma_start3A_2792 = tpu.memref_slice %arg7[%dma_start3A_2784, %dma_start3A_2791] : memref<8x80xi32, #tpu.memory_space<vmem>> -> memref<1x80xi32, #tpu.memory_space<vmem>>
      %dma_start3A_2793 = tpu.memref_squeeze %dma_start3A_2792 : memref<1x80xi32, #tpu.memory_space<vmem>> -> memref<80xi32, #tpu.memory_space<vmem>>
      %dma_start3A_2794 = arith.constant 0 : i32
      %dma_start3A_2795 = arith.constant 0 : i32
      %dma_start3A_2796 = tpu.memref_slice %arg2[%dma_start3A_2794, %dma_start3A_2795] : memref<10000x128xf32, #tpu.memory_space<hbm>> -> memref<10000x128xf32, #tpu.memory_space<hbm>>
      %dma_start3A_2797 = tpu.memref_slice %arg10[%dma_start3A_2786] : memref<4x!tpu.dma_semaphore, #tpu.memory_space<semaphore_mem>> -> memref<1x!tpu.dma_semaphore, #tpu.memory_space<semaphore_mem>>
      %dma_start3A_2798 = tpu.memref_squeeze %dma_start3A_2797 : memref<1x!tpu.dma_semaphore, #tpu.memory_space<semaphore_mem>> -> memref<!tpu.dma_semaphore, #tpu.memory_space<semaphore_mem>>
      tpu.enqueue_indirect_dma source(%dma_start3A_2796 : memref<10000x128xf32, #tpu.memory_space<hbm>>) target(%dma_start3A_2790 : memref<80x128xf32, #tpu.memory_space<vmem>>) offsets(%dma_start3A_2793 : memref<80xi32, #tpu.memory_space<vmem>>) semaphore(%dma_start3A_2798 : memref<!tpu.dma_semaphore, #tpu.memory_space<semaphore_mem>>)
      %add3A_2799 = arith.constant 6 : i32
      %add3A_2800 = arith.addi %add3A_2728, %add3A_2799 : i32
      %add3A_2801 = arith.addi %mul3A_2, %add3A_2800 : i32
      %dma_start3A_2802 = arith.constant 7 : i32
      %dma_start3A_2803 = arith.constant 7 : i32
      %dma_start3A_2804 = arith.constant 0 : i32
      %dma_start3A_2805 = tpu.memref_slice %arg7[%dma_start3A_2802, %dma_start3A_2804] : memref<8x80xi32, #tpu.memory_space<vmem>> -> memref<1x80xi32, #tpu.memory_space<vmem>>
      %dma_start3A_2806 = tpu.memref_squeeze %dma_start3A_2805 : memref<1x80xi32, #tpu.memory_space<vmem>> -> memref<80xi32, #tpu.memory_space<vmem>>
      %dma_start3A_2807 = arith.constant 0 : i32
      %dma_start3A_2808 = tpu.memref_slice %arg3[%add3A_2801, %dma_start3A_2807] : memref<4000x80xi32, #tpu.memory_space<hbm>> -> memref<1x80xi32, #tpu.memory_space<hbm>>
      %dma_start3A_2809 = tpu.memref_squeeze %dma_start3A_2808 : memref<1x80xi32, #tpu.memory_space<hbm>> -> memref<80xi32, #tpu.memory_space<hbm>>
      %dma_start3A_2810 = tpu.memref_slice %arg12[%dma_start3A_2803] : memref<8x!tpu.dma_semaphore, #tpu.memory_space<semaphore_mem>> -> memref<1x!tpu.dma_semaphore, #tpu.memory_space<semaphore_mem>>
      %dma_start3A_2811 = tpu.memref_squeeze %dma_start3A_2810 : memref<1x!tpu.dma_semaphore, #tpu.memory_space<semaphore_mem>> -> memref<!tpu.dma_semaphore, #tpu.memory_space<semaphore_mem>>
      %dma_start3A_2812 = arith.constant 0 : i32
      %dma_start3A_2813 = tpu.memref_slice %arg7[%dma_start3A_2802, %dma_start3A_2812] : memref<8x80xi32, #tpu.memory_space<vmem>> -> memref<1x80xi32, #tpu.memory_space<vmem>>
      %dma_start3A_2814 = tpu.memref_squeeze %dma_start3A_2813 : memref<1x80xi32, #tpu.memory_space<vmem>> -> memref<80xi32, #tpu.memory_space<vmem>>
      %dma_start3A_2815 = arith.constant 0 : i32
      %dma_start3A_2816 = tpu.memref_slice %arg3[%add3A_2801, %dma_start3A_2815] : memref<4000x80xi32, #tpu.memory_space<hbm>> -> memref<1x80xi32, #tpu.memory_space<hbm>>
      %dma_start3A_2817 = tpu.memref_squeeze %dma_start3A_2816 : memref<1x80xi32, #tpu.memory_space<hbm>> -> memref<80xi32, #tpu.memory_space<hbm>>
      tpu.enqueue_dma source(%dma_start3A_2817 : memref<80xi32, #tpu.memory_space<hbm>>) target(%dma_start3A_2814 : memref<80xi32, #tpu.memory_space<vmem>>) target_semaphore(%dma_start3A_2811 : memref<!tpu.dma_semaphore, #tpu.memory_space<semaphore_mem>>)
      %add3A_2818 = arith.addi %mul3A_2, %add3A_2800 : i32
      %dma_start3A_2819 = arith.constant 7 : i32
      %dma_start3A_2820 = arith.constant 7 : i32
      %dma_start3A_2821 = arith.constant 0 : i32
      %dma_start3A_2822 = tpu.memref_slice %arg8[%dma_start3A_2819, %dma_start3A_2821] : memref<8x80xi32, #tpu.memory_space<vmem>> -> memref<1x80xi32, #tpu.memory_space<vmem>>
      %dma_start3A_2823 = tpu.memref_squeeze %dma_start3A_2822 : memref<1x80xi32, #tpu.memory_space<vmem>> -> memref<80xi32, #tpu.memory_space<vmem>>
      %dma_start3A_2824 = arith.constant 0 : i32
      %dma_start3A_2825 = tpu.memref_slice %arg4[%add3A_2818, %dma_start3A_2824] : memref<4000x80xi32, #tpu.memory_space<hbm>> -> memref<1x80xi32, #tpu.memory_space<hbm>>
      %dma_start3A_2826 = tpu.memref_squeeze %dma_start3A_2825 : memref<1x80xi32, #tpu.memory_space<hbm>> -> memref<80xi32, #tpu.memory_space<hbm>>
      %dma_start3A_2827 = tpu.memref_slice %arg12[%dma_start3A_2820] : memref<8x!tpu.dma_semaphore, #tpu.memory_space<semaphore_mem>> -> memref<1x!tpu.dma_semaphore, #tpu.memory_space<semaphore_mem>>
      %dma_start3A_2828 = tpu.memref_squeeze %dma_start3A_2827 : memref<1x!tpu.dma_semaphore, #tpu.memory_space<semaphore_mem>> -> memref<!tpu.dma_semaphore, #tpu.memory_space<semaphore_mem>>
      %dma_start3A_2829 = arith.constant 0 : i32
      %dma_start3A_2830 = tpu.memref_slice %arg8[%dma_start3A_2819, %dma_start3A_2829] : memref<8x80xi32, #tpu.memory_space<vmem>> -> memref<1x80xi32, #tpu.memory_space<vmem>>
      %dma_start3A_2831 = tpu.memref_squeeze %dma_start3A_2830 : memref<1x80xi32, #tpu.memory_space<vmem>> -> memref<80xi32, #tpu.memory_space<vmem>>
      %dma_start3A_2832 = arith.constant 0 : i32
      %dma_start3A_2833 = tpu.memref_slice %arg4[%add3A_2818, %dma_start3A_2832] : memref<4000x80xi32, #tpu.memory_space<hbm>> -> memref<1x80xi32, #tpu.memory_space<hbm>>
      %dma_start3A_2834 = tpu.memref_squeeze %dma_start3A_2833 : memref<1x80xi32, #tpu.memory_space<hbm>> -> memref<80xi32, #tpu.memory_space<hbm>>
      tpu.enqueue_dma source(%dma_start3A_2834 : memref<80xi32, #tpu.memory_space<hbm>>) target(%dma_start3A_2831 : memref<80xi32, #tpu.memory_space<vmem>>) target_semaphore(%dma_start3A_2828 : memref<!tpu.dma_semaphore, #tpu.memory_space<semaphore_mem>>)
      %dma_wait3A_2835 = arith.constant 1 : i32
      %dma_wait3A_2836 = arith.constant 1 : i32
      %dma_wait3A_2837 = arith.constant 1 : i32
      %dma_wait3A_2838 = arith.constant 0 : i32
      %dma_wait3A_2839 = arith.constant 0 : i32
      %dma_wait3A_2840 = tpu.memref_slice %arg9[%dma_wait3A_2836, %dma_wait3A_2838, %dma_wait3A_2839] : memref<4x80x128xf32, #tpu.memory_space<vmem>> -> memref<1x80x128xf32, #tpu.memory_space<vmem>>
      %dma_wait3A_2841 = tpu.memref_squeeze %dma_wait3A_2840 : memref<1x80x128xf32, #tpu.memory_space<vmem>> -> memref<80x128xf32, #tpu.memory_space<vmem>>
      %dma_wait3A_2842 = arith.constant 0 : i32
      %dma_wait3A_2843 = tpu.memref_slice %arg7[%dma_wait3A_2835, %dma_wait3A_2842] : memref<8x80xi32, #tpu.memory_space<vmem>> -> memref<1x80xi32, #tpu.memory_space<vmem>>
      %dma_wait3A_2844 = tpu.memref_squeeze %dma_wait3A_2843 : memref<1x80xi32, #tpu.memory_space<vmem>> -> memref<80xi32, #tpu.memory_space<vmem>>
      %dma_wait3A_2845 = arith.constant 0 : i32
      %dma_wait3A_2846 = arith.constant 0 : i32
      %dma_wait3A_2847 = tpu.memref_slice %arg2[%dma_wait3A_2845, %dma_wait3A_2846] : memref<10000x128xf32, #tpu.memory_space<hbm>> -> memref<10000x128xf32, #tpu.memory_space<hbm>>
      %dma_wait3A_2848 = tpu.memref_slice %arg10[%dma_wait3A_2837] : memref<4x!tpu.dma_semaphore, #tpu.memory_space<semaphore_mem>> -> memref<1x!tpu.dma_semaphore, #tpu.memory_space<semaphore_mem>>
      %dma_wait3A_2849 = tpu.memref_squeeze %dma_wait3A_2848 : memref<1x!tpu.dma_semaphore, #tpu.memory_space<semaphore_mem>> -> memref<!tpu.dma_semaphore, #tpu.memory_space<semaphore_mem>>
      tpu.wait_indirect_dma semaphore(%dma_wait3A_2849 : memref<!tpu.dma_semaphore, #tpu.memory_space<semaphore_mem>>) src(%dma_wait3A_2847 : memref<10000x128xf32, #tpu.memory_space<hbm>>) dst(%dma_wait3A_2841 : memref<80x128xf32, #tpu.memory_space<vmem>>)
      %dma_start3A_2850 = arith.constant 1 : i32
      %dma_start3A_2851 = arith.constant 1 : i32
      %dma_start3A_2852 = arith.constant 1 : i32
      %dma_start3A_2853 = arith.constant 0 : i32
      %dma_start3A_2854 = arith.constant 0 : i32
      %dma_start3A_2855 = tpu.memref_slice %arg9[%dma_start3A_2850, %dma_start3A_2853, %dma_start3A_2854] : memref<4x80x128xf32, #tpu.memory_space<vmem>> -> memref<1x80x128xf32, #tpu.memory_space<vmem>>
      %dma_start3A_2856 = tpu.memref_squeeze %dma_start3A_2855 : memref<1x80x128xf32, #tpu.memory_space<vmem>> -> memref<80x128xf32, #tpu.memory_space<vmem>>
      %dma_start3A_2857 = arith.constant 0 : i32
      %dma_start3A_2858 = tpu.memref_slice %arg8[%dma_start3A_2851, %dma_start3A_2857] : memref<8x80xi32, #tpu.memory_space<vmem>> -> memref<1x80xi32, #tpu.memory_space<vmem>>
      %dma_start3A_2859 = tpu.memref_squeeze %dma_start3A_2858 : memref<1x80xi32, #tpu.memory_space<vmem>> -> memref<80xi32, #tpu.memory_space<vmem>>
      %dma_start3A_2860 = arith.constant 0 : i32
      %dma_start3A_2861 = arith.constant 0 : i32
      %dma_start3A_2862 = tpu.memref_slice %arg6[%dma_start3A_2860, %dma_start3A_2861] : memref<10240x128xf32, #tpu.memory_space<vmem_shared>> -> memref<10240x128xf32, #tpu.memory_space<vmem_shared>>
      %dma_start3A_2863 = tpu.memref_slice %arg11[%dma_start3A_2852] : memref<4x!tpu.dma_semaphore, #tpu.memory_space<semaphore_mem>> -> memref<1x!tpu.dma_semaphore, #tpu.memory_space<semaphore_mem>>
      %dma_start3A_2864 = tpu.memref_squeeze %dma_start3A_2863 : memref<1x!tpu.dma_semaphore, #tpu.memory_space<semaphore_mem>> -> memref<!tpu.dma_semaphore, #tpu.memory_space<semaphore_mem>>
      tpu.enqueue_indirect_dma source(%dma_start3A_2856 : memref<80x128xf32, #tpu.memory_space<vmem>>) target(%dma_start3A_2862 : memref<10240x128xf32, #tpu.memory_space<vmem_shared>>) offsets(%dma_start3A_2859 : memref<80xi32, #tpu.memory_space<vmem>>) semaphore(%dma_start3A_2864 : memref<!tpu.dma_semaphore, #tpu.memory_space<semaphore_mem>>) {add = true}
      %scan3A_2865 = arith.constant 0 : i32
      scf.yield %scan3A_2865 : i32
    }
    %scan3A_590 = arith.constant 14 : i32
    %dma_wait3A_591 = arith.constant 0 : i32
    %dma_wait3A_592 = arith.constant 0 : i32
    %dma_wait3A_593 = arith.constant 0 : i32
    %dma_wait3A_594 = arith.constant 0 : i32
    %dma_wait3A_595 = arith.constant 0 : i32
    %dma_wait3A_596 = tpu.memref_slice %arg9[%dma_wait3A_591, %dma_wait3A_594, %dma_wait3A_595] : memref<4x80x128xf32, #tpu.memory_space<vmem>> -> memref<1x80x128xf32, #tpu.memory_space<vmem>>
    %dma_wait3A_597 = tpu.memref_squeeze %dma_wait3A_596 : memref<1x80x128xf32, #tpu.memory_space<vmem>> -> memref<80x128xf32, #tpu.memory_space<vmem>>
    %dma_wait3A_598 = arith.constant 0 : i32
    %dma_wait3A_599 = tpu.memref_slice %arg8[%dma_wait3A_592, %dma_wait3A_598] : memref<8x80xi32, #tpu.memory_space<vmem>> -> memref<1x80xi32, #tpu.memory_space<vmem>>
    %dma_wait3A_600 = tpu.memref_squeeze %dma_wait3A_599 : memref<1x80xi32, #tpu.memory_space<vmem>> -> memref<80xi32, #tpu.memory_space<vmem>>
    %dma_wait3A_601 = arith.constant 0 : i32
    %dma_wait3A_602 = arith.constant 0 : i32
    %dma_wait3A_603 = tpu.memref_slice %arg6[%dma_wait3A_601, %dma_wait3A_602] : memref<10240x128xf32, #tpu.memory_space<vmem_shared>> -> memref<10240x128xf32, #tpu.memory_space<vmem_shared>>
    %dma_wait3A_604 = tpu.memref_slice %arg11[%dma_wait3A_593] : memref<4x!tpu.dma_semaphore, #tpu.memory_space<semaphore_mem>> -> memref<1x!tpu.dma_semaphore, #tpu.memory_space<semaphore_mem>>
    %dma_wait3A_605 = tpu.memref_squeeze %dma_wait3A_604 : memref<1x!tpu.dma_semaphore, #tpu.memory_space<semaphore_mem>> -> memref<!tpu.dma_semaphore, #tpu.memory_space<semaphore_mem>>
    tpu.wait_indirect_dma semaphore(%dma_wait3A_605 : memref<!tpu.dma_semaphore, #tpu.memory_space<semaphore_mem>>) src(%dma_wait3A_597 : memref<80x128xf32, #tpu.memory_space<vmem>>) dst(%dma_wait3A_603 : memref<10240x128xf32, #tpu.memory_space<vmem_shared>>)
    %add3A_606 = arith.constant 116 : i32
    %add3A_607 = arith.addi %mul3A_2, %add3A_606 : i32
    %dma_wait3A_608 = arith.constant 4 : i32
    %dma_wait3A_609 = arith.constant 4 : i32
    %dma_wait3A_610 = arith.constant 0 : i32
    %dma_wait3A_611 = tpu.memref_slice %arg7[%dma_wait3A_608, %dma_wait3A_610] : memref<8x80xi32, #tpu.memory_space<vmem>> -> memref<1x80xi32, #tpu.memory_space<vmem>>
    %dma_wait3A_612 = tpu.memref_squeeze %dma_wait3A_611 : memref<1x80xi32, #tpu.memory_space<vmem>> -> memref<80xi32, #tpu.memory_space<vmem>>
    %dma_wait3A_613 = arith.constant 0 : i32
    %dma_wait3A_614 = tpu.memref_slice %arg3[%add3A_607, %dma_wait3A_613] : memref<4000x80xi32, #tpu.memory_space<hbm>> -> memref<1x80xi32, #tpu.memory_space<hbm>>
    %dma_wait3A_615 = tpu.memref_squeeze %dma_wait3A_614 : memref<1x80xi32, #tpu.memory_space<hbm>> -> memref<80xi32, #tpu.memory_space<hbm>>
    %dma_wait3A_616 = tpu.memref_slice %arg12[%dma_wait3A_609] : memref<8x!tpu.dma_semaphore, #tpu.memory_space<semaphore_mem>> -> memref<1x!tpu.dma_semaphore, #tpu.memory_space<semaphore_mem>>
    %dma_wait3A_617 = tpu.memref_squeeze %dma_wait3A_616 : memref<1x!tpu.dma_semaphore, #tpu.memory_space<semaphore_mem>> -> memref<!tpu.dma_semaphore, #tpu.memory_space<semaphore_mem>>
    %dma_wait3A_618 = arith.constant 0 : i32
    %dma_wait3A_619 = tpu.memref_slice %arg7[%dma_wait3A_608, %dma_wait3A_618] : memref<8x80xi32, #tpu.memory_space<vmem>> -> memref<1x80xi32, #tpu.memory_space<vmem>>
    %dma_wait3A_620 = tpu.memref_squeeze %dma_wait3A_619 : memref<1x80xi32, #tpu.memory_space<vmem>> -> memref<80xi32, #tpu.memory_space<vmem>>
    %dma_wait3A_621 = arith.constant 0 : i32
    %dma_wait3A_622 = tpu.memref_slice %arg3[%add3A_607, %dma_wait3A_621] : memref<4000x80xi32, #tpu.memory_space<hbm>> -> memref<1x80xi32, #tpu.memory_space<hbm>>
    %dma_wait3A_623 = tpu.memref_squeeze %dma_wait3A_622 : memref<1x80xi32, #tpu.memory_space<hbm>> -> memref<80xi32, #tpu.memory_space<hbm>>
    tpu.wait_dma2 semaphore(%dma_wait3A_617 : memref<!tpu.dma_semaphore, #tpu.memory_space<semaphore_mem>>) src(%dma_wait3A_623 : memref<80xi32, #tpu.memory_space<hbm>>) dst(%dma_wait3A_620 : memref<80xi32, #tpu.memory_space<vmem>>)
    %add3A_624 = arith.constant 116 : i32
    %add3A_625 = arith.addi %mul3A_2, %add3A_624 : i32
    %dma_wait3A_626 = arith.constant 4 : i32
    %dma_wait3A_627 = arith.constant 4 : i32
    %dma_wait3A_628 = arith.constant 0 : i32
    %dma_wait3A_629 = tpu.memref_slice %arg8[%dma_wait3A_626, %dma_wait3A_628] : memref<8x80xi32, #tpu.memory_space<vmem>> -> memref<1x80xi32, #tpu.memory_space<vmem>>
    %dma_wait3A_630 = tpu.memref_squeeze %dma_wait3A_629 : memref<1x80xi32, #tpu.memory_space<vmem>> -> memref<80xi32, #tpu.memory_space<vmem>>
    %dma_wait3A_631 = arith.constant 0 : i32
    %dma_wait3A_632 = tpu.memref_slice %arg4[%add3A_625, %dma_wait3A_631] : memref<4000x80xi32, #tpu.memory_space<hbm>> -> memref<1x80xi32, #tpu.memory_space<hbm>>
    %dma_wait3A_633 = tpu.memref_squeeze %dma_wait3A_632 : memref<1x80xi32, #tpu.memory_space<hbm>> -> memref<80xi32, #tpu.memory_space<hbm>>
    %dma_wait3A_634 = tpu.memref_slice %arg12[%dma_wait3A_627] : memref<8x!tpu.dma_semaphore, #tpu.memory_space<semaphore_mem>> -> memref<1x!tpu.dma_semaphore, #tpu.memory_space<semaphore_mem>>
    %dma_wait3A_635 = tpu.memref_squeeze %dma_wait3A_634 : memref<1x!tpu.dma_semaphore, #tpu.memory_space<semaphore_mem>> -> memref<!tpu.dma_semaphore, #tpu.memory_space<semaphore_mem>>
    %dma_wait3A_636 = arith.constant 0 : i32
    %dma_wait3A_637 = tpu.memref_slice %arg8[%dma_wait3A_626, %dma_wait3A_636] : memref<8x80xi32, #tpu.memory_space<vmem>> -> memref<1x80xi32, #tpu.memory_space<vmem>>
    %dma_wait3A_638 = tpu.memref_squeeze %dma_wait3A_637 : memref<1x80xi32, #tpu.memory_space<vmem>> -> memref<80xi32, #tpu.memory_space<vmem>>
    %dma_wait3A_639 = arith.constant 0 : i32
    %dma_wait3A_640 = tpu.memref_slice %arg4[%add3A_625, %dma_wait3A_639] : memref<4000x80xi32, #tpu.memory_space<hbm>> -> memref<1x80xi32, #tpu.memory_space<hbm>>
    %dma_wait3A_641 = tpu.memref_squeeze %dma_wait3A_640 : memref<1x80xi32, #tpu.memory_space<hbm>> -> memref<80xi32, #tpu.memory_space<hbm>>
    tpu.wait_dma2 semaphore(%dma_wait3A_635 : memref<!tpu.dma_semaphore, #tpu.memory_space<semaphore_mem>>) src(%dma_wait3A_641 : memref<80xi32, #tpu.memory_space<hbm>>) dst(%dma_wait3A_638 : memref<80xi32, #tpu.memory_space<vmem>>)
    %dma_start3A_642 = arith.constant 4 : i32
    %dma_start3A_643 = arith.constant 0 : i32
    %dma_start3A_644 = arith.constant 0 : i32
    %dma_start3A_645 = arith.constant 0 : i32
    %dma_start3A_646 = arith.constant 0 : i32
    %dma_start3A_647 = tpu.memref_slice %arg9[%dma_start3A_643, %dma_start3A_645, %dma_start3A_646] : memref<4x80x128xf32, #tpu.memory_space<vmem>> -> memref<1x80x128xf32, #tpu.memory_space<vmem>>
    %dma_start3A_648 = tpu.memref_squeeze %dma_start3A_647 : memref<1x80x128xf32, #tpu.memory_space<vmem>> -> memref<80x128xf32, #tpu.memory_space<vmem>>
    %dma_start3A_649 = arith.constant 0 : i32
    %dma_start3A_650 = tpu.memref_slice %arg7[%dma_start3A_642, %dma_start3A_649] : memref<8x80xi32, #tpu.memory_space<vmem>> -> memref<1x80xi32, #tpu.memory_space<vmem>>
    %dma_start3A_651 = tpu.memref_squeeze %dma_start3A_650 : memref<1x80xi32, #tpu.memory_space<vmem>> -> memref<80xi32, #tpu.memory_space<vmem>>
    %dma_start3A_652 = arith.constant 0 : i32
    %dma_start3A_653 = arith.constant 0 : i32
    %dma_start3A_654 = tpu.memref_slice %arg2[%dma_start3A_652, %dma_start3A_653] : memref<10000x128xf32, #tpu.memory_space<hbm>> -> memref<10000x128xf32, #tpu.memory_space<hbm>>
    %dma_start3A_655 = tpu.memref_slice %arg10[%dma_start3A_644] : memref<4x!tpu.dma_semaphore, #tpu.memory_space<semaphore_mem>> -> memref<1x!tpu.dma_semaphore, #tpu.memory_space<semaphore_mem>>
    %dma_start3A_656 = tpu.memref_squeeze %dma_start3A_655 : memref<1x!tpu.dma_semaphore, #tpu.memory_space<semaphore_mem>> -> memref<!tpu.dma_semaphore, #tpu.memory_space<semaphore_mem>>
    tpu.enqueue_indirect_dma source(%dma_start3A_654 : memref<10000x128xf32, #tpu.memory_space<hbm>>) target(%dma_start3A_648 : memref<80x128xf32, #tpu.memory_space<vmem>>) offsets(%dma_start3A_651 : memref<80xi32, #tpu.memory_space<vmem>>) semaphore(%dma_start3A_656 : memref<!tpu.dma_semaphore, #tpu.memory_space<semaphore_mem>>)
    %add3A_657 = arith.constant 120 : i32
    %add3A_658 = arith.addi %mul3A_2, %add3A_657 : i32
    %dma_start3A_659 = arith.constant 0 : i32
    %dma_start3A_660 = arith.constant 0 : i32
    %dma_start3A_661 = arith.constant 0 : i32
    %dma_start3A_662 = tpu.memref_slice %arg7[%dma_start3A_659, %dma_start3A_661] : memref<8x80xi32, #tpu.memory_space<vmem>> -> memref<1x80xi32, #tpu.memory_space<vmem>>
    %dma_start3A_663 = tpu.memref_squeeze %dma_start3A_662 : memref<1x80xi32, #tpu.memory_space<vmem>> -> memref<80xi32, #tpu.memory_space<vmem>>
    %dma_start3A_664 = arith.constant 0 : i32
    %dma_start3A_665 = tpu.memref_slice %arg3[%add3A_658, %dma_start3A_664] : memref<4000x80xi32, #tpu.memory_space<hbm>> -> memref<1x80xi32, #tpu.memory_space<hbm>>
    %dma_start3A_666 = tpu.memref_squeeze %dma_start3A_665 : memref<1x80xi32, #tpu.memory_space<hbm>> -> memref<80xi32, #tpu.memory_space<hbm>>
    %dma_start3A_667 = tpu.memref_slice %arg12[%dma_start3A_660] : memref<8x!tpu.dma_semaphore, #tpu.memory_space<semaphore_mem>> -> memref<1x!tpu.dma_semaphore, #tpu.memory_space<semaphore_mem>>
    %dma_start3A_668 = tpu.memref_squeeze %dma_start3A_667 : memref<1x!tpu.dma_semaphore, #tpu.memory_space<semaphore_mem>> -> memref<!tpu.dma_semaphore, #tpu.memory_space<semaphore_mem>>
    %dma_start3A_669 = arith.constant 0 : i32
    %dma_start3A_670 = tpu.memref_slice %arg7[%dma_start3A_659, %dma_start3A_669] : memref<8x80xi32, #tpu.memory_space<vmem>> -> memref<1x80xi32, #tpu.memory_space<vmem>>
    %dma_start3A_671 = tpu.memref_squeeze %dma_start3A_670 : memref<1x80xi32, #tpu.memory_space<vmem>> -> memref<80xi32, #tpu.memory_space<vmem>>
    %dma_start3A_672 = arith.constant 0 : i32
    %dma_start3A_673 = tpu.memref_slice %arg3[%add3A_658, %dma_start3A_672] : memref<4000x80xi32, #tpu.memory_space<hbm>> -> memref<1x80xi32, #tpu.memory_space<hbm>>
    %dma_start3A_674 = tpu.memref_squeeze %dma_start3A_673 : memref<1x80xi32, #tpu.memory_space<hbm>> -> memref<80xi32, #tpu.memory_space<hbm>>
    tpu.enqueue_dma source(%dma_start3A_674 : memref<80xi32, #tpu.memory_space<hbm>>) target(%dma_start3A_671 : memref<80xi32, #tpu.memory_space<vmem>>) target_semaphore(%dma_start3A_668 : memref<!tpu.dma_semaphore, #tpu.memory_space<semaphore_mem>>)
    %add3A_675 = arith.constant 120 : i32
    %add3A_676 = arith.addi %mul3A_2, %add3A_675 : i32
    %dma_start3A_677 = arith.constant 0 : i32
    %dma_start3A_678 = arith.constant 0 : i32
    %dma_start3A_679 = arith.constant 0 : i32
    %dma_start3A_680 = tpu.memref_slice %arg8[%dma_start3A_677, %dma_start3A_679] : memref<8x80xi32, #tpu.memory_space<vmem>> -> memref<1x80xi32, #tpu.memory_space<vmem>>
    %dma_start3A_681 = tpu.memref_squeeze %dma_start3A_680 : memref<1x80xi32, #tpu.memory_space<vmem>> -> memref<80xi32, #tpu.memory_space<vmem>>
    %dma_start3A_682 = arith.constant 0 : i32
    %dma_start3A_683 = tpu.memref_slice %arg4[%add3A_676, %dma_start3A_682] : memref<4000x80xi32, #tpu.memory_space<hbm>> -> memref<1x80xi32, #tpu.memory_space<hbm>>
    %dma_start3A_684 = tpu.memref_squeeze %dma_start3A_683 : memref<1x80xi32, #tpu.memory_space<hbm>> -> memref<80xi32, #tpu.memory_space<hbm>>
    %dma_start3A_685 = tpu.memref_slice %arg12[%dma_start3A_678] : memref<8x!tpu.dma_semaphore, #tpu.memory_space<semaphore_mem>> -> memref<1x!tpu.dma_semaphore, #tpu.memory_space<semaphore_mem>>
    %dma_start3A_686 = tpu.memref_squeeze %dma_start3A_685 : memref<1x!tpu.dma_semaphore, #tpu.memory_space<semaphore_mem>> -> memref<!tpu.dma_semaphore, #tpu.memory_space<semaphore_mem>>
    %dma_start3A_687 = arith.constant 0 : i32
    %dma_start3A_688 = tpu.memref_slice %arg8[%dma_start3A_677, %dma_start3A_687] : memref<8x80xi32, #tpu.memory_space<vmem>> -> memref<1x80xi32, #tpu.memory_space<vmem>>
    %dma_start3A_689 = tpu.memref_squeeze %dma_start3A_688 : memref<1x80xi32, #tpu.memory_space<vmem>> -> memref<80xi32, #tpu.memory_space<vmem>>
    %dma_start3A_690 = arith.constant 0 : i32
    %dma_start3A_691 = tpu.memref_slice %arg4[%add3A_676, %dma_start3A_690] : memref<4000x80xi32, #tpu.memory_space<hbm>> -> memref<1x80xi32, #tpu.memory_space<hbm>>
    %dma_start3A_692 = tpu.memref_squeeze %dma_start3A_691 : memref<1x80xi32, #tpu.memory_space<hbm>> -> memref<80xi32, #tpu.memory_space<hbm>>
    tpu.enqueue_dma source(%dma_start3A_692 : memref<80xi32, #tpu.memory_space<hbm>>) target(%dma_start3A_689 : memref<80xi32, #tpu.memory_space<vmem>>) target_semaphore(%dma_start3A_686 : memref<!tpu.dma_semaphore, #tpu.memory_space<semaphore_mem>>)
    %dma_wait3A_693 = arith.constant 2 : i32
    %dma_wait3A_694 = arith.constant 2 : i32
    %dma_wait3A_695 = arith.constant 2 : i32
    %dma_wait3A_696 = arith.constant 0 : i32
    %dma_wait3A_697 = arith.constant 0 : i32
    %dma_wait3A_698 = tpu.memref_slice %arg9[%dma_wait3A_694, %dma_wait3A_696, %dma_wait3A_697] : memref<4x80x128xf32, #tpu.memory_space<vmem>> -> memref<1x80x128xf32, #tpu.memory_space<vmem>>
    %dma_wait3A_699 = tpu.memref_squeeze %dma_wait3A_698 : memref<1x80x128xf32, #tpu.memory_space<vmem>> -> memref<80x128xf32, #tpu.memory_space<vmem>>
    %dma_wait3A_700 = arith.constant 0 : i32
    %dma_wait3A_701 = tpu.memref_slice %arg7[%dma_wait3A_693, %dma_wait3A_700] : memref<8x80xi32, #tpu.memory_space<vmem>> -> memref<1x80xi32, #tpu.memory_space<vmem>>
    %dma_wait3A_702 = tpu.memref_squeeze %dma_wait3A_701 : memref<1x80xi32, #tpu.memory_space<vmem>> -> memref<80xi32, #tpu.memory_space<vmem>>
    %dma_wait3A_703 = arith.constant 0 : i32
    %dma_wait3A_704 = arith.constant 0 : i32
    %dma_wait3A_705 = tpu.memref_slice %arg2[%dma_wait3A_703, %dma_wait3A_704] : memref<10000x128xf32, #tpu.memory_space<hbm>> -> memref<10000x128xf32, #tpu.memory_space<hbm>>
    %dma_wait3A_706 = tpu.memref_slice %arg10[%dma_wait3A_695] : memref<4x!tpu.dma_semaphore, #tpu.memory_space<semaphore_mem>> -> memref<1x!tpu.dma_semaphore, #tpu.memory_space<semaphore_mem>>
    %dma_wait3A_707 = tpu.memref_squeeze %dma_wait3A_706 : memref<1x!tpu.dma_semaphore, #tpu.memory_space<semaphore_mem>> -> memref<!tpu.dma_semaphore, #tpu.memory_space<semaphore_mem>>
    tpu.wait_indirect_dma semaphore(%dma_wait3A_707 : memref<!tpu.dma_semaphore, #tpu.memory_space<semaphore_mem>>) src(%dma_wait3A_705 : memref<10000x128xf32, #tpu.memory_space<hbm>>) dst(%dma_wait3A_699 : memref<80x128xf32, #tpu.memory_space<vmem>>)
    %dma_start3A_708 = arith.constant 2 : i32
    %dma_start3A_709 = arith.constant 2 : i32
    %dma_start3A_710 = arith.constant 2 : i32
    %dma_start3A_711 = arith.constant 0 : i32
    %dma_start3A_712 = arith.constant 0 : i32
    %dma_start3A_713 = tpu.memref_slice %arg9[%dma_start3A_708, %dma_start3A_711, %dma_start3A_712] : memref<4x80x128xf32, #tpu.memory_space<vmem>> -> memref<1x80x128xf32, #tpu.memory_space<vmem>>
    %dma_start3A_714 = tpu.memref_squeeze %dma_start3A_713 : memref<1x80x128xf32, #tpu.memory_space<vmem>> -> memref<80x128xf32, #tpu.memory_space<vmem>>
    %dma_start3A_715 = arith.constant 0 : i32
    %dma_start3A_716 = tpu.memref_slice %arg8[%dma_start3A_709, %dma_start3A_715] : memref<8x80xi32, #tpu.memory_space<vmem>> -> memref<1x80xi32, #tpu.memory_space<vmem>>
    %dma_start3A_717 = tpu.memref_squeeze %dma_start3A_716 : memref<1x80xi32, #tpu.memory_space<vmem>> -> memref<80xi32, #tpu.memory_space<vmem>>
    %dma_start3A_718 = arith.constant 0 : i32
    %dma_start3A_719 = arith.constant 0 : i32
    %dma_start3A_720 = tpu.memref_slice %arg6[%dma_start3A_718, %dma_start3A_719] : memref<10240x128xf32, #tpu.memory_space<vmem_shared>> -> memref<10240x128xf32, #tpu.memory_space<vmem_shared>>
    %dma_start3A_721 = tpu.memref_slice %arg11[%dma_start3A_710] : memref<4x!tpu.dma_semaphore, #tpu.memory_space<semaphore_mem>> -> memref<1x!tpu.dma_semaphore, #tpu.memory_space<semaphore_mem>>
    %dma_start3A_722 = tpu.memref_squeeze %dma_start3A_721 : memref<1x!tpu.dma_semaphore, #tpu.memory_space<semaphore_mem>> -> memref<!tpu.dma_semaphore, #tpu.memory_space<semaphore_mem>>
    tpu.enqueue_indirect_dma source(%dma_start3A_714 : memref<80x128xf32, #tpu.memory_space<vmem>>) target(%dma_start3A_720 : memref<10240x128xf32, #tpu.memory_space<vmem_shared>>) offsets(%dma_start3A_717 : memref<80xi32, #tpu.memory_space<vmem>>) semaphore(%dma_start3A_722 : memref<!tpu.dma_semaphore, #tpu.memory_space<semaphore_mem>>) {add = true}
    %dma_wait3A_723 = arith.constant 1 : i32
    %dma_wait3A_724 = arith.constant 1 : i32
    %dma_wait3A_725 = arith.constant 1 : i32
    %dma_wait3A_726 = arith.constant 0 : i32
    %dma_wait3A_727 = arith.constant 0 : i32
    %dma_wait3A_728 = tpu.memref_slice %arg9[%dma_wait3A_723, %dma_wait3A_726, %dma_wait3A_727] : memref<4x80x128xf32, #tpu.memory_space<vmem>> -> memref<1x80x128xf32, #tpu.memory_space<vmem>>
    %dma_wait3A_729 = tpu.memref_squeeze %dma_wait3A_728 : memref<1x80x128xf32, #tpu.memory_space<vmem>> -> memref<80x128xf32, #tpu.memory_space<vmem>>
    %dma_wait3A_730 = arith.constant 0 : i32
    %dma_wait3A_731 = tpu.memref_slice %arg8[%dma_wait3A_724, %dma_wait3A_730] : memref<8x80xi32, #tpu.memory_space<vmem>> -> memref<1x80xi32, #tpu.memory_space<vmem>>
    %dma_wait3A_732 = tpu.memref_squeeze %dma_wait3A_731 : memref<1x80xi32, #tpu.memory_space<vmem>> -> memref<80xi32, #tpu.memory_space<vmem>>
    %dma_wait3A_733 = arith.constant 0 : i32
    %dma_wait3A_734 = arith.constant 0 : i32
    %dma_wait3A_735 = tpu.memref_slice %arg6[%dma_wait3A_733, %dma_wait3A_734] : memref<10240x128xf32, #tpu.memory_space<vmem_shared>> -> memref<10240x128xf32, #tpu.memory_space<vmem_shared>>
    %dma_wait3A_736 = tpu.memref_slice %arg11[%dma_wait3A_725] : memref<4x!tpu.dma_semaphore, #tpu.memory_space<semaphore_mem>> -> memref<1x!tpu.dma_semaphore, #tpu.memory_space<semaphore_mem>>
    %dma_wait3A_737 = tpu.memref_squeeze %dma_wait3A_736 : memref<1x!tpu.dma_semaphore, #tpu.memory_space<semaphore_mem>> -> memref<!tpu.dma_semaphore, #tpu.memory_space<semaphore_mem>>
    tpu.wait_indirect_dma semaphore(%dma_wait3A_737 : memref<!tpu.dma_semaphore, #tpu.memory_space<semaphore_mem>>) src(%dma_wait3A_729 : memref<80x128xf32, #tpu.memory_space<vmem>>) dst(%dma_wait3A_735 : memref<10240x128xf32, #tpu.memory_space<vmem_shared>>)
    %add3A_738 = arith.constant 117 : i32
    %add3A_739 = arith.addi %mul3A_2, %add3A_738 : i32
    %dma_wait3A_740 = arith.constant 5 : i32
    %dma_wait3A_741 = arith.constant 5 : i32
    %dma_wait3A_742 = arith.constant 0 : i32
    %dma_wait3A_743 = tpu.memref_slice %arg7[%dma_wait3A_740, %dma_wait3A_742] : memref<8x80xi32, #tpu.memory_space<vmem>> -> memref<1x80xi32, #tpu.memory_space<vmem>>
    %dma_wait3A_744 = tpu.memref_squeeze %dma_wait3A_743 : memref<1x80xi32, #tpu.memory_space<vmem>> -> memref<80xi32, #tpu.memory_space<vmem>>
    %dma_wait3A_745 = arith.constant 0 : i32
    %dma_wait3A_746 = tpu.memref_slice %arg3[%add3A_739, %dma_wait3A_745] : memref<4000x80xi32, #tpu.memory_space<hbm>> -> memref<1x80xi32, #tpu.memory_space<hbm>>
    %dma_wait3A_747 = tpu.memref_squeeze %dma_wait3A_746 : memref<1x80xi32, #tpu.memory_space<hbm>> -> memref<80xi32, #tpu.memory_space<hbm>>
    %dma_wait3A_748 = tpu.memref_slice %arg12[%dma_wait3A_741] : memref<8x!tpu.dma_semaphore, #tpu.memory_space<semaphore_mem>> -> memref<1x!tpu.dma_semaphore, #tpu.memory_space<semaphore_mem>>
    %dma_wait3A_749 = tpu.memref_squeeze %dma_wait3A_748 : memref<1x!tpu.dma_semaphore, #tpu.memory_space<semaphore_mem>> -> memref<!tpu.dma_semaphore, #tpu.memory_space<semaphore_mem>>
    %dma_wait3A_750 = arith.constant 0 : i32
    %dma_wait3A_751 = tpu.memref_slice %arg7[%dma_wait3A_740, %dma_wait3A_750] : memref<8x80xi32, #tpu.memory_space<vmem>> -> memref<1x80xi32, #tpu.memory_space<vmem>>
    %dma_wait3A_752 = tpu.memref_squeeze %dma_wait3A_751 : memref<1x80xi32, #tpu.memory_space<vmem>> -> memref<80xi32, #tpu.memory_space<vmem>>
    %dma_wait3A_753 = arith.constant 0 : i32
    %dma_wait3A_754 = tpu.memref_slice %arg3[%add3A_739, %dma_wait3A_753] : memref<4000x80xi32, #tpu.memory_space<hbm>> -> memref<1x80xi32, #tpu.memory_space<hbm>>
    %dma_wait3A_755 = tpu.memref_squeeze %dma_wait3A_754 : memref<1x80xi32, #tpu.memory_space<hbm>> -> memref<80xi32, #tpu.memory_space<hbm>>
    tpu.wait_dma2 semaphore(%dma_wait3A_749 : memref<!tpu.dma_semaphore, #tpu.memory_space<semaphore_mem>>) src(%dma_wait3A_755 : memref<80xi32, #tpu.memory_space<hbm>>) dst(%dma_wait3A_752 : memref<80xi32, #tpu.memory_space<vmem>>)
    %add3A_756 = arith.constant 117 : i32
    %add3A_757 = arith.addi %mul3A_2, %add3A_756 : i32
    %dma_wait3A_758 = arith.constant 5 : i32
    %dma_wait3A_759 = arith.constant 5 : i32
    %dma_wait3A_760 = arith.constant 0 : i32
    %dma_wait3A_761 = tpu.memref_slice %arg8[%dma_wait3A_758, %dma_wait3A_760] : memref<8x80xi32, #tpu.memory_space<vmem>> -> memref<1x80xi32, #tpu.memory_space<vmem>>
    %dma_wait3A_762 = tpu.memref_squeeze %dma_wait3A_761 : memref<1x80xi32, #tpu.memory_space<vmem>> -> memref<80xi32, #tpu.memory_space<vmem>>
    %dma_wait3A_763 = arith.constant 0 : i32
    %dma_wait3A_764 = tpu.memref_slice %arg4[%add3A_757, %dma_wait3A_763] : memref<4000x80xi32, #tpu.memory_space<hbm>> -> memref<1x80xi32, #tpu.memory_space<hbm>>
    %dma_wait3A_765 = tpu.memref_squeeze %dma_wait3A_764 : memref<1x80xi32, #tpu.memory_space<hbm>> -> memref<80xi32, #tpu.memory_space<hbm>>
    %dma_wait3A_766 = tpu.memref_slice %arg12[%dma_wait3A_759] : memref<8x!tpu.dma_semaphore, #tpu.memory_space<semaphore_mem>> -> memref<1x!tpu.dma_semaphore, #tpu.memory_space<semaphore_mem>>
    %dma_wait3A_767 = tpu.memref_squeeze %dma_wait3A_766 : memref<1x!tpu.dma_semaphore, #tpu.memory_space<semaphore_mem>> -> memref<!tpu.dma_semaphore, #tpu.memory_space<semaphore_mem>>
    %dma_wait3A_768 = arith.constant 0 : i32
    %dma_wait3A_769 = tpu.memref_slice %arg8[%dma_wait3A_758, %dma_wait3A_768] : memref<8x80xi32, #tpu.memory_space<vmem>> -> memref<1x80xi32, #tpu.memory_space<vmem>>
    %dma_wait3A_770 = tpu.memref_squeeze %dma_wait3A_769 : memref<1x80xi32, #tpu.memory_space<vmem>> -> memref<80xi32, #tpu.memory_space<vmem>>
    %dma_wait3A_771 = arith.constant 0 : i32
    %dma_wait3A_772 = tpu.memref_slice %arg4[%add3A_757, %dma_wait3A_771] : memref<4000x80xi32, #tpu.memory_space<hbm>> -> memref<1x80xi32, #tpu.memory_space<hbm>>
    %dma_wait3A_773 = tpu.memref_squeeze %dma_wait3A_772 : memref<1x80xi32, #tpu.memory_space<hbm>> -> memref<80xi32, #tpu.memory_space<hbm>>
    tpu.wait_dma2 semaphore(%dma_wait3A_767 : memref<!tpu.dma_semaphore, #tpu.memory_space<semaphore_mem>>) src(%dma_wait3A_773 : memref<80xi32, #tpu.memory_space<hbm>>) dst(%dma_wait3A_770 : memref<80xi32, #tpu.memory_space<vmem>>)
    %dma_start3A_774 = arith.constant 5 : i32
    %dma_start3A_775 = arith.constant 1 : i32
    %dma_start3A_776 = arith.constant 1 : i32
    %dma_start3A_777 = arith.constant 0 : i32
    %dma_start3A_778 = arith.constant 0 : i32
    %dma_start3A_779 = tpu.memref_slice %arg9[%dma_start3A_775, %dma_start3A_777, %dma_start3A_778] : memref<4x80x128xf32, #tpu.memory_space<vmem>> -> memref<1x80x128xf32, #tpu.memory_space<vmem>>
    %dma_start3A_780 = tpu.memref_squeeze %dma_start3A_779 : memref<1x80x128xf32, #tpu.memory_space<vmem>> -> memref<80x128xf32, #tpu.memory_space<vmem>>
    %dma_start3A_781 = arith.constant 0 : i32
    %dma_start3A_782 = tpu.memref_slice %arg7[%dma_start3A_774, %dma_start3A_781] : memref<8x80xi32, #tpu.memory_space<vmem>> -> memref<1x80xi32, #tpu.memory_space<vmem>>
    %dma_start3A_783 = tpu.memref_squeeze %dma_start3A_782 : memref<1x80xi32, #tpu.memory_space<vmem>> -> memref<80xi32, #tpu.memory_space<vmem>>
    %dma_start3A_784 = arith.constant 0 : i32
    %dma_start3A_785 = arith.constant 0 : i32
    %dma_start3A_786 = tpu.memref_slice %arg2[%dma_start3A_784, %dma_start3A_785] : memref<10000x128xf32, #tpu.memory_space<hbm>> -> memref<10000x128xf32, #tpu.memory_space<hbm>>
    %dma_start3A_787 = tpu.memref_slice %arg10[%dma_start3A_776] : memref<4x!tpu.dma_semaphore, #tpu.memory_space<semaphore_mem>> -> memref<1x!tpu.dma_semaphore, #tpu.memory_space<semaphore_mem>>
    %dma_start3A_788 = tpu.memref_squeeze %dma_start3A_787 : memref<1x!tpu.dma_semaphore, #tpu.memory_space<semaphore_mem>> -> memref<!tpu.dma_semaphore, #tpu.memory_space<semaphore_mem>>
    tpu.enqueue_indirect_dma source(%dma_start3A_786 : memref<10000x128xf32, #tpu.memory_space<hbm>>) target(%dma_start3A_780 : memref<80x128xf32, #tpu.memory_space<vmem>>) offsets(%dma_start3A_783 : memref<80xi32, #tpu.memory_space<vmem>>) semaphore(%dma_start3A_788 : memref<!tpu.dma_semaphore, #tpu.memory_space<semaphore_mem>>)
    %add3A_789 = arith.constant 121 : i32
    %add3A_790 = arith.addi %mul3A_2, %add3A_789 : i32
    %dma_start3A_791 = arith.constant 1 : i32
    %dma_start3A_792 = arith.constant 1 : i32
    %dma_start3A_793 = arith.constant 0 : i32
    %dma_start3A_794 = tpu.memref_slice %arg7[%dma_start3A_791, %dma_start3A_793] : memref<8x80xi32, #tpu.memory_space<vmem>> -> memref<1x80xi32, #tpu.memory_space<vmem>>
    %dma_start3A_795 = tpu.memref_squeeze %dma_start3A_794 : memref<1x80xi32, #tpu.memory_space<vmem>> -> memref<80xi32, #tpu.memory_space<vmem>>
    %dma_start3A_796 = arith.constant 0 : i32
    %dma_start3A_797 = tpu.memref_slice %arg3[%add3A_790, %dma_start3A_796] : memref<4000x80xi32, #tpu.memory_space<hbm>> -> memref<1x80xi32, #tpu.memory_space<hbm>>
    %dma_start3A_798 = tpu.memref_squeeze %dma_start3A_797 : memref<1x80xi32, #tpu.memory_space<hbm>> -> memref<80xi32, #tpu.memory_space<hbm>>
    %dma_start3A_799 = tpu.memref_slice %arg12[%dma_start3A_792] : memref<8x!tpu.dma_semaphore, #tpu.memory_space<semaphore_mem>> -> memref<1x!tpu.dma_semaphore, #tpu.memory_space<semaphore_mem>>
    %dma_start3A_800 = tpu.memref_squeeze %dma_start3A_799 : memref<1x!tpu.dma_semaphore, #tpu.memory_space<semaphore_mem>> -> memref<!tpu.dma_semaphore, #tpu.memory_space<semaphore_mem>>
    %dma_start3A_801 = arith.constant 0 : i32
    %dma_start3A_802 = tpu.memref_slice %arg7[%dma_start3A_791, %dma_start3A_801] : memref<8x80xi32, #tpu.memory_space<vmem>> -> memref<1x80xi32, #tpu.memory_space<vmem>>
    %dma_start3A_803 = tpu.memref_squeeze %dma_start3A_802 : memref<1x80xi32, #tpu.memory_space<vmem>> -> memref<80xi32, #tpu.memory_space<vmem>>
    %dma_start3A_804 = arith.constant 0 : i32
    %dma_start3A_805 = tpu.memref_slice %arg3[%add3A_790, %dma_start3A_804] : memref<4000x80xi32, #tpu.memory_space<hbm>> -> memref<1x80xi32, #tpu.memory_space<hbm>>
    %dma_start3A_806 = tpu.memref_squeeze %dma_start3A_805 : memref<1x80xi32, #tpu.memory_space<hbm>> -> memref<80xi32, #tpu.memory_space<hbm>>
    tpu.enqueue_dma source(%dma_start3A_806 : memref<80xi32, #tpu.memory_space<hbm>>) target(%dma_start3A_803 : memref<80xi32, #tpu.memory_space<vmem>>) target_semaphore(%dma_start3A_800 : memref<!tpu.dma_semaphore, #tpu.memory_space<semaphore_mem>>)
    %add3A_807 = arith.constant 121 : i32
    %add3A_808 = arith.addi %mul3A_2, %add3A_807 : i32
    %dma_start3A_809 = arith.constant 1 : i32
    %dma_start3A_810 = arith.constant 1 : i32
    %dma_start3A_811 = arith.constant 0 : i32
    %dma_start3A_812 = tpu.memref_slice %arg8[%dma_start3A_809, %dma_start3A_811] : memref<8x80xi32, #tpu.memory_space<vmem>> -> memref<1x80xi32, #tpu.memory_space<vmem>>
    %dma_start3A_813 = tpu.memref_squeeze %dma_start3A_812 : memref<1x80xi32, #tpu.memory_space<vmem>> -> memref<80xi32, #tpu.memory_space<vmem>>
    %dma_start3A_814 = arith.constant 0 : i32
    %dma_start3A_815 = tpu.memref_slice %arg4[%add3A_808, %dma_start3A_814] : memref<4000x80xi32, #tpu.memory_space<hbm>> -> memref<1x80xi32, #tpu.memory_space<hbm>>
    %dma_start3A_816 = tpu.memref_squeeze %dma_start3A_815 : memref<1x80xi32, #tpu.memory_space<hbm>> -> memref<80xi32, #tpu.memory_space<hbm>>
    %dma_start3A_817 = tpu.memref_slice %arg12[%dma_start3A_810] : memref<8x!tpu.dma_semaphore, #tpu.memory_space<semaphore_mem>> -> memref<1x!tpu.dma_semaphore, #tpu.memory_space<semaphore_mem>>
    %dma_start3A_818 = tpu.memref_squeeze %dma_start3A_817 : memref<1x!tpu.dma_semaphore, #tpu.memory_space<semaphore_mem>> -> memref<!tpu.dma_semaphore, #tpu.memory_space<semaphore_mem>>
    %dma_start3A_819 = arith.constant 0 : i32
    %dma_start3A_820 = tpu.memref_slice %arg8[%dma_start3A_809, %dma_start3A_819] : memref<8x80xi32, #tpu.memory_space<vmem>> -> memref<1x80xi32, #tpu.memory_space<vmem>>
    %dma_start3A_821 = tpu.memref_squeeze %dma_start3A_820 : memref<1x80xi32, #tpu.memory_space<vmem>> -> memref<80xi32, #tpu.memory_space<vmem>>
    %dma_start3A_822 = arith.constant 0 : i32
    %dma_start3A_823 = tpu.memref_slice %arg4[%add3A_808, %dma_start3A_822] : memref<4000x80xi32, #tpu.memory_space<hbm>> -> memref<1x80xi32, #tpu.memory_space<hbm>>
    %dma_start3A_824 = tpu.memref_squeeze %dma_start3A_823 : memref<1x80xi32, #tpu.memory_space<hbm>> -> memref<80xi32, #tpu.memory_space<hbm>>
    tpu.enqueue_dma source(%dma_start3A_824 : memref<80xi32, #tpu.memory_space<hbm>>) target(%dma_start3A_821 : memref<80xi32, #tpu.memory_space<vmem>>) target_semaphore(%dma_start3A_818 : memref<!tpu.dma_semaphore, #tpu.memory_space<semaphore_mem>>)
    %dma_wait3A_825 = arith.constant 3 : i32
    %dma_wait3A_826 = arith.constant 3 : i32
    %dma_wait3A_827 = arith.constant 3 : i32
    %dma_wait3A_828 = arith.constant 0 : i32
    %dma_wait3A_829 = arith.constant 0 : i32
    %dma_wait3A_830 = tpu.memref_slice %arg9[%dma_wait3A_826, %dma_wait3A_828, %dma_wait3A_829] : memref<4x80x128xf32, #tpu.memory_space<vmem>> -> memref<1x80x128xf32, #tpu.memory_space<vmem>>
    %dma_wait3A_831 = tpu.memref_squeeze %dma_wait3A_830 : memref<1x80x128xf32, #tpu.memory_space<vmem>> -> memref<80x128xf32, #tpu.memory_space<vmem>>
    %dma_wait3A_832 = arith.constant 0 : i32
    %dma_wait3A_833 = tpu.memref_slice %arg7[%dma_wait3A_825, %dma_wait3A_832] : memref<8x80xi32, #tpu.memory_space<vmem>> -> memref<1x80xi32, #tpu.memory_space<vmem>>
    %dma_wait3A_834 = tpu.memref_squeeze %dma_wait3A_833 : memref<1x80xi32, #tpu.memory_space<vmem>> -> memref<80xi32, #tpu.memory_space<vmem>>
    %dma_wait3A_835 = arith.constant 0 : i32
    %dma_wait3A_836 = arith.constant 0 : i32
    %dma_wait3A_837 = tpu.memref_slice %arg2[%dma_wait3A_835, %dma_wait3A_836] : memref<10000x128xf32, #tpu.memory_space<hbm>> -> memref<10000x128xf32, #tpu.memory_space<hbm>>
    %dma_wait3A_838 = tpu.memref_slice %arg10[%dma_wait3A_827] : memref<4x!tpu.dma_semaphore, #tpu.memory_space<semaphore_mem>> -> memref<1x!tpu.dma_semaphore, #tpu.memory_space<semaphore_mem>>
    %dma_wait3A_839 = tpu.memref_squeeze %dma_wait3A_838 : memref<1x!tpu.dma_semaphore, #tpu.memory_space<semaphore_mem>> -> memref<!tpu.dma_semaphore, #tpu.memory_space<semaphore_mem>>
    tpu.wait_indirect_dma semaphore(%dma_wait3A_839 : memref<!tpu.dma_semaphore, #tpu.memory_space<semaphore_mem>>) src(%dma_wait3A_837 : memref<10000x128xf32, #tpu.memory_space<hbm>>) dst(%dma_wait3A_831 : memref<80x128xf32, #tpu.memory_space<vmem>>)
    %dma_start3A_840 = arith.constant 3 : i32
    %dma_start3A_841 = arith.constant 3 : i32
    %dma_start3A_842 = arith.constant 3 : i32
    %dma_start3A_843 = arith.constant 0 : i32
    %dma_start3A_844 = arith.constant 0 : i32
    %dma_start3A_845 = tpu.memref_slice %arg9[%dma_start3A_840, %dma_start3A_843, %dma_start3A_844] : memref<4x80x128xf32, #tpu.memory_space<vmem>> -> memref<1x80x128xf32, #tpu.memory_space<vmem>>
    %dma_start3A_846 = tpu.memref_squeeze %dma_start3A_845 : memref<1x80x128xf32, #tpu.memory_space<vmem>> -> memref<80x128xf32, #tpu.memory_space<vmem>>
    %dma_start3A_847 = arith.constant 0 : i32
    %dma_start3A_848 = tpu.memref_slice %arg8[%dma_start3A_841, %dma_start3A_847] : memref<8x80xi32, #tpu.memory_space<vmem>> -> memref<1x80xi32, #tpu.memory_space<vmem>>
    %dma_start3A_849 = tpu.memref_squeeze %dma_start3A_848 : memref<1x80xi32, #tpu.memory_space<vmem>> -> memref<80xi32, #tpu.memory_space<vmem>>
    %dma_start3A_850 = arith.constant 0 : i32
    %dma_start3A_851 = arith.constant 0 : i32
    %dma_start3A_852 = tpu.memref_slice %arg6[%dma_start3A_850, %dma_start3A_851] : memref<10240x128xf32, #tpu.memory_space<vmem_shared>> -> memref<10240x128xf32, #tpu.memory_space<vmem_shared>>
    %dma_start3A_853 = tpu.memref_slice %arg11[%dma_start3A_842] : memref<4x!tpu.dma_semaphore, #tpu.memory_space<semaphore_mem>> -> memref<1x!tpu.dma_semaphore, #tpu.memory_space<semaphore_mem>>
    %dma_start3A_854 = tpu.memref_squeeze %dma_start3A_853 : memref<1x!tpu.dma_semaphore, #tpu.memory_space<semaphore_mem>> -> memref<!tpu.dma_semaphore, #tpu.memory_space<semaphore_mem>>
    tpu.enqueue_indirect_dma source(%dma_start3A_846 : memref<80x128xf32, #tpu.memory_space<vmem>>) target(%dma_start3A_852 : memref<10240x128xf32, #tpu.memory_space<vmem_shared>>) offsets(%dma_start3A_849 : memref<80xi32, #tpu.memory_space<vmem>>) semaphore(%dma_start3A_854 : memref<!tpu.dma_semaphore, #tpu.memory_space<semaphore_mem>>) {add = true}
    %dma_wait3A_855 = arith.constant 2 : i32
    %dma_wait3A_856 = arith.constant 2 : i32
    %dma_wait3A_857 = arith.constant 2 : i32
    %dma_wait3A_858 = arith.constant 0 : i32
    %dma_wait3A_859 = arith.constant 0 : i32
    %dma_wait3A_860 = tpu.memref_slice %arg9[%dma_wait3A_855, %dma_wait3A_858, %dma_wait3A_859] : memref<4x80x128xf32, #tpu.memory_space<vmem>> -> memref<1x80x128xf32, #tpu.memory_space<vmem>>
    %dma_wait3A_861 = tpu.memref_squeeze %dma_wait3A_860 : memref<1x80x128xf32, #tpu.memory_space<vmem>> -> memref<80x128xf32, #tpu.memory_space<vmem>>
    %dma_wait3A_862 = arith.constant 0 : i32
    %dma_wait3A_863 = tpu.memref_slice %arg8[%dma_wait3A_856, %dma_wait3A_862] : memref<8x80xi32, #tpu.memory_space<vmem>> -> memref<1x80xi32, #tpu.memory_space<vmem>>
    %dma_wait3A_864 = tpu.memref_squeeze %dma_wait3A_863 : memref<1x80xi32, #tpu.memory_space<vmem>> -> memref<80xi32, #tpu.memory_space<vmem>>
    %dma_wait3A_865 = arith.constant 0 : i32
    %dma_wait3A_866 = arith.constant 0 : i32
    %dma_wait3A_867 = tpu.memref_slice %arg6[%dma_wait3A_865, %dma_wait3A_866] : memref<10240x128xf32, #tpu.memory_space<vmem_shared>> -> memref<10240x128xf32, #tpu.memory_space<vmem_shared>>
    %dma_wait3A_868 = tpu.memref_slice %arg11[%dma_wait3A_857] : memref<4x!tpu.dma_semaphore, #tpu.memory_space<semaphore_mem>> -> memref<1x!tpu.dma_semaphore, #tpu.memory_space<semaphore_mem>>
    %dma_wait3A_869 = tpu.memref_squeeze %dma_wait3A_868 : memref<1x!tpu.dma_semaphore, #tpu.memory_space<semaphore_mem>> -> memref<!tpu.dma_semaphore, #tpu.memory_space<semaphore_mem>>
    tpu.wait_indirect_dma semaphore(%dma_wait3A_869 : memref<!tpu.dma_semaphore, #tpu.memory_space<semaphore_mem>>) src(%dma_wait3A_861 : memref<80x128xf32, #tpu.memory_space<vmem>>) dst(%dma_wait3A_867 : memref<10240x128xf32, #tpu.memory_space<vmem_shared>>)
    %add3A_870 = arith.constant 118 : i32
    %add3A_871 = arith.addi %mul3A_2, %add3A_870 : i32
    %dma_wait3A_872 = arith.constant 6 : i32
    %dma_wait3A_873 = arith.constant 6 : i32
    %dma_wait3A_874 = arith.constant 0 : i32
    %dma_wait3A_875 = tpu.memref_slice %arg7[%dma_wait3A_872, %dma_wait3A_874] : memref<8x80xi32, #tpu.memory_space<vmem>> -> memref<1x80xi32, #tpu.memory_space<vmem>>
    %dma_wait3A_876 = tpu.memref_squeeze %dma_wait3A_875 : memref<1x80xi32, #tpu.memory_space<vmem>> -> memref<80xi32, #tpu.memory_space<vmem>>
    %dma_wait3A_877 = arith.constant 0 : i32
    %dma_wait3A_878 = tpu.memref_slice %arg3[%add3A_871, %dma_wait3A_877] : memref<4000x80xi32, #tpu.memory_space<hbm>> -> memref<1x80xi32, #tpu.memory_space<hbm>>
    %dma_wait3A_879 = tpu.memref_squeeze %dma_wait3A_878 : memref<1x80xi32, #tpu.memory_space<hbm>> -> memref<80xi32, #tpu.memory_space<hbm>>
    %dma_wait3A_880 = tpu.memref_slice %arg12[%dma_wait3A_873] : memref<8x!tpu.dma_semaphore, #tpu.memory_space<semaphore_mem>> -> memref<1x!tpu.dma_semaphore, #tpu.memory_space<semaphore_mem>>
    %dma_wait3A_881 = tpu.memref_squeeze %dma_wait3A_880 : memref<1x!tpu.dma_semaphore, #tpu.memory_space<semaphore_mem>> -> memref<!tpu.dma_semaphore, #tpu.memory_space<semaphore_mem>>
    %dma_wait3A_882 = arith.constant 0 : i32
    %dma_wait3A_883 = tpu.memref_slice %arg7[%dma_wait3A_872, %dma_wait3A_882] : memref<8x80xi32, #tpu.memory_space<vmem>> -> memref<1x80xi32, #tpu.memory_space<vmem>>
    %dma_wait3A_884 = tpu.memref_squeeze %dma_wait3A_883 : memref<1x80xi32, #tpu.memory_space<vmem>> -> memref<80xi32, #tpu.memory_space<vmem>>
    %dma_wait3A_885 = arith.constant 0 : i32
    %dma_wait3A_886 = tpu.memref_slice %arg3[%add3A_871, %dma_wait3A_885] : memref<4000x80xi32, #tpu.memory_space<hbm>> -> memref<1x80xi32, #tpu.memory_space<hbm>>
    %dma_wait3A_887 = tpu.memref_squeeze %dma_wait3A_886 : memref<1x80xi32, #tpu.memory_space<hbm>> -> memref<80xi32, #tpu.memory_space<hbm>>
    tpu.wait_dma2 semaphore(%dma_wait3A_881 : memref<!tpu.dma_semaphore, #tpu.memory_space<semaphore_mem>>) src(%dma_wait3A_887 : memref<80xi32, #tpu.memory_space<hbm>>) dst(%dma_wait3A_884 : memref<80xi32, #tpu.memory_space<vmem>>)
    %add3A_888 = arith.constant 118 : i32
    %add3A_889 = arith.addi %mul3A_2, %add3A_888 : i32
    %dma_wait3A_890 = arith.constant 6 : i32
    %dma_wait3A_891 = arith.constant 6 : i32
    %dma_wait3A_892 = arith.constant 0 : i32
    %dma_wait3A_893 = tpu.memref_slice %arg8[%dma_wait3A_890, %dma_wait3A_892] : memref<8x80xi32, #tpu.memory_space<vmem>> -> memref<1x80xi32, #tpu.memory_space<vmem>>
    %dma_wait3A_894 = tpu.memref_squeeze %dma_wait3A_893 : memref<1x80xi32, #tpu.memory_space<vmem>> -> memref<80xi32, #tpu.memory_space<vmem>>
    %dma_wait3A_895 = arith.constant 0 : i32
    %dma_wait3A_896 = tpu.memref_slice %arg4[%add3A_889, %dma_wait3A_895] : memref<4000x80xi32, #tpu.memory_space<hbm>> -> memref<1x80xi32, #tpu.memory_space<hbm>>
    %dma_wait3A_897 = tpu.memref_squeeze %dma_wait3A_896 : memref<1x80xi32, #tpu.memory_space<hbm>> -> memref<80xi32, #tpu.memory_space<hbm>>
    %dma_wait3A_898 = tpu.memref_slice %arg12[%dma_wait3A_891] : memref<8x!tpu.dma_semaphore, #tpu.memory_space<semaphore_mem>> -> memref<1x!tpu.dma_semaphore, #tpu.memory_space<semaphore_mem>>
    %dma_wait3A_899 = tpu.memref_squeeze %dma_wait3A_898 : memref<1x!tpu.dma_semaphore, #tpu.memory_space<semaphore_mem>> -> memref<!tpu.dma_semaphore, #tpu.memory_space<semaphore_mem>>
    %dma_wait3A_900 = arith.constant 0 : i32
    %dma_wait3A_901 = tpu.memref_slice %arg8[%dma_wait3A_890, %dma_wait3A_900] : memref<8x80xi32, #tpu.memory_space<vmem>> -> memref<1x80xi32, #tpu.memory_space<vmem>>
    %dma_wait3A_902 = tpu.memref_squeeze %dma_wait3A_901 : memref<1x80xi32, #tpu.memory_space<vmem>> -> memref<80xi32, #tpu.memory_space<vmem>>
    %dma_wait3A_903 = arith.constant 0 : i32
    %dma_wait3A_904 = tpu.memref_slice %arg4[%add3A_889, %dma_wait3A_903] : memref<4000x80xi32, #tpu.memory_space<hbm>> -> memref<1x80xi32, #tpu.memory_space<hbm>>
    %dma_wait3A_905 = tpu.memref_squeeze %dma_wait3A_904 : memref<1x80xi32, #tpu.memory_space<hbm>> -> memref<80xi32, #tpu.memory_space<hbm>>
    tpu.wait_dma2 semaphore(%dma_wait3A_899 : memref<!tpu.dma_semaphore, #tpu.memory_space<semaphore_mem>>) src(%dma_wait3A_905 : memref<80xi32, #tpu.memory_space<hbm>>) dst(%dma_wait3A_902 : memref<80xi32, #tpu.memory_space<vmem>>)
    %dma_start3A_906 = arith.constant 6 : i32
    %dma_start3A_907 = arith.constant 2 : i32
    %dma_start3A_908 = arith.constant 2 : i32
    %dma_start3A_909 = arith.constant 0 : i32
    %dma_start3A_910 = arith.constant 0 : i32
    %dma_start3A_911 = tpu.memref_slice %arg9[%dma_start3A_907, %dma_start3A_909, %dma_start3A_910] : memref<4x80x128xf32, #tpu.memory_space<vmem>> -> memref<1x80x128xf32, #tpu.memory_space<vmem>>
    %dma_start3A_912 = tpu.memref_squeeze %dma_start3A_911 : memref<1x80x128xf32, #tpu.memory_space<vmem>> -> memref<80x128xf32, #tpu.memory_space<vmem>>
    %dma_start3A_913 = arith.constant 0 : i32
    %dma_start3A_914 = tpu.memref_slice %arg7[%dma_start3A_906, %dma_start3A_913] : memref<8x80xi32, #tpu.memory_space<vmem>> -> memref<1x80xi32, #tpu.memory_space<vmem>>
    %dma_start3A_915 = tpu.memref_squeeze %dma_start3A_914 : memref<1x80xi32, #tpu.memory_space<vmem>> -> memref<80xi32, #tpu.memory_space<vmem>>
    %dma_start3A_916 = arith.constant 0 : i32
    %dma_start3A_917 = arith.constant 0 : i32
    %dma_start3A_918 = tpu.memref_slice %arg2[%dma_start3A_916, %dma_start3A_917] : memref<10000x128xf32, #tpu.memory_space<hbm>> -> memref<10000x128xf32, #tpu.memory_space<hbm>>
    %dma_start3A_919 = tpu.memref_slice %arg10[%dma_start3A_908] : memref<4x!tpu.dma_semaphore, #tpu.memory_space<semaphore_mem>> -> memref<1x!tpu.dma_semaphore, #tpu.memory_space<semaphore_mem>>
    %dma_start3A_920 = tpu.memref_squeeze %dma_start3A_919 : memref<1x!tpu.dma_semaphore, #tpu.memory_space<semaphore_mem>> -> memref<!tpu.dma_semaphore, #tpu.memory_space<semaphore_mem>>
    tpu.enqueue_indirect_dma source(%dma_start3A_918 : memref<10000x128xf32, #tpu.memory_space<hbm>>) target(%dma_start3A_912 : memref<80x128xf32, #tpu.memory_space<vmem>>) offsets(%dma_start3A_915 : memref<80xi32, #tpu.memory_space<vmem>>) semaphore(%dma_start3A_920 : memref<!tpu.dma_semaphore, #tpu.memory_space<semaphore_mem>>)
    %add3A_921 = arith.constant 122 : i32
    %add3A_922 = arith.addi %mul3A_2, %add3A_921 : i32
    %dma_start3A_923 = arith.constant 2 : i32
    %dma_start3A_924 = arith.constant 2 : i32
    %dma_start3A_925 = arith.constant 0 : i32
    %dma_start3A_926 = tpu.memref_slice %arg7[%dma_start3A_923, %dma_start3A_925] : memref<8x80xi32, #tpu.memory_space<vmem>> -> memref<1x80xi32, #tpu.memory_space<vmem>>
    %dma_start3A_927 = tpu.memref_squeeze %dma_start3A_926 : memref<1x80xi32, #tpu.memory_space<vmem>> -> memref<80xi32, #tpu.memory_space<vmem>>
    %dma_start3A_928 = arith.constant 0 : i32
    %dma_start3A_929 = tpu.memref_slice %arg3[%add3A_922, %dma_start3A_928] : memref<4000x80xi32, #tpu.memory_space<hbm>> -> memref<1x80xi32, #tpu.memory_space<hbm>>
    %dma_start3A_930 = tpu.memref_squeeze %dma_start3A_929 : memref<1x80xi32, #tpu.memory_space<hbm>> -> memref<80xi32, #tpu.memory_space<hbm>>
    %dma_start3A_931 = tpu.memref_slice %arg12[%dma_start3A_924] : memref<8x!tpu.dma_semaphore, #tpu.memory_space<semaphore_mem>> -> memref<1x!tpu.dma_semaphore, #tpu.memory_space<semaphore_mem>>
    %dma_start3A_932 = tpu.memref_squeeze %dma_start3A_931 : memref<1x!tpu.dma_semaphore, #tpu.memory_space<semaphore_mem>> -> memref<!tpu.dma_semaphore, #tpu.memory_space<semaphore_mem>>
    %dma_start3A_933 = arith.constant 0 : i32
    %dma_start3A_934 = tpu.memref_slice %arg7[%dma_start3A_923, %dma_start3A_933] : memref<8x80xi32, #tpu.memory_space<vmem>> -> memref<1x80xi32, #tpu.memory_space<vmem>>
    %dma_start3A_935 = tpu.memref_squeeze %dma_start3A_934 : memref<1x80xi32, #tpu.memory_space<vmem>> -> memref<80xi32, #tpu.memory_space<vmem>>
    %dma_start3A_936 = arith.constant 0 : i32
    %dma_start3A_937 = tpu.memref_slice %arg3[%add3A_922, %dma_start3A_936] : memref<4000x80xi32, #tpu.memory_space<hbm>> -> memref<1x80xi32, #tpu.memory_space<hbm>>
    %dma_start3A_938 = tpu.memref_squeeze %dma_start3A_937 : memref<1x80xi32, #tpu.memory_space<hbm>> -> memref<80xi32, #tpu.memory_space<hbm>>
    tpu.enqueue_dma source(%dma_start3A_938 : memref<80xi32, #tpu.memory_space<hbm>>) target(%dma_start3A_935 : memref<80xi32, #tpu.memory_space<vmem>>) target_semaphore(%dma_start3A_932 : memref<!tpu.dma_semaphore, #tpu.memory_space<semaphore_mem>>)
    %add3A_939 = arith.constant 122 : i32
    %add3A_940 = arith.addi %mul3A_2, %add3A_939 : i32
    %dma_start3A_941 = arith.constant 2 : i32
    %dma_start3A_942 = arith.constant 2 : i32
    %dma_start3A_943 = arith.constant 0 : i32
    %dma_start3A_944 = tpu.memref_slice %arg8[%dma_start3A_941, %dma_start3A_943] : memref<8x80xi32, #tpu.memory_space<vmem>> -> memref<1x80xi32, #tpu.memory_space<vmem>>
    %dma_start3A_945 = tpu.memref_squeeze %dma_start3A_944 : memref<1x80xi32, #tpu.memory_space<vmem>> -> memref<80xi32, #tpu.memory_space<vmem>>
    %dma_start3A_946 = arith.constant 0 : i32
    %dma_start3A_947 = tpu.memref_slice %arg4[%add3A_940, %dma_start3A_946] : memref<4000x80xi32, #tpu.memory_space<hbm>> -> memref<1x80xi32, #tpu.memory_space<hbm>>
    %dma_start3A_948 = tpu.memref_squeeze %dma_start3A_947 : memref<1x80xi32, #tpu.memory_space<hbm>> -> memref<80xi32, #tpu.memory_space<hbm>>
    %dma_start3A_949 = tpu.memref_slice %arg12[%dma_start3A_942] : memref<8x!tpu.dma_semaphore, #tpu.memory_space<semaphore_mem>> -> memref<1x!tpu.dma_semaphore, #tpu.memory_space<semaphore_mem>>
    %dma_start3A_950 = tpu.memref_squeeze %dma_start3A_949 : memref<1x!tpu.dma_semaphore, #tpu.memory_space<semaphore_mem>> -> memref<!tpu.dma_semaphore, #tpu.memory_space<semaphore_mem>>
    %dma_start3A_951 = arith.constant 0 : i32
    %dma_start3A_952 = tpu.memref_slice %arg8[%dma_start3A_941, %dma_start3A_951] : memref<8x80xi32, #tpu.memory_space<vmem>> -> memref<1x80xi32, #tpu.memory_space<vmem>>
    %dma_start3A_953 = tpu.memref_squeeze %dma_start3A_952 : memref<1x80xi32, #tpu.memory_space<vmem>> -> memref<80xi32, #tpu.memory_space<vmem>>
    %dma_start3A_954 = arith.constant 0 : i32
    %dma_start3A_955 = tpu.memref_slice %arg4[%add3A_940, %dma_start3A_954] : memref<4000x80xi32, #tpu.memory_space<hbm>> -> memref<1x80xi32, #tpu.memory_space<hbm>>
    %dma_start3A_956 = tpu.memref_squeeze %dma_start3A_955 : memref<1x80xi32, #tpu.memory_space<hbm>> -> memref<80xi32, #tpu.memory_space<hbm>>
    tpu.enqueue_dma source(%dma_start3A_956 : memref<80xi32, #tpu.memory_space<hbm>>) target(%dma_start3A_953 : memref<80xi32, #tpu.memory_space<vmem>>) target_semaphore(%dma_start3A_950 : memref<!tpu.dma_semaphore, #tpu.memory_space<semaphore_mem>>)
    %dma_wait3A_957 = arith.constant 4 : i32
    %dma_wait3A_958 = arith.constant 0 : i32
    %dma_wait3A_959 = arith.constant 0 : i32
    %dma_wait3A_960 = arith.constant 0 : i32
    %dma_wait3A_961 = arith.constant 0 : i32
    %dma_wait3A_962 = tpu.memref_slice %arg9[%dma_wait3A_958, %dma_wait3A_960, %dma_wait3A_961] : memref<4x80x128xf32, #tpu.memory_space<vmem>> -> memref<1x80x128xf32, #tpu.memory_space<vmem>>
    %dma_wait3A_963 = tpu.memref_squeeze %dma_wait3A_962 : memref<1x80x128xf32, #tpu.memory_space<vmem>> -> memref<80x128xf32, #tpu.memory_space<vmem>>
    %dma_wait3A_964 = arith.constant 0 : i32
    %dma_wait3A_965 = tpu.memref_slice %arg7[%dma_wait3A_957, %dma_wait3A_964] : memref<8x80xi32, #tpu.memory_space<vmem>> -> memref<1x80xi32, #tpu.memory_space<vmem>>
    %dma_wait3A_966 = tpu.memref_squeeze %dma_wait3A_965 : memref<1x80xi32, #tpu.memory_space<vmem>> -> memref<80xi32, #tpu.memory_space<vmem>>
    %dma_wait3A_967 = arith.constant 0 : i32
    %dma_wait3A_968 = arith.constant 0 : i32
    %dma_wait3A_969 = tpu.memref_slice %arg2[%dma_wait3A_967, %dma_wait3A_968] : memref<10000x128xf32, #tpu.memory_space<hbm>> -> memref<10000x128xf32, #tpu.memory_space<hbm>>
    %dma_wait3A_970 = tpu.memref_slice %arg10[%dma_wait3A_959] : memref<4x!tpu.dma_semaphore, #tpu.memory_space<semaphore_mem>> -> memref<1x!tpu.dma_semaphore, #tpu.memory_space<semaphore_mem>>
    %dma_wait3A_971 = tpu.memref_squeeze %dma_wait3A_970 : memref<1x!tpu.dma_semaphore, #tpu.memory_space<semaphore_mem>> -> memref<!tpu.dma_semaphore, #tpu.memory_space<semaphore_mem>>
    tpu.wait_indirect_dma semaphore(%dma_wait3A_971 : memref<!tpu.dma_semaphore, #tpu.memory_space<semaphore_mem>>) src(%dma_wait3A_969 : memref<10000x128xf32, #tpu.memory_space<hbm>>) dst(%dma_wait3A_963 : memref<80x128xf32, #tpu.memory_space<vmem>>)
    %dma_start3A_972 = arith.constant 0 : i32
    %dma_start3A_973 = arith.constant 4 : i32
    %dma_start3A_974 = arith.constant 0 : i32
    %dma_start3A_975 = arith.constant 0 : i32
    %dma_start3A_976 = arith.constant 0 : i32
    %dma_start3A_977 = tpu.memref_slice %arg9[%dma_start3A_972, %dma_start3A_975, %dma_start3A_976] : memref<4x80x128xf32, #tpu.memory_space<vmem>> -> memref<1x80x128xf32, #tpu.memory_space<vmem>>
    %dma_start3A_978 = tpu.memref_squeeze %dma_start3A_977 : memref<1x80x128xf32, #tpu.memory_space<vmem>> -> memref<80x128xf32, #tpu.memory_space<vmem>>
    %dma_start3A_979 = arith.constant 0 : i32
    %dma_start3A_980 = tpu.memref_slice %arg8[%dma_start3A_973, %dma_start3A_979] : memref<8x80xi32, #tpu.memory_space<vmem>> -> memref<1x80xi32, #tpu.memory_space<vmem>>
    %dma_start3A_981 = tpu.memref_squeeze %dma_start3A_980 : memref<1x80xi32, #tpu.memory_space<vmem>> -> memref<80xi32, #tpu.memory_space<vmem>>
    %dma_start3A_982 = arith.constant 0 : i32
    %dma_start3A_983 = arith.constant 0 : i32
    %dma_start3A_984 = tpu.memref_slice %arg6[%dma_start3A_982, %dma_start3A_983] : memref<10240x128xf32, #tpu.memory_space<vmem_shared>> -> memref<10240x128xf32, #tpu.memory_space<vmem_shared>>
    %dma_start3A_985 = tpu.memref_slice %arg11[%dma_start3A_974] : memref<4x!tpu.dma_semaphore, #tpu.memory_space<semaphore_mem>> -> memref<1x!tpu.dma_semaphore, #tpu.memory_space<semaphore_mem>>
    %dma_start3A_986 = tpu.memref_squeeze %dma_start3A_985 : memref<1x!tpu.dma_semaphore, #tpu.memory_space<semaphore_mem>> -> memref<!tpu.dma_semaphore, #tpu.memory_space<semaphore_mem>>
    tpu.enqueue_indirect_dma source(%dma_start3A_978 : memref<80x128xf32, #tpu.memory_space<vmem>>) target(%dma_start3A_984 : memref<10240x128xf32, #tpu.memory_space<vmem_shared>>) offsets(%dma_start3A_981 : memref<80xi32, #tpu.memory_space<vmem>>) semaphore(%dma_start3A_986 : memref<!tpu.dma_semaphore, #tpu.memory_space<semaphore_mem>>) {add = true}
    %dma_wait3A_987 = arith.constant 3 : i32
    %dma_wait3A_988 = arith.constant 3 : i32
    %dma_wait3A_989 = arith.constant 3 : i32
    %dma_wait3A_990 = arith.constant 0 : i32
    %dma_wait3A_991 = arith.constant 0 : i32
    %dma_wait3A_992 = tpu.memref_slice %arg9[%dma_wait3A_987, %dma_wait3A_990, %dma_wait3A_991] : memref<4x80x128xf32, #tpu.memory_space<vmem>> -> memref<1x80x128xf32, #tpu.memory_space<vmem>>
    %dma_wait3A_993 = tpu.memref_squeeze %dma_wait3A_992 : memref<1x80x128xf32, #tpu.memory_space<vmem>> -> memref<80x128xf32, #tpu.memory_space<vmem>>
    %dma_wait3A_994 = arith.constant 0 : i32
    %dma_wait3A_995 = tpu.memref_slice %arg8[%dma_wait3A_988, %dma_wait3A_994] : memref<8x80xi32, #tpu.memory_space<vmem>> -> memref<1x80xi32, #tpu.memory_space<vmem>>
    %dma_wait3A_996 = tpu.memref_squeeze %dma_wait3A_995 : memref<1x80xi32, #tpu.memory_space<vmem>> -> memref<80xi32, #tpu.memory_space<vmem>>
    %dma_wait3A_997 = arith.constant 0 : i32
    %dma_wait3A_998 = arith.constant 0 : i32
    %dma_wait3A_999 = tpu.memref_slice %arg6[%dma_wait3A_997, %dma_wait3A_998] : memref<10240x128xf32, #tpu.memory_space<vmem_shared>> -> memref<10240x128xf32, #tpu.memory_space<vmem_shared>>
    %dma_wait3A_1000 = tpu.memref_slice %arg11[%dma_wait3A_989] : memref<4x!tpu.dma_semaphore, #tpu.memory_space<semaphore_mem>> -> memref<1x!tpu.dma_semaphore, #tpu.memory_space<semaphore_mem>>
    %dma_wait3A_1001 = tpu.memref_squeeze %dma_wait3A_1000 : memref<1x!tpu.dma_semaphore, #tpu.memory_space<semaphore_mem>> -> memref<!tpu.dma_semaphore, #tpu.memory_space<semaphore_mem>>
    tpu.wait_indirect_dma semaphore(%dma_wait3A_1001 : memref<!tpu.dma_semaphore, #tpu.memory_space<semaphore_mem>>) src(%dma_wait3A_993 : memref<80x128xf32, #tpu.memory_space<vmem>>) dst(%dma_wait3A_999 : memref<10240x128xf32, #tpu.memory_space<vmem_shared>>)
    %add3A_1002 = arith.constant 119 : i32
    %add3A_1003 = arith.addi %mul3A_2, %add3A_1002 : i32
    %dma_wait3A_1004 = arith.constant 7 : i32
    %dma_wait3A_1005 = arith.constant 7 : i32
    %dma_wait3A_1006 = arith.constant 0 : i32
    %dma_wait3A_1007 = tpu.memref_slice %arg7[%dma_wait3A_1004, %dma_wait3A_1006] : memref<8x80xi32, #tpu.memory_space<vmem>> -> memref<1x80xi32, #tpu.memory_space<vmem>>
    %dma_wait3A_1008 = tpu.memref_squeeze %dma_wait3A_1007 : memref<1x80xi32, #tpu.memory_space<vmem>> -> memref<80xi32, #tpu.memory_space<vmem>>
    %dma_wait3A_1009 = arith.constant 0 : i32
    %dma_wait3A_1010 = tpu.memref_slice %arg3[%add3A_1003, %dma_wait3A_1009] : memref<4000x80xi32, #tpu.memory_space<hbm>> -> memref<1x80xi32, #tpu.memory_space<hbm>>
    %dma_wait3A_1011 = tpu.memref_squeeze %dma_wait3A_1010 : memref<1x80xi32, #tpu.memory_space<hbm>> -> memref<80xi32, #tpu.memory_space<hbm>>
    %dma_wait3A_1012 = tpu.memref_slice %arg12[%dma_wait3A_1005] : memref<8x!tpu.dma_semaphore, #tpu.memory_space<semaphore_mem>> -> memref<1x!tpu.dma_semaphore, #tpu.memory_space<semaphore_mem>>
    %dma_wait3A_1013 = tpu.memref_squeeze %dma_wait3A_1012 : memref<1x!tpu.dma_semaphore, #tpu.memory_space<semaphore_mem>> -> memref<!tpu.dma_semaphore, #tpu.memory_space<semaphore_mem>>
    %dma_wait3A_1014 = arith.constant 0 : i32
    %dma_wait3A_1015 = tpu.memref_slice %arg7[%dma_wait3A_1004, %dma_wait3A_1014] : memref<8x80xi32, #tpu.memory_space<vmem>> -> memref<1x80xi32, #tpu.memory_space<vmem>>
    %dma_wait3A_1016 = tpu.memref_squeeze %dma_wait3A_1015 : memref<1x80xi32, #tpu.memory_space<vmem>> -> memref<80xi32, #tpu.memory_space<vmem>>
    %dma_wait3A_1017 = arith.constant 0 : i32
    %dma_wait3A_1018 = tpu.memref_slice %arg3[%add3A_1003, %dma_wait3A_1017] : memref<4000x80xi32, #tpu.memory_space<hbm>> -> memref<1x80xi32, #tpu.memory_space<hbm>>
    %dma_wait3A_1019 = tpu.memref_squeeze %dma_wait3A_1018 : memref<1x80xi32, #tpu.memory_space<hbm>> -> memref<80xi32, #tpu.memory_space<hbm>>
    tpu.wait_dma2 semaphore(%dma_wait3A_1013 : memref<!tpu.dma_semaphore, #tpu.memory_space<semaphore_mem>>) src(%dma_wait3A_1019 : memref<80xi32, #tpu.memory_space<hbm>>) dst(%dma_wait3A_1016 : memref<80xi32, #tpu.memory_space<vmem>>)
    %add3A_1020 = arith.constant 119 : i32
    %add3A_1021 = arith.addi %mul3A_2, %add3A_1020 : i32
    %dma_wait3A_1022 = arith.constant 7 : i32
    %dma_wait3A_1023 = arith.constant 7 : i32
    %dma_wait3A_1024 = arith.constant 0 : i32
    %dma_wait3A_1025 = tpu.memref_slice %arg8[%dma_wait3A_1022, %dma_wait3A_1024] : memref<8x80xi32, #tpu.memory_space<vmem>> -> memref<1x80xi32, #tpu.memory_space<vmem>>
    %dma_wait3A_1026 = tpu.memref_squeeze %dma_wait3A_1025 : memref<1x80xi32, #tpu.memory_space<vmem>> -> memref<80xi32, #tpu.memory_space<vmem>>
    %dma_wait3A_1027 = arith.constant 0 : i32
    %dma_wait3A_1028 = tpu.memref_slice %arg4[%add3A_1021, %dma_wait3A_1027] : memref<4000x80xi32, #tpu.memory_space<hbm>> -> memref<1x80xi32, #tpu.memory_space<hbm>>
    %dma_wait3A_1029 = tpu.memref_squeeze %dma_wait3A_1028 : memref<1x80xi32, #tpu.memory_space<hbm>> -> memref<80xi32, #tpu.memory_space<hbm>>
    %dma_wait3A_1030 = tpu.memref_slice %arg12[%dma_wait3A_1023] : memref<8x!tpu.dma_semaphore, #tpu.memory_space<semaphore_mem>> -> memref<1x!tpu.dma_semaphore, #tpu.memory_space<semaphore_mem>>
    %dma_wait3A_1031 = tpu.memref_squeeze %dma_wait3A_1030 : memref<1x!tpu.dma_semaphore, #tpu.memory_space<semaphore_mem>> -> memref<!tpu.dma_semaphore, #tpu.memory_space<semaphore_mem>>
    %dma_wait3A_1032 = arith.constant 0 : i32
    %dma_wait3A_1033 = tpu.memref_slice %arg8[%dma_wait3A_1022, %dma_wait3A_1032] : memref<8x80xi32, #tpu.memory_space<vmem>> -> memref<1x80xi32, #tpu.memory_space<vmem>>
    %dma_wait3A_1034 = tpu.memref_squeeze %dma_wait3A_1033 : memref<1x80xi32, #tpu.memory_space<vmem>> -> memref<80xi32, #tpu.memory_space<vmem>>
    %dma_wait3A_1035 = arith.constant 0 : i32
    %dma_wait3A_1036 = tpu.memref_slice %arg4[%add3A_1021, %dma_wait3A_1035] : memref<4000x80xi32, #tpu.memory_space<hbm>> -> memref<1x80xi32, #tpu.memory_space<hbm>>
    %dma_wait3A_1037 = tpu.memref_squeeze %dma_wait3A_1036 : memref<1x80xi32, #tpu.memory_space<hbm>> -> memref<80xi32, #tpu.memory_space<hbm>>
    tpu.wait_dma2 semaphore(%dma_wait3A_1031 : memref<!tpu.dma_semaphore, #tpu.memory_space<semaphore_mem>>) src(%dma_wait3A_1037 : memref<80xi32, #tpu.memory_space<hbm>>) dst(%dma_wait3A_1034 : memref<80xi32, #tpu.memory_space<vmem>>)
    %dma_start3A_1038 = arith.constant 7 : i32
    %dma_start3A_1039 = arith.constant 3 : i32
    %dma_start3A_1040 = arith.constant 3 : i32
    %dma_start3A_1041 = arith.constant 0 : i32
    %dma_start3A_1042 = arith.constant 0 : i32
    %dma_start3A_1043 = tpu.memref_slice %arg9[%dma_start3A_1039, %dma_start3A_1041, %dma_start3A_1042] : memref<4x80x128xf32, #tpu.memory_space<vmem>> -> memref<1x80x128xf32, #tpu.memory_space<vmem>>
    %dma_start3A_1044 = tpu.memref_squeeze %dma_start3A_1043 : memref<1x80x128xf32, #tpu.memory_space<vmem>> -> memref<80x128xf32, #tpu.memory_space<vmem>>
    %dma_start3A_1045 = arith.constant 0 : i32
    %dma_start3A_1046 = tpu.memref_slice %arg7[%dma_start3A_1038, %dma_start3A_1045] : memref<8x80xi32, #tpu.memory_space<vmem>> -> memref<1x80xi32, #tpu.memory_space<vmem>>
    %dma_start3A_1047 = tpu.memref_squeeze %dma_start3A_1046 : memref<1x80xi32, #tpu.memory_space<vmem>> -> memref<80xi32, #tpu.memory_space<vmem>>
    %dma_start3A_1048 = arith.constant 0 : i32
    %dma_start3A_1049 = arith.constant 0 : i32
    %dma_start3A_1050 = tpu.memref_slice %arg2[%dma_start3A_1048, %dma_start3A_1049] : memref<10000x128xf32, #tpu.memory_space<hbm>> -> memref<10000x128xf32, #tpu.memory_space<hbm>>
    %dma_start3A_1051 = tpu.memref_slice %arg10[%dma_start3A_1040] : memref<4x!tpu.dma_semaphore, #tpu.memory_space<semaphore_mem>> -> memref<1x!tpu.dma_semaphore, #tpu.memory_space<semaphore_mem>>
    %dma_start3A_1052 = tpu.memref_squeeze %dma_start3A_1051 : memref<1x!tpu.dma_semaphore, #tpu.memory_space<semaphore_mem>> -> memref<!tpu.dma_semaphore, #tpu.memory_space<semaphore_mem>>
    tpu.enqueue_indirect_dma source(%dma_start3A_1050 : memref<10000x128xf32, #tpu.memory_space<hbm>>) target(%dma_start3A_1044 : memref<80x128xf32, #tpu.memory_space<vmem>>) offsets(%dma_start3A_1047 : memref<80xi32, #tpu.memory_space<vmem>>) semaphore(%dma_start3A_1052 : memref<!tpu.dma_semaphore, #tpu.memory_space<semaphore_mem>>)
    %add3A_1053 = arith.constant 123 : i32
    %add3A_1054 = arith.addi %mul3A_2, %add3A_1053 : i32
    %dma_start3A_1055 = arith.constant 3 : i32
    %dma_start3A_1056 = arith.constant 3 : i32
    %dma_start3A_1057 = arith.constant 0 : i32
    %dma_start3A_1058 = tpu.memref_slice %arg7[%dma_start3A_1055, %dma_start3A_1057] : memref<8x80xi32, #tpu.memory_space<vmem>> -> memref<1x80xi32, #tpu.memory_space<vmem>>
    %dma_start3A_1059 = tpu.memref_squeeze %dma_start3A_1058 : memref<1x80xi32, #tpu.memory_space<vmem>> -> memref<80xi32, #tpu.memory_space<vmem>>
    %dma_start3A_1060 = arith.constant 0 : i32
    %dma_start3A_1061 = tpu.memref_slice %arg3[%add3A_1054, %dma_start3A_1060] : memref<4000x80xi32, #tpu.memory_space<hbm>> -> memref<1x80xi32, #tpu.memory_space<hbm>>
    %dma_start3A_1062 = tpu.memref_squeeze %dma_start3A_1061 : memref<1x80xi32, #tpu.memory_space<hbm>> -> memref<80xi32, #tpu.memory_space<hbm>>
    %dma_start3A_1063 = tpu.memref_slice %arg12[%dma_start3A_1056] : memref<8x!tpu.dma_semaphore, #tpu.memory_space<semaphore_mem>> -> memref<1x!tpu.dma_semaphore, #tpu.memory_space<semaphore_mem>>
    %dma_start3A_1064 = tpu.memref_squeeze %dma_start3A_1063 : memref<1x!tpu.dma_semaphore, #tpu.memory_space<semaphore_mem>> -> memref<!tpu.dma_semaphore, #tpu.memory_space<semaphore_mem>>
    %dma_start3A_1065 = arith.constant 0 : i32
    %dma_start3A_1066 = tpu.memref_slice %arg7[%dma_start3A_1055, %dma_start3A_1065] : memref<8x80xi32, #tpu.memory_space<vmem>> -> memref<1x80xi32, #tpu.memory_space<vmem>>
    %dma_start3A_1067 = tpu.memref_squeeze %dma_start3A_1066 : memref<1x80xi32, #tpu.memory_space<vmem>> -> memref<80xi32, #tpu.memory_space<vmem>>
    %dma_start3A_1068 = arith.constant 0 : i32
    %dma_start3A_1069 = tpu.memref_slice %arg3[%add3A_1054, %dma_start3A_1068] : memref<4000x80xi32, #tpu.memory_space<hbm>> -> memref<1x80xi32, #tpu.memory_space<hbm>>
    %dma_start3A_1070 = tpu.memref_squeeze %dma_start3A_1069 : memref<1x80xi32, #tpu.memory_space<hbm>> -> memref<80xi32, #tpu.memory_space<hbm>>
    tpu.enqueue_dma source(%dma_start3A_1070 : memref<80xi32, #tpu.memory_space<hbm>>) target(%dma_start3A_1067 : memref<80xi32, #tpu.memory_space<vmem>>) target_semaphore(%dma_start3A_1064 : memref<!tpu.dma_semaphore, #tpu.memory_space<semaphore_mem>>)
    %add3A_1071 = arith.constant 123 : i32
    %add3A_1072 = arith.addi %mul3A_2, %add3A_1071 : i32
    %dma_start3A_1073 = arith.constant 3 : i32
    %dma_start3A_1074 = arith.constant 3 : i32
    %dma_start3A_1075 = arith.constant 0 : i32
    %dma_start3A_1076 = tpu.memref_slice %arg8[%dma_start3A_1073, %dma_start3A_1075] : memref<8x80xi32, #tpu.memory_space<vmem>> -> memref<1x80xi32, #tpu.memory_space<vmem>>
    %dma_start3A_1077 = tpu.memref_squeeze %dma_start3A_1076 : memref<1x80xi32, #tpu.memory_space<vmem>> -> memref<80xi32, #tpu.memory_space<vmem>>
    %dma_start3A_1078 = arith.constant 0 : i32
    %dma_start3A_1079 = tpu.memref_slice %arg4[%add3A_1072, %dma_start3A_1078] : memref<4000x80xi32, #tpu.memory_space<hbm>> -> memref<1x80xi32, #tpu.memory_space<hbm>>
    %dma_start3A_1080 = tpu.memref_squeeze %dma_start3A_1079 : memref<1x80xi32, #tpu.memory_space<hbm>> -> memref<80xi32, #tpu.memory_space<hbm>>
    %dma_start3A_1081 = tpu.memref_slice %arg12[%dma_start3A_1074] : memref<8x!tpu.dma_semaphore, #tpu.memory_space<semaphore_mem>> -> memref<1x!tpu.dma_semaphore, #tpu.memory_space<semaphore_mem>>
    %dma_start3A_1082 = tpu.memref_squeeze %dma_start3A_1081 : memref<1x!tpu.dma_semaphore, #tpu.memory_space<semaphore_mem>> -> memref<!tpu.dma_semaphore, #tpu.memory_space<semaphore_mem>>
    %dma_start3A_1083 = arith.constant 0 : i32
    %dma_start3A_1084 = tpu.memref_slice %arg8[%dma_start3A_1073, %dma_start3A_1083] : memref<8x80xi32, #tpu.memory_space<vmem>> -> memref<1x80xi32, #tpu.memory_space<vmem>>
    %dma_start3A_1085 = tpu.memref_squeeze %dma_start3A_1084 : memref<1x80xi32, #tpu.memory_space<vmem>> -> memref<80xi32, #tpu.memory_space<vmem>>
    %dma_start3A_1086 = arith.constant 0 : i32
    %dma_start3A_1087 = tpu.memref_slice %arg4[%add3A_1072, %dma_start3A_1086] : memref<4000x80xi32, #tpu.memory_space<hbm>> -> memref<1x80xi32, #tpu.memory_space<hbm>>
    %dma_start3A_1088 = tpu.memref_squeeze %dma_start3A_1087 : memref<1x80xi32, #tpu.memory_space<hbm>> -> memref<80xi32, #tpu.memory_space<hbm>>
    tpu.enqueue_dma source(%dma_start3A_1088 : memref<80xi32, #tpu.memory_space<hbm>>) target(%dma_start3A_1085 : memref<80xi32, #tpu.memory_space<vmem>>) target_semaphore(%dma_start3A_1082 : memref<!tpu.dma_semaphore, #tpu.memory_space<semaphore_mem>>)
    %dma_wait3A_1089 = arith.constant 5 : i32
    %dma_wait3A_1090 = arith.constant 1 : i32
    %dma_wait3A_1091 = arith.constant 1 : i32
    %dma_wait3A_1092 = arith.constant 0 : i32
    %dma_wait3A_1093 = arith.constant 0 : i32
    %dma_wait3A_1094 = tpu.memref_slice %arg9[%dma_wait3A_1090, %dma_wait3A_1092, %dma_wait3A_1093] : memref<4x80x128xf32, #tpu.memory_space<vmem>> -> memref<1x80x128xf32, #tpu.memory_space<vmem>>
    %dma_wait3A_1095 = tpu.memref_squeeze %dma_wait3A_1094 : memref<1x80x128xf32, #tpu.memory_space<vmem>> -> memref<80x128xf32, #tpu.memory_space<vmem>>
    %dma_wait3A_1096 = arith.constant 0 : i32
    %dma_wait3A_1097 = tpu.memref_slice %arg7[%dma_wait3A_1089, %dma_wait3A_1096] : memref<8x80xi32, #tpu.memory_space<vmem>> -> memref<1x80xi32, #tpu.memory_space<vmem>>
    %dma_wait3A_1098 = tpu.memref_squeeze %dma_wait3A_1097 : memref<1x80xi32, #tpu.memory_space<vmem>> -> memref<80xi32, #tpu.memory_space<vmem>>
    %dma_wait3A_1099 = arith.constant 0 : i32
    %dma_wait3A_1100 = arith.constant 0 : i32
    %dma_wait3A_1101 = tpu.memref_slice %arg2[%dma_wait3A_1099, %dma_wait3A_1100] : memref<10000x128xf32, #tpu.memory_space<hbm>> -> memref<10000x128xf32, #tpu.memory_space<hbm>>
    %dma_wait3A_1102 = tpu.memref_slice %arg10[%dma_wait3A_1091] : memref<4x!tpu.dma_semaphore, #tpu.memory_space<semaphore_mem>> -> memref<1x!tpu.dma_semaphore, #tpu.memory_space<semaphore_mem>>
    %dma_wait3A_1103 = tpu.memref_squeeze %dma_wait3A_1102 : memref<1x!tpu.dma_semaphore, #tpu.memory_space<semaphore_mem>> -> memref<!tpu.dma_semaphore, #tpu.memory_space<semaphore_mem>>
    tpu.wait_indirect_dma semaphore(%dma_wait3A_1103 : memref<!tpu.dma_semaphore, #tpu.memory_space<semaphore_mem>>) src(%dma_wait3A_1101 : memref<10000x128xf32, #tpu.memory_space<hbm>>) dst(%dma_wait3A_1095 : memref<80x128xf32, #tpu.memory_space<vmem>>)
    %dma_start3A_1104 = arith.constant 1 : i32
    %dma_start3A_1105 = arith.constant 5 : i32
    %dma_start3A_1106 = arith.constant 1 : i32
    %dma_start3A_1107 = arith.constant 0 : i32
    %dma_start3A_1108 = arith.constant 0 : i32
    %dma_start3A_1109 = tpu.memref_slice %arg9[%dma_start3A_1104, %dma_start3A_1107, %dma_start3A_1108] : memref<4x80x128xf32, #tpu.memory_space<vmem>> -> memref<1x80x128xf32, #tpu.memory_space<vmem>>
    %dma_start3A_1110 = tpu.memref_squeeze %dma_start3A_1109 : memref<1x80x128xf32, #tpu.memory_space<vmem>> -> memref<80x128xf32, #tpu.memory_space<vmem>>
    %dma_start3A_1111 = arith.constant 0 : i32
    %dma_start3A_1112 = tpu.memref_slice %arg8[%dma_start3A_1105, %dma_start3A_1111] : memref<8x80xi32, #tpu.memory_space<vmem>> -> memref<1x80xi32, #tpu.memory_space<vmem>>
    %dma_start3A_1113 = tpu.memref_squeeze %dma_start3A_1112 : memref<1x80xi32, #tpu.memory_space<vmem>> -> memref<80xi32, #tpu.memory_space<vmem>>
    %dma_start3A_1114 = arith.constant 0 : i32
    %dma_start3A_1115 = arith.constant 0 : i32
    %dma_start3A_1116 = tpu.memref_slice %arg6[%dma_start3A_1114, %dma_start3A_1115] : memref<10240x128xf32, #tpu.memory_space<vmem_shared>> -> memref<10240x128xf32, #tpu.memory_space<vmem_shared>>
    %dma_start3A_1117 = tpu.memref_slice %arg11[%dma_start3A_1106] : memref<4x!tpu.dma_semaphore, #tpu.memory_space<semaphore_mem>> -> memref<1x!tpu.dma_semaphore, #tpu.memory_space<semaphore_mem>>
    %dma_start3A_1118 = tpu.memref_squeeze %dma_start3A_1117 : memref<1x!tpu.dma_semaphore, #tpu.memory_space<semaphore_mem>> -> memref<!tpu.dma_semaphore, #tpu.memory_space<semaphore_mem>>
    tpu.enqueue_indirect_dma source(%dma_start3A_1110 : memref<80x128xf32, #tpu.memory_space<vmem>>) target(%dma_start3A_1116 : memref<10240x128xf32, #tpu.memory_space<vmem_shared>>) offsets(%dma_start3A_1113 : memref<80xi32, #tpu.memory_space<vmem>>) semaphore(%dma_start3A_1118 : memref<!tpu.dma_semaphore, #tpu.memory_space<semaphore_mem>>) {add = true}
    %dma_wait3A_1119 = arith.constant 0 : i32
    %dma_wait3A_1120 = arith.constant 4 : i32
    %dma_wait3A_1121 = arith.constant 0 : i32
    %dma_wait3A_1122 = arith.constant 0 : i32
    %dma_wait3A_1123 = arith.constant 0 : i32
    %dma_wait3A_1124 = tpu.memref_slice %arg9[%dma_wait3A_1119, %dma_wait3A_1122, %dma_wait3A_1123] : memref<4x80x128xf32, #tpu.memory_space<vmem>> -> memref<1x80x128xf32, #tpu.memory_space<vmem>>
    %dma_wait3A_1125 = tpu.memref_squeeze %dma_wait3A_1124 : memref<1x80x128xf32, #tpu.memory_space<vmem>> -> memref<80x128xf32, #tpu.memory_space<vmem>>
    %dma_wait3A_1126 = arith.constant 0 : i32
    %dma_wait3A_1127 = tpu.memref_slice %arg8[%dma_wait3A_1120, %dma_wait3A_1126] : memref<8x80xi32, #tpu.memory_space<vmem>> -> memref<1x80xi32, #tpu.memory_space<vmem>>
    %dma_wait3A_1128 = tpu.memref_squeeze %dma_wait3A_1127 : memref<1x80xi32, #tpu.memory_space<vmem>> -> memref<80xi32, #tpu.memory_space<vmem>>
    %dma_wait3A_1129 = arith.constant 0 : i32
    %dma_wait3A_1130 = arith.constant 0 : i32
    %dma_wait3A_1131 = tpu.memref_slice %arg6[%dma_wait3A_1129, %dma_wait3A_1130] : memref<10240x128xf32, #tpu.memory_space<vmem_shared>> -> memref<10240x128xf32, #tpu.memory_space<vmem_shared>>
    %dma_wait3A_1132 = tpu.memref_slice %arg11[%dma_wait3A_1121] : memref<4x!tpu.dma_semaphore, #tpu.memory_space<semaphore_mem>> -> memref<1x!tpu.dma_semaphore, #tpu.memory_space<semaphore_mem>>
    %dma_wait3A_1133 = tpu.memref_squeeze %dma_wait3A_1132 : memref<1x!tpu.dma_semaphore, #tpu.memory_space<semaphore_mem>> -> memref<!tpu.dma_semaphore, #tpu.memory_space<semaphore_mem>>
    tpu.wait_indirect_dma semaphore(%dma_wait3A_1133 : memref<!tpu.dma_semaphore, #tpu.memory_space<semaphore_mem>>) src(%dma_wait3A_1125 : memref<80x128xf32, #tpu.memory_space<vmem>>) dst(%dma_wait3A_1131 : memref<10240x128xf32, #tpu.memory_space<vmem_shared>>)
    %add3A_1134 = arith.constant 120 : i32
    %add3A_1135 = arith.addi %mul3A_2, %add3A_1134 : i32
    %dma_wait3A_1136 = arith.constant 0 : i32
    %dma_wait3A_1137 = arith.constant 0 : i32
    %dma_wait3A_1138 = arith.constant 0 : i32
    %dma_wait3A_1139 = tpu.memref_slice %arg7[%dma_wait3A_1136, %dma_wait3A_1138] : memref<8x80xi32, #tpu.memory_space<vmem>> -> memref<1x80xi32, #tpu.memory_space<vmem>>
    %dma_wait3A_1140 = tpu.memref_squeeze %dma_wait3A_1139 : memref<1x80xi32, #tpu.memory_space<vmem>> -> memref<80xi32, #tpu.memory_space<vmem>>
    %dma_wait3A_1141 = arith.constant 0 : i32
    %dma_wait3A_1142 = tpu.memref_slice %arg3[%add3A_1135, %dma_wait3A_1141] : memref<4000x80xi32, #tpu.memory_space<hbm>> -> memref<1x80xi32, #tpu.memory_space<hbm>>
    %dma_wait3A_1143 = tpu.memref_squeeze %dma_wait3A_1142 : memref<1x80xi32, #tpu.memory_space<hbm>> -> memref<80xi32, #tpu.memory_space<hbm>>
    %dma_wait3A_1144 = tpu.memref_slice %arg12[%dma_wait3A_1137] : memref<8x!tpu.dma_semaphore, #tpu.memory_space<semaphore_mem>> -> memref<1x!tpu.dma_semaphore, #tpu.memory_space<semaphore_mem>>
    %dma_wait3A_1145 = tpu.memref_squeeze %dma_wait3A_1144 : memref<1x!tpu.dma_semaphore, #tpu.memory_space<semaphore_mem>> -> memref<!tpu.dma_semaphore, #tpu.memory_space<semaphore_mem>>
    %dma_wait3A_1146 = arith.constant 0 : i32
    %dma_wait3A_1147 = tpu.memref_slice %arg7[%dma_wait3A_1136, %dma_wait3A_1146] : memref<8x80xi32, #tpu.memory_space<vmem>> -> memref<1x80xi32, #tpu.memory_space<vmem>>
    %dma_wait3A_1148 = tpu.memref_squeeze %dma_wait3A_1147 : memref<1x80xi32, #tpu.memory_space<vmem>> -> memref<80xi32, #tpu.memory_space<vmem>>
    %dma_wait3A_1149 = arith.constant 0 : i32
    %dma_wait3A_1150 = tpu.memref_slice %arg3[%add3A_1135, %dma_wait3A_1149] : memref<4000x80xi32, #tpu.memory_space<hbm>> -> memref<1x80xi32, #tpu.memory_space<hbm>>
    %dma_wait3A_1151 = tpu.memref_squeeze %dma_wait3A_1150 : memref<1x80xi32, #tpu.memory_space<hbm>> -> memref<80xi32, #tpu.memory_space<hbm>>
    tpu.wait_dma2 semaphore(%dma_wait3A_1145 : memref<!tpu.dma_semaphore, #tpu.memory_space<semaphore_mem>>) src(%dma_wait3A_1151 : memref<80xi32, #tpu.memory_space<hbm>>) dst(%dma_wait3A_1148 : memref<80xi32, #tpu.memory_space<vmem>>)
    %add3A_1152 = arith.constant 120 : i32
    %add3A_1153 = arith.addi %mul3A_2, %add3A_1152 : i32
    %dma_wait3A_1154 = arith.constant 0 : i32
    %dma_wait3A_1155 = arith.constant 0 : i32
    %dma_wait3A_1156 = arith.constant 0 : i32
    %dma_wait3A_1157 = tpu.memref_slice %arg8[%dma_wait3A_1154, %dma_wait3A_1156] : memref<8x80xi32, #tpu.memory_space<vmem>> -> memref<1x80xi32, #tpu.memory_space<vmem>>
    %dma_wait3A_1158 = tpu.memref_squeeze %dma_wait3A_1157 : memref<1x80xi32, #tpu.memory_space<vmem>> -> memref<80xi32, #tpu.memory_space<vmem>>
    %dma_wait3A_1159 = arith.constant 0 : i32
    %dma_wait3A_1160 = tpu.memref_slice %arg4[%add3A_1153, %dma_wait3A_1159] : memref<4000x80xi32, #tpu.memory_space<hbm>> -> memref<1x80xi32, #tpu.memory_space<hbm>>
    %dma_wait3A_1161 = tpu.memref_squeeze %dma_wait3A_1160 : memref<1x80xi32, #tpu.memory_space<hbm>> -> memref<80xi32, #tpu.memory_space<hbm>>
    %dma_wait3A_1162 = tpu.memref_slice %arg12[%dma_wait3A_1155] : memref<8x!tpu.dma_semaphore, #tpu.memory_space<semaphore_mem>> -> memref<1x!tpu.dma_semaphore, #tpu.memory_space<semaphore_mem>>
    %dma_wait3A_1163 = tpu.memref_squeeze %dma_wait3A_1162 : memref<1x!tpu.dma_semaphore, #tpu.memory_space<semaphore_mem>> -> memref<!tpu.dma_semaphore, #tpu.memory_space<semaphore_mem>>
    %dma_wait3A_1164 = arith.constant 0 : i32
    %dma_wait3A_1165 = tpu.memref_slice %arg8[%dma_wait3A_1154, %dma_wait3A_1164] : memref<8x80xi32, #tpu.memory_space<vmem>> -> memref<1x80xi32, #tpu.memory_space<vmem>>
    %dma_wait3A_1166 = tpu.memref_squeeze %dma_wait3A_1165 : memref<1x80xi32, #tpu.memory_space<vmem>> -> memref<80xi32, #tpu.memory_space<vmem>>
    %dma_wait3A_1167 = arith.constant 0 : i32
    %dma_wait3A_1168 = tpu.memref_slice %arg4[%add3A_1153, %dma_wait3A_1167] : memref<4000x80xi32, #tpu.memory_space<hbm>> -> memref<1x80xi32, #tpu.memory_space<hbm>>
    %dma_wait3A_1169 = tpu.memref_squeeze %dma_wait3A_1168 : memref<1x80xi32, #tpu.memory_space<hbm>> -> memref<80xi32, #tpu.memory_space<hbm>>
    tpu.wait_dma2 semaphore(%dma_wait3A_1163 : memref<!tpu.dma_semaphore, #tpu.memory_space<semaphore_mem>>) src(%dma_wait3A_1169 : memref<80xi32, #tpu.memory_space<hbm>>) dst(%dma_wait3A_1166 : memref<80xi32, #tpu.memory_space<vmem>>)
    %dma_start3A_1170 = arith.constant 0 : i32
    %dma_start3A_1171 = arith.constant 0 : i32
    %dma_start3A_1172 = arith.constant 0 : i32
    %dma_start3A_1173 = arith.constant 0 : i32
    %dma_start3A_1174 = arith.constant 0 : i32
    %dma_start3A_1175 = tpu.memref_slice %arg9[%dma_start3A_1171, %dma_start3A_1173, %dma_start3A_1174] : memref<4x80x128xf32, #tpu.memory_space<vmem>> -> memref<1x80x128xf32, #tpu.memory_space<vmem>>
    %dma_start3A_1176 = tpu.memref_squeeze %dma_start3A_1175 : memref<1x80x128xf32, #tpu.memory_space<vmem>> -> memref<80x128xf32, #tpu.memory_space<vmem>>
    %dma_start3A_1177 = arith.constant 0 : i32
    %dma_start3A_1178 = tpu.memref_slice %arg7[%dma_start3A_1170, %dma_start3A_1177] : memref<8x80xi32, #tpu.memory_space<vmem>> -> memref<1x80xi32, #tpu.memory_space<vmem>>
    %dma_start3A_1179 = tpu.memref_squeeze %dma_start3A_1178 : memref<1x80xi32, #tpu.memory_space<vmem>> -> memref<80xi32, #tpu.memory_space<vmem>>
    %dma_start3A_1180 = arith.constant 0 : i32
    %dma_start3A_1181 = arith.constant 0 : i32
    %dma_start3A_1182 = tpu.memref_slice %arg2[%dma_start3A_1180, %dma_start3A_1181] : memref<10000x128xf32, #tpu.memory_space<hbm>> -> memref<10000x128xf32, #tpu.memory_space<hbm>>
    %dma_start3A_1183 = tpu.memref_slice %arg10[%dma_start3A_1172] : memref<4x!tpu.dma_semaphore, #tpu.memory_space<semaphore_mem>> -> memref<1x!tpu.dma_semaphore, #tpu.memory_space<semaphore_mem>>
    %dma_start3A_1184 = tpu.memref_squeeze %dma_start3A_1183 : memref<1x!tpu.dma_semaphore, #tpu.memory_space<semaphore_mem>> -> memref<!tpu.dma_semaphore, #tpu.memory_space<semaphore_mem>>
    tpu.enqueue_indirect_dma source(%dma_start3A_1182 : memref<10000x128xf32, #tpu.memory_space<hbm>>) target(%dma_start3A_1176 : memref<80x128xf32, #tpu.memory_space<vmem>>) offsets(%dma_start3A_1179 : memref<80xi32, #tpu.memory_space<vmem>>) semaphore(%dma_start3A_1184 : memref<!tpu.dma_semaphore, #tpu.memory_space<semaphore_mem>>)
    %add3A_1185 = arith.constant 124 : i32
    %add3A_1186 = arith.addi %mul3A_2, %add3A_1185 : i32
    %dma_start3A_1187 = arith.constant 4 : i32
    %dma_start3A_1188 = arith.constant 4 : i32
    %dma_start3A_1189 = arith.constant 0 : i32
    %dma_start3A_1190 = tpu.memref_slice %arg7[%dma_start3A_1187, %dma_start3A_1189] : memref<8x80xi32, #tpu.memory_space<vmem>> -> memref<1x80xi32, #tpu.memory_space<vmem>>
    %dma_start3A_1191 = tpu.memref_squeeze %dma_start3A_1190 : memref<1x80xi32, #tpu.memory_space<vmem>> -> memref<80xi32, #tpu.memory_space<vmem>>
    %dma_start3A_1192 = arith.constant 0 : i32
    %dma_start3A_1193 = tpu.memref_slice %arg3[%add3A_1186, %dma_start3A_1192] : memref<4000x80xi32, #tpu.memory_space<hbm>> -> memref<1x80xi32, #tpu.memory_space<hbm>>
    %dma_start3A_1194 = tpu.memref_squeeze %dma_start3A_1193 : memref<1x80xi32, #tpu.memory_space<hbm>> -> memref<80xi32, #tpu.memory_space<hbm>>
    %dma_start3A_1195 = tpu.memref_slice %arg12[%dma_start3A_1188] : memref<8x!tpu.dma_semaphore, #tpu.memory_space<semaphore_mem>> -> memref<1x!tpu.dma_semaphore, #tpu.memory_space<semaphore_mem>>
    %dma_start3A_1196 = tpu.memref_squeeze %dma_start3A_1195 : memref<1x!tpu.dma_semaphore, #tpu.memory_space<semaphore_mem>> -> memref<!tpu.dma_semaphore, #tpu.memory_space<semaphore_mem>>
    %dma_start3A_1197 = arith.constant 0 : i32
    %dma_start3A_1198 = tpu.memref_slice %arg7[%dma_start3A_1187, %dma_start3A_1197] : memref<8x80xi32, #tpu.memory_space<vmem>> -> memref<1x80xi32, #tpu.memory_space<vmem>>
    %dma_start3A_1199 = tpu.memref_squeeze %dma_start3A_1198 : memref<1x80xi32, #tpu.memory_space<vmem>> -> memref<80xi32, #tpu.memory_space<vmem>>
    %dma_start3A_1200 = arith.constant 0 : i32
    %dma_start3A_1201 = tpu.memref_slice %arg3[%add3A_1186, %dma_start3A_1200] : memref<4000x80xi32, #tpu.memory_space<hbm>> -> memref<1x80xi32, #tpu.memory_space<hbm>>
    %dma_start3A_1202 = tpu.memref_squeeze %dma_start3A_1201 : memref<1x80xi32, #tpu.memory_space<hbm>> -> memref<80xi32, #tpu.memory_space<hbm>>
    tpu.enqueue_dma source(%dma_start3A_1202 : memref<80xi32, #tpu.memory_space<hbm>>) target(%dma_start3A_1199 : memref<80xi32, #tpu.memory_space<vmem>>) target_semaphore(%dma_start3A_1196 : memref<!tpu.dma_semaphore, #tpu.memory_space<semaphore_mem>>)
    %add3A_1203 = arith.constant 124 : i32
    %add3A_1204 = arith.addi %mul3A_2, %add3A_1203 : i32
    %dma_start3A_1205 = arith.constant 4 : i32
    %dma_start3A_1206 = arith.constant 4 : i32
    %dma_start3A_1207 = arith.constant 0 : i32
    %dma_start3A_1208 = tpu.memref_slice %arg8[%dma_start3A_1205, %dma_start3A_1207] : memref<8x80xi32, #tpu.memory_space<vmem>> -> memref<1x80xi32, #tpu.memory_space<vmem>>
    %dma_start3A_1209 = tpu.memref_squeeze %dma_start3A_1208 : memref<1x80xi32, #tpu.memory_space<vmem>> -> memref<80xi32, #tpu.memory_space<vmem>>
    %dma_start3A_1210 = arith.constant 0 : i32
    %dma_start3A_1211 = tpu.memref_slice %arg4[%add3A_1204, %dma_start3A_1210] : memref<4000x80xi32, #tpu.memory_space<hbm>> -> memref<1x80xi32, #tpu.memory_space<hbm>>
    %dma_start3A_1212 = tpu.memref_squeeze %dma_start3A_1211 : memref<1x80xi32, #tpu.memory_space<hbm>> -> memref<80xi32, #tpu.memory_space<hbm>>
    %dma_start3A_1213 = tpu.memref_slice %arg12[%dma_start3A_1206] : memref<8x!tpu.dma_semaphore, #tpu.memory_space<semaphore_mem>> -> memref<1x!tpu.dma_semaphore, #tpu.memory_space<semaphore_mem>>
    %dma_start3A_1214 = tpu.memref_squeeze %dma_start3A_1213 : memref<1x!tpu.dma_semaphore, #tpu.memory_space<semaphore_mem>> -> memref<!tpu.dma_semaphore, #tpu.memory_space<semaphore_mem>>
    %dma_start3A_1215 = arith.constant 0 : i32
    %dma_start3A_1216 = tpu.memref_slice %arg8[%dma_start3A_1205, %dma_start3A_1215] : memref<8x80xi32, #tpu.memory_space<vmem>> -> memref<1x80xi32, #tpu.memory_space<vmem>>
    %dma_start3A_1217 = tpu.memref_squeeze %dma_start3A_1216 : memref<1x80xi32, #tpu.memory_space<vmem>> -> memref<80xi32, #tpu.memory_space<vmem>>
    %dma_start3A_1218 = arith.constant 0 : i32
    %dma_start3A_1219 = tpu.memref_slice %arg4[%add3A_1204, %dma_start3A_1218] : memref<4000x80xi32, #tpu.memory_space<hbm>> -> memref<1x80xi32, #tpu.memory_space<hbm>>
    %dma_start3A_1220 = tpu.memref_squeeze %dma_start3A_1219 : memref<1x80xi32, #tpu.memory_space<hbm>> -> memref<80xi32, #tpu.memory_space<hbm>>
    tpu.enqueue_dma source(%dma_start3A_1220 : memref<80xi32, #tpu.memory_space<hbm>>) target(%dma_start3A_1217 : memref<80xi32, #tpu.memory_space<vmem>>) target_semaphore(%dma_start3A_1214 : memref<!tpu.dma_semaphore, #tpu.memory_space<semaphore_mem>>)
    %dma_wait3A_1221 = arith.constant 6 : i32
    %dma_wait3A_1222 = arith.constant 2 : i32
    %dma_wait3A_1223 = arith.constant 2 : i32
    %dma_wait3A_1224 = arith.constant 0 : i32
    %dma_wait3A_1225 = arith.constant 0 : i32
    %dma_wait3A_1226 = tpu.memref_slice %arg9[%dma_wait3A_1222, %dma_wait3A_1224, %dma_wait3A_1225] : memref<4x80x128xf32, #tpu.memory_space<vmem>> -> memref<1x80x128xf32, #tpu.memory_space<vmem>>
    %dma_wait3A_1227 = tpu.memref_squeeze %dma_wait3A_1226 : memref<1x80x128xf32, #tpu.memory_space<vmem>> -> memref<80x128xf32, #tpu.memory_space<vmem>>
    %dma_wait3A_1228 = arith.constant 0 : i32
    %dma_wait3A_1229 = tpu.memref_slice %arg7[%dma_wait3A_1221, %dma_wait3A_1228] : memref<8x80xi32, #tpu.memory_space<vmem>> -> memref<1x80xi32, #tpu.memory_space<vmem>>
    %dma_wait3A_1230 = tpu.memref_squeeze %dma_wait3A_1229 : memref<1x80xi32, #tpu.memory_space<vmem>> -> memref<80xi32, #tpu.memory_space<vmem>>
    %dma_wait3A_1231 = arith.constant 0 : i32
    %dma_wait3A_1232 = arith.constant 0 : i32
    %dma_wait3A_1233 = tpu.memref_slice %arg2[%dma_wait3A_1231, %dma_wait3A_1232] : memref<10000x128xf32, #tpu.memory_space<hbm>> -> memref<10000x128xf32, #tpu.memory_space<hbm>>
    %dma_wait3A_1234 = tpu.memref_slice %arg10[%dma_wait3A_1223] : memref<4x!tpu.dma_semaphore, #tpu.memory_space<semaphore_mem>> -> memref<1x!tpu.dma_semaphore, #tpu.memory_space<semaphore_mem>>
    %dma_wait3A_1235 = tpu.memref_squeeze %dma_wait3A_1234 : memref<1x!tpu.dma_semaphore, #tpu.memory_space<semaphore_mem>> -> memref<!tpu.dma_semaphore, #tpu.memory_space<semaphore_mem>>
    tpu.wait_indirect_dma semaphore(%dma_wait3A_1235 : memref<!tpu.dma_semaphore, #tpu.memory_space<semaphore_mem>>) src(%dma_wait3A_1233 : memref<10000x128xf32, #tpu.memory_space<hbm>>) dst(%dma_wait3A_1227 : memref<80x128xf32, #tpu.memory_space<vmem>>)
    %dma_start3A_1236 = arith.constant 2 : i32
    %dma_start3A_1237 = arith.constant 6 : i32
    %dma_start3A_1238 = arith.constant 2 : i32
    %dma_start3A_1239 = arith.constant 0 : i32
    %dma_start3A_1240 = arith.constant 0 : i32
    %dma_start3A_1241 = tpu.memref_slice %arg9[%dma_start3A_1236, %dma_start3A_1239, %dma_start3A_1240] : memref<4x80x128xf32, #tpu.memory_space<vmem>> -> memref<1x80x128xf32, #tpu.memory_space<vmem>>
    %dma_start3A_1242 = tpu.memref_squeeze %dma_start3A_1241 : memref<1x80x128xf32, #tpu.memory_space<vmem>> -> memref<80x128xf32, #tpu.memory_space<vmem>>
    %dma_start3A_1243 = arith.constant 0 : i32
    %dma_start3A_1244 = tpu.memref_slice %arg8[%dma_start3A_1237, %dma_start3A_1243] : memref<8x80xi32, #tpu.memory_space<vmem>> -> memref<1x80xi32, #tpu.memory_space<vmem>>
    %dma_start3A_1245 = tpu.memref_squeeze %dma_start3A_1244 : memref<1x80xi32, #tpu.memory_space<vmem>> -> memref<80xi32, #tpu.memory_space<vmem>>
    %dma_start3A_1246 = arith.constant 0 : i32
    %dma_start3A_1247 = arith.constant 0 : i32
    %dma_start3A_1248 = tpu.memref_slice %arg6[%dma_start3A_1246, %dma_start3A_1247] : memref<10240x128xf32, #tpu.memory_space<vmem_shared>> -> memref<10240x128xf32, #tpu.memory_space<vmem_shared>>
    %dma_start3A_1249 = tpu.memref_slice %arg11[%dma_start3A_1238] : memref<4x!tpu.dma_semaphore, #tpu.memory_space<semaphore_mem>> -> memref<1x!tpu.dma_semaphore, #tpu.memory_space<semaphore_mem>>
    %dma_start3A_1250 = tpu.memref_squeeze %dma_start3A_1249 : memref<1x!tpu.dma_semaphore, #tpu.memory_space<semaphore_mem>> -> memref<!tpu.dma_semaphore, #tpu.memory_space<semaphore_mem>>
    tpu.enqueue_indirect_dma source(%dma_start3A_1242 : memref<80x128xf32, #tpu.memory_space<vmem>>) target(%dma_start3A_1248 : memref<10240x128xf32, #tpu.memory_space<vmem_shared>>) offsets(%dma_start3A_1245 : memref<80xi32, #tpu.memory_space<vmem>>) semaphore(%dma_start3A_1250 : memref<!tpu.dma_semaphore, #tpu.memory_space<semaphore_mem>>) {add = true}
    %dma_wait3A_1251 = arith.constant 1 : i32
    %dma_wait3A_1252 = arith.constant 5 : i32
    %dma_wait3A_1253 = arith.constant 1 : i32
    %dma_wait3A_1254 = arith.constant 0 : i32
    %dma_wait3A_1255 = arith.constant 0 : i32
    %dma_wait3A_1256 = tpu.memref_slice %arg9[%dma_wait3A_1251, %dma_wait3A_1254, %dma_wait3A_1255] : memref<4x80x128xf32, #tpu.memory_space<vmem>> -> memref<1x80x128xf32, #tpu.memory_space<vmem>>
    %dma_wait3A_1257 = tpu.memref_squeeze %dma_wait3A_1256 : memref<1x80x128xf32, #tpu.memory_space<vmem>> -> memref<80x128xf32, #tpu.memory_space<vmem>>
    %dma_wait3A_1258 = arith.constant 0 : i32
    %dma_wait3A_1259 = tpu.memref_slice %arg8[%dma_wait3A_1252, %dma_wait3A_1258] : memref<8x80xi32, #tpu.memory_space<vmem>> -> memref<1x80xi32, #tpu.memory_space<vmem>>
    %dma_wait3A_1260 = tpu.memref_squeeze %dma_wait3A_1259 : memref<1x80xi32, #tpu.memory_space<vmem>> -> memref<80xi32, #tpu.memory_space<vmem>>
    %dma_wait3A_1261 = arith.constant 0 : i32
    %dma_wait3A_1262 = arith.constant 0 : i32
    %dma_wait3A_1263 = tpu.memref_slice %arg6[%dma_wait3A_1261, %dma_wait3A_1262] : memref<10240x128xf32, #tpu.memory_space<vmem_shared>> -> memref<10240x128xf32, #tpu.memory_space<vmem_shared>>
    %dma_wait3A_1264 = tpu.memref_slice %arg11[%dma_wait3A_1253] : memref<4x!tpu.dma_semaphore, #tpu.memory_space<semaphore_mem>> -> memref<1x!tpu.dma_semaphore, #tpu.memory_space<semaphore_mem>>
    %dma_wait3A_1265 = tpu.memref_squeeze %dma_wait3A_1264 : memref<1x!tpu.dma_semaphore, #tpu.memory_space<semaphore_mem>> -> memref<!tpu.dma_semaphore, #tpu.memory_space<semaphore_mem>>
    tpu.wait_indirect_dma semaphore(%dma_wait3A_1265 : memref<!tpu.dma_semaphore, #tpu.memory_space<semaphore_mem>>) src(%dma_wait3A_1257 : memref<80x128xf32, #tpu.memory_space<vmem>>) dst(%dma_wait3A_1263 : memref<10240x128xf32, #tpu.memory_space<vmem_shared>>)
    %add3A_1266 = arith.constant 121 : i32
    %add3A_1267 = arith.addi %mul3A_2, %add3A_1266 : i32
    %dma_wait3A_1268 = arith.constant 1 : i32
    %dma_wait3A_1269 = arith.constant 1 : i32
    %dma_wait3A_1270 = arith.constant 0 : i32
    %dma_wait3A_1271 = tpu.memref_slice %arg7[%dma_wait3A_1268, %dma_wait3A_1270] : memref<8x80xi32, #tpu.memory_space<vmem>> -> memref<1x80xi32, #tpu.memory_space<vmem>>
    %dma_wait3A_1272 = tpu.memref_squeeze %dma_wait3A_1271 : memref<1x80xi32, #tpu.memory_space<vmem>> -> memref<80xi32, #tpu.memory_space<vmem>>
    %dma_wait3A_1273 = arith.constant 0 : i32
    %dma_wait3A_1274 = tpu.memref_slice %arg3[%add3A_1267, %dma_wait3A_1273] : memref<4000x80xi32, #tpu.memory_space<hbm>> -> memref<1x80xi32, #tpu.memory_space<hbm>>
    %dma_wait3A_1275 = tpu.memref_squeeze %dma_wait3A_1274 : memref<1x80xi32, #tpu.memory_space<hbm>> -> memref<80xi32, #tpu.memory_space<hbm>>
    %dma_wait3A_1276 = tpu.memref_slice %arg12[%dma_wait3A_1269] : memref<8x!tpu.dma_semaphore, #tpu.memory_space<semaphore_mem>> -> memref<1x!tpu.dma_semaphore, #tpu.memory_space<semaphore_mem>>
    %dma_wait3A_1277 = tpu.memref_squeeze %dma_wait3A_1276 : memref<1x!tpu.dma_semaphore, #tpu.memory_space<semaphore_mem>> -> memref<!tpu.dma_semaphore, #tpu.memory_space<semaphore_mem>>
    %dma_wait3A_1278 = arith.constant 0 : i32
    %dma_wait3A_1279 = tpu.memref_slice %arg7[%dma_wait3A_1268, %dma_wait3A_1278] : memref<8x80xi32, #tpu.memory_space<vmem>> -> memref<1x80xi32, #tpu.memory_space<vmem>>
    %dma_wait3A_1280 = tpu.memref_squeeze %dma_wait3A_1279 : memref<1x80xi32, #tpu.memory_space<vmem>> -> memref<80xi32, #tpu.memory_space<vmem>>
    %dma_wait3A_1281 = arith.constant 0 : i32
    %dma_wait3A_1282 = tpu.memref_slice %arg3[%add3A_1267, %dma_wait3A_1281] : memref<4000x80xi32, #tpu.memory_space<hbm>> -> memref<1x80xi32, #tpu.memory_space<hbm>>
    %dma_wait3A_1283 = tpu.memref_squeeze %dma_wait3A_1282 : memref<1x80xi32, #tpu.memory_space<hbm>> -> memref<80xi32, #tpu.memory_space<hbm>>
    tpu.wait_dma2 semaphore(%dma_wait3A_1277 : memref<!tpu.dma_semaphore, #tpu.memory_space<semaphore_mem>>) src(%dma_wait3A_1283 : memref<80xi32, #tpu.memory_space<hbm>>) dst(%dma_wait3A_1280 : memref<80xi32, #tpu.memory_space<vmem>>)
    %add3A_1284 = arith.constant 121 : i32
    %add3A_1285 = arith.addi %mul3A_2, %add3A_1284 : i32
    %dma_wait3A_1286 = arith.constant 1 : i32
    %dma_wait3A_1287 = arith.constant 1 : i32
    %dma_wait3A_1288 = arith.constant 0 : i32
    %dma_wait3A_1289 = tpu.memref_slice %arg8[%dma_wait3A_1286, %dma_wait3A_1288] : memref<8x80xi32, #tpu.memory_space<vmem>> -> memref<1x80xi32, #tpu.memory_space<vmem>>
    %dma_wait3A_1290 = tpu.memref_squeeze %dma_wait3A_1289 : memref<1x80xi32, #tpu.memory_space<vmem>> -> memref<80xi32, #tpu.memory_space<vmem>>
    %dma_wait3A_1291 = arith.constant 0 : i32
    %dma_wait3A_1292 = tpu.memref_slice %arg4[%add3A_1285, %dma_wait3A_1291] : memref<4000x80xi32, #tpu.memory_space<hbm>> -> memref<1x80xi32, #tpu.memory_space<hbm>>
    %dma_wait3A_1293 = tpu.memref_squeeze %dma_wait3A_1292 : memref<1x80xi32, #tpu.memory_space<hbm>> -> memref<80xi32, #tpu.memory_space<hbm>>
    %dma_wait3A_1294 = tpu.memref_slice %arg12[%dma_wait3A_1287] : memref<8x!tpu.dma_semaphore, #tpu.memory_space<semaphore_mem>> -> memref<1x!tpu.dma_semaphore, #tpu.memory_space<semaphore_mem>>
    %dma_wait3A_1295 = tpu.memref_squeeze %dma_wait3A_1294 : memref<1x!tpu.dma_semaphore, #tpu.memory_space<semaphore_mem>> -> memref<!tpu.dma_semaphore, #tpu.memory_space<semaphore_mem>>
    %dma_wait3A_1296 = arith.constant 0 : i32
    %dma_wait3A_1297 = tpu.memref_slice %arg8[%dma_wait3A_1286, %dma_wait3A_1296] : memref<8x80xi32, #tpu.memory_space<vmem>> -> memref<1x80xi32, #tpu.memory_space<vmem>>
    %dma_wait3A_1298 = tpu.memref_squeeze %dma_wait3A_1297 : memref<1x80xi32, #tpu.memory_space<vmem>> -> memref<80xi32, #tpu.memory_space<vmem>>
    %dma_wait3A_1299 = arith.constant 0 : i32
    %dma_wait3A_1300 = tpu.memref_slice %arg4[%add3A_1285, %dma_wait3A_1299] : memref<4000x80xi32, #tpu.memory_space<hbm>> -> memref<1x80xi32, #tpu.memory_space<hbm>>
    %dma_wait3A_1301 = tpu.memref_squeeze %dma_wait3A_1300 : memref<1x80xi32, #tpu.memory_space<hbm>> -> memref<80xi32, #tpu.memory_space<hbm>>
    tpu.wait_dma2 semaphore(%dma_wait3A_1295 : memref<!tpu.dma_semaphore, #tpu.memory_space<semaphore_mem>>) src(%dma_wait3A_1301 : memref<80xi32, #tpu.memory_space<hbm>>) dst(%dma_wait3A_1298 : memref<80xi32, #tpu.memory_space<vmem>>)
    %dma_start3A_1302 = arith.constant 1 : i32
    %dma_start3A_1303 = arith.constant 1 : i32
    %dma_start3A_1304 = arith.constant 1 : i32
    %dma_start3A_1305 = arith.constant 0 : i32
    %dma_start3A_1306 = arith.constant 0 : i32
    %dma_start3A_1307 = tpu.memref_slice %arg9[%dma_start3A_1303, %dma_start3A_1305, %dma_start3A_1306] : memref<4x80x128xf32, #tpu.memory_space<vmem>> -> memref<1x80x128xf32, #tpu.memory_space<vmem>>
    %dma_start3A_1308 = tpu.memref_squeeze %dma_start3A_1307 : memref<1x80x128xf32, #tpu.memory_space<vmem>> -> memref<80x128xf32, #tpu.memory_space<vmem>>
    %dma_start3A_1309 = arith.constant 0 : i32
    %dma_start3A_1310 = tpu.memref_slice %arg7[%dma_start3A_1302, %dma_start3A_1309] : memref<8x80xi32, #tpu.memory_space<vmem>> -> memref<1x80xi32, #tpu.memory_space<vmem>>
    %dma_start3A_1311 = tpu.memref_squeeze %dma_start3A_1310 : memref<1x80xi32, #tpu.memory_space<vmem>> -> memref<80xi32, #tpu.memory_space<vmem>>
    %dma_start3A_1312 = arith.constant 0 : i32
    %dma_start3A_1313 = arith.constant 0 : i32
    %dma_start3A_1314 = tpu.memref_slice %arg2[%dma_start3A_1312, %dma_start3A_1313] : memref<10000x128xf32, #tpu.memory_space<hbm>> -> memref<10000x128xf32, #tpu.memory_space<hbm>>
    %dma_start3A_1315 = tpu.memref_slice %arg10[%dma_start3A_1304] : memref<4x!tpu.dma_semaphore, #tpu.memory_space<semaphore_mem>> -> memref<1x!tpu.dma_semaphore, #tpu.memory_space<semaphore_mem>>
    %dma_start3A_1316 = tpu.memref_squeeze %dma_start3A_1315 : memref<1x!tpu.dma_semaphore, #tpu.memory_space<semaphore_mem>> -> memref<!tpu.dma_semaphore, #tpu.memory_space<semaphore_mem>>
    tpu.enqueue_indirect_dma source(%dma_start3A_1314 : memref<10000x128xf32, #tpu.memory_space<hbm>>) target(%dma_start3A_1308 : memref<80x128xf32, #tpu.memory_space<vmem>>) offsets(%dma_start3A_1311 : memref<80xi32, #tpu.memory_space<vmem>>) semaphore(%dma_start3A_1316 : memref<!tpu.dma_semaphore, #tpu.memory_space<semaphore_mem>>)
    %dma_wait3A_1317 = arith.constant 7 : i32
    %dma_wait3A_1318 = arith.constant 3 : i32
    %dma_wait3A_1319 = arith.constant 3 : i32
    %dma_wait3A_1320 = arith.constant 0 : i32
    %dma_wait3A_1321 = arith.constant 0 : i32
    %dma_wait3A_1322 = tpu.memref_slice %arg9[%dma_wait3A_1318, %dma_wait3A_1320, %dma_wait3A_1321] : memref<4x80x128xf32, #tpu.memory_space<vmem>> -> memref<1x80x128xf32, #tpu.memory_space<vmem>>
    %dma_wait3A_1323 = tpu.memref_squeeze %dma_wait3A_1322 : memref<1x80x128xf32, #tpu.memory_space<vmem>> -> memref<80x128xf32, #tpu.memory_space<vmem>>
    %dma_wait3A_1324 = arith.constant 0 : i32
    %dma_wait3A_1325 = tpu.memref_slice %arg7[%dma_wait3A_1317, %dma_wait3A_1324] : memref<8x80xi32, #tpu.memory_space<vmem>> -> memref<1x80xi32, #tpu.memory_space<vmem>>
    %dma_wait3A_1326 = tpu.memref_squeeze %dma_wait3A_1325 : memref<1x80xi32, #tpu.memory_space<vmem>> -> memref<80xi32, #tpu.memory_space<vmem>>
    %dma_wait3A_1327 = arith.constant 0 : i32
    %dma_wait3A_1328 = arith.constant 0 : i32
    %dma_wait3A_1329 = tpu.memref_slice %arg2[%dma_wait3A_1327, %dma_wait3A_1328] : memref<10000x128xf32, #tpu.memory_space<hbm>> -> memref<10000x128xf32, #tpu.memory_space<hbm>>
    %dma_wait3A_1330 = tpu.memref_slice %arg10[%dma_wait3A_1319] : memref<4x!tpu.dma_semaphore, #tpu.memory_space<semaphore_mem>> -> memref<1x!tpu.dma_semaphore, #tpu.memory_space<semaphore_mem>>
    %dma_wait3A_1331 = tpu.memref_squeeze %dma_wait3A_1330 : memref<1x!tpu.dma_semaphore, #tpu.memory_space<semaphore_mem>> -> memref<!tpu.dma_semaphore, #tpu.memory_space<semaphore_mem>>
    tpu.wait_indirect_dma semaphore(%dma_wait3A_1331 : memref<!tpu.dma_semaphore, #tpu.memory_space<semaphore_mem>>) src(%dma_wait3A_1329 : memref<10000x128xf32, #tpu.memory_space<hbm>>) dst(%dma_wait3A_1323 : memref<80x128xf32, #tpu.memory_space<vmem>>)
    %dma_start3A_1332 = arith.constant 3 : i32
    %dma_start3A_1333 = arith.constant 7 : i32
    %dma_start3A_1334 = arith.constant 3 : i32
    %dma_start3A_1335 = arith.constant 0 : i32
    %dma_start3A_1336 = arith.constant 0 : i32
    %dma_start3A_1337 = tpu.memref_slice %arg9[%dma_start3A_1332, %dma_start3A_1335, %dma_start3A_1336] : memref<4x80x128xf32, #tpu.memory_space<vmem>> -> memref<1x80x128xf32, #tpu.memory_space<vmem>>
    %dma_start3A_1338 = tpu.memref_squeeze %dma_start3A_1337 : memref<1x80x128xf32, #tpu.memory_space<vmem>> -> memref<80x128xf32, #tpu.memory_space<vmem>>
    %dma_start3A_1339 = arith.constant 0 : i32
    %dma_start3A_1340 = tpu.memref_slice %arg8[%dma_start3A_1333, %dma_start3A_1339] : memref<8x80xi32, #tpu.memory_space<vmem>> -> memref<1x80xi32, #tpu.memory_space<vmem>>
    %dma_start3A_1341 = tpu.memref_squeeze %dma_start3A_1340 : memref<1x80xi32, #tpu.memory_space<vmem>> -> memref<80xi32, #tpu.memory_space<vmem>>
    %dma_start3A_1342 = arith.constant 0 : i32
    %dma_start3A_1343 = arith.constant 0 : i32
    %dma_start3A_1344 = tpu.memref_slice %arg6[%dma_start3A_1342, %dma_start3A_1343] : memref<10240x128xf32, #tpu.memory_space<vmem_shared>> -> memref<10240x128xf32, #tpu.memory_space<vmem_shared>>
    %dma_start3A_1345 = tpu.memref_slice %arg11[%dma_start3A_1334] : memref<4x!tpu.dma_semaphore, #tpu.memory_space<semaphore_mem>> -> memref<1x!tpu.dma_semaphore, #tpu.memory_space<semaphore_mem>>
    %dma_start3A_1346 = tpu.memref_squeeze %dma_start3A_1345 : memref<1x!tpu.dma_semaphore, #tpu.memory_space<semaphore_mem>> -> memref<!tpu.dma_semaphore, #tpu.memory_space<semaphore_mem>>
    tpu.enqueue_indirect_dma source(%dma_start3A_1338 : memref<80x128xf32, #tpu.memory_space<vmem>>) target(%dma_start3A_1344 : memref<10240x128xf32, #tpu.memory_space<vmem_shared>>) offsets(%dma_start3A_1341 : memref<80xi32, #tpu.memory_space<vmem>>) semaphore(%dma_start3A_1346 : memref<!tpu.dma_semaphore, #tpu.memory_space<semaphore_mem>>) {add = true}
    %dma_wait3A_1347 = arith.constant 2 : i32
    %dma_wait3A_1348 = arith.constant 6 : i32
    %dma_wait3A_1349 = arith.constant 2 : i32
    %dma_wait3A_1350 = arith.constant 0 : i32
    %dma_wait3A_1351 = arith.constant 0 : i32
    %dma_wait3A_1352 = tpu.memref_slice %arg9[%dma_wait3A_1347, %dma_wait3A_1350, %dma_wait3A_1351] : memref<4x80x128xf32, #tpu.memory_space<vmem>> -> memref<1x80x128xf32, #tpu.memory_space<vmem>>
    %dma_wait3A_1353 = tpu.memref_squeeze %dma_wait3A_1352 : memref<1x80x128xf32, #tpu.memory_space<vmem>> -> memref<80x128xf32, #tpu.memory_space<vmem>>
    %dma_wait3A_1354 = arith.constant 0 : i32
    %dma_wait3A_1355 = tpu.memref_slice %arg8[%dma_wait3A_1348, %dma_wait3A_1354] : memref<8x80xi32, #tpu.memory_space<vmem>> -> memref<1x80xi32, #tpu.memory_space<vmem>>
    %dma_wait3A_1356 = tpu.memref_squeeze %dma_wait3A_1355 : memref<1x80xi32, #tpu.memory_space<vmem>> -> memref<80xi32, #tpu.memory_space<vmem>>
    %dma_wait3A_1357 = arith.constant 0 : i32
    %dma_wait3A_1358 = arith.constant 0 : i32
    %dma_wait3A_1359 = tpu.memref_slice %arg6[%dma_wait3A_1357, %dma_wait3A_1358] : memref<10240x128xf32, #tpu.memory_space<vmem_shared>> -> memref<10240x128xf32, #tpu.memory_space<vmem_shared>>
    %dma_wait3A_1360 = tpu.memref_slice %arg11[%dma_wait3A_1349] : memref<4x!tpu.dma_semaphore, #tpu.memory_space<semaphore_mem>> -> memref<1x!tpu.dma_semaphore, #tpu.memory_space<semaphore_mem>>
    %dma_wait3A_1361 = tpu.memref_squeeze %dma_wait3A_1360 : memref<1x!tpu.dma_semaphore, #tpu.memory_space<semaphore_mem>> -> memref<!tpu.dma_semaphore, #tpu.memory_space<semaphore_mem>>
    tpu.wait_indirect_dma semaphore(%dma_wait3A_1361 : memref<!tpu.dma_semaphore, #tpu.memory_space<semaphore_mem>>) src(%dma_wait3A_1353 : memref<80x128xf32, #tpu.memory_space<vmem>>) dst(%dma_wait3A_1359 : memref<10240x128xf32, #tpu.memory_space<vmem_shared>>)
    %add3A_1362 = arith.constant 122 : i32
    %add3A_1363 = arith.addi %mul3A_2, %add3A_1362 : i32
    %dma_wait3A_1364 = arith.constant 2 : i32
    %dma_wait3A_1365 = arith.constant 2 : i32
    %dma_wait3A_1366 = arith.constant 0 : i32
    %dma_wait3A_1367 = tpu.memref_slice %arg7[%dma_wait3A_1364, %dma_wait3A_1366] : memref<8x80xi32, #tpu.memory_space<vmem>> -> memref<1x80xi32, #tpu.memory_space<vmem>>
    %dma_wait3A_1368 = tpu.memref_squeeze %dma_wait3A_1367 : memref<1x80xi32, #tpu.memory_space<vmem>> -> memref<80xi32, #tpu.memory_space<vmem>>
    %dma_wait3A_1369 = arith.constant 0 : i32
    %dma_wait3A_1370 = tpu.memref_slice %arg3[%add3A_1363, %dma_wait3A_1369] : memref<4000x80xi32, #tpu.memory_space<hbm>> -> memref<1x80xi32, #tpu.memory_space<hbm>>
    %dma_wait3A_1371 = tpu.memref_squeeze %dma_wait3A_1370 : memref<1x80xi32, #tpu.memory_space<hbm>> -> memref<80xi32, #tpu.memory_space<hbm>>
    %dma_wait3A_1372 = tpu.memref_slice %arg12[%dma_wait3A_1365] : memref<8x!tpu.dma_semaphore, #tpu.memory_space<semaphore_mem>> -> memref<1x!tpu.dma_semaphore, #tpu.memory_space<semaphore_mem>>
    %dma_wait3A_1373 = tpu.memref_squeeze %dma_wait3A_1372 : memref<1x!tpu.dma_semaphore, #tpu.memory_space<semaphore_mem>> -> memref<!tpu.dma_semaphore, #tpu.memory_space<semaphore_mem>>
    %dma_wait3A_1374 = arith.constant 0 : i32
    %dma_wait3A_1375 = tpu.memref_slice %arg7[%dma_wait3A_1364, %dma_wait3A_1374] : memref<8x80xi32, #tpu.memory_space<vmem>> -> memref<1x80xi32, #tpu.memory_space<vmem>>
    %dma_wait3A_1376 = tpu.memref_squeeze %dma_wait3A_1375 : memref<1x80xi32, #tpu.memory_space<vmem>> -> memref<80xi32, #tpu.memory_space<vmem>>
    %dma_wait3A_1377 = arith.constant 0 : i32
    %dma_wait3A_1378 = tpu.memref_slice %arg3[%add3A_1363, %dma_wait3A_1377] : memref<4000x80xi32, #tpu.memory_space<hbm>> -> memref<1x80xi32, #tpu.memory_space<hbm>>
    %dma_wait3A_1379 = tpu.memref_squeeze %dma_wait3A_1378 : memref<1x80xi32, #tpu.memory_space<hbm>> -> memref<80xi32, #tpu.memory_space<hbm>>
    tpu.wait_dma2 semaphore(%dma_wait3A_1373 : memref<!tpu.dma_semaphore, #tpu.memory_space<semaphore_mem>>) src(%dma_wait3A_1379 : memref<80xi32, #tpu.memory_space<hbm>>) dst(%dma_wait3A_1376 : memref<80xi32, #tpu.memory_space<vmem>>)
    %add3A_1380 = arith.constant 122 : i32
    %add3A_1381 = arith.addi %mul3A_2, %add3A_1380 : i32
    %dma_wait3A_1382 = arith.constant 2 : i32
    %dma_wait3A_1383 = arith.constant 2 : i32
    %dma_wait3A_1384 = arith.constant 0 : i32
    %dma_wait3A_1385 = tpu.memref_slice %arg8[%dma_wait3A_1382, %dma_wait3A_1384] : memref<8x80xi32, #tpu.memory_space<vmem>> -> memref<1x80xi32, #tpu.memory_space<vmem>>
    %dma_wait3A_1386 = tpu.memref_squeeze %dma_wait3A_1385 : memref<1x80xi32, #tpu.memory_space<vmem>> -> memref<80xi32, #tpu.memory_space<vmem>>
    %dma_wait3A_1387 = arith.constant 0 : i32
    %dma_wait3A_1388 = tpu.memref_slice %arg4[%add3A_1381, %dma_wait3A_1387] : memref<4000x80xi32, #tpu.memory_space<hbm>> -> memref<1x80xi32, #tpu.memory_space<hbm>>
    %dma_wait3A_1389 = tpu.memref_squeeze %dma_wait3A_1388 : memref<1x80xi32, #tpu.memory_space<hbm>> -> memref<80xi32, #tpu.memory_space<hbm>>
    %dma_wait3A_1390 = tpu.memref_slice %arg12[%dma_wait3A_1383] : memref<8x!tpu.dma_semaphore, #tpu.memory_space<semaphore_mem>> -> memref<1x!tpu.dma_semaphore, #tpu.memory_space<semaphore_mem>>
    %dma_wait3A_1391 = tpu.memref_squeeze %dma_wait3A_1390 : memref<1x!tpu.dma_semaphore, #tpu.memory_space<semaphore_mem>> -> memref<!tpu.dma_semaphore, #tpu.memory_space<semaphore_mem>>
    %dma_wait3A_1392 = arith.constant 0 : i32
    %dma_wait3A_1393 = tpu.memref_slice %arg8[%dma_wait3A_1382, %dma_wait3A_1392] : memref<8x80xi32, #tpu.memory_space<vmem>> -> memref<1x80xi32, #tpu.memory_space<vmem>>
    %dma_wait3A_1394 = tpu.memref_squeeze %dma_wait3A_1393 : memref<1x80xi32, #tpu.memory_space<vmem>> -> memref<80xi32, #tpu.memory_space<vmem>>
    %dma_wait3A_1395 = arith.constant 0 : i32
    %dma_wait3A_1396 = tpu.memref_slice %arg4[%add3A_1381, %dma_wait3A_1395] : memref<4000x80xi32, #tpu.memory_space<hbm>> -> memref<1x80xi32, #tpu.memory_space<hbm>>
    %dma_wait3A_1397 = tpu.memref_squeeze %dma_wait3A_1396 : memref<1x80xi32, #tpu.memory_space<hbm>> -> memref<80xi32, #tpu.memory_space<hbm>>
    tpu.wait_dma2 semaphore(%dma_wait3A_1391 : memref<!tpu.dma_semaphore, #tpu.memory_space<semaphore_mem>>) src(%dma_wait3A_1397 : memref<80xi32, #tpu.memory_space<hbm>>) dst(%dma_wait3A_1394 : memref<80xi32, #tpu.memory_space<vmem>>)
    %dma_start3A_1398 = arith.constant 2 : i32
    %dma_start3A_1399 = arith.constant 2 : i32
    %dma_start3A_1400 = arith.constant 2 : i32
    %dma_start3A_1401 = arith.constant 0 : i32
    %dma_start3A_1402 = arith.constant 0 : i32
    %dma_start3A_1403 = tpu.memref_slice %arg9[%dma_start3A_1399, %dma_start3A_1401, %dma_start3A_1402] : memref<4x80x128xf32, #tpu.memory_space<vmem>> -> memref<1x80x128xf32, #tpu.memory_space<vmem>>
    %dma_start3A_1404 = tpu.memref_squeeze %dma_start3A_1403 : memref<1x80x128xf32, #tpu.memory_space<vmem>> -> memref<80x128xf32, #tpu.memory_space<vmem>>
    %dma_start3A_1405 = arith.constant 0 : i32
    %dma_start3A_1406 = tpu.memref_slice %arg7[%dma_start3A_1398, %dma_start3A_1405] : memref<8x80xi32, #tpu.memory_space<vmem>> -> memref<1x80xi32, #tpu.memory_space<vmem>>
    %dma_start3A_1407 = tpu.memref_squeeze %dma_start3A_1406 : memref<1x80xi32, #tpu.memory_space<vmem>> -> memref<80xi32, #tpu.memory_space<vmem>>
    %dma_start3A_1408 = arith.constant 0 : i32
    %dma_start3A_1409 = arith.constant 0 : i32
    %dma_start3A_1410 = tpu.memref_slice %arg2[%dma_start3A_1408, %dma_start3A_1409] : memref<10000x128xf32, #tpu.memory_space<hbm>> -> memref<10000x128xf32, #tpu.memory_space<hbm>>
    %dma_start3A_1411 = tpu.memref_slice %arg10[%dma_start3A_1400] : memref<4x!tpu.dma_semaphore, #tpu.memory_space<semaphore_mem>> -> memref<1x!tpu.dma_semaphore, #tpu.memory_space<semaphore_mem>>
    %dma_start3A_1412 = tpu.memref_squeeze %dma_start3A_1411 : memref<1x!tpu.dma_semaphore, #tpu.memory_space<semaphore_mem>> -> memref<!tpu.dma_semaphore, #tpu.memory_space<semaphore_mem>>
    tpu.enqueue_indirect_dma source(%dma_start3A_1410 : memref<10000x128xf32, #tpu.memory_space<hbm>>) target(%dma_start3A_1404 : memref<80x128xf32, #tpu.memory_space<vmem>>) offsets(%dma_start3A_1407 : memref<80xi32, #tpu.memory_space<vmem>>) semaphore(%dma_start3A_1412 : memref<!tpu.dma_semaphore, #tpu.memory_space<semaphore_mem>>)
    %dma_wait3A_1413 = arith.constant 0 : i32
    %dma_wait3A_1414 = arith.constant 0 : i32
    %dma_wait3A_1415 = arith.constant 0 : i32
    %dma_wait3A_1416 = arith.constant 0 : i32
    %dma_wait3A_1417 = arith.constant 0 : i32
    %dma_wait3A_1418 = tpu.memref_slice %arg9[%dma_wait3A_1414, %dma_wait3A_1416, %dma_wait3A_1417] : memref<4x80x128xf32, #tpu.memory_space<vmem>> -> memref<1x80x128xf32, #tpu.memory_space<vmem>>
    %dma_wait3A_1419 = tpu.memref_squeeze %dma_wait3A_1418 : memref<1x80x128xf32, #tpu.memory_space<vmem>> -> memref<80x128xf32, #tpu.memory_space<vmem>>
    %dma_wait3A_1420 = arith.constant 0 : i32
    %dma_wait3A_1421 = tpu.memref_slice %arg7[%dma_wait3A_1413, %dma_wait3A_1420] : memref<8x80xi32, #tpu.memory_space<vmem>> -> memref<1x80xi32, #tpu.memory_space<vmem>>
    %dma_wait3A_1422 = tpu.memref_squeeze %dma_wait3A_1421 : memref<1x80xi32, #tpu.memory_space<vmem>> -> memref<80xi32, #tpu.memory_space<vmem>>
    %dma_wait3A_1423 = arith.constant 0 : i32
    %dma_wait3A_1424 = arith.constant 0 : i32
    %dma_wait3A_1425 = tpu.memref_slice %arg2[%dma_wait3A_1423, %dma_wait3A_1424] : memref<10000x128xf32, #tpu.memory_space<hbm>> -> memref<10000x128xf32, #tpu.memory_space<hbm>>
    %dma_wait3A_1426 = tpu.memref_slice %arg10[%dma_wait3A_1415] : memref<4x!tpu.dma_semaphore, #tpu.memory_space<semaphore_mem>> -> memref<1x!tpu.dma_semaphore, #tpu.memory_space<semaphore_mem>>
    %dma_wait3A_1427 = tpu.memref_squeeze %dma_wait3A_1426 : memref<1x!tpu.dma_semaphore, #tpu.memory_space<semaphore_mem>> -> memref<!tpu.dma_semaphore, #tpu.memory_space<semaphore_mem>>
    tpu.wait_indirect_dma semaphore(%dma_wait3A_1427 : memref<!tpu.dma_semaphore, #tpu.memory_space<semaphore_mem>>) src(%dma_wait3A_1425 : memref<10000x128xf32, #tpu.memory_space<hbm>>) dst(%dma_wait3A_1419 : memref<80x128xf32, #tpu.memory_space<vmem>>)
    %dma_start3A_1428 = arith.constant 0 : i32
    %dma_start3A_1429 = arith.constant 0 : i32
    %dma_start3A_1430 = arith.constant 0 : i32
    %dma_start3A_1431 = arith.constant 0 : i32
    %dma_start3A_1432 = arith.constant 0 : i32
    %dma_start3A_1433 = tpu.memref_slice %arg9[%dma_start3A_1428, %dma_start3A_1431, %dma_start3A_1432] : memref<4x80x128xf32, #tpu.memory_space<vmem>> -> memref<1x80x128xf32, #tpu.memory_space<vmem>>
    %dma_start3A_1434 = tpu.memref_squeeze %dma_start3A_1433 : memref<1x80x128xf32, #tpu.memory_space<vmem>> -> memref<80x128xf32, #tpu.memory_space<vmem>>
    %dma_start3A_1435 = arith.constant 0 : i32
    %dma_start3A_1436 = tpu.memref_slice %arg8[%dma_start3A_1429, %dma_start3A_1435] : memref<8x80xi32, #tpu.memory_space<vmem>> -> memref<1x80xi32, #tpu.memory_space<vmem>>
    %dma_start3A_1437 = tpu.memref_squeeze %dma_start3A_1436 : memref<1x80xi32, #tpu.memory_space<vmem>> -> memref<80xi32, #tpu.memory_space<vmem>>
    %dma_start3A_1438 = arith.constant 0 : i32
    %dma_start3A_1439 = arith.constant 0 : i32
    %dma_start3A_1440 = tpu.memref_slice %arg6[%dma_start3A_1438, %dma_start3A_1439] : memref<10240x128xf32, #tpu.memory_space<vmem_shared>> -> memref<10240x128xf32, #tpu.memory_space<vmem_shared>>
    %dma_start3A_1441 = tpu.memref_slice %arg11[%dma_start3A_1430] : memref<4x!tpu.dma_semaphore, #tpu.memory_space<semaphore_mem>> -> memref<1x!tpu.dma_semaphore, #tpu.memory_space<semaphore_mem>>
    %dma_start3A_1442 = tpu.memref_squeeze %dma_start3A_1441 : memref<1x!tpu.dma_semaphore, #tpu.memory_space<semaphore_mem>> -> memref<!tpu.dma_semaphore, #tpu.memory_space<semaphore_mem>>
    tpu.enqueue_indirect_dma source(%dma_start3A_1434 : memref<80x128xf32, #tpu.memory_space<vmem>>) target(%dma_start3A_1440 : memref<10240x128xf32, #tpu.memory_space<vmem_shared>>) offsets(%dma_start3A_1437 : memref<80xi32, #tpu.memory_space<vmem>>) semaphore(%dma_start3A_1442 : memref<!tpu.dma_semaphore, #tpu.memory_space<semaphore_mem>>) {add = true}
    %dma_wait3A_1443 = arith.constant 3 : i32
    %dma_wait3A_1444 = arith.constant 7 : i32
    %dma_wait3A_1445 = arith.constant 3 : i32
    %dma_wait3A_1446 = arith.constant 0 : i32
    %dma_wait3A_1447 = arith.constant 0 : i32
    %dma_wait3A_1448 = tpu.memref_slice %arg9[%dma_wait3A_1443, %dma_wait3A_1446, %dma_wait3A_1447] : memref<4x80x128xf32, #tpu.memory_space<vmem>> -> memref<1x80x128xf32, #tpu.memory_space<vmem>>
    %dma_wait3A_1449 = tpu.memref_squeeze %dma_wait3A_1448 : memref<1x80x128xf32, #tpu.memory_space<vmem>> -> memref<80x128xf32, #tpu.memory_space<vmem>>
    %dma_wait3A_1450 = arith.constant 0 : i32
    %dma_wait3A_1451 = tpu.memref_slice %arg8[%dma_wait3A_1444, %dma_wait3A_1450] : memref<8x80xi32, #tpu.memory_space<vmem>> -> memref<1x80xi32, #tpu.memory_space<vmem>>
    %dma_wait3A_1452 = tpu.memref_squeeze %dma_wait3A_1451 : memref<1x80xi32, #tpu.memory_space<vmem>> -> memref<80xi32, #tpu.memory_space<vmem>>
    %dma_wait3A_1453 = arith.constant 0 : i32
    %dma_wait3A_1454 = arith.constant 0 : i32
    %dma_wait3A_1455 = tpu.memref_slice %arg6[%dma_wait3A_1453, %dma_wait3A_1454] : memref<10240x128xf32, #tpu.memory_space<vmem_shared>> -> memref<10240x128xf32, #tpu.memory_space<vmem_shared>>
    %dma_wait3A_1456 = tpu.memref_slice %arg11[%dma_wait3A_1445] : memref<4x!tpu.dma_semaphore, #tpu.memory_space<semaphore_mem>> -> memref<1x!tpu.dma_semaphore, #tpu.memory_space<semaphore_mem>>
    %dma_wait3A_1457 = tpu.memref_squeeze %dma_wait3A_1456 : memref<1x!tpu.dma_semaphore, #tpu.memory_space<semaphore_mem>> -> memref<!tpu.dma_semaphore, #tpu.memory_space<semaphore_mem>>
    tpu.wait_indirect_dma semaphore(%dma_wait3A_1457 : memref<!tpu.dma_semaphore, #tpu.memory_space<semaphore_mem>>) src(%dma_wait3A_1449 : memref<80x128xf32, #tpu.memory_space<vmem>>) dst(%dma_wait3A_1455 : memref<10240x128xf32, #tpu.memory_space<vmem_shared>>)
    %add3A_1458 = arith.constant 123 : i32
    %add3A_1459 = arith.addi %mul3A_2, %add3A_1458 : i32
    %dma_wait3A_1460 = arith.constant 3 : i32
    %dma_wait3A_1461 = arith.constant 3 : i32
    %dma_wait3A_1462 = arith.constant 0 : i32
    %dma_wait3A_1463 = tpu.memref_slice %arg7[%dma_wait3A_1460, %dma_wait3A_1462] : memref<8x80xi32, #tpu.memory_space<vmem>> -> memref<1x80xi32, #tpu.memory_space<vmem>>
    %dma_wait3A_1464 = tpu.memref_squeeze %dma_wait3A_1463 : memref<1x80xi32, #tpu.memory_space<vmem>> -> memref<80xi32, #tpu.memory_space<vmem>>
    %dma_wait3A_1465 = arith.constant 0 : i32
    %dma_wait3A_1466 = tpu.memref_slice %arg3[%add3A_1459, %dma_wait3A_1465] : memref<4000x80xi32, #tpu.memory_space<hbm>> -> memref<1x80xi32, #tpu.memory_space<hbm>>
    %dma_wait3A_1467 = tpu.memref_squeeze %dma_wait3A_1466 : memref<1x80xi32, #tpu.memory_space<hbm>> -> memref<80xi32, #tpu.memory_space<hbm>>
    %dma_wait3A_1468 = tpu.memref_slice %arg12[%dma_wait3A_1461] : memref<8x!tpu.dma_semaphore, #tpu.memory_space<semaphore_mem>> -> memref<1x!tpu.dma_semaphore, #tpu.memory_space<semaphore_mem>>
    %dma_wait3A_1469 = tpu.memref_squeeze %dma_wait3A_1468 : memref<1x!tpu.dma_semaphore, #tpu.memory_space<semaphore_mem>> -> memref<!tpu.dma_semaphore, #tpu.memory_space<semaphore_mem>>
    %dma_wait3A_1470 = arith.constant 0 : i32
    %dma_wait3A_1471 = tpu.memref_slice %arg7[%dma_wait3A_1460, %dma_wait3A_1470] : memref<8x80xi32, #tpu.memory_space<vmem>> -> memref<1x80xi32, #tpu.memory_space<vmem>>
    %dma_wait3A_1472 = tpu.memref_squeeze %dma_wait3A_1471 : memref<1x80xi32, #tpu.memory_space<vmem>> -> memref<80xi32, #tpu.memory_space<vmem>>
    %dma_wait3A_1473 = arith.constant 0 : i32
    %dma_wait3A_1474 = tpu.memref_slice %arg3[%add3A_1459, %dma_wait3A_1473] : memref<4000x80xi32, #tpu.memory_space<hbm>> -> memref<1x80xi32, #tpu.memory_space<hbm>>
    %dma_wait3A_1475 = tpu.memref_squeeze %dma_wait3A_1474 : memref<1x80xi32, #tpu.memory_space<hbm>> -> memref<80xi32, #tpu.memory_space<hbm>>
    tpu.wait_dma2 semaphore(%dma_wait3A_1469 : memref<!tpu.dma_semaphore, #tpu.memory_space<semaphore_mem>>) src(%dma_wait3A_1475 : memref<80xi32, #tpu.memory_space<hbm>>) dst(%dma_wait3A_1472 : memref<80xi32, #tpu.memory_space<vmem>>)
    %add3A_1476 = arith.constant 123 : i32
    %add3A_1477 = arith.addi %mul3A_2, %add3A_1476 : i32
    %dma_wait3A_1478 = arith.constant 3 : i32
    %dma_wait3A_1479 = arith.constant 3 : i32
    %dma_wait3A_1480 = arith.constant 0 : i32
    %dma_wait3A_1481 = tpu.memref_slice %arg8[%dma_wait3A_1478, %dma_wait3A_1480] : memref<8x80xi32, #tpu.memory_space<vmem>> -> memref<1x80xi32, #tpu.memory_space<vmem>>
    %dma_wait3A_1482 = tpu.memref_squeeze %dma_wait3A_1481 : memref<1x80xi32, #tpu.memory_space<vmem>> -> memref<80xi32, #tpu.memory_space<vmem>>
    %dma_wait3A_1483 = arith.constant 0 : i32
    %dma_wait3A_1484 = tpu.memref_slice %arg4[%add3A_1477, %dma_wait3A_1483] : memref<4000x80xi32, #tpu.memory_space<hbm>> -> memref<1x80xi32, #tpu.memory_space<hbm>>
    %dma_wait3A_1485 = tpu.memref_squeeze %dma_wait3A_1484 : memref<1x80xi32, #tpu.memory_space<hbm>> -> memref<80xi32, #tpu.memory_space<hbm>>
    %dma_wait3A_1486 = tpu.memref_slice %arg12[%dma_wait3A_1479] : memref<8x!tpu.dma_semaphore, #tpu.memory_space<semaphore_mem>> -> memref<1x!tpu.dma_semaphore, #tpu.memory_space<semaphore_mem>>
    %dma_wait3A_1487 = tpu.memref_squeeze %dma_wait3A_1486 : memref<1x!tpu.dma_semaphore, #tpu.memory_space<semaphore_mem>> -> memref<!tpu.dma_semaphore, #tpu.memory_space<semaphore_mem>>
    %dma_wait3A_1488 = arith.constant 0 : i32
    %dma_wait3A_1489 = tpu.memref_slice %arg8[%dma_wait3A_1478, %dma_wait3A_1488] : memref<8x80xi32, #tpu.memory_space<vmem>> -> memref<1x80xi32, #tpu.memory_space<vmem>>
    %dma_wait3A_1490 = tpu.memref_squeeze %dma_wait3A_1489 : memref<1x80xi32, #tpu.memory_space<vmem>> -> memref<80xi32, #tpu.memory_space<vmem>>
    %dma_wait3A_1491 = arith.constant 0 : i32
    %dma_wait3A_1492 = tpu.memref_slice %arg4[%add3A_1477, %dma_wait3A_1491] : memref<4000x80xi32, #tpu.memory_space<hbm>> -> memref<1x80xi32, #tpu.memory_space<hbm>>
    %dma_wait3A_1493 = tpu.memref_squeeze %dma_wait3A_1492 : memref<1x80xi32, #tpu.memory_space<hbm>> -> memref<80xi32, #tpu.memory_space<hbm>>
    tpu.wait_dma2 semaphore(%dma_wait3A_1487 : memref<!tpu.dma_semaphore, #tpu.memory_space<semaphore_mem>>) src(%dma_wait3A_1493 : memref<80xi32, #tpu.memory_space<hbm>>) dst(%dma_wait3A_1490 : memref<80xi32, #tpu.memory_space<vmem>>)
    %dma_start3A_1494 = arith.constant 3 : i32
    %dma_start3A_1495 = arith.constant 3 : i32
    %dma_start3A_1496 = arith.constant 3 : i32
    %dma_start3A_1497 = arith.constant 0 : i32
    %dma_start3A_1498 = arith.constant 0 : i32
    %dma_start3A_1499 = tpu.memref_slice %arg9[%dma_start3A_1495, %dma_start3A_1497, %dma_start3A_1498] : memref<4x80x128xf32, #tpu.memory_space<vmem>> -> memref<1x80x128xf32, #tpu.memory_space<vmem>>
    %dma_start3A_1500 = tpu.memref_squeeze %dma_start3A_1499 : memref<1x80x128xf32, #tpu.memory_space<vmem>> -> memref<80x128xf32, #tpu.memory_space<vmem>>
    %dma_start3A_1501 = arith.constant 0 : i32
    %dma_start3A_1502 = tpu.memref_slice %arg7[%dma_start3A_1494, %dma_start3A_1501] : memref<8x80xi32, #tpu.memory_space<vmem>> -> memref<1x80xi32, #tpu.memory_space<vmem>>
    %dma_start3A_1503 = tpu.memref_squeeze %dma_start3A_1502 : memref<1x80xi32, #tpu.memory_space<vmem>> -> memref<80xi32, #tpu.memory_space<vmem>>
    %dma_start3A_1504 = arith.constant 0 : i32
    %dma_start3A_1505 = arith.constant 0 : i32
    %dma_start3A_1506 = tpu.memref_slice %arg2[%dma_start3A_1504, %dma_start3A_1505] : memref<10000x128xf32, #tpu.memory_space<hbm>> -> memref<10000x128xf32, #tpu.memory_space<hbm>>
    %dma_start3A_1507 = tpu.memref_slice %arg10[%dma_start3A_1496] : memref<4x!tpu.dma_semaphore, #tpu.memory_space<semaphore_mem>> -> memref<1x!tpu.dma_semaphore, #tpu.memory_space<semaphore_mem>>
    %dma_start3A_1508 = tpu.memref_squeeze %dma_start3A_1507 : memref<1x!tpu.dma_semaphore, #tpu.memory_space<semaphore_mem>> -> memref<!tpu.dma_semaphore, #tpu.memory_space<semaphore_mem>>
    tpu.enqueue_indirect_dma source(%dma_start3A_1506 : memref<10000x128xf32, #tpu.memory_space<hbm>>) target(%dma_start3A_1500 : memref<80x128xf32, #tpu.memory_space<vmem>>) offsets(%dma_start3A_1503 : memref<80xi32, #tpu.memory_space<vmem>>) semaphore(%dma_start3A_1508 : memref<!tpu.dma_semaphore, #tpu.memory_space<semaphore_mem>>)
    %dma_wait3A_1509 = arith.constant 1 : i32
    %dma_wait3A_1510 = arith.constant 1 : i32
    %dma_wait3A_1511 = arith.constant 1 : i32
    %dma_wait3A_1512 = arith.constant 0 : i32
    %dma_wait3A_1513 = arith.constant 0 : i32
    %dma_wait3A_1514 = tpu.memref_slice %arg9[%dma_wait3A_1510, %dma_wait3A_1512, %dma_wait3A_1513] : memref<4x80x128xf32, #tpu.memory_space<vmem>> -> memref<1x80x128xf32, #tpu.memory_space<vmem>>
    %dma_wait3A_1515 = tpu.memref_squeeze %dma_wait3A_1514 : memref<1x80x128xf32, #tpu.memory_space<vmem>> -> memref<80x128xf32, #tpu.memory_space<vmem>>
    %dma_wait3A_1516 = arith.constant 0 : i32
    %dma_wait3A_1517 = tpu.memref_slice %arg7[%dma_wait3A_1509, %dma_wait3A_1516] : memref<8x80xi32, #tpu.memory_space<vmem>> -> memref<1x80xi32, #tpu.memory_space<vmem>>
    %dma_wait3A_1518 = tpu.memref_squeeze %dma_wait3A_1517 : memref<1x80xi32, #tpu.memory_space<vmem>> -> memref<80xi32, #tpu.memory_space<vmem>>
    %dma_wait3A_1519 = arith.constant 0 : i32
    %dma_wait3A_1520 = arith.constant 0 : i32
    %dma_wait3A_1521 = tpu.memref_slice %arg2[%dma_wait3A_1519, %dma_wait3A_1520] : memref<10000x128xf32, #tpu.memory_space<hbm>> -> memref<10000x128xf32, #tpu.memory_space<hbm>>
    %dma_wait3A_1522 = tpu.memref_slice %arg10[%dma_wait3A_1511] : memref<4x!tpu.dma_semaphore, #tpu.memory_space<semaphore_mem>> -> memref<1x!tpu.dma_semaphore, #tpu.memory_space<semaphore_mem>>
    %dma_wait3A_1523 = tpu.memref_squeeze %dma_wait3A_1522 : memref<1x!tpu.dma_semaphore, #tpu.memory_space<semaphore_mem>> -> memref<!tpu.dma_semaphore, #tpu.memory_space<semaphore_mem>>
    tpu.wait_indirect_dma semaphore(%dma_wait3A_1523 : memref<!tpu.dma_semaphore, #tpu.memory_space<semaphore_mem>>) src(%dma_wait3A_1521 : memref<10000x128xf32, #tpu.memory_space<hbm>>) dst(%dma_wait3A_1515 : memref<80x128xf32, #tpu.memory_space<vmem>>)
    %dma_start3A_1524 = arith.constant 1 : i32
    %dma_start3A_1525 = arith.constant 1 : i32
    %dma_start3A_1526 = arith.constant 1 : i32
    %dma_start3A_1527 = arith.constant 0 : i32
    %dma_start3A_1528 = arith.constant 0 : i32
    %dma_start3A_1529 = tpu.memref_slice %arg9[%dma_start3A_1524, %dma_start3A_1527, %dma_start3A_1528] : memref<4x80x128xf32, #tpu.memory_space<vmem>> -> memref<1x80x128xf32, #tpu.memory_space<vmem>>
    %dma_start3A_1530 = tpu.memref_squeeze %dma_start3A_1529 : memref<1x80x128xf32, #tpu.memory_space<vmem>> -> memref<80x128xf32, #tpu.memory_space<vmem>>
    %dma_start3A_1531 = arith.constant 0 : i32
    %dma_start3A_1532 = tpu.memref_slice %arg8[%dma_start3A_1525, %dma_start3A_1531] : memref<8x80xi32, #tpu.memory_space<vmem>> -> memref<1x80xi32, #tpu.memory_space<vmem>>
    %dma_start3A_1533 = tpu.memref_squeeze %dma_start3A_1532 : memref<1x80xi32, #tpu.memory_space<vmem>> -> memref<80xi32, #tpu.memory_space<vmem>>
    %dma_start3A_1534 = arith.constant 0 : i32
    %dma_start3A_1535 = arith.constant 0 : i32
    %dma_start3A_1536 = tpu.memref_slice %arg6[%dma_start3A_1534, %dma_start3A_1535] : memref<10240x128xf32, #tpu.memory_space<vmem_shared>> -> memref<10240x128xf32, #tpu.memory_space<vmem_shared>>
    %dma_start3A_1537 = tpu.memref_slice %arg11[%dma_start3A_1526] : memref<4x!tpu.dma_semaphore, #tpu.memory_space<semaphore_mem>> -> memref<1x!tpu.dma_semaphore, #tpu.memory_space<semaphore_mem>>
    %dma_start3A_1538 = tpu.memref_squeeze %dma_start3A_1537 : memref<1x!tpu.dma_semaphore, #tpu.memory_space<semaphore_mem>> -> memref<!tpu.dma_semaphore, #tpu.memory_space<semaphore_mem>>
    tpu.enqueue_indirect_dma source(%dma_start3A_1530 : memref<80x128xf32, #tpu.memory_space<vmem>>) target(%dma_start3A_1536 : memref<10240x128xf32, #tpu.memory_space<vmem_shared>>) offsets(%dma_start3A_1533 : memref<80xi32, #tpu.memory_space<vmem>>) semaphore(%dma_start3A_1538 : memref<!tpu.dma_semaphore, #tpu.memory_space<semaphore_mem>>) {add = true}
    %dma_wait3A_1539 = arith.constant 0 : i32
    %dma_wait3A_1540 = arith.constant 0 : i32
    %dma_wait3A_1541 = arith.constant 0 : i32
    %dma_wait3A_1542 = arith.constant 0 : i32
    %dma_wait3A_1543 = arith.constant 0 : i32
    %dma_wait3A_1544 = tpu.memref_slice %arg9[%dma_wait3A_1539, %dma_wait3A_1542, %dma_wait3A_1543] : memref<4x80x128xf32, #tpu.memory_space<vmem>> -> memref<1x80x128xf32, #tpu.memory_space<vmem>>
    %dma_wait3A_1545 = tpu.memref_squeeze %dma_wait3A_1544 : memref<1x80x128xf32, #tpu.memory_space<vmem>> -> memref<80x128xf32, #tpu.memory_space<vmem>>
    %dma_wait3A_1546 = arith.constant 0 : i32
    %dma_wait3A_1547 = tpu.memref_slice %arg8[%dma_wait3A_1540, %dma_wait3A_1546] : memref<8x80xi32, #tpu.memory_space<vmem>> -> memref<1x80xi32, #tpu.memory_space<vmem>>
    %dma_wait3A_1548 = tpu.memref_squeeze %dma_wait3A_1547 : memref<1x80xi32, #tpu.memory_space<vmem>> -> memref<80xi32, #tpu.memory_space<vmem>>
    %dma_wait3A_1549 = arith.constant 0 : i32
    %dma_wait3A_1550 = arith.constant 0 : i32
    %dma_wait3A_1551 = tpu.memref_slice %arg6[%dma_wait3A_1549, %dma_wait3A_1550] : memref<10240x128xf32, #tpu.memory_space<vmem_shared>> -> memref<10240x128xf32, #tpu.memory_space<vmem_shared>>
    %dma_wait3A_1552 = tpu.memref_slice %arg11[%dma_wait3A_1541] : memref<4x!tpu.dma_semaphore, #tpu.memory_space<semaphore_mem>> -> memref<1x!tpu.dma_semaphore, #tpu.memory_space<semaphore_mem>>
    %dma_wait3A_1553 = tpu.memref_squeeze %dma_wait3A_1552 : memref<1x!tpu.dma_semaphore, #tpu.memory_space<semaphore_mem>> -> memref<!tpu.dma_semaphore, #tpu.memory_space<semaphore_mem>>
    tpu.wait_indirect_dma semaphore(%dma_wait3A_1553 : memref<!tpu.dma_semaphore, #tpu.memory_space<semaphore_mem>>) src(%dma_wait3A_1545 : memref<80x128xf32, #tpu.memory_space<vmem>>) dst(%dma_wait3A_1551 : memref<10240x128xf32, #tpu.memory_space<vmem_shared>>)
    %add3A_1554 = arith.constant 124 : i32
    %add3A_1555 = arith.addi %mul3A_2, %add3A_1554 : i32
    %dma_wait3A_1556 = arith.constant 4 : i32
    %dma_wait3A_1557 = arith.constant 4 : i32
    %dma_wait3A_1558 = arith.constant 0 : i32
    %dma_wait3A_1559 = tpu.memref_slice %arg7[%dma_wait3A_1556, %dma_wait3A_1558] : memref<8x80xi32, #tpu.memory_space<vmem>> -> memref<1x80xi32, #tpu.memory_space<vmem>>
    %dma_wait3A_1560 = tpu.memref_squeeze %dma_wait3A_1559 : memref<1x80xi32, #tpu.memory_space<vmem>> -> memref<80xi32, #tpu.memory_space<vmem>>
    %dma_wait3A_1561 = arith.constant 0 : i32
    %dma_wait3A_1562 = tpu.memref_slice %arg3[%add3A_1555, %dma_wait3A_1561] : memref<4000x80xi32, #tpu.memory_space<hbm>> -> memref<1x80xi32, #tpu.memory_space<hbm>>
    %dma_wait3A_1563 = tpu.memref_squeeze %dma_wait3A_1562 : memref<1x80xi32, #tpu.memory_space<hbm>> -> memref<80xi32, #tpu.memory_space<hbm>>
    %dma_wait3A_1564 = tpu.memref_slice %arg12[%dma_wait3A_1557] : memref<8x!tpu.dma_semaphore, #tpu.memory_space<semaphore_mem>> -> memref<1x!tpu.dma_semaphore, #tpu.memory_space<semaphore_mem>>
    %dma_wait3A_1565 = tpu.memref_squeeze %dma_wait3A_1564 : memref<1x!tpu.dma_semaphore, #tpu.memory_space<semaphore_mem>> -> memref<!tpu.dma_semaphore, #tpu.memory_space<semaphore_mem>>
    %dma_wait3A_1566 = arith.constant 0 : i32
    %dma_wait3A_1567 = tpu.memref_slice %arg7[%dma_wait3A_1556, %dma_wait3A_1566] : memref<8x80xi32, #tpu.memory_space<vmem>> -> memref<1x80xi32, #tpu.memory_space<vmem>>
    %dma_wait3A_1568 = tpu.memref_squeeze %dma_wait3A_1567 : memref<1x80xi32, #tpu.memory_space<vmem>> -> memref<80xi32, #tpu.memory_space<vmem>>
    %dma_wait3A_1569 = arith.constant 0 : i32
    %dma_wait3A_1570 = tpu.memref_slice %arg3[%add3A_1555, %dma_wait3A_1569] : memref<4000x80xi32, #tpu.memory_space<hbm>> -> memref<1x80xi32, #tpu.memory_space<hbm>>
    %dma_wait3A_1571 = tpu.memref_squeeze %dma_wait3A_1570 : memref<1x80xi32, #tpu.memory_space<hbm>> -> memref<80xi32, #tpu.memory_space<hbm>>
    tpu.wait_dma2 semaphore(%dma_wait3A_1565 : memref<!tpu.dma_semaphore, #tpu.memory_space<semaphore_mem>>) src(%dma_wait3A_1571 : memref<80xi32, #tpu.memory_space<hbm>>) dst(%dma_wait3A_1568 : memref<80xi32, #tpu.memory_space<vmem>>)
    %add3A_1572 = arith.constant 124 : i32
    %add3A_1573 = arith.addi %mul3A_2, %add3A_1572 : i32
    %dma_wait3A_1574 = arith.constant 4 : i32
    %dma_wait3A_1575 = arith.constant 4 : i32
    %dma_wait3A_1576 = arith.constant 0 : i32
    %dma_wait3A_1577 = tpu.memref_slice %arg8[%dma_wait3A_1574, %dma_wait3A_1576] : memref<8x80xi32, #tpu.memory_space<vmem>> -> memref<1x80xi32, #tpu.memory_space<vmem>>
    %dma_wait3A_1578 = tpu.memref_squeeze %dma_wait3A_1577 : memref<1x80xi32, #tpu.memory_space<vmem>> -> memref<80xi32, #tpu.memory_space<vmem>>
    %dma_wait3A_1579 = arith.constant 0 : i32
    %dma_wait3A_1580 = tpu.memref_slice %arg4[%add3A_1573, %dma_wait3A_1579] : memref<4000x80xi32, #tpu.memory_space<hbm>> -> memref<1x80xi32, #tpu.memory_space<hbm>>
    %dma_wait3A_1581 = tpu.memref_squeeze %dma_wait3A_1580 : memref<1x80xi32, #tpu.memory_space<hbm>> -> memref<80xi32, #tpu.memory_space<hbm>>
    %dma_wait3A_1582 = tpu.memref_slice %arg12[%dma_wait3A_1575] : memref<8x!tpu.dma_semaphore, #tpu.memory_space<semaphore_mem>> -> memref<1x!tpu.dma_semaphore, #tpu.memory_space<semaphore_mem>>
    %dma_wait3A_1583 = tpu.memref_squeeze %dma_wait3A_1582 : memref<1x!tpu.dma_semaphore, #tpu.memory_space<semaphore_mem>> -> memref<!tpu.dma_semaphore, #tpu.memory_space<semaphore_mem>>
    %dma_wait3A_1584 = arith.constant 0 : i32
    %dma_wait3A_1585 = tpu.memref_slice %arg8[%dma_wait3A_1574, %dma_wait3A_1584] : memref<8x80xi32, #tpu.memory_space<vmem>> -> memref<1x80xi32, #tpu.memory_space<vmem>>
    %dma_wait3A_1586 = tpu.memref_squeeze %dma_wait3A_1585 : memref<1x80xi32, #tpu.memory_space<vmem>> -> memref<80xi32, #tpu.memory_space<vmem>>
    %dma_wait3A_1587 = arith.constant 0 : i32
    %dma_wait3A_1588 = tpu.memref_slice %arg4[%add3A_1573, %dma_wait3A_1587] : memref<4000x80xi32, #tpu.memory_space<hbm>> -> memref<1x80xi32, #tpu.memory_space<hbm>>
    %dma_wait3A_1589 = tpu.memref_squeeze %dma_wait3A_1588 : memref<1x80xi32, #tpu.memory_space<hbm>> -> memref<80xi32, #tpu.memory_space<hbm>>
    tpu.wait_dma2 semaphore(%dma_wait3A_1583 : memref<!tpu.dma_semaphore, #tpu.memory_space<semaphore_mem>>) src(%dma_wait3A_1589 : memref<80xi32, #tpu.memory_space<hbm>>) dst(%dma_wait3A_1586 : memref<80xi32, #tpu.memory_space<vmem>>)
    %dma_start3A_1590 = arith.constant 4 : i32
    %dma_start3A_1591 = arith.constant 0 : i32
    %dma_start3A_1592 = arith.constant 0 : i32
    %dma_start3A_1593 = arith.constant 0 : i32
    %dma_start3A_1594 = arith.constant 0 : i32
    %dma_start3A_1595 = tpu.memref_slice %arg9[%dma_start3A_1591, %dma_start3A_1593, %dma_start3A_1594] : memref<4x80x128xf32, #tpu.memory_space<vmem>> -> memref<1x80x128xf32, #tpu.memory_space<vmem>>
    %dma_start3A_1596 = tpu.memref_squeeze %dma_start3A_1595 : memref<1x80x128xf32, #tpu.memory_space<vmem>> -> memref<80x128xf32, #tpu.memory_space<vmem>>
    %dma_start3A_1597 = arith.constant 0 : i32
    %dma_start3A_1598 = tpu.memref_slice %arg7[%dma_start3A_1590, %dma_start3A_1597] : memref<8x80xi32, #tpu.memory_space<vmem>> -> memref<1x80xi32, #tpu.memory_space<vmem>>
    %dma_start3A_1599 = tpu.memref_squeeze %dma_start3A_1598 : memref<1x80xi32, #tpu.memory_space<vmem>> -> memref<80xi32, #tpu.memory_space<vmem>>
    %dma_start3A_1600 = arith.constant 0 : i32
    %dma_start3A_1601 = arith.constant 0 : i32
    %dma_start3A_1602 = tpu.memref_slice %arg2[%dma_start3A_1600, %dma_start3A_1601] : memref<10000x128xf32, #tpu.memory_space<hbm>> -> memref<10000x128xf32, #tpu.memory_space<hbm>>
    %dma_start3A_1603 = tpu.memref_slice %arg10[%dma_start3A_1592] : memref<4x!tpu.dma_semaphore, #tpu.memory_space<semaphore_mem>> -> memref<1x!tpu.dma_semaphore, #tpu.memory_space<semaphore_mem>>
    %dma_start3A_1604 = tpu.memref_squeeze %dma_start3A_1603 : memref<1x!tpu.dma_semaphore, #tpu.memory_space<semaphore_mem>> -> memref<!tpu.dma_semaphore, #tpu.memory_space<semaphore_mem>>
    tpu.enqueue_indirect_dma source(%dma_start3A_1602 : memref<10000x128xf32, #tpu.memory_space<hbm>>) target(%dma_start3A_1596 : memref<80x128xf32, #tpu.memory_space<vmem>>) offsets(%dma_start3A_1599 : memref<80xi32, #tpu.memory_space<vmem>>) semaphore(%dma_start3A_1604 : memref<!tpu.dma_semaphore, #tpu.memory_space<semaphore_mem>>)
    %dma_wait3A_1605 = arith.constant 2 : i32
    %dma_wait3A_1606 = arith.constant 2 : i32
    %dma_wait3A_1607 = arith.constant 2 : i32
    %dma_wait3A_1608 = arith.constant 0 : i32
    %dma_wait3A_1609 = arith.constant 0 : i32
    %dma_wait3A_1610 = tpu.memref_slice %arg9[%dma_wait3A_1606, %dma_wait3A_1608, %dma_wait3A_1609] : memref<4x80x128xf32, #tpu.memory_space<vmem>> -> memref<1x80x128xf32, #tpu.memory_space<vmem>>
    %dma_wait3A_1611 = tpu.memref_squeeze %dma_wait3A_1610 : memref<1x80x128xf32, #tpu.memory_space<vmem>> -> memref<80x128xf32, #tpu.memory_space<vmem>>
    %dma_wait3A_1612 = arith.constant 0 : i32
    %dma_wait3A_1613 = tpu.memref_slice %arg7[%dma_wait3A_1605, %dma_wait3A_1612] : memref<8x80xi32, #tpu.memory_space<vmem>> -> memref<1x80xi32, #tpu.memory_space<vmem>>
    %dma_wait3A_1614 = tpu.memref_squeeze %dma_wait3A_1613 : memref<1x80xi32, #tpu.memory_space<vmem>> -> memref<80xi32, #tpu.memory_space<vmem>>
    %dma_wait3A_1615 = arith.constant 0 : i32
    %dma_wait3A_1616 = arith.constant 0 : i32
    %dma_wait3A_1617 = tpu.memref_slice %arg2[%dma_wait3A_1615, %dma_wait3A_1616] : memref<10000x128xf32, #tpu.memory_space<hbm>> -> memref<10000x128xf32, #tpu.memory_space<hbm>>
    %dma_wait3A_1618 = tpu.memref_slice %arg10[%dma_wait3A_1607] : memref<4x!tpu.dma_semaphore, #tpu.memory_space<semaphore_mem>> -> memref<1x!tpu.dma_semaphore, #tpu.memory_space<semaphore_mem>>
    %dma_wait3A_1619 = tpu.memref_squeeze %dma_wait3A_1618 : memref<1x!tpu.dma_semaphore, #tpu.memory_space<semaphore_mem>> -> memref<!tpu.dma_semaphore, #tpu.memory_space<semaphore_mem>>
    tpu.wait_indirect_dma semaphore(%dma_wait3A_1619 : memref<!tpu.dma_semaphore, #tpu.memory_space<semaphore_mem>>) src(%dma_wait3A_1617 : memref<10000x128xf32, #tpu.memory_space<hbm>>) dst(%dma_wait3A_1611 : memref<80x128xf32, #tpu.memory_space<vmem>>)
    %dma_start3A_1620 = arith.constant 2 : i32
    %dma_start3A_1621 = arith.constant 2 : i32
    %dma_start3A_1622 = arith.constant 2 : i32
    %dma_start3A_1623 = arith.constant 0 : i32
    %dma_start3A_1624 = arith.constant 0 : i32
    %dma_start3A_1625 = tpu.memref_slice %arg9[%dma_start3A_1620, %dma_start3A_1623, %dma_start3A_1624] : memref<4x80x128xf32, #tpu.memory_space<vmem>> -> memref<1x80x128xf32, #tpu.memory_space<vmem>>
    %dma_start3A_1626 = tpu.memref_squeeze %dma_start3A_1625 : memref<1x80x128xf32, #tpu.memory_space<vmem>> -> memref<80x128xf32, #tpu.memory_space<vmem>>
    %dma_start3A_1627 = arith.constant 0 : i32
    %dma_start3A_1628 = tpu.memref_slice %arg8[%dma_start3A_1621, %dma_start3A_1627] : memref<8x80xi32, #tpu.memory_space<vmem>> -> memref<1x80xi32, #tpu.memory_space<vmem>>
    %dma_start3A_1629 = tpu.memref_squeeze %dma_start3A_1628 : memref<1x80xi32, #tpu.memory_space<vmem>> -> memref<80xi32, #tpu.memory_space<vmem>>
    %dma_start3A_1630 = arith.constant 0 : i32
    %dma_start3A_1631 = arith.constant 0 : i32
    %dma_start3A_1632 = tpu.memref_slice %arg6[%dma_start3A_1630, %dma_start3A_1631] : memref<10240x128xf32, #tpu.memory_space<vmem_shared>> -> memref<10240x128xf32, #tpu.memory_space<vmem_shared>>
    %dma_start3A_1633 = tpu.memref_slice %arg11[%dma_start3A_1622] : memref<4x!tpu.dma_semaphore, #tpu.memory_space<semaphore_mem>> -> memref<1x!tpu.dma_semaphore, #tpu.memory_space<semaphore_mem>>
    %dma_start3A_1634 = tpu.memref_squeeze %dma_start3A_1633 : memref<1x!tpu.dma_semaphore, #tpu.memory_space<semaphore_mem>> -> memref<!tpu.dma_semaphore, #tpu.memory_space<semaphore_mem>>
    tpu.enqueue_indirect_dma source(%dma_start3A_1626 : memref<80x128xf32, #tpu.memory_space<vmem>>) target(%dma_start3A_1632 : memref<10240x128xf32, #tpu.memory_space<vmem_shared>>) offsets(%dma_start3A_1629 : memref<80xi32, #tpu.memory_space<vmem>>) semaphore(%dma_start3A_1634 : memref<!tpu.dma_semaphore, #tpu.memory_space<semaphore_mem>>) {add = true}
    %dma_wait3A_1635 = arith.constant 1 : i32
    %dma_wait3A_1636 = arith.constant 1 : i32
    %dma_wait3A_1637 = arith.constant 1 : i32
    %dma_wait3A_1638 = arith.constant 0 : i32
    %dma_wait3A_1639 = arith.constant 0 : i32
    %dma_wait3A_1640 = tpu.memref_slice %arg9[%dma_wait3A_1635, %dma_wait3A_1638, %dma_wait3A_1639] : memref<4x80x128xf32, #tpu.memory_space<vmem>> -> memref<1x80x128xf32, #tpu.memory_space<vmem>>
    %dma_wait3A_1641 = tpu.memref_squeeze %dma_wait3A_1640 : memref<1x80x128xf32, #tpu.memory_space<vmem>> -> memref<80x128xf32, #tpu.memory_space<vmem>>
    %dma_wait3A_1642 = arith.constant 0 : i32
    %dma_wait3A_1643 = tpu.memref_slice %arg8[%dma_wait3A_1636, %dma_wait3A_1642] : memref<8x80xi32, #tpu.memory_space<vmem>> -> memref<1x80xi32, #tpu.memory_space<vmem>>
    %dma_wait3A_1644 = tpu.memref_squeeze %dma_wait3A_1643 : memref<1x80xi32, #tpu.memory_space<vmem>> -> memref<80xi32, #tpu.memory_space<vmem>>
    %dma_wait3A_1645 = arith.constant 0 : i32
    %dma_wait3A_1646 = arith.constant 0 : i32
    %dma_wait3A_1647 = tpu.memref_slice %arg6[%dma_wait3A_1645, %dma_wait3A_1646] : memref<10240x128xf32, #tpu.memory_space<vmem_shared>> -> memref<10240x128xf32, #tpu.memory_space<vmem_shared>>
    %dma_wait3A_1648 = tpu.memref_slice %arg11[%dma_wait3A_1637] : memref<4x!tpu.dma_semaphore, #tpu.memory_space<semaphore_mem>> -> memref<1x!tpu.dma_semaphore, #tpu.memory_space<semaphore_mem>>
    %dma_wait3A_1649 = tpu.memref_squeeze %dma_wait3A_1648 : memref<1x!tpu.dma_semaphore, #tpu.memory_space<semaphore_mem>> -> memref<!tpu.dma_semaphore, #tpu.memory_space<semaphore_mem>>
    tpu.wait_indirect_dma semaphore(%dma_wait3A_1649 : memref<!tpu.dma_semaphore, #tpu.memory_space<semaphore_mem>>) src(%dma_wait3A_1641 : memref<80x128xf32, #tpu.memory_space<vmem>>) dst(%dma_wait3A_1647 : memref<10240x128xf32, #tpu.memory_space<vmem_shared>>)
    %dma_wait3A_1650 = arith.constant 3 : i32
    %dma_wait3A_1651 = arith.constant 3 : i32
    %dma_wait3A_1652 = arith.constant 3 : i32
    %dma_wait3A_1653 = arith.constant 0 : i32
    %dma_wait3A_1654 = arith.constant 0 : i32
    %dma_wait3A_1655 = tpu.memref_slice %arg9[%dma_wait3A_1651, %dma_wait3A_1653, %dma_wait3A_1654] : memref<4x80x128xf32, #tpu.memory_space<vmem>> -> memref<1x80x128xf32, #tpu.memory_space<vmem>>
    %dma_wait3A_1656 = tpu.memref_squeeze %dma_wait3A_1655 : memref<1x80x128xf32, #tpu.memory_space<vmem>> -> memref<80x128xf32, #tpu.memory_space<vmem>>
    %dma_wait3A_1657 = arith.constant 0 : i32
    %dma_wait3A_1658 = tpu.memref_slice %arg7[%dma_wait3A_1650, %dma_wait3A_1657] : memref<8x80xi32, #tpu.memory_space<vmem>> -> memref<1x80xi32, #tpu.memory_space<vmem>>
    %dma_wait3A_1659 = tpu.memref_squeeze %dma_wait3A_1658 : memref<1x80xi32, #tpu.memory_space<vmem>> -> memref<80xi32, #tpu.memory_space<vmem>>
    %dma_wait3A_1660 = arith.constant 0 : i32
    %dma_wait3A_1661 = arith.constant 0 : i32
    %dma_wait3A_1662 = tpu.memref_slice %arg2[%dma_wait3A_1660, %dma_wait3A_1661] : memref<10000x128xf32, #tpu.memory_space<hbm>> -> memref<10000x128xf32, #tpu.memory_space<hbm>>
    %dma_wait3A_1663 = tpu.memref_slice %arg10[%dma_wait3A_1652] : memref<4x!tpu.dma_semaphore, #tpu.memory_space<semaphore_mem>> -> memref<1x!tpu.dma_semaphore, #tpu.memory_space<semaphore_mem>>
    %dma_wait3A_1664 = tpu.memref_squeeze %dma_wait3A_1663 : memref<1x!tpu.dma_semaphore, #tpu.memory_space<semaphore_mem>> -> memref<!tpu.dma_semaphore, #tpu.memory_space<semaphore_mem>>
    tpu.wait_indirect_dma semaphore(%dma_wait3A_1664 : memref<!tpu.dma_semaphore, #tpu.memory_space<semaphore_mem>>) src(%dma_wait3A_1662 : memref<10000x128xf32, #tpu.memory_space<hbm>>) dst(%dma_wait3A_1656 : memref<80x128xf32, #tpu.memory_space<vmem>>)
    %dma_start3A_1665 = arith.constant 3 : i32
    %dma_start3A_1666 = arith.constant 3 : i32
    %dma_start3A_1667 = arith.constant 3 : i32
    %dma_start3A_1668 = arith.constant 0 : i32
    %dma_start3A_1669 = arith.constant 0 : i32
    %dma_start3A_1670 = tpu.memref_slice %arg9[%dma_start3A_1665, %dma_start3A_1668, %dma_start3A_1669] : memref<4x80x128xf32, #tpu.memory_space<vmem>> -> memref<1x80x128xf32, #tpu.memory_space<vmem>>
    %dma_start3A_1671 = tpu.memref_squeeze %dma_start3A_1670 : memref<1x80x128xf32, #tpu.memory_space<vmem>> -> memref<80x128xf32, #tpu.memory_space<vmem>>
    %dma_start3A_1672 = arith.constant 0 : i32
    %dma_start3A_1673 = tpu.memref_slice %arg8[%dma_start3A_1666, %dma_start3A_1672] : memref<8x80xi32, #tpu.memory_space<vmem>> -> memref<1x80xi32, #tpu.memory_space<vmem>>
    %dma_start3A_1674 = tpu.memref_squeeze %dma_start3A_1673 : memref<1x80xi32, #tpu.memory_space<vmem>> -> memref<80xi32, #tpu.memory_space<vmem>>
    %dma_start3A_1675 = arith.constant 0 : i32
    %dma_start3A_1676 = arith.constant 0 : i32
    %dma_start3A_1677 = tpu.memref_slice %arg6[%dma_start3A_1675, %dma_start3A_1676] : memref<10240x128xf32, #tpu.memory_space<vmem_shared>> -> memref<10240x128xf32, #tpu.memory_space<vmem_shared>>
    %dma_start3A_1678 = tpu.memref_slice %arg11[%dma_start3A_1667] : memref<4x!tpu.dma_semaphore, #tpu.memory_space<semaphore_mem>> -> memref<1x!tpu.dma_semaphore, #tpu.memory_space<semaphore_mem>>
    %dma_start3A_1679 = tpu.memref_squeeze %dma_start3A_1678 : memref<1x!tpu.dma_semaphore, #tpu.memory_space<semaphore_mem>> -> memref<!tpu.dma_semaphore, #tpu.memory_space<semaphore_mem>>
    tpu.enqueue_indirect_dma source(%dma_start3A_1671 : memref<80x128xf32, #tpu.memory_space<vmem>>) target(%dma_start3A_1677 : memref<10240x128xf32, #tpu.memory_space<vmem_shared>>) offsets(%dma_start3A_1674 : memref<80xi32, #tpu.memory_space<vmem>>) semaphore(%dma_start3A_1679 : memref<!tpu.dma_semaphore, #tpu.memory_space<semaphore_mem>>) {add = true}
    %dma_wait3A_1680 = arith.constant 2 : i32
    %dma_wait3A_1681 = arith.constant 2 : i32
    %dma_wait3A_1682 = arith.constant 2 : i32
    %dma_wait3A_1683 = arith.constant 0 : i32
    %dma_wait3A_1684 = arith.constant 0 : i32
    %dma_wait3A_1685 = tpu.memref_slice %arg9[%dma_wait3A_1680, %dma_wait3A_1683, %dma_wait3A_1684] : memref<4x80x128xf32, #tpu.memory_space<vmem>> -> memref<1x80x128xf32, #tpu.memory_space<vmem>>
    %dma_wait3A_1686 = tpu.memref_squeeze %dma_wait3A_1685 : memref<1x80x128xf32, #tpu.memory_space<vmem>> -> memref<80x128xf32, #tpu.memory_space<vmem>>
    %dma_wait3A_1687 = arith.constant 0 : i32
    %dma_wait3A_1688 = tpu.memref_slice %arg8[%dma_wait3A_1681, %dma_wait3A_1687] : memref<8x80xi32, #tpu.memory_space<vmem>> -> memref<1x80xi32, #tpu.memory_space<vmem>>
    %dma_wait3A_1689 = tpu.memref_squeeze %dma_wait3A_1688 : memref<1x80xi32, #tpu.memory_space<vmem>> -> memref<80xi32, #tpu.memory_space<vmem>>
    %dma_wait3A_1690 = arith.constant 0 : i32
    %dma_wait3A_1691 = arith.constant 0 : i32
    %dma_wait3A_1692 = tpu.memref_slice %arg6[%dma_wait3A_1690, %dma_wait3A_1691] : memref<10240x128xf32, #tpu.memory_space<vmem_shared>> -> memref<10240x128xf32, #tpu.memory_space<vmem_shared>>
    %dma_wait3A_1693 = tpu.memref_slice %arg11[%dma_wait3A_1682] : memref<4x!tpu.dma_semaphore, #tpu.memory_space<semaphore_mem>> -> memref<1x!tpu.dma_semaphore, #tpu.memory_space<semaphore_mem>>
    %dma_wait3A_1694 = tpu.memref_squeeze %dma_wait3A_1693 : memref<1x!tpu.dma_semaphore, #tpu.memory_space<semaphore_mem>> -> memref<!tpu.dma_semaphore, #tpu.memory_space<semaphore_mem>>
    tpu.wait_indirect_dma semaphore(%dma_wait3A_1694 : memref<!tpu.dma_semaphore, #tpu.memory_space<semaphore_mem>>) src(%dma_wait3A_1686 : memref<80x128xf32, #tpu.memory_space<vmem>>) dst(%dma_wait3A_1692 : memref<10240x128xf32, #tpu.memory_space<vmem_shared>>)
    %dma_wait3A_1695 = arith.constant 4 : i32
    %dma_wait3A_1696 = arith.constant 0 : i32
    %dma_wait3A_1697 = arith.constant 0 : i32
    %dma_wait3A_1698 = arith.constant 0 : i32
    %dma_wait3A_1699 = arith.constant 0 : i32
    %dma_wait3A_1700 = tpu.memref_slice %arg9[%dma_wait3A_1696, %dma_wait3A_1698, %dma_wait3A_1699] : memref<4x80x128xf32, #tpu.memory_space<vmem>> -> memref<1x80x128xf32, #tpu.memory_space<vmem>>
    %dma_wait3A_1701 = tpu.memref_squeeze %dma_wait3A_1700 : memref<1x80x128xf32, #tpu.memory_space<vmem>> -> memref<80x128xf32, #tpu.memory_space<vmem>>
    %dma_wait3A_1702 = arith.constant 0 : i32
    %dma_wait3A_1703 = tpu.memref_slice %arg7[%dma_wait3A_1695, %dma_wait3A_1702] : memref<8x80xi32, #tpu.memory_space<vmem>> -> memref<1x80xi32, #tpu.memory_space<vmem>>
    %dma_wait3A_1704 = tpu.memref_squeeze %dma_wait3A_1703 : memref<1x80xi32, #tpu.memory_space<vmem>> -> memref<80xi32, #tpu.memory_space<vmem>>
    %dma_wait3A_1705 = arith.constant 0 : i32
    %dma_wait3A_1706 = arith.constant 0 : i32
    %dma_wait3A_1707 = tpu.memref_slice %arg2[%dma_wait3A_1705, %dma_wait3A_1706] : memref<10000x128xf32, #tpu.memory_space<hbm>> -> memref<10000x128xf32, #tpu.memory_space<hbm>>
    %dma_wait3A_1708 = tpu.memref_slice %arg10[%dma_wait3A_1697] : memref<4x!tpu.dma_semaphore, #tpu.memory_space<semaphore_mem>> -> memref<1x!tpu.dma_semaphore, #tpu.memory_space<semaphore_mem>>
    %dma_wait3A_1709 = tpu.memref_squeeze %dma_wait3A_1708 : memref<1x!tpu.dma_semaphore, #tpu.memory_space<semaphore_mem>> -> memref<!tpu.dma_semaphore, #tpu.memory_space<semaphore_mem>>
    tpu.wait_indirect_dma semaphore(%dma_wait3A_1709 : memref<!tpu.dma_semaphore, #tpu.memory_space<semaphore_mem>>) src(%dma_wait3A_1707 : memref<10000x128xf32, #tpu.memory_space<hbm>>) dst(%dma_wait3A_1701 : memref<80x128xf32, #tpu.memory_space<vmem>>)
    %dma_start3A_1710 = arith.constant 0 : i32
    %dma_start3A_1711 = arith.constant 4 : i32
    %dma_start3A_1712 = arith.constant 0 : i32
    %dma_start3A_1713 = arith.constant 0 : i32
    %dma_start3A_1714 = arith.constant 0 : i32
    %dma_start3A_1715 = tpu.memref_slice %arg9[%dma_start3A_1710, %dma_start3A_1713, %dma_start3A_1714] : memref<4x80x128xf32, #tpu.memory_space<vmem>> -> memref<1x80x128xf32, #tpu.memory_space<vmem>>
    %dma_start3A_1716 = tpu.memref_squeeze %dma_start3A_1715 : memref<1x80x128xf32, #tpu.memory_space<vmem>> -> memref<80x128xf32, #tpu.memory_space<vmem>>
    %dma_start3A_1717 = arith.constant 0 : i32
    %dma_start3A_1718 = tpu.memref_slice %arg8[%dma_start3A_1711, %dma_start3A_1717] : memref<8x80xi32, #tpu.memory_space<vmem>> -> memref<1x80xi32, #tpu.memory_space<vmem>>
    %dma_start3A_1719 = tpu.memref_squeeze %dma_start3A_1718 : memref<1x80xi32, #tpu.memory_space<vmem>> -> memref<80xi32, #tpu.memory_space<vmem>>
    %dma_start3A_1720 = arith.constant 0 : i32
    %dma_start3A_1721 = arith.constant 0 : i32
    %dma_start3A_1722 = tpu.memref_slice %arg6[%dma_start3A_1720, %dma_start3A_1721] : memref<10240x128xf32, #tpu.memory_space<vmem_shared>> -> memref<10240x128xf32, #tpu.memory_space<vmem_shared>>
    %dma_start3A_1723 = tpu.memref_slice %arg11[%dma_start3A_1712] : memref<4x!tpu.dma_semaphore, #tpu.memory_space<semaphore_mem>> -> memref<1x!tpu.dma_semaphore, #tpu.memory_space<semaphore_mem>>
    %dma_start3A_1724 = tpu.memref_squeeze %dma_start3A_1723 : memref<1x!tpu.dma_semaphore, #tpu.memory_space<semaphore_mem>> -> memref<!tpu.dma_semaphore, #tpu.memory_space<semaphore_mem>>
    tpu.enqueue_indirect_dma source(%dma_start3A_1716 : memref<80x128xf32, #tpu.memory_space<vmem>>) target(%dma_start3A_1722 : memref<10240x128xf32, #tpu.memory_space<vmem_shared>>) offsets(%dma_start3A_1719 : memref<80xi32, #tpu.memory_space<vmem>>) semaphore(%dma_start3A_1724 : memref<!tpu.dma_semaphore, #tpu.memory_space<semaphore_mem>>) {add = true}
    %dma_wait3A_1725 = arith.constant 3 : i32
    %dma_wait3A_1726 = arith.constant 3 : i32
    %dma_wait3A_1727 = arith.constant 3 : i32
    %dma_wait3A_1728 = arith.constant 0 : i32
    %dma_wait3A_1729 = arith.constant 0 : i32
    %dma_wait3A_1730 = tpu.memref_slice %arg9[%dma_wait3A_1725, %dma_wait3A_1728, %dma_wait3A_1729] : memref<4x80x128xf32, #tpu.memory_space<vmem>> -> memref<1x80x128xf32, #tpu.memory_space<vmem>>
    %dma_wait3A_1731 = tpu.memref_squeeze %dma_wait3A_1730 : memref<1x80x128xf32, #tpu.memory_space<vmem>> -> memref<80x128xf32, #tpu.memory_space<vmem>>
    %dma_wait3A_1732 = arith.constant 0 : i32
    %dma_wait3A_1733 = tpu.memref_slice %arg8[%dma_wait3A_1726, %dma_wait3A_1732] : memref<8x80xi32, #tpu.memory_space<vmem>> -> memref<1x80xi32, #tpu.memory_space<vmem>>
    %dma_wait3A_1734 = tpu.memref_squeeze %dma_wait3A_1733 : memref<1x80xi32, #tpu.memory_space<vmem>> -> memref<80xi32, #tpu.memory_space<vmem>>
    %dma_wait3A_1735 = arith.constant 0 : i32
    %dma_wait3A_1736 = arith.constant 0 : i32
    %dma_wait3A_1737 = tpu.memref_slice %arg6[%dma_wait3A_1735, %dma_wait3A_1736] : memref<10240x128xf32, #tpu.memory_space<vmem_shared>> -> memref<10240x128xf32, #tpu.memory_space<vmem_shared>>
    %dma_wait3A_1738 = tpu.memref_slice %arg11[%dma_wait3A_1727] : memref<4x!tpu.dma_semaphore, #tpu.memory_space<semaphore_mem>> -> memref<1x!tpu.dma_semaphore, #tpu.memory_space<semaphore_mem>>
    %dma_wait3A_1739 = tpu.memref_squeeze %dma_wait3A_1738 : memref<1x!tpu.dma_semaphore, #tpu.memory_space<semaphore_mem>> -> memref<!tpu.dma_semaphore, #tpu.memory_space<semaphore_mem>>
    tpu.wait_indirect_dma semaphore(%dma_wait3A_1739 : memref<!tpu.dma_semaphore, #tpu.memory_space<semaphore_mem>>) src(%dma_wait3A_1731 : memref<80x128xf32, #tpu.memory_space<vmem>>) dst(%dma_wait3A_1737 : memref<10240x128xf32, #tpu.memory_space<vmem_shared>>)
    %dma_wait3A_1740 = arith.constant 0 : i32
    %dma_wait3A_1741 = arith.constant 4 : i32
    %dma_wait3A_1742 = arith.constant 0 : i32
    %dma_wait3A_1743 = arith.constant 0 : i32
    %dma_wait3A_1744 = arith.constant 0 : i32
    %dma_wait3A_1745 = tpu.memref_slice %arg9[%dma_wait3A_1740, %dma_wait3A_1743, %dma_wait3A_1744] : memref<4x80x128xf32, #tpu.memory_space<vmem>> -> memref<1x80x128xf32, #tpu.memory_space<vmem>>
    %dma_wait3A_1746 = tpu.memref_squeeze %dma_wait3A_1745 : memref<1x80x128xf32, #tpu.memory_space<vmem>> -> memref<80x128xf32, #tpu.memory_space<vmem>>
    %dma_wait3A_1747 = arith.constant 0 : i32
    %dma_wait3A_1748 = tpu.memref_slice %arg8[%dma_wait3A_1741, %dma_wait3A_1747] : memref<8x80xi32, #tpu.memory_space<vmem>> -> memref<1x80xi32, #tpu.memory_space<vmem>>
    %dma_wait3A_1749 = tpu.memref_squeeze %dma_wait3A_1748 : memref<1x80xi32, #tpu.memory_space<vmem>> -> memref<80xi32, #tpu.memory_space<vmem>>
    %dma_wait3A_1750 = arith.constant 0 : i32
    %dma_wait3A_1751 = arith.constant 0 : i32
    %dma_wait3A_1752 = tpu.memref_slice %arg6[%dma_wait3A_1750, %dma_wait3A_1751] : memref<10240x128xf32, #tpu.memory_space<vmem_shared>> -> memref<10240x128xf32, #tpu.memory_space<vmem_shared>>
    %dma_wait3A_1753 = tpu.memref_slice %arg11[%dma_wait3A_1742] : memref<4x!tpu.dma_semaphore, #tpu.memory_space<semaphore_mem>> -> memref<1x!tpu.dma_semaphore, #tpu.memory_space<semaphore_mem>>
    %dma_wait3A_1754 = tpu.memref_squeeze %dma_wait3A_1753 : memref<1x!tpu.dma_semaphore, #tpu.memory_space<semaphore_mem>> -> memref<!tpu.dma_semaphore, #tpu.memory_space<semaphore_mem>>
    tpu.wait_indirect_dma semaphore(%dma_wait3A_1754 : memref<!tpu.dma_semaphore, #tpu.memory_space<semaphore_mem>>) src(%dma_wait3A_1746 : memref<80x128xf32, #tpu.memory_space<vmem>>) dst(%dma_wait3A_1752 : memref<10240x128xf32, #tpu.memory_space<vmem_shared>>)
    %barrier3A_1755 = arith.constant 0 : index
    tpu.barrier barrier_id(%barrier3A_1755)
    "tpu.region"() ({
      %run_scoped3A_1756 = tpu.sem_alloc : memref<!tpu.dma_semaphore, #tpu.memory_space<semaphore_mem>>
      %dma_start3A_1757 = arith.constant 0 : i32
      %dma_start3A_1758 = tpu.memref_slice %arg5[%arg0, %mul3A_10, %dma_start3A_1757] : memref<2x10240x128xf32, #tpu.memory_space<hbm>> -> memref<1x640x128xf32, #tpu.memory_space<hbm>>
      %dma_start3A_1759 = tpu.memref_squeeze %dma_start3A_1758 : memref<1x640x128xf32, #tpu.memory_space<hbm>> -> memref<640x128xf32, #tpu.memory_space<hbm>>
      %dma_start3A_1760 = arith.constant 0 : i32
      %dma_start3A_1761 = tpu.memref_slice %arg6[%mul3A_10, %dma_start3A_1760] : memref<10240x128xf32, #tpu.memory_space<vmem_shared>> -> memref<640x128xf32, #tpu.memory_space<vmem_shared>>
      tpu.enqueue_dma source(%dma_start3A_1761 : memref<640x128xf32, #tpu.memory_space<vmem_shared>>) target(%dma_start3A_1759 : memref<640x128xf32, #tpu.memory_space<hbm>>) target_semaphore(%run_scoped3A_1756 : memref<!tpu.dma_semaphore, #tpu.memory_space<semaphore_mem>>)
      %dma_wait3A_1762 = arith.constant 0 : i32
      %dma_wait3A_1763 = tpu.memref_slice %arg5[%arg0, %mul3A_10, %dma_wait3A_1762] : memref<2x10240x128xf32, #tpu.memory_space<hbm>> -> memref<1x640x128xf32, #tpu.memory_space<hbm>>
      %dma_wait3A_1764 = tpu.memref_squeeze %dma_wait3A_1763 : memref<1x640x128xf32, #tpu.memory_space<hbm>> -> memref<640x128xf32, #tpu.memory_space<hbm>>
      %dma_wait3A_1765 = arith.constant 0 : i32
      %dma_wait3A_1766 = tpu.memref_slice %arg6[%mul3A_10, %dma_wait3A_1765] : memref<10240x128xf32, #tpu.memory_space<vmem_shared>> -> memref<640x128xf32, #tpu.memory_space<vmem_shared>>
      tpu.wait_dma2 semaphore(%run_scoped3A_1756 : memref<!tpu.dma_semaphore, #tpu.memory_space<semaphore_mem>>) src(%dma_wait3A_1766 : memref<640x128xf32, #tpu.memory_space<vmem_shared>>) dst(%dma_wait3A_1764 : memref<640x128xf32, #tpu.memory_space<hbm>>)
      tpu.yield
    }) : () -> ()
    return
  }
}

module attributes {stable_mosaic.version = 14 : i64} {
  func.func @_tc_body(%arg0: i32, %arg1: memref<2x1000x128xf32, #tpu.memory_space<vmem>>, %arg2: memref<1000x128xf32, #tpu.memory_space<vmem>>, %arg3: memref<128x128xf32, #tpu.memory_space<vmem>>, %arg4: memref<128x128xf32, #tpu.memory_space<vmem>>, %arg5: memref<128x128xf32, #tpu.memory_space<vmem>>, %arg6: memref<1x128xf32, #tpu.memory_space<vmem>>, %arg7: memref<1x128xf32, #tpu.memory_space<vmem>>, %arg8: memref<1000x128xf32, #tpu.memory_space<vmem>>) attributes {dimension_semantics = [#tpu.dimension_semantics<arbitrary>], iteration_bounds = array<i64: 10>, scalar_prefetch = 0 : i64, scratch_operands = 0 : i64, tpu.core_type = #tpu.core_type<tc>, window_params = [{transform_indices = @transform_0, window_bounds = array<i64: 2, 1000, 128>}, {transform_indices = @transform_1, window_bounds = array<i64: 1000, 128>}, {pipeline_mode = #tpu.pipeline_mode<synchronous>, transform_indices = @transform_2, window_bounds = array<i64: 128, 128>}, {pipeline_mode = #tpu.pipeline_mode<synchronous>, transform_indices = @transform_3, window_bounds = array<i64: 128, 128>}, {pipeline_mode = #tpu.pipeline_mode<synchronous>, transform_indices = @transform_4, window_bounds = array<i64: 128, 128>}, {pipeline_mode = #tpu.pipeline_mode<synchronous>, transform_indices = @transform_5, window_bounds = array<i64: 1, 128>}, {pipeline_mode = #tpu.pipeline_mode<synchronous>, transform_indices = @transform_6, window_bounds = array<i64: 1, 128>}, {transform_indices = @transform_7, window_bounds = array<i64: 1000, 128>}]} {
    %get3A = arith.constant 0 : index
    %get3A_0 = arith.constant 0 : index
    %get3A_1 = arith.constant 0 : index
    %get3A_2 = vector.load %arg1[%get3A, %get3A_0, %get3A_1] : memref<2x1000x128xf32, #tpu.memory_space<vmem>>, vector<1x1000x128xf32>
    %get3A_3 = vector.shape_cast %get3A_2 : vector<1x1000x128xf32> to vector<1000x128xf32>
    %get3A_4 = arith.constant 1 : index
    %get3A_5 = arith.constant 0 : index
    %get3A_6 = arith.constant 0 : index
    %get3A_7 = vector.load %arg1[%get3A_4, %get3A_5, %get3A_6] : memref<2x1000x128xf32, #tpu.memory_space<vmem>>, vector<1x1000x128xf32>
    %get3A_8 = vector.shape_cast %get3A_7 : vector<1x1000x128xf32> to vector<1000x128xf32>
    %add3A = arith.addf %get3A_3, %get3A_8 : vector<1000x128xf32>
    %get3A_9 = arith.constant 0 : index
    %get3A_10 = arith.constant 0 : index
    %get3A_11 = vector.load %arg3[%get3A_9, %get3A_10] : memref<128x128xf32, #tpu.memory_space<vmem>>, vector<128x128xf32>
    %mul3A = arith.constant 1.000000e-03 : f32
    %mul3A_12 = vector.broadcast %mul3A : f32 to vector<128x128xf32>
    %mul3A_13 = arith.mulf %mul3A_12, %get3A_11 : vector<128x128xf32>
    %get3A_14 = arith.constant 0 : index
    %get3A_15 = arith.constant 0 : index
    %get3A_16 = vector.load %arg4[%get3A_14, %get3A_15] : memref<128x128xf32, #tpu.memory_space<vmem>>, vector<128x128xf32>
    %mul3A_17 = arith.constant 1.000000e-03 : f32
    %mul3A_18 = vector.broadcast %mul3A_17 : f32 to vector<128x128xf32>
    %mul3A_19 = arith.mulf %mul3A_18, %get3A_16 : vector<128x128xf32>
    %get3A_20 = arith.constant 0 : index
    %get3A_21 = arith.constant 0 : index
    %get3A_22 = vector.load %arg5[%get3A_20, %get3A_21] : memref<128x128xf32, #tpu.memory_space<vmem>>, vector<128x128xf32>
    %mul3A_23 = arith.constant 9.990000e-01 : f32
    %mul3A_24 = vector.broadcast %mul3A_23 : f32 to vector<128x128xf32>
    %mul3A_25 = arith.mulf %mul3A_24, %get3A_22 : vector<128x128xf32>
    %add3A_26 = arith.addf %mul3A_19, %mul3A_25 : vector<128x128xf32>
    %get3A_27 = arith.constant 0 : index
    %get3A_28 = arith.constant 0 : index
    %get3A_29 = vector.load %arg6[%get3A_27, %get3A_28] : memref<1x128xf32, #tpu.memory_space<vmem>>, vector<1x128xf32>
    %mul3A_30 = arith.constant 1.000000e-03 : f32
    %mul3A_31 = vector.broadcast %mul3A_30 : f32 to vector<1x128xf32>
    %mul3A_32 = arith.mulf %mul3A_31, %get3A_29 : vector<1x128xf32>
    %get3A_33 = arith.constant 0 : index
    %get3A_34 = arith.constant 0 : index
    %get3A_35 = vector.load %arg7[%get3A_33, %get3A_34] : memref<1x128xf32, #tpu.memory_space<vmem>>, vector<1x128xf32>
    %mul3A_36 = arith.constant 9.990000e-01 : f32
    %mul3A_37 = vector.broadcast %mul3A_36 : f32 to vector<1x128xf32>
    %mul3A_38 = arith.mulf %mul3A_37, %get3A_35 : vector<1x128xf32>
    %add3A_39 = arith.addf %mul3A_32, %mul3A_38 : vector<1x128xf32>
    %dot_general3A = arith.constant dense<0.000000e+00> : vector<1000x128xf32>
    %dot_general3A_40 = tpu.matmul %add3A, %mul3A_13, %dot_general3A {dimension_numbers = #tpu.dot_dimension_numbers<[1], [1], [0], [0], [0, 0, 1, 0], [], []>, transpose_lhs_hint = false} : vector<1000x128xf32>, vector<128x128xf32>, vector<1000x128xf32> -> vector<1000x128xf32>
    %get3A_41 = arith.constant 0 : index
    %get3A_42 = arith.constant 0 : index
    %get3A_43 = vector.load %arg2[%get3A_41, %get3A_42] : memref<1000x128xf32, #tpu.memory_space<vmem>>, vector<1000x128xf32>
    %dot_general3A_44 = arith.constant dense<0.000000e+00> : vector<1000x128xf32>
    %dot_general3A_45 = tpu.matmul %get3A_43, %add3A_26, %dot_general3A_44 {dimension_numbers = #tpu.dot_dimension_numbers<[1], [1], [0], [0], [0, 0, 1, 0], [], []>, transpose_lhs_hint = false} : vector<1000x128xf32>, vector<128x128xf32>, vector<1000x128xf32> -> vector<1000x128xf32>
    %add3A_46 = arith.addf %dot_general3A_40, %dot_general3A_45 : vector<1000x128xf32>
    %add3A_47 = vector.broadcast %add3A_39 : vector<1x128xf32> to vector<1000x128xf32>
    %add3A_48 = arith.addf %add3A_46, %add3A_47 : vector<1000x128xf32>
    %swap3A = arith.constant 0 : index
    %swap3A_49 = arith.constant 0 : index
    %swap3A_50 = vector.load %arg8[%swap3A, %swap3A_49] : memref<1000x128xf32, #tpu.memory_space<vmem>>, vector<1000x128xf32>
    tpu.vector_store %arg8[%swap3A, %swap3A_49], %add3A_48 {strides = array<i32>} : memref<1000x128xf32, #tpu.memory_space<vmem>>, vector<1000x128xf32>,
    return
  }
  func.func @transform_0(%arg0: i32) -> (i32, i32, i32) {
    %c0_i32 = arith.constant 0 : i32
    %c0_i32_0 = arith.constant 0 : i32
    %c0_i32_1 = arith.constant 0 : i32
    return %c0_i32, %arg0, %c0_i32_0 : i32, i32, i32
  }
  func.func @transform_1(%arg0: i32) -> (i32, i32) {
    %c0_i32 = arith.constant 0 : i32
    %c0_i32_0 = arith.constant 0 : i32
    return %arg0, %c0_i32 : i32, i32
  }
  func.func @transform_2(%arg0: i32) -> (i32, i32) {
    %c0_i32 = arith.constant 0 : i32
    %c0_i32_0 = arith.constant 0 : i32
    %c0_i32_1 = arith.constant 0 : i32
    return %c0_i32, %c0_i32_0 : i32, i32
  }
  func.func @transform_3(%arg0: i32) -> (i32, i32) {
    %c0_i32 = arith.constant 0 : i32
    %c0_i32_0 = arith.constant 0 : i32
    %c0_i32_1 = arith.constant 0 : i32
    return %c0_i32, %c0_i32_0 : i32, i32
  }
  func.func @transform_4(%arg0: i32) -> (i32, i32) {
    %c0_i32 = arith.constant 0 : i32
    %c0_i32_0 = arith.constant 0 : i32
    %c0_i32_1 = arith.constant 0 : i32
    return %c0_i32, %c0_i32_0 : i32, i32
  }
  func.func @transform_5(%arg0: i32) -> (i32, i32) {
    %c0_i32 = arith.constant 0 : i32
    %c0_i32_0 = arith.constant 0 : i32
    %c0_i32_1 = arith.constant 0 : i32
    return %c0_i32, %c0_i32_0 : i32, i32
  }
  func.func @transform_6(%arg0: i32) -> (i32, i32) {
    %c0_i32 = arith.constant 0 : i32
    %c0_i32_0 = arith.constant 0 : i32
    %c0_i32_1 = arith.constant 0 : i32
    return %c0_i32, %c0_i32_0 : i32, i32
  }
  func.func @transform_7(%arg0: i32) -> (i32, i32) {
    %c0_i32 = arith.constant 0 : i32
    %c0_i32_0 = arith.constant 0 : i32
    return %arg0, %c0_i32 : i32, i32
  }
}

</mosaic_0001>

<sc_bundles>
// kernel: kernel.4.cloned.1.call-start
scs
__scs_entry_jumppad:
0x0: {  	(pc) =	sbr.rel $0x88, $3  }
0x1: {  	(tag) =	ssettag $0x0;
	lr =	simm.s32 $0x1  }
0x2: {  	[smem:$0x3F9A] =	sst lr;
	_ =	strace $0xD0000000  }
0x3: {  	_ = 	snop  }
0x4: {  	_ = 	snop  }
0x5: {  	_ = 	snop  }
0x6: {  	_ = 	snop  }
0x7: {  	_ = 	snop  }
__scs_overlays_trampoline_lowered:
0x8: {  	[smem:$0x3FA9] =	sst s0  }
0x9: {  	[smem:$0x3FAA] =	sst s1  }
0xa: {  	[smem:$0x3FAB] =	sst s2  }
0xb: {  	[smem:$0x3FAC] =	sst s3  }
0xc: {  	[smem:$0x3FAD] =	sst s4  }
0xd: {  	[smem:$0x3FAE] =	sst s5  }
0xe: {  	[smem:$0x3FAF] =	sst s6  }
0xf: {  	[smem:$0x3FB0] =	sst s7  }
0x10: {  	[smem:$0x3FB1] =	sst s8  }
0x11: {  	[smem:$0x3FB2] =	sst s9;
	s0 =	simm.s32 @!p0 $0x0  }
0x12: {  	s1 =	sld [smem:$0x3F98];
	s0 =	simm.s32 @p0 $0x1  }
0x13: {  	[smem:$0x3FB3] =	sst s0;
	s0 =	simm.s32 @!p1 $0x0  }
0x14: {  	s2 =	sld [smem:$0x3F97];
	s0 =	simm.s32 @p1 $0x1  }
0x15: {  	[smem:$0x3FB4] =	sst s0;
	s0 =	simm.s32 @!p2 $0x0  }
0x16: {  	s3 =	sld [smem:$0x3FDB];
	s0 =	simm.s32 @p2 $0x1  }
0x17: {  	s4 =	simm.s32 $0x1BF5;
	[smem:$0x3FB6] =	sst s0  }
0x18: {  	s0 =	sld [smem:$0x3F99];
	_ =	swait.ge [sflag:s4], $0x0  }
0x19: {  	s7 =	sld [smem:$0x3F9A]  }
0x1a: {  	s8 =	sadd.s32 $0xFFFFE003, lr  }
0x1b: {  	s9 =	sadd.s32 $0xFFFFFEF7, lr;
	s5 =	simm.s32 $0xFFFFFFFF;
	p2 =	slt.u32 s8, $0xFFFFF086  }
0x1c: {  	p1 =	slt.u32 s9, $0xF7A;
	s5 =	simm.s32 @!p2 $0x0  }
0x1d: {  	s5 =	simm.s32 @p1 $0x1;
	p0 =	seq.s32 s7, s2  }
0x1e: {  	s7 =	smul.u32 @!p0 $0xF7A, s2;
	p2 =	seq.s32 @!p0 s5, $0x0  }
0x1f: {  	s9 =	smul.u32 $0xF7A, s1;
	s8 =	simm.s32 @!p0 $0x1BF5;
	p2 =	por !p2, p0  }
0x20: {  	[sflag:s8] =	ssyncset.s32 @!p0 $0xFFFFF086;
	s6 =	sadd.s32 @!p0 s3, s7;
	s7 =	simm.s32 @!p0 $0x108  }
0x21: {  	s3 =	sadd.s32 s3, s9;
	s6 =	sadd.s32 @!p0 $0x88, s6;
	s7 =	simm.s32 @p2 $0x1082  }
0x22: {  	[simem:s7], [sflag:s8] =	dma.local @!p0 [hbm:s6], $0xF7A  }
0x23: {  	s9 =	sor.u32 $0xD0000000, s2;
	s6 =	simm.s32 $0x108;
	_ =	swait.ge @!p0 [sflag:s8], $0x0  }
0x24: {  	s3 =	sadd.s32 $0x88, s3;
	s6 =	simm.s32 @!p1 $0x1082;
	[sflag:s4] =	ssyncset.s32 $0xFFFFF086  }
0x25: {  	[simem:s6], [sflag:s4] =	dma.local [hbm:s3], $0xF7A  }
0x26: {  	[smem:$0x3F9A] =	sst s1;
	(tag) =	ssettag s2;
	_ =	strace s9  }
0x27: {  	s1 =	sld [smem:$0x3FAA]  }
0x28: {  	s2 =	sld [smem:$0x3FAB]  }
0x29: {  	s4 =	sld [smem:$0x3FAD]  }
0x2a: {  	p0 =	seq.s32 s5, $0x0;
	s5 =	sld [smem:$0x3FAE]  }
0x2b: {  	s6 =	sld [smem:$0x3FAF]  }
0x2c: {  	s7 =	sld [smem:$0x3FB0]  }
0x2d: {  	s3 =	simm.s32 $0x108;
	s8 =	sld [smem:$0x3FB1]  }
0x2e: {  	s3 =	simm.s32 @!p0 $0x1082;
	s9 =	sld [smem:$0x3FB2]  }
0x2f: {  	lr =	sadd.s32 s0, s3;
	s0 =	sld [smem:$0x3FA9]  }
0x30: {  	s3 =	sld [smem:$0x3FAC]  }
0x31: {  	[smem:$0x3FB5] =	sst s10  }
0x32: {  	s10 =	sld [smem:$0x3FB3];
	_ =	sdelay $0x3  }
0x33: {  	p0 =	seq.s32 s10, $0x1;
	s10 =	sld [smem:$0x3FB5];
	_ =	sdelay $0x3  }
0x34: {  	[smem:$0x3FB5] =	sst s10  }
0x35: {  	s10 =	sld [smem:$0x3FB4];
	_ =	sdelay $0x3  }
0x36: {  	p1 =	seq.s32 s10, $0x1;
	s10 =	sld [smem:$0x3FB5];
	_ =	sdelay $0x3  }
0x37: {  	[smem:$0x3FB5] =	sst s10  }
0x38: {  	s10 =	sld [smem:$0x3FB6]  }
0x39: {  	_ = 	snop;
	(pc) =	sbr.ind lr, $3  }
0x3a: {  	_ = 	snop  }
0x3b: {  	_ = 	snop  }
0x3c: {  	p2 =	seq.s32 s10, $0x1;
	s10 =	sld [smem:$0x3FB5]  }
0x3d: {  	_ =	shalt  }
0x3e: {  	_ =	shalt  }
0x3f: {  	_ =	shalt  }
0x40: {  	_ =	shalt  }
0x41: {  	_ =	shalt  }
0x42: {  	_ =	shalt  }
0x43: {  	_ =	shalt  }
0x44: {  	_ =	shalt  }
0x45: {  	_ =	shalt  }
0x46: {  	_ =	shalt  }
0x47: {  	_ =	shalt  }
0x48: {  	_ =	shalt  }
0x49: {  	_ =	shalt  }
0x4a: {  	_ =	shalt  }
0x4b: {  	_ =	shalt  }
0x4c: {  	_ =	shalt  }
0x4d: {  	_ =	shalt  }
0x4e: {  	_ =	shalt  }
0x4f: {  	_ =	shalt  }
0x50: {  	_ =	shalt  }
0x51: {  	_ =	shalt  }
0x52: {  	_ =	shalt  }
0x53: {  	_ =	shalt  }
0x54: {  	_ =	shalt  }
0x55: {  	_ =	shalt  }
0x56: {  	_ =	shalt  }
0x57: {  	_ =	shalt  }
0x58: {  	_ =	shalt  }
0x59: {  	_ =	shalt  }
0x5a: {  	_ =	shalt  }
0x5b: {  	_ =	shalt  }
0x5c: {  	_ =	shalt  }
0x5d: {  	_ =	shalt  }
0x5e: {  	_ =	shalt  }
0x5f: {  	_ =	shalt  }
0x60: {  	_ =	shalt  }
0x61: {  	_ =	shalt  }
0x62: {  	_ =	shalt  }
0x63: {  	_ =	shalt  }
0x64: {  	_ =	shalt  }
0x65: {  	_ =	shalt  }
0x66: {  	_ =	shalt  }
0x67: {  	_ =	shalt  }
0x68: {  	_ =	shalt  }
0x69: {  	_ =	shalt  }
0x6a: {  	_ =	shalt  }
0x6b: {  	_ =	shalt  }
0x6c: {  	_ =	shalt  }
0x6d: {  	_ =	shalt  }
0x6e: {  	_ =	shalt  }
0x6f: {  	_ =	shalt  }
0x70: {  	_ =	shalt  }
0x71: {  	_ =	shalt  }
0x72: {  	_ =	shalt  }
0x73: {  	_ =	shalt  }
0x74: {  	_ =	shalt  }
0x75: {  	_ =	shalt  }
0x76: {  	_ =	shalt  }
0x77: {  	_ =	shalt  }
0x78: {  	_ =	shalt  }
0x79: {  	_ =	shalt  }
0x7a: {  	_ =	shalt  }
0x7b: {  	_ =	shalt  }
0x7c: {  	_ =	shalt  }
0x7d: {  	_ =	shalt  }
0x7e: {  	_ =	shalt  }
0x7f: {  	_ =	shalt  }
0x80: {  	_ =	shalt  }
0x81: {  	_ =	shalt  }
0x82: {  	_ =	shalt  }
0x83: {  	_ =	shalt  }
0x84: {  	_ =	shalt  }
0x85: {  	_ =	shalt  }
0x86: {  	_ =	shalt  }
0x87: {  	_ =	shalt  }
.Lfunc_end0:
.L_simem_size_0:
called_computation_lowered:
.L_overlay_start_0:
0x88: {  	s2 =	sld [smem:$0x3FD9]  }
0x89: {  	s3 =	sld [smem:$0x3FFE];
	_ =	sdelay $0x1  }
0x8a: {  	s1 =	srdreg.scid  }
0x8b: {  	s0 =	sand.u32 $0x1, s1  }
0x8c: {  	s17 =	sshll.u32 s0, $0xA;
	s2 =	sadd.s32 s3, s2  }
0x8d: {  	s2 =	sadd.s32 s2, s17  }
0x8e: {  	[smem:$0x3FC1] =	sst s2  }
0x8f: {  	_ = 	snop  }
0x90: {  	s2 =	sld [smem:$0x3FC9]  }
0x91: {  	s18 =	sld [smem:$0x3FD0];
	(tm) =	ssettm $0x1  }
0x92: {  	s4 =	sld [smem:$0x3FFB];
	_ =	sdelay $0x3  }
0x93: {  	_ =	strace s4  }
0x94: {  	s4 =	sld [smem:$0x3FFC];
	_ =	sdelay $0x3  }
0x95: {  	_ =	strace s4  }
0x96: {  	s4 =	sld [smem:$0x3FFD];
	_ =	sdelay $0x3  }
0x97: {  	_ =	strace s4  }
0x98: {  	_ =	strace $0x8FFFFFFF  }
0x99: {  	s19 =	sld [smem:$0x3FDB];
	_ =	sdelay $0x1  }
0x9a: {  	s5 =	simm.s32 $_scs_section_size  }
0x9b: {  	s6 =	simm.s32 $_size__tile_overlayer_lowered;
	s7 =	simm.s32 $_tile_overlayer_lowered  }
0x9c: {  	s22 =	simm.s32 $0x1BFF;
	s21 =	sshll.u32 s7, $0x1;
	s4 =	sadd.s32 s5, s19  }
0x9d: {  	s8 =	simm.s32 $0x0;
	s20 =	sshll.u32 s6, $0x1;
	s6 =	sadd.s32 s21, s4  }
0x9e: {  	[timem:s8], [sflag:s22] =	dma.local [hbm:s6], s20  }
0x9f: {  	_ =	swait.ge [sflag:s22], s20  }
0xa0: {  	s5 =	ssub.s32 $0x0, s20;
	[sflag:s22] =	ssyncset.done $0x0  }
0xa1: {  	[sflag:s22] =	ssyncadd.s32 s5;
	_ =	sdelay $0x1  }
0xa2: {  	s23 =	simm.s32 $0x1B8B  }
0xa3: {  	_ =	swait.ge [sflag:s23], $0x1  }
0xa4: {  	[sflag:s23] =	ssyncset.done $0x0  }
0xa5: {  	s25 =	simm.s32 $0x1B8E;
	s24 =	sld [smem:$0x3FFE];
	[sflag:s23] =	ssyncadd.s32 $0xFFFFFFFF  }
0xa6: {  	s26 =	simm.s32 $execute0_lowered;
	[smem:$0x3FD2] =	sst s25  }
0xa7: {  	s6 =	sshll.u32 s26, $0x1;
	_ =	strace $0x80000046;
	[dreg:$0x1] =	wrdreg $0xFFFFFFFF  }
0xa8: {  	s28 =	simm.s32 $_size_execute0_lowered;
	s4 =	sadd.s32 s4, s6;
	[dreg:$0x0] =	wrdreg $0x0  }
0xa9: {  	s6 =	sshll.u32 s28, $0x1;
	[dreg:$0x2] =	wrdreg s4  }
0xaa: {  	[dreg:$0x3] =	wrdreg s6  }
0xab: {  	[dreg:$0x4] =	wrdreg $0xC0  }
0xac: {  	_ =	task [dreg:s8], $0x5FFFF  }
0xad: {  	[dreg:$0x1] =	wrdreg $0xFFFFFFFF  }
0xae: {  	[dreg:$0x0] =	wrdreg $0x60  }
0xaf: {  	[dreg:$0x2] =	wrdreg s2  }
0xb0: {  	[dreg:$0x3] =	wrdreg s18  }
0xb1: {  	[dreg:$0x4] =	wrdreg s24  }
0xb2: {  	[dreg:$0x5] =	wrdreg $0x0  }
0xb3: {  	[dreg:$0x6] =	wrdreg $0x9  }
0xb4: {  	_ =	task.clear_ibuf [dreg:s8], $0x7FFFF;
	_ =	strace $0x90000046  }
0xb5: {  	s29 =	simm.s32 $0x9;
	_ =	strace $0x80000048  }
0xb6: {  	_ =	swait.ge [sflag:s29], $0x1  }
0xb7: {  	[sflag:s29] =	ssyncadd.s32 $0xFFFFFFFF  }
0xb8: {  	_ =	strace $0x90000048  }
0xb9: {  	_ =	sfence  }
0xba: {  	s30 =	sld [smem:$0x0];
	_ =	sdelay $0x2  }
0xbb: {  	s31 =	sshll.u32 s1, $0xD;
	s1 =	sshrl.u32 s1, $0x2  }
0xbc: {  	s3 =	sand.u32 $0x4000, s31;
	s1 =	sadd.s32 s1, s30  }
0xbd: {  	s0 =	sor.u32 s3, s0;
	s1 =	sshll.u32 s1, $0x11  }
0xbe: {  	s0 =	sor.u32 s1, s0  }
0xbf: {  	s0 =	sadd.s32 $0x8F2B, s0  }
0xc0: {  	[sflag:s0] =	ssyncadd.remote.s32 $0x1  }
0xc1: {  	_ =	sfence.sel $0xFFFF  }
0xc2: {  	[dreg:$0x0] =	wrdreg $0xFFFFFFFF;
	(pc) =	sbr.abs _section_cstart, $3  }
0xc3: {  	[dreg:$0x1] =	wrdreg $0xFFFFFFFF  }
0xc4: {  	_ =	task.clear_ibuf [dreg:s8], $0x2FFFF;
	_ =	strace $0x9FFFFFFF  }
0xc5: {  	(tm) =	ssettm $0x7FFFFFFF  }
tec
execute0_lowered:
.L_overlay_start_1:
0x0: {  	(tag) =	ssettag $0x1  }
0x1: {  	s3 =	rddreg [dreg:$0x0]  }
0x2: {  	s0 =	rddreg [dreg:$0x1]  }
0x3: {  	s5 =	rddreg [dreg:$0x2];
	s16 =	stileid.u32  }
0x4: {  	s1 =	rddreg [dreg:$0x3];
	s7 =	smul.u32 $0x14000, s16  }
0x5: {  	s2 =	srdreg.scid;
	s11 =	smul.u32 $0x50000, s16  }
0x6: {  	s9 =	sand.u32 $0x1, s2;
	s17 =	sshll.u32 s16, $0x1;
	s13 =	smul.u32 $0xFA, s16  }
0x7: {  	s4 =	simm.s32 $0x0;
	s6 =	smul.u32 $0x140000, s9;
	s8 =	sor.u32 s9, s17  }
0x8: {  	[smem:$0x7FF] =	sst s4;
	s2 =	sadd.s32 $0x1000, s5;
	s12 =	smul.u32 $0x3E80, s8  }
0x9: {  	_ =	strace $0x80000047;
	s18 =	ssub.s32 $0x2, s9;
	s8 =	smul.u32 $0x280, s8  }
0xa: {  	s15 =	smul.u32 $0x7D, s9;
	s10 =	sshrl.u32 s18, $0x1;
	s6 =	sadd.s32 s7, s6  }
0xb: {  	s6 =	sshrl.u32 s6, $0x3;
	s14 =	sand.u32 $0x7FC00, s12;
	s8 =	sand.u32 $0x380, s8  }
0xc: {  	s5 =	sadd.s32 s6, s5;
	s6 =	ssub.s32 s18, s10;
	s10 =	sor.u32 s8, s14  }
0xd: {  	s7 =	sshrl.u32 s11, $0x2;
	s13 =	sadd.s32 s15, s13;
	s19 =	sshrl.u32 s10, $0x3  }
0xe: {  	s8 =	sshrl.u32 s12, $0x3;
	s12 =	sshll.u32 s13, $0x4;
	s20 =	sadd.s32 s0, s19  }
0xf: {  	s21 =	sadd.s32 $0x10, s8;
	s11 =	sadd.s32 s2, s19;
	[dreg:$0x15] =	wrdreg s20  }
0x10: {  	s22 =	sadd.s32 $0xF0, s12;
	s23 =	sadd.s32 s0, s21;
	[dreg:$0x16] =	wrdreg s11  }
0x11: {  	s24 =	sadd.s32 s22, s2;
	[dreg:$0x17] =	wrdreg s23  }
0x12: {  	s26 =	sadd.s32 $0xE0, s12;
	s25 =	sadd.s32 s22, s0;
	[dreg:$0x5] =	wrdreg s24  }
0x13: {  	s30 =	sadd.s32 $0x20, s8;
	s18 =	sadd.s32 s26, s2;
	[dreg:$0x6] =	wrdreg s25  }
0x14: {  	s17 =	sadd.s32 s0, s30;
	[dreg:$0x7] =	wrdreg s18  }
0x15: {  	s19 =	sadd.s32 s26, s0;
	[dreg:$0x19] =	wrdreg s17  }
0x16: {  	s15 =	sadd.s32 s2, s30;
	[dreg:$0x8] =	wrdreg s19  }
0x17: {  	s26 =	sadd.s32 $0xB0, s12;
	s11 =	sadd.s32 s2, s21;
	[dreg:$0x1a] =	wrdreg s15  }
0x18: {  	s18 =	sadd.s32 s26, s2;
	[dreg:$0x18] =	wrdreg s11  }
0x19: {  	s30 =	sadd.s32 $0x30, s8;
	s19 =	sadd.s32 s26, s0;
	[dreg:$0xd] =	wrdreg s18  }
0x1a: {  	s20 =	sadd.s32 $0xD0, s12;
	s15 =	sadd.s32 s2, s30;
	[dreg:$0xe] =	wrdreg s19  }
0x1b: {  	s21 =	sadd.s32 s20, s2;
	[dreg:$0x1c] =	wrdreg s15  }
0x1c: {  	s23 =	sadd.s32 $0xC0, s12;
	s22 =	sadd.s32 s20, s0;
	[dreg:$0x9] =	wrdreg s21  }
0x1d: {  	s24 =	sadd.s32 s23, s2;
	[dreg:$0xa] =	wrdreg s22  }
0x1e: {  	s25 =	sadd.s32 s23, s0;
	[dreg:$0xb] =	wrdreg s24  }
0x1f: {  	s20 =	sadd.s32 $0xA0, s12;
	[dreg:$0xc] =	wrdreg s25;
	s21 =	sadd.s32 s0, s30  }
0x20: {  	s9 =	smul.u32 $0x280, s9;
	s22 =	sadd.s32 s20, s2;
	[dreg:$0x1b] =	wrdreg s21  }
0x21: {  	s15 =	sadd.s32 $0x50, s8;
	s14 =	sadd.s32 s20, s0;
	[dreg:$0xf] =	wrdreg s22  }
0x22: {  	s13 =	sshll.u32 s13, $0x7;
	s17 =	sadd.s32 s0, s15;
	[dreg:$0x10] =	wrdreg s14  }
0x23: {  	s24 =	sadd.s32 $0x40, s8;
	s19 =	sadd.s32 s2, s15;
	[dreg:$0x1f] =	wrdreg s17  }
0x24: {  	s13 =	sadd.s32 $0x400, s13;
	s25 =	sadd.s32 s0, s24;
	[smem:$0x7E5] =	sst s19  }
0x25: {  	s30 =	sadd.s32 $0x90, s12;
	s26 =	sadd.s32 s2, s24;
	[dreg:$0x1d] =	wrdreg s25  }
0x26: {  	s23 =	smul.u32 $0x500, s16;
	s16 =	sadd.s32 s30, s2;
	[dreg:$0x1e] =	wrdreg s26  }
0x27: {  	s20 =	sadd.s32 $0x60, s8;
	s11 =	sadd.s32 s30, s0;
	[dreg:$0x11] =	wrdreg s16  }
0x28: {  	s12 =	sadd.s32 $0x7A0, s8;
	s21 =	sadd.s32 s0, s20;
	[dreg:$0x12] =	wrdreg s11  }
0x29: {  	s14 =	sand.u32 $0x1FFC00, s13;
	s13 =	sadd.s32 s0, s12;
	[smem:$0x7E6] =	sst s21  }
0x2a: {  	s10 =	sadd.s32 $0x3C00, s10;
	s19 =	smax.u32 s6, $0x1;
	[smem:$0x7EE] =	sst s13  }
0x2b: {  	s22 =	sadd.s32 $0x70, s8;
	s11 =	sadd.s32 s2, s20;
	[smem:$0x7F5] =	sst s19  }
0x2c: {  	s9 =	sadd.s32 s9, s23;
	s23 =	sadd.s32 s0, s22;
	[smem:$0x7E7] =	sst s11  }
0x2d: {  	s10 =	sshrl.u32 s10, $0x3;
	s24 =	sadd.s32 s2, s22;
	[smem:$0x7E8] =	sst s23  }
0x2e: {  	s25 =	sadd.s32 s0, s10;
	[smem:$0x7E9] =	sst s24  }
0x2f: {  	s26 =	sadd.s32 $0x790, s8;
	s10 =	sadd.s32 s2, s10;
	[smem:$0x7EA] =	sst s25  }
0x30: {  	[smem:$0x7EB] =	sst s10;
	s30 =	sadd.s32 s0, s26  }
0x31: {  	s9 =	sand.u32 $0x380, s9;
	s11 =	sadd.s32 s2, s26;
	[smem:$0x7EC] =	sst s30  }
0x32: {  	s9 =	sor.u32 s9, s14;
	s10 =	sadd.s32 s2, s12;
	[smem:$0x7ED] =	sst s11  }
0x33: {  	s14 =	sadd.s32 $0x7B0, s8;
	s26 =	sadd.s32 s7, s1;
	[smem:$0x7EF] =	sst s10  }
0x34: {  	s15 =	sadd.s32 s0, s14;
	[smem:$0x7FD] =	sst s26  }
0x35: {  	s8 =	sadd.s32 $0x7C0, s8;
	s16 =	sadd.s32 s2, s14;
	[smem:$0x7F0] =	sst s15  }
0x36: {  	s17 =	sadd.s32 s2, s8;
	[smem:$0x7F1] =	sst s16  }
0x37: {  	s20 =	sadd.s32 $0x2800, s26;
	[smem:$0x7F3] =	sst s17  }
0x38: {  	s21 =	sadd.s32 $0x5000, s26;
	[smem:$0x7F6] =	sst s20  }
0x39: {  	s22 =	sadd.s32 $0x7800, s26;
	[smem:$0x7F7] =	sst s21  }
0x3a: {  	s23 =	sadd.s32 $0xA000, s26;
	[smem:$0x7F8] =	sst s22  }
0x3b: {  	s24 =	sadd.s32 $0xC800, s26;
	[smem:$0x7F9] =	sst s23  }
0x3c: {  	s29 =	simm.s32 $0x50;
	s25 =	sadd.s32 $0xF000, s26;
	[smem:$0x7FA] =	sst s24  }
0x3d: {  	s9 =	sshrl.u32 s9, $0x3;
	s30 =	sadd.s32 $0x11800, s26;
	[smem:$0x7FB] =	sst s25  }
0x3e: {  	s31 =	simm.s32 $0x17000;
	s18 =	sadd.s32 s9, s2;
	[smem:$0x7FC] =	sst s30  }
0x3f: {  	s9 =	sadd.s32 s9, s0;
	s0 =	sadd.s32 s0, s8;
	[dreg:$0x13] =	wrdreg s18  }
0x40: {  	s28 =	simm.s32 $0x5;
	s7 =	simm.s32 $0x0;
	[smem:$0x7F2] =	sst s0  }
0x41: {  	s11 =	simm.s32 $0x14800;
	[dreg:$0x14] =	wrdreg s9;
	s18 =	sadd.s32 $0x10A00, s5  }
0x42: {  	v0 =	vimm.f32 $0.0e+00;
	s15 =	simm.s32 $0xD;
	s5 =	simm.s32 $0x19800;
	[smem:$0x7F4] =	sst s18  }
.LBB2_1:
0x43: {  	[smem:$0x7E4] =	sst s7;
	s24 =	simm.s32 $0x0;
	s25 =	simm.s32 $0x200  }
.LBB2_2:
0x44: {  	p0 =	sne.s32 s25, $0x9E00;
	[tilespmem:s24+$0x14870] =	vst v0  }
0x45: {  	[tilespmem:s24+$0x14800] =	vst v0  }
0x46: {  	[tilespmem:s24+$0x14810] =	vst v0  }
.Ltmp0:
0x47: {  	[tilespmem:s24+$0x14820] =	vst v0;
	(pc) =	sbr.rel @p0 .LBB2_2-.Ltmp0, $4  }
0x48: {  	[tilespmem:s24+$0x14830] =	vst v0  }
0x49: {  	[tilespmem:s24+$0x14840] =	vst v0  }
0x4a: {  	[tilespmem:s24+$0x14850] =	vst v0  }
0x4b: {  	[tilespmem:s24+$0x14860] =	vst v0;
	s24 =	sshra.s32 s25, $0x2;
	s25 =	sadd.s32 $0x200, s25  }
0x4c: {  	[tilespmem:s24+$0x14870] =	vst v0  }
0x4d: {  	[tilespmem:s24+$0x14800] =	vst v0  }
0x4e: {  	[tilespmem:s24+$0x14810] =	vst v0  }
0x4f: {  	[tilespmem:s24+$0x14820] =	vst v0  }
0x50: {  	[tilespmem:s24+$0x14830] =	vst v0  }
0x51: {  	[tilespmem:s24+$0x14840] =	vst v0  }
0x52: {  	[tilespmem:s24+$0x14850] =	vst v0  }
0x53: {  	[tilespmem:s24+$0x14860] =	vst v0;
	s30 =	simm.s32 $0x11  }
0x54: {  	[spmem:s26] =	stream.linear.scatter [tilespmem:s11], [sflag:$0x11], $0x2800, $0x38;
	[tilespmem:$0x1E800] =	vst v63  }
0x55: {  	_ =	swait.ge [sflag:s30], $0x2800  }
0x56: {  	s6 =	sld [smem:$0x7F6]  }
0x57: {  	[sflag:s30] =	ssyncset.done $0x0  }
0x58: {  	[sflag:s30] =	ssyncadd.s32 $0xFFFFD800  }
0x59: {  	[spmem:s6] =	stream.linear.scatter [tilespmem:s11], [sflag:$0x11], $0x2800, $0x38;
	[tilespmem:$0x1E800] =	vst v63  }
0x5a: {  	_ =	swait.ge [sflag:s30], $0x2800  }
0x5b: {  	s0 =	sld [smem:$0x7F7]  }
0x5c: {  	[sflag:s30] =	ssyncset.done $0x0  }
0x5d: {  	[sflag:s30] =	ssyncadd.s32 $0xFFFFD800  }
0x5e: {  	[spmem:s0] =	stream.linear.scatter [tilespmem:s11], [sflag:$0x11], $0x2800, $0x38;
	[tilespmem:$0x1E800] =	vst v63  }
0x5f: {  	_ =	swait.ge [sflag:s30], $0x2800  }
0x60: {  	s2 =	sld [smem:$0x7F8]  }
0x61: {  	[sflag:s30] =	ssyncset.done $0x0  }
0x62: {  	[sflag:s30] =	ssyncadd.s32 $0xFFFFD800  }
0x63: {  	[spmem:s2] =	stream.linear.scatter [tilespmem:s11], [sflag:$0x11], $0x2800, $0x38;
	[tilespmem:$0x1E800] =	vst v63  }
0x64: {  	_ =	swait.ge [sflag:s30], $0x2800  }
0x65: {  	s7 =	sld [smem:$0x7F9]  }
0x66: {  	[sflag:s30] =	ssyncset.done $0x0  }
0x67: {  	[sflag:s30] =	ssyncadd.s32 $0xFFFFD800  }
0x68: {  	[spmem:s7] =	stream.linear.scatter [tilespmem:s11], [sflag:$0x11], $0x2800, $0x38;
	[tilespmem:$0x1E800] =	vst v63  }
0x69: {  	_ =	swait.ge [sflag:s30], $0x2800  }
0x6a: {  	s8 =	sld [smem:$0x7FA]  }
0x6b: {  	[sflag:s30] =	ssyncset.done $0x0  }
0x6c: {  	[sflag:s30] =	ssyncadd.s32 $0xFFFFD800  }
0x6d: {  	[spmem:s8] =	stream.linear.scatter [tilespmem:s11], [sflag:$0x11], $0x2800, $0x38;
	[tilespmem:$0x1E800] =	vst v63  }
0x6e: {  	_ =	swait.ge [sflag:s30], $0x2800  }
0x6f: {  	s9 =	sld [smem:$0x7FB]  }
0x70: {  	[sflag:s30] =	ssyncset.done $0x0  }
0x71: {  	[sflag:s30] =	ssyncadd.s32 $0xFFFFD800  }
0x72: {  	[spmem:s9] =	stream.linear.scatter [tilespmem:s11], [sflag:$0x11], $0x2800, $0x38;
	[tilespmem:$0x1E800] =	vst v63  }
0x73: {  	_ =	swait.ge [sflag:s30], $0x2800  }
0x74: {  	s10 =	sld [smem:$0x7FC]  }
0x75: {  	[sflag:s30] =	ssyncset.done $0x0  }
0x76: {  	[sflag:s30] =	ssyncadd.s32 $0xFFFFD800  }
0x77: {  	[spmem:s10] =	stream.linear.scatter [tilespmem:s11], [sflag:$0x11], $0x2800, $0x38;
	[tilespmem:$0x1E800] =	vst v63  }
0x78: {  	_ =	swait.ge [sflag:s30], $0x2800  }
0x79: {  	[sflag:s30] =	ssyncset.done $0x0  }
0x7a: {  	[sflag:s30] =	ssyncadd.s32 $0xFFFFD800  }
0x7b: {  	[bflag:$0x0] =	sbarrier.arrive $0xFFFF  }
0x7c: {  	s11 =	rddreg [dreg:$0x15]  }
0x7d: {  	s24 =	simm.s32 $0x0;
	s22 =	simm.s32 $0x14000;
	s12 =	rddreg [dreg:$0x16]  }
0x7e: {  	[tilespmem:s22], [sflag:$0x9] =	stream.linear.gather [hbm4b:s11+s24], $0x80, $0x38;
	[tilespmem:$0x1E800] =	vst v63  }
0x7f: {  	s0 =	simm.s32 $0x14400;
	s13 =	rddreg [dreg:$0x17]  }
0x80: {  	[tilespmem:s0], [sflag:$0x9] =	stream.linear.gather [hbm4b:s12+s24], $0x80, $0x38;
	[tilespmem:$0x1E800] =	vst v63  }
0x81: {  	s26 =	simm.s32 $0x14080;
	s14 =	rddreg [dreg:$0x18]  }
0x82: {  	[tilespmem:s26], [sflag:$0xA] =	stream.linear.gather [hbm4b:s13+s24], $0x80, $0x38;
	[tilespmem:$0x1E800] =	vst v63  }
0x83: {  	s7 =	simm.s32 $0x14480;
	s16 =	rddreg [dreg:$0x19]  }
0x84: {  	[tilespmem:s7], [sflag:$0xA] =	stream.linear.gather [hbm4b:s14+s24], $0x80, $0x38;
	[tilespmem:$0x1E800] =	vst v63  }
0x85: {  	s17 =	simm.s32 $0x14100;
	s18 =	rddreg [dreg:$0x1a]  }
0x86: {  	[tilespmem:s17], [sflag:$0xB] =	stream.linear.gather [hbm4b:s16+s24], $0x80, $0x38;
	[tilespmem:$0x1E800] =	vst v63  }
0x87: {  	s9 =	simm.s32 $0x14500;
	s19 =	rddreg [dreg:$0x1b]  }
0x88: {  	[tilespmem:s9], [sflag:$0xB] =	stream.linear.gather [hbm4b:s18+s24], $0x80, $0x38;
	[tilespmem:$0x1E800] =	vst v63  }
0x89: {  	s8 =	simm.s32 $0x14180;
	s20 =	rddreg [dreg:$0x1c]  }
0x8a: {  	[tilespmem:s8], [sflag:$0xC] =	stream.linear.gather [hbm4b:s19+s24], $0x80, $0x38;
	[tilespmem:$0x1E800] =	vst v63  }
0x8b: {  	s21 =	rddreg [dreg:$0x1d];
	s11 =	simm.s32 $0x14580  }
0x8c: {  	[tilespmem:s11], [sflag:$0xC] =	stream.linear.gather [hbm4b:s20+s24], $0x80, $0x38;
	[tilespmem:$0x1E800] =	vst v63  }
0x8d: {  	s23 =	simm.s32 $0x14200;
	s25 =	rddreg [dreg:$0x1e]  }
0x8e: {  	[tilespmem:s23], [sflag:$0xD] =	stream.linear.gather [hbm4b:s21+s24], $0x80, $0x38;
	[tilespmem:$0x1E800] =	vst v63  }
0x8f: {  	s30 =	simm.s32 $0x14600;
	s14 =	sld [smem:$0x7E5]  }
0x90: {  	[tilespmem:s30], [sflag:$0xD] =	stream.linear.gather [hbm4b:s25+s24], $0x80, $0x38;
	[tilespmem:$0x1E800] =	vst v63  }
0x91: {  	s12 =	simm.s32 $0x14280;
	s8 =	rddreg [dreg:$0x1f]  }
0x92: {  	[tilespmem:s12], [sflag:$0xE] =	stream.linear.gather [hbm4b:s8+s24], $0x80, $0x38;
	[tilespmem:$0x1E800] =	vst v63  }
0x93: {  	s16 =	simm.s32 $0x14680;
	s30 =	simm.s32 $0x9  }
0x94: {  	[tilespmem:s16], [sflag:$0xE] =	stream.linear.gather [hbm4b:s14+s24], $0x80, $0x38;
	[tilespmem:$0x1E800] =	vst v63  }
0x95: {  	_ =	swait.ge [sflag:s30], $0x80  }
0x96: {  	[sflag:s30] =	ssyncset.done $0x0  }
0x97: {  	[sflag:s30] =	ssyncadd.s32 $0xFFFFFF80  }
0x98: {  	_ =	swait.ge [sflag:s30], $0x80  }
0x99: {  	[sflag:s30] =	ssyncset.done $0x0  }
0x9a: {  	s13 =	simm.s32 $0x14800;
	s14 =	simm.s32 $0xA;
	[sflag:s30] =	ssyncadd.s32 $0xFFFFFF80  }
0x9b: {  	[tilespmem:s13], [sflag:$0x1] =	stream.indirect.gather [hbm4b:s3+s29], $0x80, s22, s29, $0xb8;
	[tilespmem:$0x1E800] =	vst v63  }
0x9c: {  	_ =	swait.ge [sflag:s14], $0x80  }
0x9d: {  	[sflag:s14] =	ssyncset.done $0x0  }
0x9e: {  	[sflag:s14] =	ssyncadd.s32 $0xFFFFFF80  }
0x9f: {  	_ =	swait.ge [sflag:s14], $0x80  }
0xa0: {  	[sflag:s14] =	ssyncset.done $0x0  }
0xa1: {  	s8 =	simm.s32 $0xB;
	[sflag:s14] =	ssyncadd.s32 $0xFFFFFF80  }
0xa2: {  	[tilespmem:s31], [sflag:$0x2] =	stream.indirect.gather [hbm4b:s3+s29], $0x80, s26, s29, $0xb8;
	[tilespmem:$0x1E800] =	vst v63  }
0xa3: {  	_ =	swait.ge [sflag:s8], $0x80  }
0xa4: {  	[sflag:s8] =	ssyncset.done $0x0  }
0xa5: {  	[sflag:s8] =	ssyncadd.s32 $0xFFFFFF80  }
0xa6: {  	_ =	swait.ge [sflag:s8], $0x80  }
0xa7: {  	[sflag:s8] =	ssyncset.done $0x0  }
0xa8: {  	s0 =	simm.s32 $0x14100;
	s18 =	sld [smem:$0x7E6];
	[sflag:s8] =	ssyncadd.s32 $0xFFFFFF80  }
0xa9: {  	[tilespmem:s5], [sflag:$0x3] =	stream.indirect.gather [hbm4b:s3+s29], $0x80, s0, s29, $0xb8;
	[tilespmem:$0x1E800] =	vst v63  }
0xaa: {  	s20 =	simm.s32 $0x14300;
	s21 =	sld [smem:$0x7E7]  }
0xab: {  	[tilespmem:s20], [sflag:$0xF] =	stream.linear.gather [hbm4b:s18+s24], $0x80, $0x38;
	[tilespmem:$0x1E800] =	vst v63  }
0xac: {  	s25 =	simm.s32 $0x14700;
	s0 =	simm.s32 $0x1  }
0xad: {  	[tilespmem:s25], [sflag:$0xF] =	stream.linear.gather [hbm4b:s21+s24], $0x80, $0x38;
	[tilespmem:$0x1E800] =	vst v63  }
0xae: {  	_ =	swait.ge [sflag:s0], $0x2800  }
0xaf: {  	[sflag:s0] =	ssyncset.done $0x0  }
0xb0: {  	s2 =	simm.s32 $0x14400;
	s12 =	simm.s32 $0xC;
	[sflag:s0] =	ssyncadd.s32 $0xFFFFD800  }
0xb1: {  	[spmem:s1] =	stream.indirect.scatter.add.f32 [tilespmem:s13], [sflag:$0x5], $0x80, s2, s29, $0xb8;
	[tilespmem:$0x1E800] =	vst v63  }
0xb2: {  	_ =	swait.ge [sflag:s12], $0x80  }
0xb3: {  	[sflag:s12] =	ssyncset.done $0x0  }
0xb4: {  	[sflag:s12] =	ssyncadd.s32 $0xFFFFFF80  }
0xb5: {  	_ =	swait.ge [sflag:s12], $0x80  }
0xb6: {  	s10 =	simm.s32 $0x14180;
	[sflag:s12] =	ssyncset.done $0x0  }
0xb7: {  	s2 =	simm.s32 $0x1C000;
	s18 =	sld [smem:$0x7E8];
	[sflag:s12] =	ssyncadd.s32 $0xFFFFFF80  }
0xb8: {  	[tilespmem:s2], [sflag:$0x4] =	stream.indirect.gather [hbm4b:s3+s29], $0x80, s10, s29, $0xb8;
	[tilespmem:$0x1E800] =	vst v63  }
0xb9: {  	s20 =	simm.s32 $0x14380;
	s21 =	sld [smem:$0x7E9]  }
0xba: {  	[tilespmem:s20], [sflag:$0x10] =	stream.linear.gather [hbm4b:s18+s24], $0x80, $0x38;
	[tilespmem:$0x1E800] =	vst v63  }
0xbb: {  	s25 =	simm.s32 $0x14780;
	s2 =	simm.s32 $0x2  }
0xbc: {  	[tilespmem:s25], [sflag:$0x10] =	stream.linear.gather [hbm4b:s21+s24], $0x80, $0x38;
	[tilespmem:$0x1E800] =	vst v63  }
0xbd: {  	_ =	swait.ge [sflag:s2], $0x2800  }
0xbe: {  	[sflag:s2] =	ssyncset.done $0x0  }
0xbf: {  	[sflag:s2] =	ssyncadd.s32 $0xFFFFD800  }
0xc0: {  	[spmem:s1] =	stream.indirect.scatter.add.f32 [tilespmem:s31], [sflag:$0x6], $0x80, s7, s29, $0xb8;
	[tilespmem:$0x1E800] =	vst v63  }
0xc1: {  	_ =	swait.ge [sflag:s28], $0x2800  }
0xc2: {  	[sflag:s28] =	ssyncset.done $0x0  }
0xc3: {  	[sflag:s28] =	ssyncadd.s32 $0xFFFFD800  }
0xc4: {  	_ =	swait.ge [sflag:s15], $0x80  }
0xc5: {  	[sflag:s15] =	ssyncset.done $0x0  }
0xc6: {  	[sflag:s15] =	ssyncadd.s32 $0xFFFFFF80  }
0xc7: {  	_ =	swait.ge [sflag:s15], $0x80  }
0xc8: {  	[sflag:s15] =	ssyncset.done $0x0  }
0xc9: {  	s17 =	simm.s32 $0x14200;
	s10 =	rddreg [dreg:$0x14];
	[sflag:s15] =	ssyncadd.s32 $0xFFFFFF80  }
0xca: {  	[tilespmem:s13], [sflag:$0x1] =	stream.indirect.gather [hbm4b:s3+s29], $0x80, s17, s29, $0xb8;
	[tilespmem:$0x1E800] =	vst v63  }
0xcb: {  	s25 =	rddreg [dreg:$0x13];
	s24 =	sadd.s32 $0x0, s10  }
0xcc: {  	[tilespmem:s22], [sflag:$0x9] =	stream.linear.gather [hbm4b:s24+s4], $0x80, $0x38;
	[tilespmem:$0x1E800] =	vst v63  }
0xcd: {  	s16 =	simm.s32 $0x14400;
	s18 =	sadd.s32 $0x0, s25;
	s17 =	simm.s32 $0x3  }
0xce: {  	[tilespmem:s16], [sflag:$0x9] =	stream.linear.gather [hbm4b:s18+s4], $0x80, $0x38;
	[tilespmem:$0x1E800] =	vst v63  }
0xcf: {  	_ =	swait.ge [sflag:s17], $0x2800  }
0xd0: {  	[sflag:s17] =	ssyncset.done $0x0  }
0xd1: {  	s18 =	simm.s32 $0x6;
	[sflag:s17] =	ssyncadd.s32 $0xFFFFD800  }
0xd2: {  	[spmem:s1] =	stream.indirect.scatter.add.f32 [tilespmem:s5], [sflag:$0x7], $0x80, s9, s29, $0xb8;
	[tilespmem:$0x1E800] =	vst v63  }
0xd3: {  	_ =	swait.ge [sflag:s18], $0x2800  }
0xd4: {  	[sflag:s18] =	ssyncset.done $0x0  }
0xd5: {  	s16 =	simm.s32 $0xE;
	[sflag:s18] =	ssyncadd.s32 $0xFFFFD800  }
0xd6: {  	_ =	swait.ge [sflag:s16], $0x80  }
0xd7: {  	[sflag:s16] =	ssyncset.done $0x0  }
0xd8: {  	[sflag:s16] =	ssyncadd.s32 $0xFFFFFF80  }
0xd9: {  	_ =	swait.ge [sflag:s16], $0x80  }
0xda: {  	[sflag:s16] =	ssyncset.done $0x0  }
0xdb: {  	s19 =	simm.s32 $0x14280;
	s20 =	rddreg [dreg:$0x12];
	[sflag:s16] =	ssyncadd.s32 $0xFFFFFF80  }
0xdc: {  	[tilespmem:s31], [sflag:$0x2] =	stream.indirect.gather [hbm4b:s3+s29], $0x80, s19, s29, $0xb8;
	[tilespmem:$0x1E800] =	vst v63  }
0xdd: {  	s21 =	rddreg [dreg:$0x11];
	s24 =	sadd.s32 $0x0, s20  }
0xde: {  	[tilespmem:s26], [sflag:$0xA] =	stream.linear.gather [hbm4b:s24+s4], $0x80, $0x38;
	[tilespmem:$0x1E800] =	vst v63  }
0xdf: {  	s25 =	sadd.s32 $0x0, s21;
	s20 =	simm.s32 $0x4  }
0xe0: {  	[tilespmem:s7], [sflag:$0xA] =	stream.linear.gather [hbm4b:s25+s4], $0x80, $0x38;
	[tilespmem:$0x1E800] =	vst v63  }
0xe1: {  	_ =	swait.ge [sflag:s20], $0x2800  }
0xe2: {  	[sflag:s20] =	ssyncset.done $0x0  }
0xe3: {  	s21 =	simm.s32 $0x1C000;
	s7 =	simm.s32 $0x7;
	[sflag:s20] =	ssyncadd.s32 $0xFFFFD800  }
0xe4: {  	[spmem:s1] =	stream.indirect.scatter.add.f32 [tilespmem:s21], [sflag:$0x8], $0x80, s11, s29, $0xb8;
	[tilespmem:$0x1E800] =	vst v63  }
0xe5: {  	_ =	swait.ge [sflag:s7], $0x2800  }
0xe6: {  	[sflag:s7] =	ssyncset.done $0x0  }
0xe7: {  	s10 =	simm.s32 $0xF;
	[sflag:s7] =	ssyncadd.s32 $0xFFFFD800  }
0xe8: {  	_ =	swait.ge [sflag:s10], $0x80  }
0xe9: {  	[sflag:s10] =	ssyncset.done $0x0  }
0xea: {  	[sflag:s10] =	ssyncadd.s32 $0xFFFFFF80  }
0xeb: {  	_ =	swait.ge [sflag:s10], $0x80  }
0xec: {  	[sflag:s10] =	ssyncset.done $0x0  }
0xed: {  	s23 =	simm.s32 $0x14300;
	s6 =	rddreg [dreg:$0x10];
	[sflag:s10] =	ssyncadd.s32 $0xFFFFFF80  }
0xee: {  	[tilespmem:s5], [sflag:$0x3] =	stream.indirect.gather [hbm4b:s3+s29], $0x80, s23, s29, $0xb8;
	[tilespmem:$0x1E800] =	vst v63  }
0xef: {  	s19 =	rddreg [dreg:$0xf];
	s24 =	sadd.s32 $0x0, s6;
	s23 =	simm.s32 $0x14100  }
0xf0: {  	[tilespmem:s23], [sflag:$0xB] =	stream.linear.gather [hbm4b:s24+s4], $0x80, $0x38;
	[tilespmem:$0x1E800] =	vst v63  }
0xf1: {  	s25 =	sadd.s32 $0x0, s19  }
0xf2: {  	[tilespmem:s9], [sflag:$0xB] =	stream.linear.gather [hbm4b:s25+s4], $0x80, $0x38;
	[tilespmem:$0x1E800] =	vst v63  }
0xf3: {  	_ =	swait.ge [sflag:s0], $0x2800  }
0xf4: {  	[sflag:s0] =	ssyncset.done $0x0  }
0xf5: {  	s19 =	simm.s32 $0x14600;
	[sflag:s0] =	ssyncadd.s32 $0xFFFFD800  }
0xf6: {  	[spmem:s1] =	stream.indirect.scatter.add.f32 [tilespmem:s13], [sflag:$0x5], $0x80, s19, s29, $0xb8;
	[tilespmem:$0x1E800] =	vst v63  }
0xf7: {  	s13 =	simm.s32 $0x8  }
0xf8: {  	_ =	swait.ge [sflag:s13], $0x2800  }
0xf9: {  	[sflag:s13] =	ssyncset.done $0x0  }
0xfa: {  	s9 =	smov.u32 s1;
	s1 =	simm.s32 $0x10;
	[sflag:s13] =	ssyncadd.s32 $0xFFFFD800  }
0xfb: {  	_ =	swait.ge [sflag:s1], $0x80  }
0xfc: {  	[sflag:s1] =	ssyncset.done $0x0  }
0xfd: {  	[sflag:s1] =	ssyncadd.s32 $0xFFFFFF80  }
0xfe: {  	_ =	swait.ge [sflag:s1], $0x80  }
0xff: {  	[sflag:s1] =	ssyncset.done $0x0  }
0x100: {  	s6 =	simm.s32 $0x14380;
	s24 =	rddreg [dreg:$0xe];
	[sflag:s1] =	ssyncadd.s32 $0xFFFFFF80  }
0x101: {  	[tilespmem:s21], [sflag:$0x4] =	stream.indirect.gather [hbm4b:s3+s29], $0x80, s6, s29, $0xb8;
	[tilespmem:$0x1E800] =	vst v63  }
0x102: {  	s23 =	simm.s32 $0x14180;
	s25 =	rddreg [dreg:$0xd];
	s24 =	sadd.s32 $0x0, s24  }
0x103: {  	[tilespmem:s23], [sflag:$0xC] =	stream.linear.gather [hbm4b:s24+s4], $0x80, $0x38;
	[tilespmem:$0x1E800] =	vst v63  }
0x104: {  	s25 =	sadd.s32 $0x0, s25  }
0x105: {  	[tilespmem:s11], [sflag:$0xC] =	stream.linear.gather [hbm4b:s25+s4], $0x80, $0x38;
	[tilespmem:$0x1E800] =	vst v63  }
0x106: {  	_ =	swait.ge [sflag:s2], $0x2800  }
0x107: {  	[sflag:s2] =	ssyncset.done $0x0  }
0x108: {  	s6 =	simm.s32 $0x14680;
	[sflag:s2] =	ssyncadd.s32 $0xFFFFD800  }
0x109: {  	[spmem:s9] =	stream.indirect.scatter.add.f32 [tilespmem:s31], [sflag:$0x6], $0x80, s6, s29, $0xb8;
	[tilespmem:$0x1E800] =	vst v63  }
0x10a: {  	_ =	swait.ge [sflag:s28], $0x2800  }
0x10b: {  	[sflag:s28] =	ssyncset.done $0x0  }
0x10c: {  	[sflag:s28] =	ssyncadd.s32 $0xFFFFD800  }
0x10d: {  	_ =	swait.ge [sflag:s30], $0x80  }
0x10e: {  	[sflag:s30] =	ssyncset.done $0x0  }
0x10f: {  	[sflag:s30] =	ssyncadd.s32 $0xFFFFFF80  }
0x110: {  	_ =	swait.ge [sflag:s30], $0x80  }
0x111: {  	[sflag:s30] =	ssyncset.done $0x0  }
0x112: {  	s11 =	simm.s32 $0x14800;
	s24 =	rddreg [dreg:$0xc];
	[sflag:s30] =	ssyncadd.s32 $0xFFFFFF80  }
0x113: {  	[tilespmem:s11], [sflag:$0x1] =	stream.indirect.gather [hbm4b:s3+s29], $0x80, s22, s29, $0xb8;
	[tilespmem:$0x1E800] =	vst v63  }
0x114: {  	s25 =	rddreg [dreg:$0xb];
	s24 =	sadd.s32 $0x0, s24;
	s30 =	simm.s32 $0x14200  }
0x115: {  	[tilespmem:s30], [sflag:$0xD] =	stream.linear.gather [hbm4b:s24+s4], $0x80, $0x38;
	[tilespmem:$0x1E800] =	vst v63  }
0x116: {  	s30 =	sadd.s32 $0x0, s25  }
0x117: {  	[tilespmem:s19], [sflag:$0xD] =	stream.linear.gather [hbm4b:s30+s4], $0x80, $0x38;
	[tilespmem:$0x1E800] =	vst v63  }
0x118: {  	_ =	swait.ge [sflag:s17], $0x2800  }
0x119: {  	[sflag:s17] =	ssyncset.done $0x0  }
0x11a: {  	[sflag:s17] =	ssyncadd.s32 $0xFFFFD800;
	s17 =	simm.s32 $0x14700  }
0x11b: {  	[spmem:s9] =	stream.indirect.scatter.add.f32 [tilespmem:s5], [sflag:$0x7], $0x80, s17, s29, $0xb8;
	[tilespmem:$0x1E800] =	vst v63  }
0x11c: {  	_ =	swait.ge [sflag:s18], $0x2800  }
0x11d: {  	[sflag:s18] =	ssyncset.done $0x0  }
0x11e: {  	[sflag:s18] =	ssyncadd.s32 $0xFFFFD800  }
0x11f: {  	_ =	swait.ge [sflag:s14], $0x80  }
0x120: {  	[sflag:s14] =	ssyncset.done $0x0  }
0x121: {  	[sflag:s14] =	ssyncadd.s32 $0xFFFFFF80  }
0x122: {  	_ =	swait.ge [sflag:s14], $0x80  }
0x123: {  	[sflag:s14] =	ssyncset.done $0x0  }
0x124: {  	s18 =	rddreg [dreg:$0xa];
	[sflag:s14] =	ssyncadd.s32 $0xFFFFFF80  }
0x125: {  	[tilespmem:s31], [sflag:$0x2] =	stream.indirect.gather [hbm4b:s3+s29], $0x80, s26, s29, $0xb8;
	[tilespmem:$0x1E800] =	vst v63  }
0x126: {  	s22 =	simm.s32 $0x14280;
	s19 =	rddreg [dreg:$0x9];
	s24 =	sadd.s32 $0x0, s18  }
0x127: {  	[tilespmem:s22], [sflag:$0xE] =	stream.linear.gather [hbm4b:s24+s4], $0x80, $0x38;
	[tilespmem:$0x1E800] =	vst v63  }
0x128: {  	s25 =	sadd.s32 $0x0, s19  }
0x129: {  	[tilespmem:s6], [sflag:$0xE] =	stream.linear.gather [hbm4b:s25+s4], $0x80, $0x38;
	[tilespmem:$0x1E800] =	vst v63  }
0x12a: {  	_ =	swait.ge [sflag:s20], $0x2800  }
0x12b: {  	[sflag:s20] =	ssyncset.done $0x0  }
0x12c: {  	s14 =	simm.s32 $0x14780;
	[sflag:s20] =	ssyncadd.s32 $0xFFFFD800  }
0x12d: {  	[spmem:s9] =	stream.indirect.scatter.add.f32 [tilespmem:s21], [sflag:$0x8], $0x80, s14, s29, $0xb8;
	[tilespmem:$0x1E800] =	vst v63  }
0x12e: {  	_ =	swait.ge [sflag:s7], $0x2800  }
0x12f: {  	[sflag:s7] =	ssyncset.done $0x0  }
0x130: {  	[sflag:s7] =	ssyncadd.s32 $0xFFFFD800  }
0x131: {  	_ =	swait.ge [sflag:s8], $0x80  }
0x132: {  	[sflag:s8] =	ssyncset.done $0x0  }
0x133: {  	[sflag:s8] =	ssyncadd.s32 $0xFFFFFF80  }
0x134: {  	_ =	swait.ge [sflag:s8], $0x80  }
0x135: {  	[sflag:s8] =	ssyncset.done $0x0  }
0x136: {  	s7 =	simm.s32 $0x14100;
	s26 =	rddreg [dreg:$0x8];
	[sflag:s8] =	ssyncadd.s32 $0xFFFFFF80  }
0x137: {  	[tilespmem:s5], [sflag:$0x3] =	stream.indirect.gather [hbm4b:s3+s29], $0x80, s7, s29, $0xb8;
	[tilespmem:$0x1E800] =	vst v63  }
0x138: {  	s30 =	rddreg [dreg:$0x7];
	s24 =	sadd.s32 $0x0, s26;
	s8 =	simm.s32 $0x14300  }
0x139: {  	[tilespmem:s8], [sflag:$0xF] =	stream.linear.gather [hbm4b:s24+s4], $0x80, $0x38;
	[tilespmem:$0x1E800] =	vst v63  }
0x13a: {  	s18 =	sadd.s32 $0x0, s30  }
0x13b: {  	[tilespmem:s17], [sflag:$0xF] =	stream.linear.gather [hbm4b:s18+s4], $0x80, $0x38;
	[tilespmem:$0x1E800] =	vst v63  }
0x13c: {  	_ =	swait.ge [sflag:s0], $0x2800  }
0x13d: {  	[sflag:s0] =	ssyncset.done $0x0  }
0x13e: {  	s19 =	simm.s32 $0x14400;
	[sflag:s0] =	ssyncadd.s32 $0xFFFFD800  }
0x13f: {  	[spmem:s9] =	stream.indirect.scatter.add.f32 [tilespmem:s11], [sflag:$0x5], $0x80, s19, s29, $0xb8;
	[tilespmem:$0x1E800] =	vst v63  }
0x140: {  	_ =	swait.ge [sflag:s13], $0x2800  }
0x141: {  	[sflag:s13] =	ssyncset.done $0x0  }
0x142: {  	[sflag:s13] =	ssyncadd.s32 $0xFFFFD800  }
0x143: {  	_ =	swait.ge [sflag:s12], $0x80  }
0x144: {  	[sflag:s12] =	ssyncset.done $0x0  }
0x145: {  	[sflag:s12] =	ssyncadd.s32 $0xFFFFFF80  }
0x146: {  	_ =	swait.ge [sflag:s12], $0x80  }
0x147: {  	[sflag:s12] =	ssyncset.done $0x0  }
0x148: {  	s20 =	rddreg [dreg:$0x6];
	[sflag:s12] =	ssyncadd.s32 $0xFFFFFF80  }
0x149: {  	[tilespmem:s21], [sflag:$0x4] =	stream.indirect.gather [hbm4b:s3+s29], $0x80, s23, s29, $0xb8;
	[tilespmem:$0x1E800] =	vst v63  }
0x14a: {  	s26 =	simm.s32 $0x14380;
	s22 =	rddreg [dreg:$0x5];
	s24 =	sadd.s32 $0x0, s20  }
0x14b: {  	[tilespmem:s26], [sflag:$0x10] =	stream.linear.gather [hbm4b:s24+s4], $0x80, $0x38;
	[tilespmem:$0x1E800] =	vst v63  }
0x14c: {  	s30 =	sadd.s32 $0x0, s22  }
0x14d: {  	[tilespmem:s14], [sflag:$0x10] =	stream.linear.gather [hbm4b:s30+s4], $0x80, $0x38;
	[tilespmem:$0x1E800] =	vst v63  }
0x14e: {  	_ =	swait.ge [sflag:s2], $0x2800  }
0x14f: {  	[sflag:s2] =	ssyncset.done $0x0  }
0x150: {  	s24 =	simm.s32 $0x80;
	[sflag:s2] =	ssyncadd.s32 $0xFFFFD800  }
.LBB2_4:
0x151: {  	s12 =	simm.s32 $0x14480  }
0x152: {  	[spmem:s9] =	stream.indirect.scatter.add.f32 [tilespmem:s31], [sflag:$0x6], $0x80, s12, s29, $0xb8;
	[tilespmem:$0x1E800] =	vst v63  }
0x153: {  	_ =	swait.ge [sflag:s28], $0x2800  }
0x154: {  	[sflag:s28] =	ssyncset.done $0x0  }
0x155: {  	[sflag:s28] =	ssyncadd.s32 $0xFFFFD800  }
0x156: {  	_ =	swait.ge [sflag:s15], $0x80  }
0x157: {  	[sflag:s15] =	ssyncset.done $0x0  }
0x158: {  	[sflag:s15] =	ssyncadd.s32 $0xFFFFFF80  }
0x159: {  	_ =	swait.ge [sflag:s15], $0x80  }
0x15a: {  	s25 =	smov.u32 s24;
	[sflag:s15] =	ssyncset.done $0x0  }
0x15b: {  	s7 =	simm.s32 $0x14200;
	s26 =	rddreg [dreg:$0x14];
	[sflag:s15] =	ssyncadd.s32 $0xFFFFFF80  }
0x15c: {  	[tilespmem:s11], [sflag:$0x1] =	stream.indirect.gather [hbm4b:s3+s29], $0x80, s7, s29, $0xb8;
	[tilespmem:$0x1E800] =	vst v63  }
0x15d: {  	s19 =	simm.s32 $0x14000;
	s6 =	rddreg [dreg:$0x13];
	s26 =	sadd.s32 s25, s26  }
0x15e: {  	[tilespmem:s19], [sflag:$0x9] =	stream.linear.gather [hbm4b:s26+s4], $0x80, $0x38;
	[tilespmem:$0x1E800] =	vst v63  }
0x15f: {  	s0 =	simm.s32 $0x14400;
	s2 =	simm.s32 $0x3;
	s6 =	sadd.s32 s25, s6  }
0x160: {  	[tilespmem:s0], [sflag:$0x9] =	stream.linear.gather [hbm4b:s6+s4], $0x80, $0x38;
	[tilespmem:$0x1E800] =	vst v63  }
0x161: {  	_ =	swait.ge [sflag:s2], $0x2800  }
0x162: {  	s13 =	simm.s32 $0x19800;
	[sflag:s2] =	ssyncset.done $0x0  }
0x163: {  	s17 =	simm.s32 $0x14500;
	s18 =	simm.s32 $0x6;
	[sflag:s2] =	ssyncadd.s32 $0xFFFFD800  }
0x164: {  	[spmem:s9] =	stream.indirect.scatter.add.f32 [tilespmem:s13], [sflag:$0x7], $0x80, s17, s29, $0xb8;
	[tilespmem:$0x1E800] =	vst v63  }
0x165: {  	_ =	swait.ge [sflag:s18], $0x2800  }
0x166: {  	[sflag:s18] =	ssyncset.done $0x0  }
0x167: {  	[sflag:s18] =	ssyncadd.s32 $0xFFFFD800  }
0x168: {  	_ =	swait.ge [sflag:s16], $0x80  }
0x169: {  	[sflag:s16] =	ssyncset.done $0x0  }
0x16a: {  	[sflag:s16] =	ssyncadd.s32 $0xFFFFFF80  }
0x16b: {  	_ =	swait.ge [sflag:s16], $0x80  }
0x16c: {  	s5 =	simm.s32 $0x17000;
	[sflag:s16] =	ssyncset.done $0x0  }
0x16d: {  	s14 =	simm.s32 $0x14280;
	s22 =	rddreg [dreg:$0x12];
	[sflag:s16] =	ssyncadd.s32 $0xFFFFFF80  }
0x16e: {  	[tilespmem:s5], [sflag:$0x2] =	stream.indirect.gather [hbm4b:s3+s29], $0x80, s14, s29, $0xb8;
	[tilespmem:$0x1E800] =	vst v63  }
0x16f: {  	s23 =	rddreg [dreg:$0x11];
	s6 =	sadd.s32 s25, s22;
	s16 =	simm.s32 $0x14080  }
0x170: {  	[tilespmem:s16], [sflag:$0xA] =	stream.linear.gather [hbm4b:s6+s4], $0x80, $0x38;
	[tilespmem:$0x1E800] =	vst v63  }
0x171: {  	s26 =	sadd.s32 s25, s23;
	s23 =	simm.s32 $0x4  }
0x172: {  	[tilespmem:s12], [sflag:$0xA] =	stream.linear.gather [hbm4b:s26+s4], $0x80, $0x38;
	[tilespmem:$0x1E800] =	vst v63  }
0x173: {  	_ =	swait.ge [sflag:s23], $0x2800  }
0x174: {  	s20 =	simm.s32 $0x7;
	[sflag:s23] =	ssyncset.done $0x0  }
0x175: {  	s28 =	simm.s32 $0x1C000;
	s12 =	simm.s32 $0x14580;
	[sflag:s23] =	ssyncadd.s32 $0xFFFFD800  }
0x176: {  	[spmem:s9] =	stream.indirect.scatter.add.f32 [tilespmem:s28], [sflag:$0x8], $0x80, s12, s29, $0xb8;
	[tilespmem:$0x1E800] =	vst v63  }
0x177: {  	_ =	swait.ge [sflag:s20], $0x2800  }
0x178: {  	[sflag:s20] =	ssyncset.done $0x0  }
0x179: {  	[sflag:s20] =	ssyncadd.s32 $0xFFFFD800  }
0x17a: {  	_ =	swait.ge [sflag:s10], $0x80  }
0x17b: {  	[sflag:s10] =	ssyncset.done $0x0  }
0x17c: {  	[sflag:s10] =	ssyncadd.s32 $0xFFFFFF80  }
0x17d: {  	_ =	swait.ge [sflag:s10], $0x80  }
0x17e: {  	[sflag:s10] =	ssyncset.done $0x0  }
0x17f: {  	s21 =	simm.s32 $0x14300;
	s30 =	rddreg [dreg:$0x10];
	[sflag:s10] =	ssyncadd.s32 $0xFFFFFF80  }
0x180: {  	[tilespmem:s13], [sflag:$0x3] =	stream.indirect.gather [hbm4b:s3+s29], $0x80, s21, s29, $0xb8;
	[tilespmem:$0x1E800] =	vst v63  }
0x181: {  	s15 =	simm.s32 $0x14100;
	s0 =	rddreg [dreg:$0xf];
	s6 =	sadd.s32 s25, s30  }
0x182: {  	[tilespmem:s15], [sflag:$0xB] =	stream.linear.gather [hbm4b:s6+s4], $0x80, $0x38;
	[tilespmem:$0x1E800] =	vst v63  }
0x183: {  	s8 =	sadd.s32 s25, s0;
	s0 =	simm.s32 $0x1  }
0x184: {  	[tilespmem:s17], [sflag:$0xB] =	stream.linear.gather [hbm4b:s8+s4], $0x80, $0x38;
	[tilespmem:$0x1E800] =	vst v63  }
0x185: {  	_ =	swait.ge [sflag:s0], $0x2800  }
0x186: {  	s31 =	simm.s32 $0x14800;
	[sflag:s0] =	ssyncset.done $0x0  }
0x187: {  	s11 =	simm.s32 $0x14600;
	s22 =	simm.s32 $0x8;
	[sflag:s0] =	ssyncadd.s32 $0xFFFFD800  }
0x188: {  	[spmem:s9] =	stream.indirect.scatter.add.f32 [tilespmem:s31], [sflag:$0x5], $0x80, s11, s29, $0xb8;
	[tilespmem:$0x1E800] =	vst v63  }
0x189: {  	_ =	swait.ge [sflag:s22], $0x2800  }
0x18a: {  	[sflag:s22] =	ssyncset.done $0x0  }
0x18b: {  	[sflag:s22] =	ssyncadd.s32 $0xFFFFD800  }
0x18c: {  	_ =	swait.ge [sflag:s1], $0x80  }
0x18d: {  	[sflag:s1] =	ssyncset.done $0x0  }
0x18e: {  	[sflag:s1] =	ssyncadd.s32 $0xFFFFFF80  }
0x18f: {  	_ =	swait.ge [sflag:s1], $0x80  }
0x190: {  	[sflag:s1] =	ssyncset.done $0x0  }
0x191: {  	s30 =	simm.s32 $0x14380;
	s13 =	rddreg [dreg:$0xe];
	[sflag:s1] =	ssyncadd.s32 $0xFFFFFF80  }
0x192: {  	[tilespmem:s28], [sflag:$0x4] =	stream.indirect.gather [hbm4b:s3+s29], $0x80, s30, s29, $0xb8;
	[tilespmem:$0x1E800] =	vst v63  }
0x193: {  	s17 =	rddreg [dreg:$0xd];
	s6 =	sadd.s32 s25, s13;
	s13 =	simm.s32 $0x14180  }
0x194: {  	[tilespmem:s13], [sflag:$0xC] =	stream.linear.gather [hbm4b:s6+s4], $0x80, $0x38;
	[tilespmem:$0x1E800] =	vst v63  }
0x195: {  	s26 =	sadd.s32 s25, s17;
	s17 =	simm.s32 $0x2  }
0x196: {  	[tilespmem:s12], [sflag:$0xC] =	stream.linear.gather [hbm4b:s26+s4], $0x80, $0x38;
	[tilespmem:$0x1E800] =	vst v63  }
0x197: {  	_ =	swait.ge [sflag:s17], $0x2800  }
0x198: {  	[sflag:s17] =	ssyncset.done $0x0  }
0x199: {  	s8 =	simm.s32 $0x14680;
	s28 =	simm.s32 $0x5;
	[sflag:s17] =	ssyncadd.s32 $0xFFFFD800  }
0x19a: {  	[spmem:s9] =	stream.indirect.scatter.add.f32 [tilespmem:s5], [sflag:$0x6], $0x80, s8, s29, $0xb8;
	[tilespmem:$0x1E800] =	vst v63  }
0x19b: {  	_ =	swait.ge [sflag:s28], $0x2800  }
0x19c: {  	[sflag:s28] =	ssyncset.done $0x0  }
0x19d: {  	s6 =	simm.s32 $0x9;
	[sflag:s28] =	ssyncadd.s32 $0xFFFFD800  }
0x19e: {  	_ =	swait.ge [sflag:s6], $0x80  }
0x19f: {  	[sflag:s6] =	ssyncset.done $0x0  }
0x1a0: {  	[sflag:s6] =	ssyncadd.s32 $0xFFFFFF80  }
0x1a1: {  	_ =	swait.ge [sflag:s6], $0x80  }
0x1a2: {  	[sflag:s6] =	ssyncset.done $0x0  }
0x1a3: {  	s26 =	rddreg [dreg:$0xc];
	[sflag:s6] =	ssyncadd.s32 $0xFFFFFF80  }
0x1a4: {  	[tilespmem:s31], [sflag:$0x1] =	stream.indirect.gather [hbm4b:s3+s29], $0x80, s19, s29, $0xb8;
	[tilespmem:$0x1E800] =	vst v63  }
0x1a5: {  	s12 =	rddreg [dreg:$0xb];
	s6 =	sadd.s32 s25, s26  }
0x1a6: {  	[tilespmem:s7], [sflag:$0xD] =	stream.linear.gather [hbm4b:s6+s4], $0x80, $0x38;
	[tilespmem:$0x1E800] =	vst v63  }
0x1a7: {  	s26 =	sadd.s32 s25, s12  }
0x1a8: {  	[tilespmem:s11], [sflag:$0xD] =	stream.linear.gather [hbm4b:s26+s4], $0x80, $0x38;
	[tilespmem:$0x1E800] =	vst v63  }
0x1a9: {  	_ =	swait.ge [sflag:s2], $0x2800  }
0x1aa: {  	[sflag:s2] =	ssyncset.done $0x0  }
0x1ab: {  	s5 =	simm.s32 $0x19800;
	[sflag:s2] =	ssyncadd.s32 $0xFFFFD800;
	s2 =	simm.s32 $0x14700  }
0x1ac: {  	[spmem:s9] =	stream.indirect.scatter.add.f32 [tilespmem:s5], [sflag:$0x7], $0x80, s2, s29, $0xb8;
	[tilespmem:$0x1E800] =	vst v63  }
0x1ad: {  	_ =	swait.ge [sflag:s18], $0x2800  }
0x1ae: {  	[sflag:s18] =	ssyncset.done $0x0  }
0x1af: {  	s6 =	simm.s32 $0xA;
	[sflag:s18] =	ssyncadd.s32 $0xFFFFD800  }
0x1b0: {  	_ =	swait.ge [sflag:s6], $0x80  }
0x1b1: {  	[sflag:s6] =	ssyncset.done $0x0  }
0x1b2: {  	[sflag:s6] =	ssyncadd.s32 $0xFFFFFF80  }
0x1b3: {  	_ =	swait.ge [sflag:s6], $0x80  }
0x1b4: {  	[sflag:s6] =	ssyncset.done $0x0  }
0x1b5: {  	s31 =	simm.s32 $0x17000;
	s18 =	rddreg [dreg:$0xa];
	[sflag:s6] =	ssyncadd.s32 $0xFFFFFF80  }
0x1b6: {  	[tilespmem:s31], [sflag:$0x2] =	stream.indirect.gather [hbm4b:s3+s29], $0x80, s16, s29, $0xb8;
	[tilespmem:$0x1E800] =	vst v63  }
0x1b7: {  	s19 =	rddreg [dreg:$0x9];
	s6 =	sadd.s32 s25, s18  }
0x1b8: {  	[tilespmem:s14], [sflag:$0xE] =	stream.linear.gather [hbm4b:s6+s4], $0x80, $0x38;
	[tilespmem:$0x1E800] =	vst v63  }
0x1b9: {  	s26 =	sadd.s32 s25, s19  }
0x1ba: {  	[tilespmem:s8], [sflag:$0xE] =	stream.linear.gather [hbm4b:s26+s4], $0x80, $0x38;
	[tilespmem:$0x1E800] =	vst v63  }
0x1bb: {  	_ =	swait.ge [sflag:s23], $0x2800  }
0x1bc: {  	[sflag:s23] =	ssyncset.done $0x0  }
0x1bd: {  	s7 =	simm.s32 $0x1C000;
	s19 =	simm.s32 $0x14780;
	[sflag:s23] =	ssyncadd.s32 $0xFFFFD800  }
0x1be: {  	[spmem:s9] =	stream.indirect.scatter.add.f32 [tilespmem:s7], [sflag:$0x8], $0x80, s19, s29, $0xb8;
	[tilespmem:$0x1E800] =	vst v63  }
0x1bf: {  	_ =	swait.ge [sflag:s20], $0x2800  }
0x1c0: {  	[sflag:s20] =	ssyncset.done $0x0  }
0x1c1: {  	s14 =	simm.s32 $0xB;
	[sflag:s20] =	ssyncadd.s32 $0xFFFFD800  }
0x1c2: {  	_ =	swait.ge [sflag:s14], $0x80  }
0x1c3: {  	[sflag:s14] =	ssyncset.done $0x0  }
0x1c4: {  	[sflag:s14] =	ssyncadd.s32 $0xFFFFFF80  }
0x1c5: {  	_ =	swait.ge [sflag:s14], $0x80  }
0x1c6: {  	[sflag:s14] =	ssyncset.done $0x0  }
0x1c7: {  	s20 =	rddreg [dreg:$0x8];
	[sflag:s14] =	ssyncadd.s32 $0xFFFFFF80  }
0x1c8: {  	[tilespmem:s5], [sflag:$0x3] =	stream.indirect.gather [hbm4b:s3+s29], $0x80, s15, s29, $0xb8;
	[tilespmem:$0x1E800] =	vst v63  }
0x1c9: {  	s23 =	rddreg [dreg:$0x7];
	s6 =	sadd.s32 s25, s20  }
0x1ca: {  	[tilespmem:s21], [sflag:$0xF] =	stream.linear.gather [hbm4b:s6+s4], $0x80, $0x38;
	[tilespmem:$0x1E800] =	vst v63  }
0x1cb: {  	s26 =	sadd.s32 s25, s23  }
0x1cc: {  	[tilespmem:s2], [sflag:$0xF] =	stream.linear.gather [hbm4b:s26+s4], $0x80, $0x38;
	[tilespmem:$0x1E800] =	vst v63  }
0x1cd: {  	_ =	swait.ge [sflag:s0], $0x2800  }
0x1ce: {  	[sflag:s0] =	ssyncset.done $0x0  }
0x1cf: {  	s11 =	simm.s32 $0x14800;
	s8 =	simm.s32 $0x14400;
	[sflag:s0] =	ssyncadd.s32 $0xFFFFD800  }
0x1d0: {  	[spmem:s9] =	stream.indirect.scatter.add.f32 [tilespmem:s11], [sflag:$0x5], $0x80, s8, s29, $0xb8;
	[tilespmem:$0x1E800] =	vst v63  }
0x1d1: {  	_ =	swait.ge [sflag:s22], $0x2800  }
0x1d2: {  	[sflag:s22] =	ssyncset.done $0x0  }
0x1d3: {  	s21 =	simm.s32 $0xC;
	[sflag:s22] =	ssyncadd.s32 $0xFFFFD800  }
0x1d4: {  	_ =	swait.ge [sflag:s21], $0x80  }
0x1d5: {  	[sflag:s21] =	ssyncset.done $0x0  }
0x1d6: {  	[sflag:s21] =	ssyncadd.s32 $0xFFFFFF80  }
0x1d7: {  	_ =	swait.ge [sflag:s21], $0x80  }
0x1d8: {  	p0 =	sne.s32 s24, $0x680;
	[sflag:s21] =	ssyncset.done $0x0  }
0x1d9: {  	s24 =	sadd.s32 $0x80, s24;
	s22 =	rddreg [dreg:$0x6];
	[sflag:s21] =	ssyncadd.s32 $0xFFFFFF80  }
0x1da: {  	[tilespmem:s7], [sflag:$0x4] =	stream.indirect.gather [hbm4b:s3+s29], $0x80, s13, s29, $0xb8;
	[tilespmem:$0x1E800] =	vst v63  }
0x1db: {  	s12 =	simm.s32 $0x14680;
	s23 =	rddreg [dreg:$0x5];
	s6 =	sadd.s32 s25, s22  }
0x1dc: {  	[tilespmem:s30], [sflag:$0x10] =	stream.linear.gather [hbm4b:s6+s4], $0x80, $0x38;
	[tilespmem:$0x1E800] =	vst v63  }
.Ltmp1:
0x1dd: {  	s18 =	simm.s32 $0x14280;
	s30 =	sadd.s32 s25, s23;
	(pc) =	sbr.rel @p0 .LBB2_4-.Ltmp1, $4  }
0x1de: {  	[tilespmem:s19], [sflag:$0x10] =	stream.linear.gather [hbm4b:s30+s4], $0x80, $0x38;
	[tilespmem:$0x1E800] =	vst v63  }
0x1df: {  	s16 =	simm.s32 $0xE;
	s20 =	simm.s32 $0x14300;
	_ =	swait.ge [sflag:s17], $0x2800  }
0x1e0: {  	s14 =	simm.s32 $0x14700;
	s15 =	simm.s32 $0xD;
	[sflag:s17] =	ssyncset.done $0x0  }
0x1e1: {  	s2 =	simm.s32 $0x14380;
	s8 =	simm.s32 $0x14780;
	[sflag:s17] =	ssyncadd.s32 $0xFFFFD800  }
0x1e2: {  	s25 =	simm.s32 $0x14480  }
0x1e3: {  	[spmem:s9] =	stream.indirect.scatter.add.f32 [tilespmem:s31], [sflag:$0x6], $0x80, s25, s29, $0xb8;
	[tilespmem:$0x1E800] =	vst v63  }
0x1e4: {  	_ =	swait.ge [sflag:s28], $0x2800  }
0x1e5: {  	[sflag:s28] =	ssyncset.done $0x0  }
0x1e6: {  	[sflag:s28] =	ssyncadd.s32 $0xFFFFD800  }
0x1e7: {  	_ =	swait.ge [sflag:s15], $0x80  }
0x1e8: {  	[sflag:s15] =	ssyncset.done $0x0  }
0x1e9: {  	[sflag:s15] =	ssyncadd.s32 $0xFFFFFF80  }
0x1ea: {  	_ =	swait.ge [sflag:s15], $0x80  }
0x1eb: {  	[sflag:s15] =	ssyncset.done $0x0  }
0x1ec: {  	s22 =	simm.s32 $0x14200;
	s6 =	sld [smem:$0x7EA];
	[sflag:s15] =	ssyncadd.s32 $0xFFFFFF80  }
0x1ed: {  	[tilespmem:s11], [sflag:$0x1] =	stream.indirect.gather [hbm4b:s3+s29], $0x80, s22, s29, $0xb8;
	[tilespmem:$0x1E800] =	vst v63  }
0x1ee: {  	s19 =	simm.s32 $0x14000;
	s13 =	sld [smem:$0x7EB]  }
0x1ef: {  	[tilespmem:s19], [sflag:$0x9] =	stream.linear.gather [hbm4b:s6+s4], $0x80, $0x38;
	[tilespmem:$0x1E800] =	vst v63  }
0x1f0: {  	s30 =	simm.s32 $0x14400;
	s17 =	simm.s32 $0x3  }
0x1f1: {  	[tilespmem:s30], [sflag:$0x9] =	stream.linear.gather [hbm4b:s13+s4], $0x80, $0x38;
	[tilespmem:$0x1E800] =	vst v63  }
0x1f2: {  	_ =	swait.ge [sflag:s17], $0x2800  }
0x1f3: {  	[sflag:s17] =	ssyncset.done $0x0  }
0x1f4: {  	s24 =	simm.s32 $0x14500;
	s11 =	simm.s32 $0x6;
	[sflag:s17] =	ssyncadd.s32 $0xFFFFD800  }
0x1f5: {  	[spmem:s9] =	stream.indirect.scatter.add.f32 [tilespmem:s5], [sflag:$0x7], $0x80, s24, s29, $0xb8;
	[tilespmem:$0x1E800] =	vst v63  }
0x1f6: {  	_ =	swait.ge [sflag:s11], $0x2800  }
0x1f7: {  	[sflag:s11] =	ssyncset.done $0x0  }
0x1f8: {  	[sflag:s11] =	ssyncadd.s32 $0xFFFFD800  }
0x1f9: {  	_ =	swait.ge [sflag:s16], $0x80  }
0x1fa: {  	[sflag:s16] =	ssyncset.done $0x0  }
0x1fb: {  	[sflag:s16] =	ssyncadd.s32 $0xFFFFFF80  }
0x1fc: {  	_ =	swait.ge [sflag:s16], $0x80  }
0x1fd: {  	[sflag:s16] =	ssyncset.done $0x0  }
0x1fe: {  	s15 =	sld [smem:$0x7EC];
	[sflag:s16] =	ssyncadd.s32 $0xFFFFFF80  }
0x1ff: {  	[tilespmem:s31], [sflag:$0x2] =	stream.indirect.gather [hbm4b:s3+s29], $0x80, s18, s29, $0xb8;
	[tilespmem:$0x1E800] =	vst v63  }
0x200: {  	s16 =	simm.s32 $0x14080;
	s18 =	sld [smem:$0x7ED]  }
0x201: {  	[tilespmem:s16], [sflag:$0xA] =	stream.linear.gather [hbm4b:s15+s4], $0x80, $0x38;
	[tilespmem:$0x1E800] =	vst v63  }
0x202: {  	s23 =	simm.s32 $0x4  }
0x203: {  	[tilespmem:s25], [sflag:$0xA] =	stream.linear.gather [hbm4b:s18+s4], $0x80, $0x38;
	[tilespmem:$0x1E800] =	vst v63  }
0x204: {  	_ =	swait.ge [sflag:s23], $0x2800  }
0x205: {  	[sflag:s23] =	ssyncset.done $0x0  }
0x206: {  	s21 =	simm.s32 $0x7;
	s18 =	simm.s32 $0x14580;
	[sflag:s23] =	ssyncadd.s32 $0xFFFFD800  }
0x207: {  	[spmem:s9] =	stream.indirect.scatter.add.f32 [tilespmem:s7], [sflag:$0x8], $0x80, s18, s29, $0xb8;
	[tilespmem:$0x1E800] =	vst v63  }
0x208: {  	_ =	swait.ge [sflag:s21], $0x2800  }
0x209: {  	[sflag:s21] =	ssyncset.done $0x0  }
0x20a: {  	[sflag:s21] =	ssyncadd.s32 $0xFFFFD800  }
0x20b: {  	_ =	swait.ge [sflag:s10], $0x80  }
0x20c: {  	[sflag:s10] =	ssyncset.done $0x0  }
0x20d: {  	[sflag:s10] =	ssyncadd.s32 $0xFFFFFF80  }
0x20e: {  	_ =	swait.ge [sflag:s10], $0x80  }
0x20f: {  	[sflag:s10] =	ssyncset.done $0x0  }
0x210: {  	[sflag:s10] =	ssyncadd.s32 $0xFFFFFF80  }
0x211: {  	[tilespmem:s5], [sflag:$0x3] =	stream.indirect.gather [hbm4b:s3+s29], $0x80, s20, s29, $0xb8;
	[tilespmem:$0x1E800] =	vst v63  }
0x212: {  	s20 =	sld [smem:$0x7EE];
	_ =	sdelay $0x1  }
0x213: {  	s15 =	simm.s32 $0x14100;
	s0 =	sld [smem:$0x7EF]  }
0x214: {  	[tilespmem:s15], [sflag:$0xB] =	stream.linear.gather [hbm4b:s20+s4], $0x80, $0x38;
	[tilespmem:$0x1E800] =	vst v63  }
0x215: {  	_ = 	snop  }
0x216: {  	[tilespmem:s24], [sflag:$0xB] =	stream.linear.gather [hbm4b:s0+s4], $0x80, $0x38;
	[tilespmem:$0x1E800] =	vst v63  }
0x217: {  	s0 =	simm.s32 $0x1  }
0x218: {  	_ =	swait.ge [sflag:s0], $0x2800  }
0x219: {  	s26 =	simm.s32 $0x14800;
	[sflag:s0] =	ssyncset.done $0x0  }
0x21a: {  	s10 =	simm.s32 $0x14600;
	s20 =	simm.s32 $0x8;
	[sflag:s0] =	ssyncadd.s32 $0xFFFFD800  }
0x21b: {  	[spmem:s9] =	stream.indirect.scatter.add.f32 [tilespmem:s26], [sflag:$0x5], $0x80, s10, s29, $0xb8;
	[tilespmem:$0x1E800] =	vst v63  }
0x21c: {  	_ =	swait.ge [sflag:s20], $0x2800  }
0x21d: {  	[sflag:s20] =	ssyncset.done $0x0  }
0x21e: {  	[sflag:s20] =	ssyncadd.s32 $0xFFFFD800  }
0x21f: {  	_ =	swait.ge [sflag:s1], $0x80  }
0x220: {  	[sflag:s1] =	ssyncset.done $0x0  }
0x221: {  	[sflag:s1] =	ssyncadd.s32 $0xFFFFFF80  }
0x222: {  	_ =	swait.ge [sflag:s1], $0x80  }
0x223: {  	[sflag:s1] =	ssyncset.done $0x0  }
0x224: {  	s28 =	simm.s32 $0x1C000;
	[sflag:s1] =	ssyncadd.s32 $0xFFFFFF80;
	s1 =	sld [smem:$0x7F0]  }
0x225: {  	[tilespmem:s28], [sflag:$0x4] =	stream.indirect.gather [hbm4b:s3+s29], $0x80, s2, s29, $0xb8;
	[tilespmem:$0x1E800] =	vst v63  }
0x226: {  	s13 =	simm.s32 $0x14180;
	s2 =	sld [smem:$0x7F1]  }
0x227: {  	[tilespmem:s13], [sflag:$0xC] =	stream.linear.gather [hbm4b:s1+s4], $0x80, $0x38;
	[tilespmem:$0x1E800] =	vst v63  }
0x228: {  	_ = 	snop  }
0x229: {  	[tilespmem:s18], [sflag:$0xC] =	stream.linear.gather [hbm4b:s2+s4], $0x80, $0x38;
	[tilespmem:$0x1E800] =	vst v63  }
0x22a: {  	s2 =	simm.s32 $0x2  }
0x22b: {  	_ =	swait.ge [sflag:s2], $0x2800  }
0x22c: {  	[sflag:s2] =	ssyncset.done $0x0  }
0x22d: {  	s7 =	simm.s32 $0x5;
	[sflag:s2] =	ssyncadd.s32 $0xFFFFD800  }
0x22e: {  	[spmem:s9] =	stream.indirect.scatter.add.f32 [tilespmem:s31], [sflag:$0x6], $0x80, s12, s29, $0xb8;
	[tilespmem:$0x1E800] =	vst v63  }
0x22f: {  	_ =	swait.ge [sflag:s7], $0x2800  }
0x230: {  	[sflag:s7] =	ssyncset.done $0x0  }
0x231: {  	s12 =	simm.s32 $0x9;
	[sflag:s7] =	ssyncadd.s32 $0xFFFFD800  }
0x232: {  	_ =	swait.ge [sflag:s12], $0x80  }
0x233: {  	[sflag:s12] =	ssyncset.done $0x0  }
0x234: {  	[sflag:s12] =	ssyncadd.s32 $0xFFFFFF80  }
0x235: {  	_ =	swait.ge [sflag:s12], $0x80  }
0x236: {  	[sflag:s12] =	ssyncset.done $0x0  }
0x237: {  	s1 =	sld [smem:$0x7F2];
	[sflag:s12] =	ssyncadd.s32 $0xFFFFFF80  }
0x238: {  	[tilespmem:s26], [sflag:$0x1] =	stream.indirect.gather [hbm4b:s3+s29], $0x80, s19, s29, $0xb8;
	[tilespmem:$0x1E800] =	vst v63  }
0x239: {  	s12 =	sld [smem:$0x7F3]  }
0x23a: {  	[tilespmem:s22], [sflag:$0xD] =	stream.linear.gather [hbm4b:s1+s4], $0x80, $0x38;
	[tilespmem:$0x1E800] =	vst v63  }
0x23b: {  	_ = 	snop  }
0x23c: {  	[tilespmem:s10], [sflag:$0xD] =	stream.linear.gather [hbm4b:s12+s4], $0x80, $0x38;
	[tilespmem:$0x1E800] =	vst v63  }
0x23d: {  	_ =	swait.ge [sflag:s17], $0x2800  }
0x23e: {  	[sflag:s17] =	ssyncset.done $0x0  }
0x23f: {  	[sflag:s17] =	ssyncadd.s32 $0xFFFFD800  }
0x240: {  	[spmem:s9] =	stream.indirect.scatter.add.f32 [tilespmem:s5], [sflag:$0x7], $0x80, s14, s29, $0xb8;
	[tilespmem:$0x1E800] =	vst v63  }
0x241: {  	_ =	swait.ge [sflag:s11], $0x2800  }
0x242: {  	[sflag:s11] =	ssyncset.done $0x0  }
0x243: {  	s14 =	simm.s32 $0xA;
	[sflag:s11] =	ssyncadd.s32 $0xFFFFD800  }
0x244: {  	_ =	swait.ge [sflag:s14], $0x80  }
0x245: {  	[sflag:s14] =	ssyncset.done $0x0  }
0x246: {  	[sflag:s14] =	ssyncadd.s32 $0xFFFFFF80  }
0x247: {  	_ =	swait.ge [sflag:s14], $0x80  }
0x248: {  	[sflag:s14] =	ssyncset.done $0x0  }
0x249: {  	[sflag:s14] =	ssyncadd.s32 $0xFFFFFF80  }
0x24a: {  	[tilespmem:s31], [sflag:$0x2] =	stream.indirect.gather [hbm4b:s3+s29], $0x80, s16, s29, $0xb8;
	[tilespmem:$0x1E800] =	vst v63  }
0x24b: {  	_ =	swait.ge [sflag:s23], $0x2800  }
0x24c: {  	[sflag:s23] =	ssyncset.done $0x0  }
0x24d: {  	[sflag:s23] =	ssyncadd.s32 $0xFFFFD800  }
0x24e: {  	[spmem:s9] =	stream.indirect.scatter.add.f32 [tilespmem:s28], [sflag:$0x8], $0x80, s8, s29, $0xb8;
	[tilespmem:$0x1E800] =	vst v63  }
0x24f: {  	_ =	swait.ge [sflag:s21], $0x2800  }
0x250: {  	[sflag:s21] =	ssyncset.done $0x0  }
0x251: {  	s16 =	simm.s32 $0xB;
	[sflag:s21] =	ssyncadd.s32 $0xFFFFD800  }
0x252: {  	_ =	swait.ge [sflag:s16], $0x80  }
0x253: {  	[sflag:s16] =	ssyncset.done $0x0  }
0x254: {  	[sflag:s16] =	ssyncadd.s32 $0xFFFFFF80  }
0x255: {  	_ =	swait.ge [sflag:s16], $0x80  }
0x256: {  	[sflag:s16] =	ssyncset.done $0x0  }
0x257: {  	[sflag:s16] =	ssyncadd.s32 $0xFFFFFF80  }
0x258: {  	[tilespmem:s5], [sflag:$0x3] =	stream.indirect.gather [hbm4b:s3+s29], $0x80, s15, s29, $0xb8;
	[tilespmem:$0x1E800] =	vst v63  }
0x259: {  	_ =	swait.ge [sflag:s0], $0x2800  }
0x25a: {  	[sflag:s0] =	ssyncset.done $0x0  }
0x25b: {  	[sflag:s0] =	ssyncadd.s32 $0xFFFFD800  }
0x25c: {  	[spmem:s9] =	stream.indirect.scatter.add.f32 [tilespmem:s26], [sflag:$0x5], $0x80, s30, s29, $0xb8;
	[tilespmem:$0x1E800] =	vst v63  }
0x25d: {  	_ =	swait.ge [sflag:s20], $0x2800  }
0x25e: {  	[sflag:s20] =	ssyncset.done $0x0  }
0x25f: {  	s19 =	simm.s32 $0xC;
	[sflag:s20] =	ssyncadd.s32 $0xFFFFD800  }
0x260: {  	_ =	swait.ge [sflag:s19], $0x80  }
0x261: {  	[sflag:s19] =	ssyncset.done $0x0  }
0x262: {  	[sflag:s19] =	ssyncadd.s32 $0xFFFFFF80  }
0x263: {  	_ =	swait.ge [sflag:s19], $0x80  }
0x264: {  	[sflag:s19] =	ssyncset.done $0x0  }
0x265: {  	[sflag:s19] =	ssyncadd.s32 $0xFFFFFF80  }
0x266: {  	[tilespmem:s28], [sflag:$0x4] =	stream.indirect.gather [hbm4b:s3+s29], $0x80, s13, s29, $0xb8;
	[tilespmem:$0x1E800] =	vst v63  }
0x267: {  	_ =	swait.ge [sflag:s2], $0x2800  }
0x268: {  	[sflag:s2] =	ssyncset.done $0x0  }
0x269: {  	[sflag:s2] =	ssyncadd.s32 $0xFFFFD800  }
0x26a: {  	[spmem:s9] =	stream.indirect.scatter.add.f32 [tilespmem:s31], [sflag:$0x6], $0x80, s25, s29, $0xb8;
	[tilespmem:$0x1E800] =	vst v63  }
0x26b: {  	_ =	swait.ge [sflag:s7], $0x2800  }
0x26c: {  	[sflag:s7] =	ssyncset.done $0x0  }
0x26d: {  	s15 =	simm.s32 $0xD;
	[sflag:s7] =	ssyncadd.s32 $0xFFFFD800  }
0x26e: {  	_ =	swait.ge [sflag:s15], $0x80  }
0x26f: {  	[sflag:s15] =	ssyncset.done $0x0  }
0x270: {  	[sflag:s15] =	ssyncadd.s32 $0xFFFFFF80  }
0x271: {  	_ =	swait.ge [sflag:s15], $0x80  }
0x272: {  	[sflag:s15] =	ssyncset.done $0x0  }
0x273: {  	[sflag:s15] =	ssyncadd.s32 $0xFFFFFF80  }
0x274: {  	[tilespmem:s26], [sflag:$0x1] =	stream.indirect.gather [hbm4b:s3+s29], $0x80, s22, s29, $0xb8;
	[tilespmem:$0x1E800] =	vst v63  }
0x275: {  	_ =	swait.ge [sflag:s17], $0x2800  }
0x276: {  	[sflag:s17] =	ssyncset.done $0x0  }
0x277: {  	[sflag:s17] =	ssyncadd.s32 $0xFFFFD800  }
0x278: {  	[spmem:s9] =	stream.indirect.scatter.add.f32 [tilespmem:s5], [sflag:$0x7], $0x80, s24, s29, $0xb8;
	[tilespmem:$0x1E800] =	vst v63  }
0x279: {  	_ =	swait.ge [sflag:s11], $0x2800  }
0x27a: {  	[sflag:s11] =	ssyncset.done $0x0  }
0x27b: {  	[sflag:s11] =	ssyncadd.s32 $0xFFFFD800  }
0x27c: {  	_ =	swait.ge [sflag:s23], $0x2800  }
0x27d: {  	[sflag:s23] =	ssyncset.done $0x0  }
0x27e: {  	[sflag:s23] =	ssyncadd.s32 $0xFFFFD800  }
0x27f: {  	[spmem:s9] =	stream.indirect.scatter.add.f32 [tilespmem:s28], [sflag:$0x8], $0x80, s18, s29, $0xb8;
	[tilespmem:$0x1E800] =	vst v63  }
0x280: {  	_ =	swait.ge [sflag:s21], $0x2800  }
0x281: {  	[sflag:s21] =	ssyncset.done $0x0  }
0x282: {  	[sflag:s21] =	ssyncadd.s32 $0xFFFFD800  }
0x283: {  	_ =	swait.ge [sflag:s0], $0x2800  }
0x284: {  	[sflag:s0] =	ssyncset.done $0x0  }
0x285: {  	s11 =	simm.s32 $0x14800;
	[sflag:s0] =	ssyncadd.s32 $0xFFFFD800  }
0x286: {  	[spmem:s9] =	stream.indirect.scatter.add.f32 [tilespmem:s11], [sflag:$0x5], $0x80, s10, s29, $0xb8;
	[tilespmem:$0x1E800] =	vst v63  }
0x287: {  	_ =	swait.ge [sflag:s20], $0x2800  }
0x288: {  	[sflag:s20] =	ssyncset.done $0x0  }
0x289: {  	s28 =	simm.s32 $0x5;
	[sflag:s20] =	ssyncadd.s32 $0xFFFFD800  }
0x28a: {  	_ =	swait.ge [sflag:s28], $0x2800  }
0x28b: {  	[sflag:s28] =	ssyncset.done $0x0  }
0x28c: {  	[sflag:s28] =	ssyncadd.s32 $0xFFFFD800  }
0x28d: {  	[bflag:$0x0] =	sbarrier.arrive $0xFFFF  }
0x28e: {  	s26 =	sld [smem:$0x7FD]  }
0x28f: {  	s20 =	stileid.u32;
	s22 =	sld [smem:$0x7F4]  }
0x290: {  	s6 =	sshll.u32 s20, $0x6  }
0x291: {  	s23 =	simm.s32 $0x11;
	s6 =	sor.u32 $0x1C11, s6;
	s21 =	sshrl.u32 s26, $0x3  }
0x292: {  	[hbm:s22], [sflag:s6] =	dma.local [spmem:s21], $0x2800  }
0x293: {  	_ =	swait.ge [sflag:s23], $0x2800  }
0x294: {  	s25 =	sld [smem:$0x7E4]  }
0x295: {  	s30 =	sld [smem:$0x7F5];
	_ =	sdelay $0x1  }
0x296: {  	s7 =	sadd.s32 $0x1, s25  }
0x297: {  	p0 =	sne.s32 s7, s30  }
.Ltmp2:
0x298: {  	_ = 	snop;
	(pc) =	sbr.rel @p0 .LBB2_1-.Ltmp2, $3  }
0x299: {  	_ =	sdelay $0x1  }
0x29a: {  	[sflag:s23] =	ssyncset.done $0x0  }
0x29b: {  	s1 =	smov.u32 s9;
	[sflag:s23] =	ssyncadd.s32 $0xFFFFD800  }
0x29c: {  	_ =	sfence.sel $0x180000  }
0x29d: {  	[bflag:$0x0] =	sbarrier.arrive $0xFFFF  }
0x29e: {  	_ =	strace $0x90000047  }
0x29f: {  	s0 =	stileid.u32;
	[bflag:$0x2] =	sbarrier.arrive $0xFFFF  }
0x2a0: {  	p0 =	sne.s32 s0, $0x0;
	s0 =	rddreg [dreg:$0x4]  }
0x2a1: {  	s0 =	sadd.s32 @!p0 $0x100000, s0  }
0x2a2: {  	[sflag:s0] =	ssyncadd.tile.s32 @!p0 $0x1;
	_ =	shalt  }
.Lfunc_end2:
_tile_overlayer_lowered:
.L_overlay_start_2:
0x2a3: {  	(tag) =	ssettag $0x2  }
0x2a4: {  	s0 =	rddreg [dreg:$0x0];
	s2 =	stileid.u32  }
0x2a5: {  	s1 =	rddreg [dreg:$0x1];
	p0 =	sne.s32 s2, $0x0  }
0x2a6: {  	s3 =	rddreg [dreg:$0x2];
	[bflag:$0x3] =	sbarrier.arrive $0xFFFF;
	s2 =	simm.s32 @!p0 $0x1C11  }
0x2a7: {  	[timem:s3], [sflag:s2] =	dma.local @!p0 [hbm:s0], s1  }
0x2a8: {  	s0 =	simm.s32 @!p0 $0x11  }
0x2a9: {  	_ =	swait.ge @!p0 [sflag:s0], s1  }
0x2aa: {  	s1 =	ssub.s32 @!p0 $0x0, s1;
	[sflag:s0] =	ssyncset.done @!p0 $0x0  }
0x2ab: {  	[sflag:s0] =	ssyncadd.s32 @!p0 s1  }
0x2ac: {  	[bflag:$0x3] =	sbarrier.arrive $0xFFFF  }
0x2ad: {  	_ =	shalt  }

</sc_bundles>
